<compile_context>
chip_gen: v7x
topology: tpu7x:2x2x1
jax: 0.10.2.dev20260603
libtpu: 0.0.44.dev20260713+nightly
codegen_flags: <defaults>
</compile_context>

<pallas_src>
import functools

import jax
import jax.numpy as jnp
from jax.experimental import pallas as pl

_R = 4


def _encode_body(x_ref, w_ref, b_ref, o_ref):
    o_ref[...] = jax.nn.relu(
        jnp.dot(x_ref[...], w_ref[...], preferred_element_type=jnp.float32)
        + b_ref[...]
    )


def _nodepre_body(x_ref, skip_ref, fskip_ref, lins_ref, films_ref, fb_ref,
                  a0_ref, xj_ref, fbo_ref):
    x = x_ref[...]
    d = x.shape[1]
    fs = jnp.dot(x, fskip_ref[...], preferred_element_type=jnp.float32)
    beta_s, gamma_s = fs[:, :d], fs[:, d:]
    xs = jnp.dot(x, skip_ref[...], preferred_element_type=jnp.float32)
    a0_ref[...] = jax.nn.relu(gamma_s * xs + beta_s)
    xj_ref[...] = jnp.dot(x, lins_ref[...], preferred_element_type=jnp.float32)
    fbo_ref[...] = (
        jnp.dot(x, films_ref[...], preferred_element_type=jnp.float32)
        + fb_ref[...]
    )


def _msg_body(xj_ref, fb_ref, o_ref):
    xj = xj_ref[...]
    d = xj.shape[1]
    fb = fb_ref[...]
    o_ref[...] = jax.nn.relu(fb[:, d:] * xj + fb[:, :d])


def _attn_body(x_ref, m_ref, o_ref, *, nsen):
    for i in range(nsen):
        s = x_ref[i] * m_ref[i]
        ell = s.shape[0]
        scores = jax.lax.dot_general(
            s, s, (((1,), (1,)), ((), ())),
            preferred_element_type=jnp.float32,
        ) * (1.0 / (s.shape[1] ** 0.5))
        mx = jnp.max(scores, axis=1, keepdims=True)
        e = jnp.exp(scores - mx)
        p = e / jnp.sum(e, axis=1, keepdims=True)
        w = jnp.sum(p, axis=0, keepdims=True)
        o_ref[i:i + 1, :] = jnp.dot(
            w, s, preferred_element_type=jnp.float32) * (1.0 / ell)


def _gru_body(a0_ref, sm_ref, rcp_ref, x_ref, sen_ref,
              wa_ref, wx_ref, wh1_ref, ws_ref, b_ref, o_ref, *, nsen):
    x = x_ref[...]
    d = x.shape[1]
    a = a0_ref[...]
    sm = sm_ref[...]
    rcp = rcp_ref[...]
    for r in range(_R):
        a = a + sm[:, r * d:(r + 1) * d] * rcp[:, r:r + 1]
    ta = jnp.dot(a, wa_ref[...], preferred_element_type=jnp.float32)
    tx = jnp.dot(x, wx_ref[...], preferred_element_type=jnp.float32)
    ts = jnp.dot(sen_ref[...], ws_ref[...], preferred_element_type=jnp.float32)
    b = b_ref[...]
    ell = x.shape[0] // nsen
    for i in range(nsen):
        sl = slice(i * ell, (i + 1) * ell)
        tsi = ts[i:i + 1, :]
        z = jax.nn.sigmoid(
            ta[sl, :d] + tx[sl, :d] + tsi[:, :d] + b[:, :d])
        rg = jax.nn.sigmoid(
            ta[sl, d:2 * d] + tx[sl, d:2 * d] + tsi[:, d:2 * d]
            + b[:, d:2 * d])
        h = jax.nn.relu(
            ta[sl, 2 * d:] + jnp.dot(
                x[sl, :] * rg, wh1_ref[...],
                preferred_element_type=jnp.float32)
            + tsi[:, 2 * d:] + b[:, 2 * d:])
        o_ref[sl, :] = h * z + x[sl, :] * (1.0 - z)


def _readout_body(x_ref, m_ref, w3_ref, w3b_ref, v_ref, vb_ref,
                  mw_ref, mb_ref, o_ref, *, nsen):
    for i in range(nsen):
        h = x_ref[i] * m_ref[i]
        t = jnp.tanh(
            jnp.dot(h, w3_ref[...], preferred_element_type=jnp.float32)
            + w3b_ref[...])
        c = jnp.dot(t, v_ref[...], preferred_element_type=jnp.float32) \
            + vb_ref[...]
        mx = jnp.max(c, axis=0, keepdims=True)
        e = jnp.exp(c - mx)
        att = e / jnp.sum(e, axis=0, keepdims=True)
        aout = jnp.sum(att * h, axis=0, keepdims=True)
        o_ref[i:i + 1, :] = jnp.dot(
            aout, mw_ref[...], preferred_element_type=jnp.float32) \
            + mb_ref[...]


def _full(shape):
    return pl.BlockSpec(shape, lambda i: (0,) * len(shape))


def kernel(tokens, edge_index, edge_type, mask, embed, enc_W, enc_b,
           skip_W, film_skip_W, lins_W, films_W, films_b, gru_W, gru_b,
           W3, W3_b, w3, w3_b, mlp_W, mlp_b):
    n = tokens.shape[0]
    b_, l_, _ = mask.shape
    d = embed.shape[1]
    steps = skip_W.shape[0]
    c_out = mlp_W.shape[1]
    f32 = jnp.float32

    bn = min(2048, n)
    be = min(8192, edge_type.shape[0])
    sb = 8
    rows = sb * l_

    lins_cat = [jnp.transpose(lins_W[s], (1, 0, 2)).reshape(d, _R * d)
                for s in range(steps)]
    films_cat = [jnp.transpose(films_W[s], (1, 0, 2)).reshape(d, _R * 2 * d)
                 for s in range(steps)]
    films_bcat = [films_b[s].reshape(1, _R * 2 * d) for s in range(steps)]
    wa = [jnp.concatenate([gru_W[s, 0], gru_W[s, 3], gru_W[s, 6]], axis=1)
          for s in range(steps)]
    wx = [jnp.concatenate([gru_W[s, 1], gru_W[s, 4]], axis=1)
          for s in range(steps)]
    ws = [jnp.concatenate([gru_W[s, 2], gru_W[s, 5], gru_W[s, 8]], axis=1)
          for s in range(steps)]
    wh1 = [gru_W[s, 7] for s in range(steps)]
    b3 = [jnp.concatenate(
        [gru_b[s, 0] + gru_b[s, 1] + gru_b[s, 2],
         gru_b[s, 3] + gru_b[s, 4] + gru_b[s, 5],
         gru_b[s, 6] + gru_b[s, 7] + gru_b[s, 8]]).reshape(1, 3 * d)
        for s in range(steps)]

    x = jnp.take(embed, tokens, axis=0)
    x = pl.pallas_call(
        _encode_body,
        grid=(n // bn,),
        in_specs=[pl.BlockSpec((bn, d), lambda i: (i, 0)),
                  _full((d, d)), _full((1, d))],
        out_specs=pl.BlockSpec((bn, d), lambda i: (i, 0)),
        out_shape=jax.ShapeDtypeStruct((n, d), f32),
    )(x, enc_W, enc_b.reshape(1, d))

    src, dst = edge_index[0], edge_index[1]
    et = edge_type.astype(src.dtype)
    g_src = src * _R + et
    g_dst = dst * _R + et
    cnt = jnp.zeros((n * _R,), f32).at[g_dst].add(1.0)
    rcp = (1.0 / jnp.maximum(cnt, 1.0)).reshape(n, _R)

    for s in range(steps):
        senten = pl.pallas_call(
            functools.partial(_attn_body, nsen=sb),
            grid=(b_ // sb,),
            in_specs=[pl.BlockSpec((sb, l_, d), lambda i: (i, 0, 0)),
                      pl.BlockSpec((sb, l_, 1), lambda i: (i, 0, 0))],
            out_specs=pl.BlockSpec((sb, d), lambda i: (i, 0)),
            out_shape=jax.ShapeDtypeStruct((b_, d), f32),
        )(x.reshape(b_, l_, d), mask)

        a0, xj_all, fb_all = pl.pallas_call(
            _nodepre_body,
            grid=(n // bn,),
            in_specs=[pl.BlockSpec((bn, d), lambda i: (i, 0)),
                      _full((d, d)), _full((d, 2 * d)),
                      _full((d, _R * d)), _full((d, _R * 2 * d)),
                      _full((1, _R * 2 * d))],
            out_specs=(pl.BlockSpec((bn, d), lambda i: (i, 0)),
                       pl.BlockSpec((bn, _R * d), lambda i: (i, 0)),
                       pl.BlockSpec((bn, _R * 2 * d), lambda i: (i, 0))),
            out_shape=(jax.ShapeDtypeStruct((n, d), f32),
                       jax.ShapeDtypeStruct((n, _R * d), f32),
                       jax.ShapeDtypeStruct((n, _R * 2 * d), f32)),
        )(x, skip_W[s], film_skip_W[s], lins_cat[s], films_cat[s],
          films_bcat[s])

        xj_e = xj_all.reshape(n * _R, d)[g_src]
        fb_e = fb_all.reshape(n * _R, 2 * d)[g_dst]
        msg = pl.pallas_call(
            _msg_body,
            grid=(xj_e.shape[0] // be,),
            in_specs=[pl.BlockSpec((be, d), lambda i: (i, 0)),
                      pl.BlockSpec((be, 2 * d), lambda i: (i, 0))],
            out_specs=pl.BlockSpec((be, d), lambda i: (i, 0)),
            out_shape=jax.ShapeDtypeStruct((xj_e.shape[0], d), f32),
        )(xj_e, fb_e)
        summed = jnp.zeros((n * _R, d), f32).at[g_dst].add(msg)
        summed = summed.reshape(n, _R * d)

        x = pl.pallas_call(
            functools.partial(_gru_body, nsen=sb),
            grid=(n // rows,),
            in_specs=[pl.BlockSpec((rows, d), lambda i: (i, 0)),
                      pl.BlockSpec((rows, _R * d), lambda i: (i, 0)),
                      pl.BlockSpec((rows, _R), lambda i: (i, 0)),
                      pl.BlockSpec((rows, d), lambda i: (i, 0)),
                      pl.BlockSpec((sb, d), lambda i: (i, 0)),
                      _full((d, 3 * d)), _full((d, 2 * d)),
                      _full((d, d)), _full((d, 3 * d)),
                      _full((1, 3 * d))],
            out_specs=pl.BlockSpec((rows, d), lambda i: (i, 0)),
            out_shape=jax.ShapeDtypeStruct((n, d), f32),
        )(a0, summed, rcp, x, senten, wa[s], wx[s], wh1[s], ws[s], b3[s])

    out = pl.pallas_call(
        functools.partial(_readout_body, nsen=sb),
        grid=(b_ // sb,),
        in_specs=[pl.BlockSpec((sb, l_, d), lambda i: (i, 0, 0)),
                  pl.BlockSpec((sb, l_, 1), lambda i: (i, 0, 0)),
                  _full((d, d)), _full((1, d)),
                  _full((d, 1)), _full((1, 1)),
                  _full((d, c_out)), _full((1, c_out))],
        out_specs=pl.BlockSpec((sb, c_out), lambda i: (i, 0)),
        out_shape=jax.ShapeDtypeStruct((b_, c_out), f32),
    )(x.reshape(b_, l_, d), mask, W3, W3_b.reshape(1, d),
      w3, w3_b.reshape(1, 1), mlp_W, mlp_b.reshape(1, c_out))
    return out

# --- scband reference (transcript-rebuilt; emitter-appended) ---
"""Pipeline reference for scband-model-44590350467369 (READ-ONLY COPY).

The authoritative reference and input builder live on the scoring server;
editing this copy changes nothing except your own understanding.
"""

import jax, jax.numpy as jnp
import numpy as np

B, L, D = 512, 64, 128
N = B * L
E = 524288
V = 100000
R = 4
C = 20
STEP = 2

def _glorot(key, shape):
    fan_in, fan_out = shape[-2], shape[-1]
    s = (6.0 / (fan_in + fan_out)) ** 0.5
    return jax.random.uniform(key, shape, jnp.float32, -s, s)

def setup_inputs(seed: int = 0):
    key = jax.random.key(seed)
    ks = jax.random.split(key, 24)
    inp = {}
    inp["tokens"] = jax.random.randint(ks[0], (N,), 0, V)
    inp["edge_index"] = jax.random.randint(ks[1], (2, E), 0, N)
    inp["edge_type"] = jax.random.randint(ks[2], (E,), 0, R)
    inp["mask"] = jnp.ones((B, L, 1), jnp.float32)
    inp["embed"] = jax.random.normal(ks[3], (V, D), jnp.float32) * 0.1
    inp["enc_W"] = _glorot(ks[4], (D, D))
    inp["enc_b"] = jnp.zeros((D,), jnp.float32)
    inp["skip_W"] = _glorot(ks[5], (STEP, D, D))
    inp["film_skip_W"] = _glorot(ks[6], (STEP, D, 2 * D))
    inp["lins_W"] = _glorot(ks[7], (STEP, R, D, D))
    inp["films_W"] = _glorot(ks[8], (STEP, R, D, 2 * D))
    inp["films_b"] = jnp.zeros((STEP, R, 2 * D), jnp.float32)
    inp["gru_W"] = _glorot(ks[9], (STEP, 9, D, D))
    inp["gru_b"] = jnp.zeros((STEP, 9, D), jnp.float32)
    inp["W3"] = _glorot(ks[10], (D, D))
    inp["W3_b"] = jnp.zeros((D,), jnp.float32)
    inp["w3"] = _glorot(ks[11], (D, 1))
    inp["w3_b"] = jnp.zeros((1,), jnp.float32)
    inp["mlp_W"] = _glorot(ks[12], (D, C))
    inp["mlp_b"] = jnp.zeros((C,), jnp.float32)
    return inp

def _forward(tokens, edge_index, edge_type, mask, embed, enc_W, enc_b, skip_W, film_skip_W, lins_W, films_W, films_b, gru_W, gru_b, W3, W3_b, w3, w3_b, mlp_W, mlp_b):
    # Embedding lookup (nn.Embedding)
    x = jnp.take(embed, tokens, axis=0)
    # GraphAT.encode (dropout off in eval) + act
    x = jax.nn.relu(x @ enc_W + enc_b)
    src, dst = edge_index[0], edge_index[1]
    for s in range(STEP):
        # graph2batch: all sentences have equal length L -> reshape
        sen = x.reshape(B, L, D) * mask
        attw = jax.nn.softmax(jnp.einsum('bld,bmd->blm', sen, sen) / jnp.sqrt(float(D)), axis=-1)
        A = jnp.einsum('blm,bmd->bld', attw, sen)
        senten = A.mean(axis=1)  # avg_pool1d over L
        # sentence2node: repeat each sentence vector over its nodes
        sn = jnp.repeat(senten, L, axis=0)
        # FiLMConv (num_relations=4, mean aggregation, ReLU act)
        fs = x @ film_skip_W[s]
        beta_s, gamma_s = fs[:, :D], fs[:, D:]
        a = jax.nn.relu(gamma_s * (x @ skip_W[s]) + beta_s)
        for r in range(R):
            xj = x @ lins_W[s, r]
            fb = x @ films_W[s, r] + films_b[s, r]
            beta, gamma = fb[:, :D], fb[:, D:]
            em = (edge_type == r).astype(jnp.float32)[:, None]
            msg = jax.nn.relu(gamma[dst] * xj[src] + beta[dst]) * em
            summed = jnp.zeros((N, D), jnp.float32).at[dst].add(msg)
            cnt = jnp.zeros((N, 1), jnp.float32).at[dst].add(em)
            a = a + summed / jnp.maximum(cnt, 1.0)
        # GRUUint_s update
        Wz0, Wz1, Wz2, Wr0, Wr1, Wr2, Wh0, Wh1, Wh2 = [gru_W[s, i] for i in range(9)]
        bz0, bz1, bz2, br0, br1, br2, bh0, bh1, bh2 = [gru_b[s, i] for i in range(9)]
        z = jax.nn.sigmoid(a @ Wz0 + bz0 + x @ Wz1 + bz1 + sn @ Wz2 + bz2)
        rg = jax.nn.sigmoid(a @ Wr0 + br0 + x @ Wr1 + br1 + sn @ Wr2 + br2)
        h = jax.nn.relu(a @ Wh0 + bh0 + (x * rg) @ Wh1 + bh1 + sn @ Wh2 + bh2)
        x = h * z + x * (1.0 - z)
    # ReadoutLayer: attention + mlp (dropout off)
    H = x.reshape(B, L, D) * mask
    c = jnp.tanh(H @ W3 + W3_b) @ w3 + w3_b
    atten = jax.nn.softmax(c[..., 0], axis=-1)
    Aout = jnp.einsum('bl,bld->bd', atten, H)
    return Aout @ mlp_W + mlp_b

def reference(tokens, edge_index, edge_type, mask, embed, enc_W, enc_b, skip_W, film_skip_W, lins_W, films_W, films_b, gru_W, gru_b, W3, W3_b, w3, w3_b, mlp_W, mlp_b):
    return _forward(tokens, edge_index, edge_type, mask, embed, enc_W, enc_b, skip_W, film_skip_W, lins_W, films_W, films_b, gru_W, gru_b, W3, W3_b, w3, w3_b, mlp_W, mlp_b)

if __name__ == "__main__":
    import jax
    _d = setup_inputs()
    print(jax.jit(kernel)(*tuple(_d.values())))

</pallas_src>

<mosaic_0001>
module attributes {stable_mosaic.version = 14 : i64} {
  func.func @_encode_body(%arg0: i32, %arg1: memref<2048x128xf32, #tpu.memory_space<vmem>>, %arg2: memref<128x128xf32, #tpu.memory_space<vmem>>, %arg3: memref<1x128xf32, #tpu.memory_space<vmem>>, %arg4: memref<2048x128xf32, #tpu.memory_space<vmem>>) attributes {dimension_semantics = [#tpu.dimension_semantics<arbitrary>], iteration_bounds = array<i64: 16>, scalar_prefetch = 0 : i64, scratch_operands = 0 : i64, tpu.core_type = #tpu.core_type<tc>, window_params = [{transform_indices = @transform_0, window_bounds = array<i64: 2048, 128>}, {pipeline_mode = #tpu.pipeline_mode<synchronous>, transform_indices = @transform_1, window_bounds = array<i64: 128, 128>}, {pipeline_mode = #tpu.pipeline_mode<synchronous>, transform_indices = @transform_2, window_bounds = array<i64: 1, 128>}, {transform_indices = @transform_3, window_bounds = array<i64: 2048, 128>}]} {
    %get3A = arith.constant 0 : index
    %get3A_0 = arith.constant 0 : index
    %get3A_1 = vector.load %arg1[%get3A, %get3A_0] : memref<2048x128xf32, #tpu.memory_space<vmem>>, vector<2048x128xf32>
    %get3A_2 = arith.constant 0 : index
    %get3A_3 = arith.constant 0 : index
    %get3A_4 = vector.load %arg2[%get3A_2, %get3A_3] : memref<128x128xf32, #tpu.memory_space<vmem>>, vector<128x128xf32>
    %dot_general3A = arith.constant dense<0.000000e+00> : vector<2048x128xf32>
    %dot_general3A_5 = tpu.matmul %get3A_1, %get3A_4, %dot_general3A {dimension_numbers = #tpu.dot_dimension_numbers<[1], [0], [0], [1], [0, 0, 1, 1], [], []>, transpose_lhs_hint = false} : vector<2048x128xf32>, vector<128x128xf32>, vector<2048x128xf32> -> vector<2048x128xf32>
    %get3A_6 = arith.constant 0 : index
    %get3A_7 = arith.constant 0 : index
    %get3A_8 = vector.load %arg3[%get3A_6, %get3A_7] : memref<1x128xf32, #tpu.memory_space<vmem>>, vector<1x128xf32>
    %add3A = vector.broadcast %get3A_8 : vector<1x128xf32> to vector<2048x128xf32>
    %add3A_9 = arith.addf %dot_general3A_5, %add3A : vector<2048x128xf32>
    %max3A = arith.constant 0.000000e+00 : f32
    %max3A_10 = vector.broadcast %max3A : f32 to vector<2048x128xf32>
    %max3A_11 = arith.maximumf %add3A_9, %max3A_10 : vector<2048x128xf32>
    %swap3A = arith.constant 0 : index
    %swap3A_12 = arith.constant 0 : index
    %swap3A_13 = vector.load %arg4[%swap3A, %swap3A_12] : memref<2048x128xf32, #tpu.memory_space<vmem>>, vector<2048x128xf32>
    tpu.vector_store %arg4[%swap3A, %swap3A_12], %max3A_11 {strides = array<i32>} : memref<2048x128xf32, #tpu.memory_space<vmem>>, vector<2048x128xf32>,
    return
  }
  func.func @transform_0(%arg0: i32) -> (i32, i32) {
    %c0_i32 = arith.constant 0 : i32
    %c0_i32_0 = arith.constant 0 : i32
    return %arg0, %c0_i32 : i32, i32
  }
  func.func @transform_1(%arg0: i32) -> (i32, i32) {
    %c0_i32 = arith.constant 0 : i32
    %c0_i32_0 = arith.constant 0 : i32
    %c0_i32_1 = arith.constant 0 : i32
    return %c0_i32, %c0_i32_0 : i32, i32
  }
  func.func @transform_2(%arg0: i32) -> (i32, i32) {
    %c0_i32 = arith.constant 0 : i32
    %c0_i32_0 = arith.constant 0 : i32
    %c0_i32_1 = arith.constant 0 : i32
    return %c0_i32, %c0_i32_0 : i32, i32
  }
  func.func @transform_3(%arg0: i32) -> (i32, i32) {
    %c0_i32 = arith.constant 0 : i32
    %c0_i32_0 = arith.constant 0 : i32
    return %arg0, %c0_i32 : i32, i32
  }
}

module attributes {stable_mosaic.version = 14 : i64} {
  func.func @_nodepre_body(%arg0: i32, %arg1: memref<2048x128xf32, #tpu.memory_space<vmem>>, %arg2: memref<128x128xf32, #tpu.memory_space<vmem>>, %arg3: memref<128x256xf32, #tpu.memory_space<vmem>>, %arg4: memref<128x512xf32, #tpu.memory_space<vmem>>, %arg5: memref<128x1024xf32, #tpu.memory_space<vmem>>, %arg6: memref<1x1024xf32, #tpu.memory_space<vmem>>, %arg7: memref<2048x128xf32, #tpu.memory_space<vmem>>, %arg8: memref<2048x512xf32, #tpu.memory_space<vmem>>, %arg9: memref<2048x1024xf32, #tpu.memory_space<vmem>>) attributes {dimension_semantics = [#tpu.dimension_semantics<arbitrary>], iteration_bounds = array<i64: 16>, scalar_prefetch = 0 : i64, scratch_operands = 0 : i64, tpu.core_type = #tpu.core_type<tc>, window_params = [{transform_indices = @transform_0, window_bounds = array<i64: 2048, 128>}, {pipeline_mode = #tpu.pipeline_mode<synchronous>, transform_indices = @transform_1, window_bounds = array<i64: 128, 128>}, {pipeline_mode = #tpu.pipeline_mode<synchronous>, transform_indices = @transform_2, window_bounds = array<i64: 128, 256>}, {pipeline_mode = #tpu.pipeline_mode<synchronous>, transform_indices = @transform_3, window_bounds = array<i64: 128, 512>}, {pipeline_mode = #tpu.pipeline_mode<synchronous>, transform_indices = @transform_4, window_bounds = array<i64: 128, 1024>}, {pipeline_mode = #tpu.pipeline_mode<synchronous>, transform_indices = @transform_5, window_bounds = array<i64: 1, 1024>}, {transform_indices = @transform_6, window_bounds = array<i64: 2048, 128>}, {transform_indices = @transform_7, window_bounds = array<i64: 2048, 512>}, {transform_indices = @transform_8, window_bounds = array<i64: 2048, 1024>}]} {
    %get3A = arith.constant 0 : index
    %get3A_0 = arith.constant 0 : index
    %get3A_1 = vector.load %arg1[%get3A, %get3A_0] : memref<2048x128xf32, #tpu.memory_space<vmem>>, vector<2048x128xf32>
    %get3A_2 = arith.constant 0 : index
    %get3A_3 = arith.constant 0 : index
    %get3A_4 = vector.load %arg3[%get3A_2, %get3A_3] : memref<128x256xf32, #tpu.memory_space<vmem>>, vector<128x256xf32>
    %dot_general3A = arith.constant dense<0.000000e+00> : vector<2048x256xf32>
    %dot_general3A_5 = tpu.matmul %get3A_1, %get3A_4, %dot_general3A {dimension_numbers = #tpu.dot_dimension_numbers<[1], [0], [0], [1], [0, 0, 1, 1], [], []>, transpose_lhs_hint = false} : vector<2048x128xf32>, vector<128x256xf32>, vector<2048x256xf32> -> vector<2048x256xf32>
    %slice3A = vector.extract_strided_slice %dot_general3A_5 {offsets = [0, 0], sizes = [2048, 128], strides = [1, 1]} : vector<2048x256xf32> to vector<2048x128xf32>
    %slice3A_6 = vector.extract_strided_slice %dot_general3A_5 {offsets = [0, 128], sizes = [2048, 128], strides = [1, 1]} : vector<2048x256xf32> to vector<2048x128xf32>
    %get3A_7 = arith.constant 0 : index
    %get3A_8 = arith.constant 0 : index
    %get3A_9 = vector.load %arg2[%get3A_7, %get3A_8] : memref<128x128xf32, #tpu.memory_space<vmem>>, vector<128x128xf32>
    %dot_general3A_10 = arith.constant dense<0.000000e+00> : vector<2048x128xf32>
    %dot_general3A_11 = tpu.matmul %get3A_1, %get3A_9, %dot_general3A_10 {dimension_numbers = #tpu.dot_dimension_numbers<[1], [0], [0], [1], [0, 0, 1, 1], [], []>, transpose_lhs_hint = false} : vector<2048x128xf32>, vector<128x128xf32>, vector<2048x128xf32> -> vector<2048x128xf32>
    %mul3A = arith.mulf %slice3A_6, %dot_general3A_11 : vector<2048x128xf32>
    %add3A = arith.addf %mul3A, %slice3A : vector<2048x128xf32>
    %max3A = arith.constant 0.000000e+00 : f32
    %max3A_12 = vector.broadcast %max3A : f32 to vector<2048x128xf32>
    %max3A_13 = arith.maximumf %add3A, %max3A_12 : vector<2048x128xf32>
    %swap3A = arith.constant 0 : index
    %swap3A_14 = arith.constant 0 : index
    %swap3A_15 = vector.load %arg7[%swap3A, %swap3A_14] : memref<2048x128xf32, #tpu.memory_space<vmem>>, vector<2048x128xf32>
    tpu.vector_store %arg7[%swap3A, %swap3A_14], %max3A_13 {strides = array<i32>} : memref<2048x128xf32, #tpu.memory_space<vmem>>, vector<2048x128xf32>,
    %get3A_16 = arith.constant 0 : index
    %get3A_17 = arith.constant 0 : index
    %get3A_18 = vector.load %arg4[%get3A_16, %get3A_17] : memref<128x512xf32, #tpu.memory_space<vmem>>, vector<128x512xf32>
    %dot_general3A_19 = arith.constant dense<0.000000e+00> : vector<2048x512xf32>
    %dot_general3A_20 = tpu.matmul %get3A_1, %get3A_18, %dot_general3A_19 {dimension_numbers = #tpu.dot_dimension_numbers<[1], [0], [0], [1], [0, 0, 1, 1], [], []>, transpose_lhs_hint = false} : vector<2048x128xf32>, vector<128x512xf32>, vector<2048x512xf32> -> vector<2048x512xf32>
    %swap3A_21 = arith.constant 0 : index
    %swap3A_22 = arith.constant 0 : index
    %swap3A_23 = vector.load %arg8[%swap3A_21, %swap3A_22] : memref<2048x512xf32, #tpu.memory_space<vmem>>, vector<2048x512xf32>
    tpu.vector_store %arg8[%swap3A_21, %swap3A_22], %dot_general3A_20 {strides = array<i32>} : memref<2048x512xf32, #tpu.memory_space<vmem>>, vector<2048x512xf32>,
    %get3A_24 = arith.constant 0 : index
    %get3A_25 = arith.constant 0 : index
    %get3A_26 = vector.load %arg5[%get3A_24, %get3A_25] : memref<128x1024xf32, #tpu.memory_space<vmem>>, vector<128x1024xf32>
    %dot_general3A_27 = arith.constant dense<0.000000e+00> : vector<2048x1024xf32>
    %dot_general3A_28 = tpu.matmul %get3A_1, %get3A_26, %dot_general3A_27 {dimension_numbers = #tpu.dot_dimension_numbers<[1], [0], [0], [1], [0, 0, 1, 1], [], []>, transpose_lhs_hint = false} : vector<2048x128xf32>, vector<128x1024xf32>, vector<2048x1024xf32> -> vector<2048x1024xf32>
    %get3A_29 = arith.constant 0 : index
    %get3A_30 = arith.constant 0 : index
    %get3A_31 = vector.load %arg6[%get3A_29, %get3A_30] : memref<1x1024xf32, #tpu.memory_space<vmem>>, vector<1x1024xf32>
    %add3A_32 = vector.broadcast %get3A_31 : vector<1x1024xf32> to vector<2048x1024xf32>
    %add3A_33 = arith.addf %dot_general3A_28, %add3A_32 : vector<2048x1024xf32>
    %swap3A_34 = arith.constant 0 : index
    %swap3A_35 = arith.constant 0 : index
    %swap3A_36 = vector.load %arg9[%swap3A_34, %swap3A_35] : memref<2048x1024xf32, #tpu.memory_space<vmem>>, vector<2048x1024xf32>
    tpu.vector_store %arg9[%swap3A_34, %swap3A_35], %add3A_33 {strides = array<i32>} : memref<2048x1024xf32, #tpu.memory_space<vmem>>, vector<2048x1024xf32>,
    return
  }
  func.func @transform_0(%arg0: i32) -> (i32, i32) {
    %c0_i32 = arith.constant 0 : i32
    %c0_i32_0 = arith.constant 0 : i32
    return %arg0, %c0_i32 : i32, i32
  }
  func.func @transform_1(%arg0: i32) -> (i32, i32) {
    %c0_i32 = arith.constant 0 : i32
    %c0_i32_0 = arith.constant 0 : i32
    %c0_i32_1 = arith.constant 0 : i32
    return %c0_i32, %c0_i32_0 : i32, i32
  }
  func.func @transform_2(%arg0: i32) -> (i32, i32) {
    %c0_i32 = arith.constant 0 : i32
    %c0_i32_0 = arith.constant 0 : i32
    %c0_i32_1 = arith.constant 0 : i32
    return %c0_i32, %c0_i32_0 : i32, i32
  }
  func.func @transform_3(%arg0: i32) -> (i32, i32) {
    %c0_i32 = arith.constant 0 : i32
    %c0_i32_0 = arith.constant 0 : i32
    %c0_i32_1 = arith.constant 0 : i32
    return %c0_i32, %c0_i32_0 : i32, i32
  }
  func.func @transform_4(%arg0: i32) -> (i32, i32) {
    %c0_i32 = arith.constant 0 : i32
    %c0_i32_0 = arith.constant 0 : i32
    %c0_i32_1 = arith.constant 0 : i32
    return %c0_i32, %c0_i32_0 : i32, i32
  }
  func.func @transform_5(%arg0: i32) -> (i32, i32) {
    %c0_i32 = arith.constant 0 : i32
    %c0_i32_0 = arith.constant 0 : i32
    %c0_i32_1 = arith.constant 0 : i32
    return %c0_i32, %c0_i32_0 : i32, i32
  }
  func.func @transform_6(%arg0: i32) -> (i32, i32) {
    %c0_i32 = arith.constant 0 : i32
    %c0_i32_0 = arith.constant 0 : i32
    return %arg0, %c0_i32 : i32, i32
  }
  func.func @transform_7(%arg0: i32) -> (i32, i32) {
    %c0_i32 = arith.constant 0 : i32
    %c0_i32_0 = arith.constant 0 : i32
    return %arg0, %c0_i32 : i32, i32
  }
  func.func @transform_8(%arg0: i32) -> (i32, i32) {
    %c0_i32 = arith.constant 0 : i32
    %c0_i32_0 = arith.constant 0 : i32
    return %arg0, %c0_i32 : i32, i32
  }
}

module attributes {stable_mosaic.version = 14 : i64} {
  func.func @_msg_body(%arg0: i32, %arg1: memref<8192x128xf32, #tpu.memory_space<vmem>>, %arg2: memref<8192x256xf32, #tpu.memory_space<vmem>>, %arg3: memref<8192x128xf32, #tpu.memory_space<vmem>>) attributes {dimension_semantics = [#tpu.dimension_semantics<arbitrary>], iteration_bounds = array<i64: 64>, scalar_prefetch = 0 : i64, scratch_operands = 0 : i64, tpu.core_type = #tpu.core_type<tc>, window_params = [{transform_indices = @transform_0, window_bounds = array<i64: 8192, 128>}, {transform_indices = @transform_1, window_bounds = array<i64: 8192, 256>}, {transform_indices = @transform_2, window_bounds = array<i64: 8192, 128>}]} {
    %get3A = arith.constant 0 : index
    %get3A_0 = arith.constant 0 : index
    %get3A_1 = vector.load %arg1[%get3A, %get3A_0] : memref<8192x128xf32, #tpu.memory_space<vmem>>, vector<8192x128xf32>
    %get3A_2 = arith.constant 0 : index
    %get3A_3 = arith.constant 0 : index
    %get3A_4 = vector.load %arg2[%get3A_2, %get3A_3] : memref<8192x256xf32, #tpu.memory_space<vmem>>, vector<8192x256xf32>
    %slice3A = vector.extract_strided_slice %get3A_4 {offsets = [0, 128], sizes = [8192, 128], strides = [1, 1]} : vector<8192x256xf32> to vector<8192x128xf32>
    %mul3A = arith.mulf %slice3A, %get3A_1 : vector<8192x128xf32>
    %slice3A_5 = vector.extract_strided_slice %get3A_4 {offsets = [0, 0], sizes = [8192, 128], strides = [1, 1]} : vector<8192x256xf32> to vector<8192x128xf32>
    %add3A = arith.addf %mul3A, %slice3A_5 : vector<8192x128xf32>
    %max3A = arith.constant 0.000000e+00 : f32
    %max3A_6 = vector.broadcast %max3A : f32 to vector<8192x128xf32>
    %max3A_7 = arith.maximumf %add3A, %max3A_6 : vector<8192x128xf32>
    %swap3A = arith.constant 0 : index
    %swap3A_8 = arith.constant 0 : index
    %swap3A_9 = vector.load %arg3[%swap3A, %swap3A_8] : memref<8192x128xf32, #tpu.memory_space<vmem>>, vector<8192x128xf32>
    tpu.vector_store %arg3[%swap3A, %swap3A_8], %max3A_7 {strides = array<i32>} : memref<8192x128xf32, #tpu.memory_space<vmem>>, vector<8192x128xf32>,
    return
  }
  func.func @transform_0(%arg0: i32) -> (i32, i32) {
    %c0_i32 = arith.constant 0 : i32
    %c0_i32_0 = arith.constant 0 : i32
    return %arg0, %c0_i32 : i32, i32
  }
  func.func @transform_1(%arg0: i32) -> (i32, i32) {
    %c0_i32 = arith.constant 0 : i32
    %c0_i32_0 = arith.constant 0 : i32
    return %arg0, %c0_i32 : i32, i32
  }
  func.func @transform_2(%arg0: i32) -> (i32, i32) {
    %c0_i32 = arith.constant 0 : i32
    %c0_i32_0 = arith.constant 0 : i32
    return %arg0, %c0_i32 : i32, i32
  }
}

module attributes {stable_mosaic.version = 14 : i64} {
  func.func @_attn_body(%arg0: i32, %arg1: memref<8x64x128xf32, #tpu.memory_space<vmem>>, %arg2: memref<8x64x1xf32, #tpu.memory_space<vmem>>, %arg3: memref<8x128xf32, #tpu.memory_space<vmem>>) attributes {dimension_semantics = [#tpu.dimension_semantics<arbitrary>], iteration_bounds = array<i64: 64>, scalar_prefetch = 0 : i64, scratch_operands = 0 : i64, tpu.core_type = #tpu.core_type<tc>, window_params = [{transform_indices = @transform_0, window_bounds = array<i64: 8, 64, 128>}, {transform_indices = @transform_1, window_bounds = array<i64: 8, 64, 1>}, {transform_indices = @transform_2, window_bounds = array<i64: 8, 128>}]} {
    %get3A = arith.constant 0 : index
    %get3A_0 = arith.constant 0 : index
    %get3A_1 = arith.constant 0 : index
    %get3A_2 = vector.load %arg1[%get3A, %get3A_0, %get3A_1] : memref<8x64x128xf32, #tpu.memory_space<vmem>>, vector<1x64x128xf32>
    %get3A_3 = vector.shape_cast %get3A_2 : vector<1x64x128xf32> to vector<64x128xf32>
    %get3A_4 = arith.constant 0 : index
    %get3A_5 = arith.constant 0 : index
    %get3A_6 = arith.constant 0 : index
    %get3A_7 = vector.load %arg2[%get3A_4, %get3A_5, %get3A_6] : memref<8x64x1xf32, #tpu.memory_space<vmem>>, vector<1x64x1xf32>
    %get3A_8 = vector.shape_cast %get3A_7 : vector<1x64x1xf32> to vector<64x1xf32>
    %mul3A = vector.broadcast %get3A_8 : vector<64x1xf32> to vector<64x128xf32>
    %mul3A_9 = arith.mulf %get3A_3, %mul3A : vector<64x128xf32>
    %dot_general3A = arith.constant dense<0.000000e+00> : vector<64x64xf32>
    %dot_general3A_10 = tpu.matmul %mul3A_9, %mul3A_9, %dot_general3A {dimension_numbers = #tpu.dot_dimension_numbers<[1], [1], [0], [0], [0, 0, 1, 0], [], []>, transpose_lhs_hint = false} : vector<64x128xf32>, vector<64x128xf32>, vector<64x64xf32> -> vector<64x64xf32>
    %mul3A_11 = arith.constant 0.0883883461 : f32
    %mul3A_12 = vector.broadcast %mul3A_11 : f32 to vector<64x64xf32>
    %mul3A_13 = arith.mulf %dot_general3A_10, %mul3A_12 : vector<64x64xf32>
    %reduce_max3A = arith.constant dense<0xFF800000> : vector<64xf32>
    %reduce_max3A_14 = vector.multi_reduction <maximumf>, %mul3A_13, %reduce_max3A [1] : vector<64x64xf32> to vector<64xf32>
    %broadcast_in_dim3A = vector.shape_cast %reduce_max3A_14 : vector<64xf32> to vector<64x1xf32>
    %sub3A = vector.broadcast %broadcast_in_dim3A : vector<64x1xf32> to vector<64x64xf32>
    %sub3A_15 = arith.subf %mul3A_13, %sub3A : vector<64x64xf32>
    %exp3A = math.exp %sub3A_15 : vector<64x64xf32>
    %reduce_sum3A = arith.constant dense<0.000000e+00> : vector<64xf32>
    %reduce_sum3A_16 = vector.multi_reduction <add>, %exp3A, %reduce_sum3A [1] : vector<64x64xf32> to vector<64xf32>
    %broadcast_in_dim3A_17 = vector.shape_cast %reduce_sum3A_16 : vector<64xf32> to vector<64x1xf32>
    %div3A = vector.broadcast %broadcast_in_dim3A_17 : vector<64x1xf32> to vector<64x64xf32>
    %div3A_18 = arith.divf %exp3A, %div3A : vector<64x64xf32>
    %reduce_sum3A_19 = arith.constant dense<0.000000e+00> : vector<64xf32>
    %reduce_sum3A_20 = vector.multi_reduction <add>, %div3A_18, %reduce_sum3A_19 [0] : vector<64x64xf32> to vector<64xf32>
    %broadcast_in_dim3A_21 = vector.shape_cast %reduce_sum3A_20 : vector<64xf32> to vector<1x64xf32>
    %dot_general3A_22 = arith.constant dense<0.000000e+00> : vector<1x128xf32>
    %dot_general3A_23 = tpu.matmul %broadcast_in_dim3A_21, %mul3A_9, %dot_general3A_22 {dimension_numbers = #tpu.dot_dimension_numbers<[1], [0], [0], [1], [0, 0, 1, 1], [], []>, transpose_lhs_hint = false} : vector<1x64xf32>, vector<64x128xf32>, vector<1x128xf32> -> vector<1x128xf32>
    %mul3A_24 = arith.constant 1.562500e-02 : f32
    %mul3A_25 = vector.broadcast %mul3A_24 : f32 to vector<1x128xf32>
    %mul3A_26 = arith.mulf %dot_general3A_23, %mul3A_25 : vector<1x128xf32>
    %swap3A = arith.constant 0 : index
    %swap3A_27 = arith.constant 0 : index
    %swap3A_28 = vector.load %arg3[%swap3A, %swap3A_27] : memref<8x128xf32, #tpu.memory_space<vmem>>, vector<1x128xf32>
    tpu.vector_store %arg3[%swap3A, %swap3A_27], %mul3A_26 {strides = array<i32>} : memref<8x128xf32, #tpu.memory_space<vmem>>, vector<1x128xf32>,
    %get3A_29 = arith.constant 1 : index
    %get3A_30 = arith.constant 0 : index
    %get3A_31 = arith.constant 0 : index
    %get3A_32 = vector.load %arg1[%get3A_29, %get3A_30, %get3A_31] : memref<8x64x128xf32, #tpu.memory_space<vmem>>, vector<1x64x128xf32>
    %get3A_33 = vector.shape_cast %get3A_32 : vector<1x64x128xf32> to vector<64x128xf32>
    %get3A_34 = arith.constant 1 : index
    %get3A_35 = arith.constant 0 : index
    %get3A_36 = arith.constant 0 : index
    %get3A_37 = vector.load %arg2[%get3A_34, %get3A_35, %get3A_36] : memref<8x64x1xf32, #tpu.memory_space<vmem>>, vector<1x64x1xf32>
    %get3A_38 = vector.shape_cast %get3A_37 : vector<1x64x1xf32> to vector<64x1xf32>
    %mul3A_39 = vector.broadcast %get3A_38 : vector<64x1xf32> to vector<64x128xf32>
    %mul3A_40 = arith.mulf %get3A_33, %mul3A_39 : vector<64x128xf32>
    %dot_general3A_41 = arith.constant dense<0.000000e+00> : vector<64x64xf32>
    %dot_general3A_42 = tpu.matmul %mul3A_40, %mul3A_40, %dot_general3A_41 {dimension_numbers = #tpu.dot_dimension_numbers<[1], [1], [0], [0], [0, 0, 1, 0], [], []>, transpose_lhs_hint = false} : vector<64x128xf32>, vector<64x128xf32>, vector<64x64xf32> -> vector<64x64xf32>
    %mul3A_43 = arith.constant 0.0883883461 : f32
    %mul3A_44 = vector.broadcast %mul3A_43 : f32 to vector<64x64xf32>
    %mul3A_45 = arith.mulf %dot_general3A_42, %mul3A_44 : vector<64x64xf32>
    %reduce_max3A_46 = arith.constant dense<0xFF800000> : vector<64xf32>
    %reduce_max3A_47 = vector.multi_reduction <maximumf>, %mul3A_45, %reduce_max3A_46 [1] : vector<64x64xf32> to vector<64xf32>
    %broadcast_in_dim3A_48 = vector.shape_cast %reduce_max3A_47 : vector<64xf32> to vector<64x1xf32>
    %sub3A_49 = vector.broadcast %broadcast_in_dim3A_48 : vector<64x1xf32> to vector<64x64xf32>
    %sub3A_50 = arith.subf %mul3A_45, %sub3A_49 : vector<64x64xf32>
    %exp3A_51 = math.exp %sub3A_50 : vector<64x64xf32>
    %reduce_sum3A_52 = arith.constant dense<0.000000e+00> : vector<64xf32>
    %reduce_sum3A_53 = vector.multi_reduction <add>, %exp3A_51, %reduce_sum3A_52 [1] : vector<64x64xf32> to vector<64xf32>
    %broadcast_in_dim3A_54 = vector.shape_cast %reduce_sum3A_53 : vector<64xf32> to vector<64x1xf32>
    %div3A_55 = vector.broadcast %broadcast_in_dim3A_54 : vector<64x1xf32> to vector<64x64xf32>
    %div3A_56 = arith.divf %exp3A_51, %div3A_55 : vector<64x64xf32>
    %reduce_sum3A_57 = arith.constant dense<0.000000e+00> : vector<64xf32>
    %reduce_sum3A_58 = vector.multi_reduction <add>, %div3A_56, %reduce_sum3A_57 [0] : vector<64x64xf32> to vector<64xf32>
    %broadcast_in_dim3A_59 = vector.shape_cast %reduce_sum3A_58 : vector<64xf32> to vector<1x64xf32>
    %dot_general3A_60 = arith.constant dense<0.000000e+00> : vector<1x128xf32>
    %dot_general3A_61 = tpu.matmul %broadcast_in_dim3A_59, %mul3A_40, %dot_general3A_60 {dimension_numbers = #tpu.dot_dimension_numbers<[1], [0], [0], [1], [0, 0, 1, 1], [], []>, transpose_lhs_hint = false} : vector<1x64xf32>, vector<64x128xf32>, vector<1x128xf32> -> vector<1x128xf32>
    %mul3A_62 = arith.constant 1.562500e-02 : f32
    %mul3A_63 = vector.broadcast %mul3A_62 : f32 to vector<1x128xf32>
    %mul3A_64 = arith.mulf %dot_general3A_61, %mul3A_63 : vector<1x128xf32>
    %swap3A_65 = arith.constant 1 : index
    %swap3A_66 = arith.constant 0 : index
    %swap3A_67 = vector.load %arg3[%swap3A_65, %swap3A_66] : memref<8x128xf32, #tpu.memory_space<vmem>>, vector<1x128xf32>
    tpu.vector_store %arg3[%swap3A_65, %swap3A_66], %mul3A_64 {strides = array<i32>} : memref<8x128xf32, #tpu.memory_space<vmem>>, vector<1x128xf32>,
    %get3A_68 = arith.constant 2 : index
    %get3A_69 = arith.constant 0 : index
    %get3A_70 = arith.constant 0 : index
    %get3A_71 = vector.load %arg1[%get3A_68, %get3A_69, %get3A_70] : memref<8x64x128xf32, #tpu.memory_space<vmem>>, vector<1x64x128xf32>
    %get3A_72 = vector.shape_cast %get3A_71 : vector<1x64x128xf32> to vector<64x128xf32>
    %get3A_73 = arith.constant 2 : index
    %get3A_74 = arith.constant 0 : index
    %get3A_75 = arith.constant 0 : index
    %get3A_76 = vector.load %arg2[%get3A_73, %get3A_74, %get3A_75] : memref<8x64x1xf32, #tpu.memory_space<vmem>>, vector<1x64x1xf32>
    %get3A_77 = vector.shape_cast %get3A_76 : vector<1x64x1xf32> to vector<64x1xf32>
    %mul3A_78 = vector.broadcast %get3A_77 : vector<64x1xf32> to vector<64x128xf32>
    %mul3A_79 = arith.mulf %get3A_72, %mul3A_78 : vector<64x128xf32>
    %dot_general3A_80 = arith.constant dense<0.000000e+00> : vector<64x64xf32>
    %dot_general3A_81 = tpu.matmul %mul3A_79, %mul3A_79, %dot_general3A_80 {dimension_numbers = #tpu.dot_dimension_numbers<[1], [1], [0], [0], [0, 0, 1, 0], [], []>, transpose_lhs_hint = false} : vector<64x128xf32>, vector<64x128xf32>, vector<64x64xf32> -> vector<64x64xf32>
    %mul3A_82 = arith.constant 0.0883883461 : f32
    %mul3A_83 = vector.broadcast %mul3A_82 : f32 to vector<64x64xf32>
    %mul3A_84 = arith.mulf %dot_general3A_81, %mul3A_83 : vector<64x64xf32>
    %reduce_max3A_85 = arith.constant dense<0xFF800000> : vector<64xf32>
    %reduce_max3A_86 = vector.multi_reduction <maximumf>, %mul3A_84, %reduce_max3A_85 [1] : vector<64x64xf32> to vector<64xf32>
    %broadcast_in_dim3A_87 = vector.shape_cast %reduce_max3A_86 : vector<64xf32> to vector<64x1xf32>
    %sub3A_88 = vector.broadcast %broadcast_in_dim3A_87 : vector<64x1xf32> to vector<64x64xf32>
    %sub3A_89 = arith.subf %mul3A_84, %sub3A_88 : vector<64x64xf32>
    %exp3A_90 = math.exp %sub3A_89 : vector<64x64xf32>
    %reduce_sum3A_91 = arith.constant dense<0.000000e+00> : vector<64xf32>
    %reduce_sum3A_92 = vector.multi_reduction <add>, %exp3A_90, %reduce_sum3A_91 [1] : vector<64x64xf32> to vector<64xf32>
    %broadcast_in_dim3A_93 = vector.shape_cast %reduce_sum3A_92 : vector<64xf32> to vector<64x1xf32>
    %div3A_94 = vector.broadcast %broadcast_in_dim3A_93 : vector<64x1xf32> to vector<64x64xf32>
    %div3A_95 = arith.divf %exp3A_90, %div3A_94 : vector<64x64xf32>
    %reduce_sum3A_96 = arith.constant dense<0.000000e+00> : vector<64xf32>
    %reduce_sum3A_97 = vector.multi_reduction <add>, %div3A_95, %reduce_sum3A_96 [0] : vector<64x64xf32> to vector<64xf32>
    %broadcast_in_dim3A_98 = vector.shape_cast %reduce_sum3A_97 : vector<64xf32> to vector<1x64xf32>
    %dot_general3A_99 = arith.constant dense<0.000000e+00> : vector<1x128xf32>
    %dot_general3A_100 = tpu.matmul %broadcast_in_dim3A_98, %mul3A_79, %dot_general3A_99 {dimension_numbers = #tpu.dot_dimension_numbers<[1], [0], [0], [1], [0, 0, 1, 1], [], []>, transpose_lhs_hint = false} : vector<1x64xf32>, vector<64x128xf32>, vector<1x128xf32> -> vector<1x128xf32>
    %mul3A_101 = arith.constant 1.562500e-02 : f32
    %mul3A_102 = vector.broadcast %mul3A_101 : f32 to vector<1x128xf32>
    %mul3A_103 = arith.mulf %dot_general3A_100, %mul3A_102 : vector<1x128xf32>
    %swap3A_104 = arith.constant 2 : index
    %swap3A_105 = arith.constant 0 : index
    %swap3A_106 = vector.load %arg3[%swap3A_104, %swap3A_105] : memref<8x128xf32, #tpu.memory_space<vmem>>, vector<1x128xf32>
    tpu.vector_store %arg3[%swap3A_104, %swap3A_105], %mul3A_103 {strides = array<i32>} : memref<8x128xf32, #tpu.memory_space<vmem>>, vector<1x128xf32>,
    %get3A_107 = arith.constant 3 : index
    %get3A_108 = arith.constant 0 : index
    %get3A_109 = arith.constant 0 : index
    %get3A_110 = vector.load %arg1[%get3A_107, %get3A_108, %get3A_109] : memref<8x64x128xf32, #tpu.memory_space<vmem>>, vector<1x64x128xf32>
    %get3A_111 = vector.shape_cast %get3A_110 : vector<1x64x128xf32> to vector<64x128xf32>
    %get3A_112 = arith.constant 3 : index
    %get3A_113 = arith.constant 0 : index
    %get3A_114 = arith.constant 0 : index
    %get3A_115 = vector.load %arg2[%get3A_112, %get3A_113, %get3A_114] : memref<8x64x1xf32, #tpu.memory_space<vmem>>, vector<1x64x1xf32>
    %get3A_116 = vector.shape_cast %get3A_115 : vector<1x64x1xf32> to vector<64x1xf32>
    %mul3A_117 = vector.broadcast %get3A_116 : vector<64x1xf32> to vector<64x128xf32>
    %mul3A_118 = arith.mulf %get3A_111, %mul3A_117 : vector<64x128xf32>
    %dot_general3A_119 = arith.constant dense<0.000000e+00> : vector<64x64xf32>
    %dot_general3A_120 = tpu.matmul %mul3A_118, %mul3A_118, %dot_general3A_119 {dimension_numbers = #tpu.dot_dimension_numbers<[1], [1], [0], [0], [0, 0, 1, 0], [], []>, transpose_lhs_hint = false} : vector<64x128xf32>, vector<64x128xf32>, vector<64x64xf32> -> vector<64x64xf32>
    %mul3A_121 = arith.constant 0.0883883461 : f32
    %mul3A_122 = vector.broadcast %mul3A_121 : f32 to vector<64x64xf32>
    %mul3A_123 = arith.mulf %dot_general3A_120, %mul3A_122 : vector<64x64xf32>
    %reduce_max3A_124 = arith.constant dense<0xFF800000> : vector<64xf32>
    %reduce_max3A_125 = vector.multi_reduction <maximumf>, %mul3A_123, %reduce_max3A_124 [1] : vector<64x64xf32> to vector<64xf32>
    %broadcast_in_dim3A_126 = vector.shape_cast %reduce_max3A_125 : vector<64xf32> to vector<64x1xf32>
    %sub3A_127 = vector.broadcast %broadcast_in_dim3A_126 : vector<64x1xf32> to vector<64x64xf32>
    %sub3A_128 = arith.subf %mul3A_123, %sub3A_127 : vector<64x64xf32>
    %exp3A_129 = math.exp %sub3A_128 : vector<64x64xf32>
    %reduce_sum3A_130 = arith.constant dense<0.000000e+00> : vector<64xf32>
    %reduce_sum3A_131 = vector.multi_reduction <add>, %exp3A_129, %reduce_sum3A_130 [1] : vector<64x64xf32> to vector<64xf32>
    %broadcast_in_dim3A_132 = vector.shape_cast %reduce_sum3A_131 : vector<64xf32> to vector<64x1xf32>
    %div3A_133 = vector.broadcast %broadcast_in_dim3A_132 : vector<64x1xf32> to vector<64x64xf32>
    %div3A_134 = arith.divf %exp3A_129, %div3A_133 : vector<64x64xf32>
    %reduce_sum3A_135 = arith.constant dense<0.000000e+00> : vector<64xf32>
    %reduce_sum3A_136 = vector.multi_reduction <add>, %div3A_134, %reduce_sum3A_135 [0] : vector<64x64xf32> to vector<64xf32>
    %broadcast_in_dim3A_137 = vector.shape_cast %reduce_sum3A_136 : vector<64xf32> to vector<1x64xf32>
    %dot_general3A_138 = arith.constant dense<0.000000e+00> : vector<1x128xf32>
    %dot_general3A_139 = tpu.matmul %broadcast_in_dim3A_137, %mul3A_118, %dot_general3A_138 {dimension_numbers = #tpu.dot_dimension_numbers<[1], [0], [0], [1], [0, 0, 1, 1], [], []>, transpose_lhs_hint = false} : vector<1x64xf32>, vector<64x128xf32>, vector<1x128xf32> -> vector<1x128xf32>
    %mul3A_140 = arith.constant 1.562500e-02 : f32
    %mul3A_141 = vector.broadcast %mul3A_140 : f32 to vector<1x128xf32>
    %mul3A_142 = arith.mulf %dot_general3A_139, %mul3A_141 : vector<1x128xf32>
    %swap3A_143 = arith.constant 3 : index
    %swap3A_144 = arith.constant 0 : index
    %swap3A_145 = vector.load %arg3[%swap3A_143, %swap3A_144] : memref<8x128xf32, #tpu.memory_space<vmem>>, vector<1x128xf32>
    tpu.vector_store %arg3[%swap3A_143, %swap3A_144], %mul3A_142 {strides = array<i32>} : memref<8x128xf32, #tpu.memory_space<vmem>>, vector<1x128xf32>,
    %get3A_146 = arith.constant 4 : index
    %get3A_147 = arith.constant 0 : index
    %get3A_148 = arith.constant 0 : index
    %get3A_149 = vector.load %arg1[%get3A_146, %get3A_147, %get3A_148] : memref<8x64x128xf32, #tpu.memory_space<vmem>>, vector<1x64x128xf32>
    %get3A_150 = vector.shape_cast %get3A_149 : vector<1x64x128xf32> to vector<64x128xf32>
    %get3A_151 = arith.constant 4 : index
    %get3A_152 = arith.constant 0 : index
    %get3A_153 = arith.constant 0 : index
    %get3A_154 = vector.load %arg2[%get3A_151, %get3A_152, %get3A_153] : memref<8x64x1xf32, #tpu.memory_space<vmem>>, vector<1x64x1xf32>
    %get3A_155 = vector.shape_cast %get3A_154 : vector<1x64x1xf32> to vector<64x1xf32>
    %mul3A_156 = vector.broadcast %get3A_155 : vector<64x1xf32> to vector<64x128xf32>
    %mul3A_157 = arith.mulf %get3A_150, %mul3A_156 : vector<64x128xf32>
    %dot_general3A_158 = arith.constant dense<0.000000e+00> : vector<64x64xf32>
    %dot_general3A_159 = tpu.matmul %mul3A_157, %mul3A_157, %dot_general3A_158 {dimension_numbers = #tpu.dot_dimension_numbers<[1], [1], [0], [0], [0, 0, 1, 0], [], []>, transpose_lhs_hint = false} : vector<64x128xf32>, vector<64x128xf32>, vector<64x64xf32> -> vector<64x64xf32>
    %mul3A_160 = arith.constant 0.0883883461 : f32
    %mul3A_161 = vector.broadcast %mul3A_160 : f32 to vector<64x64xf32>
    %mul3A_162 = arith.mulf %dot_general3A_159, %mul3A_161 : vector<64x64xf32>
    %reduce_max3A_163 = arith.constant dense<0xFF800000> : vector<64xf32>
    %reduce_max3A_164 = vector.multi_reduction <maximumf>, %mul3A_162, %reduce_max3A_163 [1] : vector<64x64xf32> to vector<64xf32>
    %broadcast_in_dim3A_165 = vector.shape_cast %reduce_max3A_164 : vector<64xf32> to vector<64x1xf32>
    %sub3A_166 = vector.broadcast %broadcast_in_dim3A_165 : vector<64x1xf32> to vector<64x64xf32>
    %sub3A_167 = arith.subf %mul3A_162, %sub3A_166 : vector<64x64xf32>
    %exp3A_168 = math.exp %sub3A_167 : vector<64x64xf32>
    %reduce_sum3A_169 = arith.constant dense<0.000000e+00> : vector<64xf32>
    %reduce_sum3A_170 = vector.multi_reduction <add>, %exp3A_168, %reduce_sum3A_169 [1] : vector<64x64xf32> to vector<64xf32>
    %broadcast_in_dim3A_171 = vector.shape_cast %reduce_sum3A_170 : vector<64xf32> to vector<64x1xf32>
    %div3A_172 = vector.broadcast %broadcast_in_dim3A_171 : vector<64x1xf32> to vector<64x64xf32>
    %div3A_173 = arith.divf %exp3A_168, %div3A_172 : vector<64x64xf32>
    %reduce_sum3A_174 = arith.constant dense<0.000000e+00> : vector<64xf32>
    %reduce_sum3A_175 = vector.multi_reduction <add>, %div3A_173, %reduce_sum3A_174 [0] : vector<64x64xf32> to vector<64xf32>
    %broadcast_in_dim3A_176 = vector.shape_cast %reduce_sum3A_175 : vector<64xf32> to vector<1x64xf32>
    %dot_general3A_177 = arith.constant dense<0.000000e+00> : vector<1x128xf32>
    %dot_general3A_178 = tpu.matmul %broadcast_in_dim3A_176, %mul3A_157, %dot_general3A_177 {dimension_numbers = #tpu.dot_dimension_numbers<[1], [0], [0], [1], [0, 0, 1, 1], [], []>, transpose_lhs_hint = false} : vector<1x64xf32>, vector<64x128xf32>, vector<1x128xf32> -> vector<1x128xf32>
    %mul3A_179 = arith.constant 1.562500e-02 : f32
    %mul3A_180 = vector.broadcast %mul3A_179 : f32 to vector<1x128xf32>
    %mul3A_181 = arith.mulf %dot_general3A_178, %mul3A_180 : vector<1x128xf32>
    %swap3A_182 = arith.constant 4 : index
    %swap3A_183 = arith.constant 0 : index
    %swap3A_184 = vector.load %arg3[%swap3A_182, %swap3A_183] : memref<8x128xf32, #tpu.memory_space<vmem>>, vector<1x128xf32>
    tpu.vector_store %arg3[%swap3A_182, %swap3A_183], %mul3A_181 {strides = array<i32>} : memref<8x128xf32, #tpu.memory_space<vmem>>, vector<1x128xf32>,
    %get3A_185 = arith.constant 5 : index
    %get3A_186 = arith.constant 0 : index
    %get3A_187 = arith.constant 0 : index
    %get3A_188 = vector.load %arg1[%get3A_185, %get3A_186, %get3A_187] : memref<8x64x128xf32, #tpu.memory_space<vmem>>, vector<1x64x128xf32>
    %get3A_189 = vector.shape_cast %get3A_188 : vector<1x64x128xf32> to vector<64x128xf32>
    %get3A_190 = arith.constant 5 : index
    %get3A_191 = arith.constant 0 : index
    %get3A_192 = arith.constant 0 : index
    %get3A_193 = vector.load %arg2[%get3A_190, %get3A_191, %get3A_192] : memref<8x64x1xf32, #tpu.memory_space<vmem>>, vector<1x64x1xf32>
    %get3A_194 = vector.shape_cast %get3A_193 : vector<1x64x1xf32> to vector<64x1xf32>
    %mul3A_195 = vector.broadcast %get3A_194 : vector<64x1xf32> to vector<64x128xf32>
    %mul3A_196 = arith.mulf %get3A_189, %mul3A_195 : vector<64x128xf32>
    %dot_general3A_197 = arith.constant dense<0.000000e+00> : vector<64x64xf32>
    %dot_general3A_198 = tpu.matmul %mul3A_196, %mul3A_196, %dot_general3A_197 {dimension_numbers = #tpu.dot_dimension_numbers<[1], [1], [0], [0], [0, 0, 1, 0], [], []>, transpose_lhs_hint = false} : vector<64x128xf32>, vector<64x128xf32>, vector<64x64xf32> -> vector<64x64xf32>
    %mul3A_199 = arith.constant 0.0883883461 : f32
    %mul3A_200 = vector.broadcast %mul3A_199 : f32 to vector<64x64xf32>
    %mul3A_201 = arith.mulf %dot_general3A_198, %mul3A_200 : vector<64x64xf32>
    %reduce_max3A_202 = arith.constant dense<0xFF800000> : vector<64xf32>
    %reduce_max3A_203 = vector.multi_reduction <maximumf>, %mul3A_201, %reduce_max3A_202 [1] : vector<64x64xf32> to vector<64xf32>
    %broadcast_in_dim3A_204 = vector.shape_cast %reduce_max3A_203 : vector<64xf32> to vector<64x1xf32>
    %sub3A_205 = vector.broadcast %broadcast_in_dim3A_204 : vector<64x1xf32> to vector<64x64xf32>
    %sub3A_206 = arith.subf %mul3A_201, %sub3A_205 : vector<64x64xf32>
    %exp3A_207 = math.exp %sub3A_206 : vector<64x64xf32>
    %reduce_sum3A_208 = arith.constant dense<0.000000e+00> : vector<64xf32>
    %reduce_sum3A_209 = vector.multi_reduction <add>, %exp3A_207, %reduce_sum3A_208 [1] : vector<64x64xf32> to vector<64xf32>
    %broadcast_in_dim3A_210 = vector.shape_cast %reduce_sum3A_209 : vector<64xf32> to vector<64x1xf32>
    %div3A_211 = vector.broadcast %broadcast_in_dim3A_210 : vector<64x1xf32> to vector<64x64xf32>
    %div3A_212 = arith.divf %exp3A_207, %div3A_211 : vector<64x64xf32>
    %reduce_sum3A_213 = arith.constant dense<0.000000e+00> : vector<64xf32>
    %reduce_sum3A_214 = vector.multi_reduction <add>, %div3A_212, %reduce_sum3A_213 [0] : vector<64x64xf32> to vector<64xf32>
    %broadcast_in_dim3A_215 = vector.shape_cast %reduce_sum3A_214 : vector<64xf32> to vector<1x64xf32>
    %dot_general3A_216 = arith.constant dense<0.000000e+00> : vector<1x128xf32>
    %dot_general3A_217 = tpu.matmul %broadcast_in_dim3A_215, %mul3A_196, %dot_general3A_216 {dimension_numbers = #tpu.dot_dimension_numbers<[1], [0], [0], [1], [0, 0, 1, 1], [], []>, transpose_lhs_hint = false} : vector<1x64xf32>, vector<64x128xf32>, vector<1x128xf32> -> vector<1x128xf32>
    %mul3A_218 = arith.constant 1.562500e-02 : f32
    %mul3A_219 = vector.broadcast %mul3A_218 : f32 to vector<1x128xf32>
    %mul3A_220 = arith.mulf %dot_general3A_217, %mul3A_219 : vector<1x128xf32>
    %swap3A_221 = arith.constant 5 : index
    %swap3A_222 = arith.constant 0 : index
    %swap3A_223 = vector.load %arg3[%swap3A_221, %swap3A_222] : memref<8x128xf32, #tpu.memory_space<vmem>>, vector<1x128xf32>
    tpu.vector_store %arg3[%swap3A_221, %swap3A_222], %mul3A_220 {strides = array<i32>} : memref<8x128xf32, #tpu.memory_space<vmem>>, vector<1x128xf32>,
    %get3A_224 = arith.constant 6 : index
    %get3A_225 = arith.constant 0 : index
    %get3A_226 = arith.constant 0 : index
    %get3A_227 = vector.load %arg1[%get3A_224, %get3A_225, %get3A_226] : memref<8x64x128xf32, #tpu.memory_space<vmem>>, vector<1x64x128xf32>
    %get3A_228 = vector.shape_cast %get3A_227 : vector<1x64x128xf32> to vector<64x128xf32>
    %get3A_229 = arith.constant 6 : index
    %get3A_230 = arith.constant 0 : index
    %get3A_231 = arith.constant 0 : index
    %get3A_232 = vector.load %arg2[%get3A_229, %get3A_230, %get3A_231] : memref<8x64x1xf32, #tpu.memory_space<vmem>>, vector<1x64x1xf32>
    %get3A_233 = vector.shape_cast %get3A_232 : vector<1x64x1xf32> to vector<64x1xf32>
    %mul3A_234 = vector.broadcast %get3A_233 : vector<64x1xf32> to vector<64x128xf32>
    %mul3A_235 = arith.mulf %get3A_228, %mul3A_234 : vector<64x128xf32>
    %dot_general3A_236 = arith.constant dense<0.000000e+00> : vector<64x64xf32>
    %dot_general3A_237 = tpu.matmul %mul3A_235, %mul3A_235, %dot_general3A_236 {dimension_numbers = #tpu.dot_dimension_numbers<[1], [1], [0], [0], [0, 0, 1, 0], [], []>, transpose_lhs_hint = false} : vector<64x128xf32>, vector<64x128xf32>, vector<64x64xf32> -> vector<64x64xf32>
    %mul3A_238 = arith.constant 0.0883883461 : f32
    %mul3A_239 = vector.broadcast %mul3A_238 : f32 to vector<64x64xf32>
    %mul3A_240 = arith.mulf %dot_general3A_237, %mul3A_239 : vector<64x64xf32>
    %reduce_max3A_241 = arith.constant dense<0xFF800000> : vector<64xf32>
    %reduce_max3A_242 = vector.multi_reduction <maximumf>, %mul3A_240, %reduce_max3A_241 [1] : vector<64x64xf32> to vector<64xf32>
    %broadcast_in_dim3A_243 = vector.shape_cast %reduce_max3A_242 : vector<64xf32> to vector<64x1xf32>
    %sub3A_244 = vector.broadcast %broadcast_in_dim3A_243 : vector<64x1xf32> to vector<64x64xf32>
    %sub3A_245 = arith.subf %mul3A_240, %sub3A_244 : vector<64x64xf32>
    %exp3A_246 = math.exp %sub3A_245 : vector<64x64xf32>
    %reduce_sum3A_247 = arith.constant dense<0.000000e+00> : vector<64xf32>
    %reduce_sum3A_248 = vector.multi_reduction <add>, %exp3A_246, %reduce_sum3A_247 [1] : vector<64x64xf32> to vector<64xf32>
    %broadcast_in_dim3A_249 = vector.shape_cast %reduce_sum3A_248 : vector<64xf32> to vector<64x1xf32>
    %div3A_250 = vector.broadcast %broadcast_in_dim3A_249 : vector<64x1xf32> to vector<64x64xf32>
    %div3A_251 = arith.divf %exp3A_246, %div3A_250 : vector<64x64xf32>
    %reduce_sum3A_252 = arith.constant dense<0.000000e+00> : vector<64xf32>
    %reduce_sum3A_253 = vector.multi_reduction <add>, %div3A_251, %reduce_sum3A_252 [0] : vector<64x64xf32> to vector<64xf32>
    %broadcast_in_dim3A_254 = vector.shape_cast %reduce_sum3A_253 : vector<64xf32> to vector<1x64xf32>
    %dot_general3A_255 = arith.constant dense<0.000000e+00> : vector<1x128xf32>
    %dot_general3A_256 = tpu.matmul %broadcast_in_dim3A_254, %mul3A_235, %dot_general3A_255 {dimension_numbers = #tpu.dot_dimension_numbers<[1], [0], [0], [1], [0, 0, 1, 1], [], []>, transpose_lhs_hint = false} : vector<1x64xf32>, vector<64x128xf32>, vector<1x128xf32> -> vector<1x128xf32>
    %mul3A_257 = arith.constant 1.562500e-02 : f32
    %mul3A_258 = vector.broadcast %mul3A_257 : f32 to vector<1x128xf32>
    %mul3A_259 = arith.mulf %dot_general3A_256, %mul3A_258 : vector<1x128xf32>
    %swap3A_260 = arith.constant 6 : index
    %swap3A_261 = arith.constant 0 : index
    %swap3A_262 = vector.load %arg3[%swap3A_260, %swap3A_261] : memref<8x128xf32, #tpu.memory_space<vmem>>, vector<1x128xf32>
    tpu.vector_store %arg3[%swap3A_260, %swap3A_261], %mul3A_259 {strides = array<i32>} : memref<8x128xf32, #tpu.memory_space<vmem>>, vector<1x128xf32>,
    %get3A_263 = arith.constant 7 : index
    %get3A_264 = arith.constant 0 : index
    %get3A_265 = arith.constant 0 : index
    %get3A_266 = vector.load %arg1[%get3A_263, %get3A_264, %get3A_265] : memref<8x64x128xf32, #tpu.memory_space<vmem>>, vector<1x64x128xf32>
    %get3A_267 = vector.shape_cast %get3A_266 : vector<1x64x128xf32> to vector<64x128xf32>
    %get3A_268 = arith.constant 7 : index
    %get3A_269 = arith.constant 0 : index
    %get3A_270 = arith.constant 0 : index
    %get3A_271 = vector.load %arg2[%get3A_268, %get3A_269, %get3A_270] : memref<8x64x1xf32, #tpu.memory_space<vmem>>, vector<1x64x1xf32>
    %get3A_272 = vector.shape_cast %get3A_271 : vector<1x64x1xf32> to vector<64x1xf32>
    %mul3A_273 = vector.broadcast %get3A_272 : vector<64x1xf32> to vector<64x128xf32>
    %mul3A_274 = arith.mulf %get3A_267, %mul3A_273 : vector<64x128xf32>
    %dot_general3A_275 = arith.constant dense<0.000000e+00> : vector<64x64xf32>
    %dot_general3A_276 = tpu.matmul %mul3A_274, %mul3A_274, %dot_general3A_275 {dimension_numbers = #tpu.dot_dimension_numbers<[1], [1], [0], [0], [0, 0, 1, 0], [], []>, transpose_lhs_hint = false} : vector<64x128xf32>, vector<64x128xf32>, vector<64x64xf32> -> vector<64x64xf32>
    %mul3A_277 = arith.constant 0.0883883461 : f32
    %mul3A_278 = vector.broadcast %mul3A_277 : f32 to vector<64x64xf32>
    %mul3A_279 = arith.mulf %dot_general3A_276, %mul3A_278 : vector<64x64xf32>
    %reduce_max3A_280 = arith.constant dense<0xFF800000> : vector<64xf32>
    %reduce_max3A_281 = vector.multi_reduction <maximumf>, %mul3A_279, %reduce_max3A_280 [1] : vector<64x64xf32> to vector<64xf32>
    %broadcast_in_dim3A_282 = vector.shape_cast %reduce_max3A_281 : vector<64xf32> to vector<64x1xf32>
    %sub3A_283 = vector.broadcast %broadcast_in_dim3A_282 : vector<64x1xf32> to vector<64x64xf32>
    %sub3A_284 = arith.subf %mul3A_279, %sub3A_283 : vector<64x64xf32>
    %exp3A_285 = math.exp %sub3A_284 : vector<64x64xf32>
    %reduce_sum3A_286 = arith.constant dense<0.000000e+00> : vector<64xf32>
    %reduce_sum3A_287 = vector.multi_reduction <add>, %exp3A_285, %reduce_sum3A_286 [1] : vector<64x64xf32> to vector<64xf32>
    %broadcast_in_dim3A_288 = vector.shape_cast %reduce_sum3A_287 : vector<64xf32> to vector<64x1xf32>
    %div3A_289 = vector.broadcast %broadcast_in_dim3A_288 : vector<64x1xf32> to vector<64x64xf32>
    %div3A_290 = arith.divf %exp3A_285, %div3A_289 : vector<64x64xf32>
    %reduce_sum3A_291 = arith.constant dense<0.000000e+00> : vector<64xf32>
    %reduce_sum3A_292 = vector.multi_reduction <add>, %div3A_290, %reduce_sum3A_291 [0] : vector<64x64xf32> to vector<64xf32>
    %broadcast_in_dim3A_293 = vector.shape_cast %reduce_sum3A_292 : vector<64xf32> to vector<1x64xf32>
    %dot_general3A_294 = arith.constant dense<0.000000e+00> : vector<1x128xf32>
    %dot_general3A_295 = tpu.matmul %broadcast_in_dim3A_293, %mul3A_274, %dot_general3A_294 {dimension_numbers = #tpu.dot_dimension_numbers<[1], [0], [0], [1], [0, 0, 1, 1], [], []>, transpose_lhs_hint = false} : vector<1x64xf32>, vector<64x128xf32>, vector<1x128xf32> -> vector<1x128xf32>
    %mul3A_296 = arith.constant 1.562500e-02 : f32
    %mul3A_297 = vector.broadcast %mul3A_296 : f32 to vector<1x128xf32>
    %mul3A_298 = arith.mulf %dot_general3A_295, %mul3A_297 : vector<1x128xf32>
    %swap3A_299 = arith.constant 7 : index
    %swap3A_300 = arith.constant 0 : index
    %swap3A_301 = vector.load %arg3[%swap3A_299, %swap3A_300] : memref<8x128xf32, #tpu.memory_space<vmem>>, vector<1x128xf32>
    tpu.vector_store %arg3[%swap3A_299, %swap3A_300], %mul3A_298 {strides = array<i32>} : memref<8x128xf32, #tpu.memory_space<vmem>>, vector<1x128xf32>,
    return
  }
  func.func @transform_0(%arg0: i32) -> (i32, i32, i32) {
    %c0_i32 = arith.constant 0 : i32
    %c0_i32_0 = arith.constant 0 : i32
    %c0_i32_1 = arith.constant 0 : i32
    return %arg0, %c0_i32, %c0_i32_0 : i32, i32, i32
  }
  func.func @transform_1(%arg0: i32) -> (i32, i32, i32) {
    %c0_i32 = arith.constant 0 : i32
    %c0_i32_0 = arith.constant 0 : i32
    %c0_i32_1 = arith.constant 0 : i32
    return %arg0, %c0_i32, %c0_i32_0 : i32, i32, i32
  }
  func.func @transform_2(%arg0: i32) -> (i32, i32) {
    %c0_i32 = arith.constant 0 : i32
    %c0_i32_0 = arith.constant 0 : i32
    return %arg0, %c0_i32 : i32, i32
  }
}

module attributes {stable_mosaic.version = 14 : i64} {
  func.func @_gru_body(%arg0: i32, %arg1: memref<512x128xf32, #tpu.memory_space<vmem>>, %arg2: memref<512x512xf32, #tpu.memory_space<vmem>>, %arg3: memref<512x4xf32, #tpu.memory_space<vmem>>, %arg4: memref<512x128xf32, #tpu.memory_space<vmem>>, %arg5: memref<8x128xf32, #tpu.memory_space<vmem>>, %arg6: memref<128x384xf32, #tpu.memory_space<vmem>>, %arg7: memref<128x256xf32, #tpu.memory_space<vmem>>, %arg8: memref<128x128xf32, #tpu.memory_space<vmem>>, %arg9: memref<128x384xf32, #tpu.memory_space<vmem>>, %arg10: memref<1x384xf32, #tpu.memory_space<vmem>>, %arg11: memref<512x128xf32, #tpu.memory_space<vmem>>) attributes {dimension_semantics = [#tpu.dimension_semantics<arbitrary>], iteration_bounds = array<i64: 64>, scalar_prefetch = 0 : i64, scratch_operands = 0 : i64, tpu.core_type = #tpu.core_type<tc>, window_params = [{transform_indices = @transform_0, window_bounds = array<i64: 512, 128>}, {transform_indices = @transform_1, window_bounds = array<i64: 512, 512>}, {transform_indices = @transform_2, window_bounds = array<i64: 512, 4>}, {transform_indices = @transform_3, window_bounds = array<i64: 512, 128>}, {transform_indices = @transform_4, window_bounds = array<i64: 8, 128>}, {pipeline_mode = #tpu.pipeline_mode<synchronous>, transform_indices = @transform_5, window_bounds = array<i64: 128, 384>}, {pipeline_mode = #tpu.pipeline_mode<synchronous>, transform_indices = @transform_6, window_bounds = array<i64: 128, 256>}, {pipeline_mode = #tpu.pipeline_mode<synchronous>, transform_indices = @transform_7, window_bounds = array<i64: 128, 128>}, {pipeline_mode = #tpu.pipeline_mode<synchronous>, transform_indices = @transform_8, window_bounds = array<i64: 128, 384>}, {pipeline_mode = #tpu.pipeline_mode<synchronous>, transform_indices = @transform_9, window_bounds = array<i64: 1, 384>}, {transform_indices = @transform_10, window_bounds = array<i64: 512, 128>}]} {
    %get3A = arith.constant 0 : index
    %get3A_0 = arith.constant 0 : index
    %get3A_1 = vector.load %arg4[%get3A, %get3A_0] : memref<512x128xf32, #tpu.memory_space<vmem>>, vector<512x128xf32>
    %get3A_2 = arith.constant 0 : index
    %get3A_3 = arith.constant 0 : index
    %get3A_4 = vector.load %arg1[%get3A_2, %get3A_3] : memref<512x128xf32, #tpu.memory_space<vmem>>, vector<512x128xf32>
    %get3A_5 = arith.constant 0 : index
    %get3A_6 = arith.constant 0 : index
    %get3A_7 = vector.load %arg2[%get3A_5, %get3A_6] : memref<512x512xf32, #tpu.memory_space<vmem>>, vector<512x512xf32>
    %get3A_8 = arith.constant 0 : index
    %get3A_9 = arith.constant 0 : index
    %get3A_10 = vector.load %arg3[%get3A_8, %get3A_9] : memref<512x4xf32, #tpu.memory_space<vmem>>, vector<512x4xf32>
    %slice3A = vector.extract_strided_slice %get3A_7 {offsets = [0, 0], sizes = [512, 128], strides = [1, 1]} : vector<512x512xf32> to vector<512x128xf32>
    %slice3A_11 = vector.extract_strided_slice %get3A_10 {offsets = [0, 0], sizes = [512, 1], strides = [1, 1]} : vector<512x4xf32> to vector<512x1xf32>
    %mul3A = vector.broadcast %slice3A_11 : vector<512x1xf32> to vector<512x128xf32>
    %mul3A_12 = arith.mulf %slice3A, %mul3A : vector<512x128xf32>
    %add3A = arith.addf %get3A_4, %mul3A_12 : vector<512x128xf32>
    %slice3A_13 = vector.extract_strided_slice %get3A_7 {offsets = [0, 128], sizes = [512, 128], strides = [1, 1]} : vector<512x512xf32> to vector<512x128xf32>
    %slice3A_14 = vector.extract_strided_slice %get3A_10 {offsets = [0, 1], sizes = [512, 1], strides = [1, 1]} : vector<512x4xf32> to vector<512x1xf32>
    %mul3A_15 = vector.broadcast %slice3A_14 : vector<512x1xf32> to vector<512x128xf32>
    %mul3A_16 = arith.mulf %slice3A_13, %mul3A_15 : vector<512x128xf32>
    %add3A_17 = arith.addf %add3A, %mul3A_16 : vector<512x128xf32>
    %slice3A_18 = vector.extract_strided_slice %get3A_7 {offsets = [0, 256], sizes = [512, 128], strides = [1, 1]} : vector<512x512xf32> to vector<512x128xf32>
    %slice3A_19 = vector.extract_strided_slice %get3A_10 {offsets = [0, 2], sizes = [512, 1], strides = [1, 1]} : vector<512x4xf32> to vector<512x1xf32>
    %mul3A_20 = vector.broadcast %slice3A_19 : vector<512x1xf32> to vector<512x128xf32>
    %mul3A_21 = arith.mulf %slice3A_18, %mul3A_20 : vector<512x128xf32>
    %add3A_22 = arith.addf %add3A_17, %mul3A_21 : vector<512x128xf32>
    %slice3A_23 = vector.extract_strided_slice %get3A_7 {offsets = [0, 384], sizes = [512, 128], strides = [1, 1]} : vector<512x512xf32> to vector<512x128xf32>
    %slice3A_24 = vector.extract_strided_slice %get3A_10 {offsets = [0, 3], sizes = [512, 1], strides = [1, 1]} : vector<512x4xf32> to vector<512x1xf32>
    %mul3A_25 = vector.broadcast %slice3A_24 : vector<512x1xf32> to vector<512x128xf32>
    %mul3A_26 = arith.mulf %slice3A_23, %mul3A_25 : vector<512x128xf32>
    %add3A_27 = arith.addf %add3A_22, %mul3A_26 : vector<512x128xf32>
    %get3A_28 = arith.constant 0 : index
    %get3A_29 = arith.constant 0 : index
    %get3A_30 = vector.load %arg6[%get3A_28, %get3A_29] : memref<128x384xf32, #tpu.memory_space<vmem>>, vector<128x384xf32>
    %dot_general3A = arith.constant dense<0.000000e+00> : vector<512x384xf32>
    %dot_general3A_31 = tpu.matmul %add3A_27, %get3A_30, %dot_general3A {dimension_numbers = #tpu.dot_dimension_numbers<[1], [0], [0], [1], [0, 0, 1, 1], [], []>, transpose_lhs_hint = false} : vector<512x128xf32>, vector<128x384xf32>, vector<512x384xf32> -> vector<512x384xf32>
    %get3A_32 = arith.constant 0 : index
    %get3A_33 = arith.constant 0 : index
    %get3A_34 = vector.load %arg7[%get3A_32, %get3A_33] : memref<128x256xf32, #tpu.memory_space<vmem>>, vector<128x256xf32>
    %dot_general3A_35 = arith.constant dense<0.000000e+00> : vector<512x256xf32>
    %dot_general3A_36 = tpu.matmul %get3A_1, %get3A_34, %dot_general3A_35 {dimension_numbers = #tpu.dot_dimension_numbers<[1], [0], [0], [1], [0, 0, 1, 1], [], []>, transpose_lhs_hint = false} : vector<512x128xf32>, vector<128x256xf32>, vector<512x256xf32> -> vector<512x256xf32>
    %get3A_37 = arith.constant 0 : index
    %get3A_38 = arith.constant 0 : index
    %get3A_39 = vector.load %arg5[%get3A_37, %get3A_38] : memref<8x128xf32, #tpu.memory_space<vmem>>, vector<8x128xf32>
    %get3A_40 = arith.constant 0 : index
    %get3A_41 = arith.constant 0 : index
    %get3A_42 = vector.load %arg9[%get3A_40, %get3A_41] : memref<128x384xf32, #tpu.memory_space<vmem>>, vector<128x384xf32>
    %dot_general3A_43 = arith.constant dense<0.000000e+00> : vector<8x384xf32>
    %dot_general3A_44 = tpu.matmul %get3A_39, %get3A_42, %dot_general3A_43 {dimension_numbers = #tpu.dot_dimension_numbers<[1], [0], [0], [1], [0, 0, 1, 1], [], []>, transpose_lhs_hint = false} : vector<8x128xf32>, vector<128x384xf32>, vector<8x384xf32> -> vector<8x384xf32>
    %get3A_45 = arith.constant 0 : index
    %get3A_46 = arith.constant 0 : index
    %get3A_47 = vector.load %arg10[%get3A_45, %get3A_46] : memref<1x384xf32, #tpu.memory_space<vmem>>, vector<1x384xf32>
    %slice3A_48 = vector.extract_strided_slice %dot_general3A_44 {offsets = [0, 0], sizes = [1, 384], strides = [1, 1]} : vector<8x384xf32> to vector<1x384xf32>
    %slice3A_49 = vector.extract_strided_slice %dot_general3A_31 {offsets = [0, 0], sizes = [64, 128], strides = [1, 1]} : vector<512x384xf32> to vector<64x128xf32>
    %slice3A_50 = vector.extract_strided_slice %dot_general3A_36 {offsets = [0, 0], sizes = [64, 128], strides = [1, 1]} : vector<512x256xf32> to vector<64x128xf32>
    %add3A_51 = arith.addf %slice3A_49, %slice3A_50 : vector<64x128xf32>
    %slice3A_52 = vector.extract_strided_slice %slice3A_48 {offsets = [0, 0], sizes = [1, 128], strides = [1, 1]} : vector<1x384xf32> to vector<1x128xf32>
    %add3A_53 = vector.broadcast %slice3A_52 : vector<1x128xf32> to vector<64x128xf32>
    %add3A_54 = arith.addf %add3A_51, %add3A_53 : vector<64x128xf32>
    %slice3A_55 = vector.extract_strided_slice %get3A_47 {offsets = [0, 0], sizes = [1, 128], strides = [1, 1]} : vector<1x384xf32> to vector<1x128xf32>
    %add3A_56 = vector.broadcast %slice3A_55 : vector<1x128xf32> to vector<64x128xf32>
    %add3A_57 = arith.addf %add3A_54, %add3A_56 : vector<64x128xf32>
    %logistic3A = arith.negf %add3A_57 : vector<64x128xf32>
    %logistic3A_58 = math.exp %logistic3A : vector<64x128xf32>
    %logistic3A_59 = arith.constant 1.000000e+00 : f32
    %logistic3A_60 = vector.broadcast %logistic3A_59 : f32 to vector<64x128xf32>
    %logistic3A_61 = arith.addf %logistic3A_60, %logistic3A_58 : vector<64x128xf32>
    %logistic3A_62 = arith.divf %logistic3A_60, %logistic3A_61 : vector<64x128xf32>
    %slice3A_63 = vector.extract_strided_slice %dot_general3A_31 {offsets = [0, 128], sizes = [64, 128], strides = [1, 1]} : vector<512x384xf32> to vector<64x128xf32>
    %slice3A_64 = vector.extract_strided_slice %dot_general3A_36 {offsets = [0, 128], sizes = [64, 128], strides = [1, 1]} : vector<512x256xf32> to vector<64x128xf32>
    %add3A_65 = arith.addf %slice3A_63, %slice3A_64 : vector<64x128xf32>
    %slice3A_66 = vector.extract_strided_slice %slice3A_48 {offsets = [0, 128], sizes = [1, 128], strides = [1, 1]} : vector<1x384xf32> to vector<1x128xf32>
    %add3A_67 = vector.broadcast %slice3A_66 : vector<1x128xf32> to vector<64x128xf32>
    %add3A_68 = arith.addf %add3A_65, %add3A_67 : vector<64x128xf32>
    %slice3A_69 = vector.extract_strided_slice %get3A_47 {offsets = [0, 128], sizes = [1, 128], strides = [1, 1]} : vector<1x384xf32> to vector<1x128xf32>
    %add3A_70 = vector.broadcast %slice3A_69 : vector<1x128xf32> to vector<64x128xf32>
    %add3A_71 = arith.addf %add3A_68, %add3A_70 : vector<64x128xf32>
    %logistic3A_72 = arith.negf %add3A_71 : vector<64x128xf32>
    %logistic3A_73 = math.exp %logistic3A_72 : vector<64x128xf32>
    %logistic3A_74 = arith.constant 1.000000e+00 : f32
    %logistic3A_75 = vector.broadcast %logistic3A_74 : f32 to vector<64x128xf32>
    %logistic3A_76 = arith.addf %logistic3A_75, %logistic3A_73 : vector<64x128xf32>
    %logistic3A_77 = arith.divf %logistic3A_75, %logistic3A_76 : vector<64x128xf32>
    %slice3A_78 = vector.extract_strided_slice %dot_general3A_31 {offsets = [0, 256], sizes = [64, 128], strides = [1, 1]} : vector<512x384xf32> to vector<64x128xf32>
    %slice3A_79 = vector.extract_strided_slice %get3A_1 {offsets = [0, 0], sizes = [64, 128], strides = [1, 1]} : vector<512x128xf32> to vector<64x128xf32>
    %mul3A_80 = arith.mulf %slice3A_79, %logistic3A_77 : vector<64x128xf32>
    %get3A_81 = arith.constant 0 : index
    %get3A_82 = arith.constant 0 : index
    %get3A_83 = vector.load %arg8[%get3A_81, %get3A_82] : memref<128x128xf32, #tpu.memory_space<vmem>>, vector<128x128xf32>
    %dot_general3A_84 = arith.constant dense<0.000000e+00> : vector<64x128xf32>
    %dot_general3A_85 = tpu.matmul %mul3A_80, %get3A_83, %dot_general3A_84 {dimension_numbers = #tpu.dot_dimension_numbers<[1], [0], [0], [1], [0, 0, 1, 1], [], []>, transpose_lhs_hint = false} : vector<64x128xf32>, vector<128x128xf32>, vector<64x128xf32> -> vector<64x128xf32>
    %add3A_86 = arith.addf %slice3A_78, %dot_general3A_85 : vector<64x128xf32>
    %slice3A_87 = vector.extract_strided_slice %slice3A_48 {offsets = [0, 256], sizes = [1, 128], strides = [1, 1]} : vector<1x384xf32> to vector<1x128xf32>
    %add3A_88 = vector.broadcast %slice3A_87 : vector<1x128xf32> to vector<64x128xf32>
    %add3A_89 = arith.addf %add3A_86, %add3A_88 : vector<64x128xf32>
    %slice3A_90 = vector.extract_strided_slice %get3A_47 {offsets = [0, 256], sizes = [1, 128], strides = [1, 1]} : vector<1x384xf32> to vector<1x128xf32>
    %add3A_91 = vector.broadcast %slice3A_90 : vector<1x128xf32> to vector<64x128xf32>
    %add3A_92 = arith.addf %add3A_89, %add3A_91 : vector<64x128xf32>
    %max3A = arith.constant 0.000000e+00 : f32
    %max3A_93 = vector.broadcast %max3A : f32 to vector<64x128xf32>
    %max3A_94 = arith.maximumf %add3A_92, %max3A_93 : vector<64x128xf32>
    %mul3A_95 = arith.mulf %max3A_94, %logistic3A_62 : vector<64x128xf32>
    %slice3A_96 = vector.extract_strided_slice %get3A_1 {offsets = [0, 0], sizes = [64, 128], strides = [1, 1]} : vector<512x128xf32> to vector<64x128xf32>
    %sub3A = arith.constant 1.000000e+00 : f32
    %sub3A_97 = vector.broadcast %sub3A : f32 to vector<64x128xf32>
    %sub3A_98 = arith.subf %sub3A_97, %logistic3A_62 : vector<64x128xf32>
    %mul3A_99 = arith.mulf %slice3A_96, %sub3A_98 : vector<64x128xf32>
    %add3A_100 = arith.addf %mul3A_95, %mul3A_99 : vector<64x128xf32>
    %swap3A = arith.constant 0 : index
    %swap3A_101 = arith.constant 0 : index
    %swap3A_102 = vector.load %arg11[%swap3A, %swap3A_101] : memref<512x128xf32, #tpu.memory_space<vmem>>, vector<64x128xf32>
    tpu.vector_store %arg11[%swap3A, %swap3A_101], %add3A_100 {strides = array<i32>} : memref<512x128xf32, #tpu.memory_space<vmem>>, vector<64x128xf32>,
    %slice3A_103 = vector.extract_strided_slice %dot_general3A_44 {offsets = [1, 0], sizes = [1, 384], strides = [1, 1]} : vector<8x384xf32> to vector<1x384xf32>
    %slice3A_104 = vector.extract_strided_slice %dot_general3A_31 {offsets = [64, 0], sizes = [64, 128], strides = [1, 1]} : vector<512x384xf32> to vector<64x128xf32>
    %slice3A_105 = vector.extract_strided_slice %dot_general3A_36 {offsets = [64, 0], sizes = [64, 128], strides = [1, 1]} : vector<512x256xf32> to vector<64x128xf32>
    %add3A_106 = arith.addf %slice3A_104, %slice3A_105 : vector<64x128xf32>
    %slice3A_107 = vector.extract_strided_slice %slice3A_103 {offsets = [0, 0], sizes = [1, 128], strides = [1, 1]} : vector<1x384xf32> to vector<1x128xf32>
    %add3A_108 = vector.broadcast %slice3A_107 : vector<1x128xf32> to vector<64x128xf32>
    %add3A_109 = arith.addf %add3A_106, %add3A_108 : vector<64x128xf32>
    %slice3A_110 = vector.extract_strided_slice %get3A_47 {offsets = [0, 0], sizes = [1, 128], strides = [1, 1]} : vector<1x384xf32> to vector<1x128xf32>
    %add3A_111 = vector.broadcast %slice3A_110 : vector<1x128xf32> to vector<64x128xf32>
    %add3A_112 = arith.addf %add3A_109, %add3A_111 : vector<64x128xf32>
    %logistic3A_113 = arith.negf %add3A_112 : vector<64x128xf32>
    %logistic3A_114 = math.exp %logistic3A_113 : vector<64x128xf32>
    %logistic3A_115 = arith.constant 1.000000e+00 : f32
    %logistic3A_116 = vector.broadcast %logistic3A_115 : f32 to vector<64x128xf32>
    %logistic3A_117 = arith.addf %logistic3A_116, %logistic3A_114 : vector<64x128xf32>
    %logistic3A_118 = arith.divf %logistic3A_116, %logistic3A_117 : vector<64x128xf32>
    %slice3A_119 = vector.extract_strided_slice %dot_general3A_31 {offsets = [64, 128], sizes = [64, 128], strides = [1, 1]} : vector<512x384xf32> to vector<64x128xf32>
    %slice3A_120 = vector.extract_strided_slice %dot_general3A_36 {offsets = [64, 128], sizes = [64, 128], strides = [1, 1]} : vector<512x256xf32> to vector<64x128xf32>
    %add3A_121 = arith.addf %slice3A_119, %slice3A_120 : vector<64x128xf32>
    %slice3A_122 = vector.extract_strided_slice %slice3A_103 {offsets = [0, 128], sizes = [1, 128], strides = [1, 1]} : vector<1x384xf32> to vector<1x128xf32>
    %add3A_123 = vector.broadcast %slice3A_122 : vector<1x128xf32> to vector<64x128xf32>
    %add3A_124 = arith.addf %add3A_121, %add3A_123 : vector<64x128xf32>
    %slice3A_125 = vector.extract_strided_slice %get3A_47 {offsets = [0, 128], sizes = [1, 128], strides = [1, 1]} : vector<1x384xf32> to vector<1x128xf32>
    %add3A_126 = vector.broadcast %slice3A_125 : vector<1x128xf32> to vector<64x128xf32>
    %add3A_127 = arith.addf %add3A_124, %add3A_126 : vector<64x128xf32>
    %logistic3A_128 = arith.negf %add3A_127 : vector<64x128xf32>
    %logistic3A_129 = math.exp %logistic3A_128 : vector<64x128xf32>
    %logistic3A_130 = arith.constant 1.000000e+00 : f32
    %logistic3A_131 = vector.broadcast %logistic3A_130 : f32 to vector<64x128xf32>
    %logistic3A_132 = arith.addf %logistic3A_131, %logistic3A_129 : vector<64x128xf32>
    %logistic3A_133 = arith.divf %logistic3A_131, %logistic3A_132 : vector<64x128xf32>
    %slice3A_134 = vector.extract_strided_slice %dot_general3A_31 {offsets = [64, 256], sizes = [64, 128], strides = [1, 1]} : vector<512x384xf32> to vector<64x128xf32>
    %slice3A_135 = vector.extract_strided_slice %get3A_1 {offsets = [64, 0], sizes = [64, 128], strides = [1, 1]} : vector<512x128xf32> to vector<64x128xf32>
    %mul3A_136 = arith.mulf %slice3A_135, %logistic3A_133 : vector<64x128xf32>
    %get3A_137 = arith.constant 0 : index
    %get3A_138 = arith.constant 0 : index
    %get3A_139 = vector.load %arg8[%get3A_137, %get3A_138] : memref<128x128xf32, #tpu.memory_space<vmem>>, vector<128x128xf32>
    %dot_general3A_140 = arith.constant dense<0.000000e+00> : vector<64x128xf32>
    %dot_general3A_141 = tpu.matmul %mul3A_136, %get3A_139, %dot_general3A_140 {dimension_numbers = #tpu.dot_dimension_numbers<[1], [0], [0], [1], [0, 0, 1, 1], [], []>, transpose_lhs_hint = false} : vector<64x128xf32>, vector<128x128xf32>, vector<64x128xf32> -> vector<64x128xf32>
    %add3A_142 = arith.addf %slice3A_134, %dot_general3A_141 : vector<64x128xf32>
    %slice3A_143 = vector.extract_strided_slice %slice3A_103 {offsets = [0, 256], sizes = [1, 128], strides = [1, 1]} : vector<1x384xf32> to vector<1x128xf32>
    %add3A_144 = vector.broadcast %slice3A_143 : vector<1x128xf32> to vector<64x128xf32>
    %add3A_145 = arith.addf %add3A_142, %add3A_144 : vector<64x128xf32>
    %slice3A_146 = vector.extract_strided_slice %get3A_47 {offsets = [0, 256], sizes = [1, 128], strides = [1, 1]} : vector<1x384xf32> to vector<1x128xf32>
    %add3A_147 = vector.broadcast %slice3A_146 : vector<1x128xf32> to vector<64x128xf32>
    %add3A_148 = arith.addf %add3A_145, %add3A_147 : vector<64x128xf32>
    %max3A_149 = arith.constant 0.000000e+00 : f32
    %max3A_150 = vector.broadcast %max3A_149 : f32 to vector<64x128xf32>
    %max3A_151 = arith.maximumf %add3A_148, %max3A_150 : vector<64x128xf32>
    %mul3A_152 = arith.mulf %max3A_151, %logistic3A_118 : vector<64x128xf32>
    %slice3A_153 = vector.extract_strided_slice %get3A_1 {offsets = [64, 0], sizes = [64, 128], strides = [1, 1]} : vector<512x128xf32> to vector<64x128xf32>
    %sub3A_154 = arith.constant 1.000000e+00 : f32
    %sub3A_155 = vector.broadcast %sub3A_154 : f32 to vector<64x128xf32>
    %sub3A_156 = arith.subf %sub3A_155, %logistic3A_118 : vector<64x128xf32>
    %mul3A_157 = arith.mulf %slice3A_153, %sub3A_156 : vector<64x128xf32>
    %add3A_158 = arith.addf %mul3A_152, %mul3A_157 : vector<64x128xf32>
    %swap3A_159 = arith.constant 64 : index
    %swap3A_160 = arith.constant 0 : index
    %swap3A_161 = vector.load %arg11[%swap3A_159, %swap3A_160] : memref<512x128xf32, #tpu.memory_space<vmem>>, vector<64x128xf32>
    tpu.vector_store %arg11[%swap3A_159, %swap3A_160], %add3A_158 {strides = array<i32>} : memref<512x128xf32, #tpu.memory_space<vmem>>, vector<64x128xf32>,
    %slice3A_162 = vector.extract_strided_slice %dot_general3A_44 {offsets = [2, 0], sizes = [1, 384], strides = [1, 1]} : vector<8x384xf32> to vector<1x384xf32>
    %slice3A_163 = vector.extract_strided_slice %dot_general3A_31 {offsets = [128, 0], sizes = [64, 128], strides = [1, 1]} : vector<512x384xf32> to vector<64x128xf32>
    %slice3A_164 = vector.extract_strided_slice %dot_general3A_36 {offsets = [128, 0], sizes = [64, 128], strides = [1, 1]} : vector<512x256xf32> to vector<64x128xf32>
    %add3A_165 = arith.addf %slice3A_163, %slice3A_164 : vector<64x128xf32>
    %slice3A_166 = vector.extract_strided_slice %slice3A_162 {offsets = [0, 0], sizes = [1, 128], strides = [1, 1]} : vector<1x384xf32> to vector<1x128xf32>
    %add3A_167 = vector.broadcast %slice3A_166 : vector<1x128xf32> to vector<64x128xf32>
    %add3A_168 = arith.addf %add3A_165, %add3A_167 : vector<64x128xf32>
    %slice3A_169 = vector.extract_strided_slice %get3A_47 {offsets = [0, 0], sizes = [1, 128], strides = [1, 1]} : vector<1x384xf32> to vector<1x128xf32>
    %add3A_170 = vector.broadcast %slice3A_169 : vector<1x128xf32> to vector<64x128xf32>
    %add3A_171 = arith.addf %add3A_168, %add3A_170 : vector<64x128xf32>
    %logistic3A_172 = arith.negf %add3A_171 : vector<64x128xf32>
    %logistic3A_173 = math.exp %logistic3A_172 : vector<64x128xf32>
    %logistic3A_174 = arith.constant 1.000000e+00 : f32
    %logistic3A_175 = vector.broadcast %logistic3A_174 : f32 to vector<64x128xf32>
    %logistic3A_176 = arith.addf %logistic3A_175, %logistic3A_173 : vector<64x128xf32>
    %logistic3A_177 = arith.divf %logistic3A_175, %logistic3A_176 : vector<64x128xf32>
    %slice3A_178 = vector.extract_strided_slice %dot_general3A_31 {offsets = [128, 128], sizes = [64, 128], strides = [1, 1]} : vector<512x384xf32> to vector<64x128xf32>
    %slice3A_179 = vector.extract_strided_slice %dot_general3A_36 {offsets = [128, 128], sizes = [64, 128], strides = [1, 1]} : vector<512x256xf32> to vector<64x128xf32>
    %add3A_180 = arith.addf %slice3A_178, %slice3A_179 : vector<64x128xf32>
    %slice3A_181 = vector.extract_strided_slice %slice3A_162 {offsets = [0, 128], sizes = [1, 128], strides = [1, 1]} : vector<1x384xf32> to vector<1x128xf32>
    %add3A_182 = vector.broadcast %slice3A_181 : vector<1x128xf32> to vector<64x128xf32>
    %add3A_183 = arith.addf %add3A_180, %add3A_182 : vector<64x128xf32>
    %slice3A_184 = vector.extract_strided_slice %get3A_47 {offsets = [0, 128], sizes = [1, 128], strides = [1, 1]} : vector<1x384xf32> to vector<1x128xf32>
    %add3A_185 = vector.broadcast %slice3A_184 : vector<1x128xf32> to vector<64x128xf32>
    %add3A_186 = arith.addf %add3A_183, %add3A_185 : vector<64x128xf32>
    %logistic3A_187 = arith.negf %add3A_186 : vector<64x128xf32>
    %logistic3A_188 = math.exp %logistic3A_187 : vector<64x128xf32>
    %logistic3A_189 = arith.constant 1.000000e+00 : f32
    %logistic3A_190 = vector.broadcast %logistic3A_189 : f32 to vector<64x128xf32>
    %logistic3A_191 = arith.addf %logistic3A_190, %logistic3A_188 : vector<64x128xf32>
    %logistic3A_192 = arith.divf %logistic3A_190, %logistic3A_191 : vector<64x128xf32>
    %slice3A_193 = vector.extract_strided_slice %dot_general3A_31 {offsets = [128, 256], sizes = [64, 128], strides = [1, 1]} : vector<512x384xf32> to vector<64x128xf32>
    %slice3A_194 = vector.extract_strided_slice %get3A_1 {offsets = [128, 0], sizes = [64, 128], strides = [1, 1]} : vector<512x128xf32> to vector<64x128xf32>
    %mul3A_195 = arith.mulf %slice3A_194, %logistic3A_192 : vector<64x128xf32>
    %get3A_196 = arith.constant 0 : index
    %get3A_197 = arith.constant 0 : index
    %get3A_198 = vector.load %arg8[%get3A_196, %get3A_197] : memref<128x128xf32, #tpu.memory_space<vmem>>, vector<128x128xf32>
    %dot_general3A_199 = arith.constant dense<0.000000e+00> : vector<64x128xf32>
    %dot_general3A_200 = tpu.matmul %mul3A_195, %get3A_198, %dot_general3A_199 {dimension_numbers = #tpu.dot_dimension_numbers<[1], [0], [0], [1], [0, 0, 1, 1], [], []>, transpose_lhs_hint = false} : vector<64x128xf32>, vector<128x128xf32>, vector<64x128xf32> -> vector<64x128xf32>
    %add3A_201 = arith.addf %slice3A_193, %dot_general3A_200 : vector<64x128xf32>
    %slice3A_202 = vector.extract_strided_slice %slice3A_162 {offsets = [0, 256], sizes = [1, 128], strides = [1, 1]} : vector<1x384xf32> to vector<1x128xf32>
    %add3A_203 = vector.broadcast %slice3A_202 : vector<1x128xf32> to vector<64x128xf32>
    %add3A_204 = arith.addf %add3A_201, %add3A_203 : vector<64x128xf32>
    %slice3A_205 = vector.extract_strided_slice %get3A_47 {offsets = [0, 256], sizes = [1, 128], strides = [1, 1]} : vector<1x384xf32> to vector<1x128xf32>
    %add3A_206 = vector.broadcast %slice3A_205 : vector<1x128xf32> to vector<64x128xf32>
    %add3A_207 = arith.addf %add3A_204, %add3A_206 : vector<64x128xf32>
    %max3A_208 = arith.constant 0.000000e+00 : f32
    %max3A_209 = vector.broadcast %max3A_208 : f32 to vector<64x128xf32>
    %max3A_210 = arith.maximumf %add3A_207, %max3A_209 : vector<64x128xf32>
    %mul3A_211 = arith.mulf %max3A_210, %logistic3A_177 : vector<64x128xf32>
    %slice3A_212 = vector.extract_strided_slice %get3A_1 {offsets = [128, 0], sizes = [64, 128], strides = [1, 1]} : vector<512x128xf32> to vector<64x128xf32>
    %sub3A_213 = arith.constant 1.000000e+00 : f32
    %sub3A_214 = vector.broadcast %sub3A_213 : f32 to vector<64x128xf32>
    %sub3A_215 = arith.subf %sub3A_214, %logistic3A_177 : vector<64x128xf32>
    %mul3A_216 = arith.mulf %slice3A_212, %sub3A_215 : vector<64x128xf32>
    %add3A_217 = arith.addf %mul3A_211, %mul3A_216 : vector<64x128xf32>
    %swap3A_218 = arith.constant 128 : index
    %swap3A_219 = arith.constant 0 : index
    %swap3A_220 = vector.load %arg11[%swap3A_218, %swap3A_219] : memref<512x128xf32, #tpu.memory_space<vmem>>, vector<64x128xf32>
    tpu.vector_store %arg11[%swap3A_218, %swap3A_219], %add3A_217 {strides = array<i32>} : memref<512x128xf32, #tpu.memory_space<vmem>>, vector<64x128xf32>,
    %slice3A_221 = vector.extract_strided_slice %dot_general3A_44 {offsets = [3, 0], sizes = [1, 384], strides = [1, 1]} : vector<8x384xf32> to vector<1x384xf32>
    %slice3A_222 = vector.extract_strided_slice %dot_general3A_31 {offsets = [192, 0], sizes = [64, 128], strides = [1, 1]} : vector<512x384xf32> to vector<64x128xf32>
    %slice3A_223 = vector.extract_strided_slice %dot_general3A_36 {offsets = [192, 0], sizes = [64, 128], strides = [1, 1]} : vector<512x256xf32> to vector<64x128xf32>
    %add3A_224 = arith.addf %slice3A_222, %slice3A_223 : vector<64x128xf32>
    %slice3A_225 = vector.extract_strided_slice %slice3A_221 {offsets = [0, 0], sizes = [1, 128], strides = [1, 1]} : vector<1x384xf32> to vector<1x128xf32>
    %add3A_226 = vector.broadcast %slice3A_225 : vector<1x128xf32> to vector<64x128xf32>
    %add3A_227 = arith.addf %add3A_224, %add3A_226 : vector<64x128xf32>
    %slice3A_228 = vector.extract_strided_slice %get3A_47 {offsets = [0, 0], sizes = [1, 128], strides = [1, 1]} : vector<1x384xf32> to vector<1x128xf32>
    %add3A_229 = vector.broadcast %slice3A_228 : vector<1x128xf32> to vector<64x128xf32>
    %add3A_230 = arith.addf %add3A_227, %add3A_229 : vector<64x128xf32>
    %logistic3A_231 = arith.negf %add3A_230 : vector<64x128xf32>
    %logistic3A_232 = math.exp %logistic3A_231 : vector<64x128xf32>
    %logistic3A_233 = arith.constant 1.000000e+00 : f32
    %logistic3A_234 = vector.broadcast %logistic3A_233 : f32 to vector<64x128xf32>
    %logistic3A_235 = arith.addf %logistic3A_234, %logistic3A_232 : vector<64x128xf32>
    %logistic3A_236 = arith.divf %logistic3A_234, %logistic3A_235 : vector<64x128xf32>
    %slice3A_237 = vector.extract_strided_slice %dot_general3A_31 {offsets = [192, 128], sizes = [64, 128], strides = [1, 1]} : vector<512x384xf32> to vector<64x128xf32>
    %slice3A_238 = vector.extract_strided_slice %dot_general3A_36 {offsets = [192, 128], sizes = [64, 128], strides = [1, 1]} : vector<512x256xf32> to vector<64x128xf32>
    %add3A_239 = arith.addf %slice3A_237, %slice3A_238 : vector<64x128xf32>
    %slice3A_240 = vector.extract_strided_slice %slice3A_221 {offsets = [0, 128], sizes = [1, 128], strides = [1, 1]} : vector<1x384xf32> to vector<1x128xf32>
    %add3A_241 = vector.broadcast %slice3A_240 : vector<1x128xf32> to vector<64x128xf32>
    %add3A_242 = arith.addf %add3A_239, %add3A_241 : vector<64x128xf32>
    %slice3A_243 = vector.extract_strided_slice %get3A_47 {offsets = [0, 128], sizes = [1, 128], strides = [1, 1]} : vector<1x384xf32> to vector<1x128xf32>
    %add3A_244 = vector.broadcast %slice3A_243 : vector<1x128xf32> to vector<64x128xf32>
    %add3A_245 = arith.addf %add3A_242, %add3A_244 : vector<64x128xf32>
    %logistic3A_246 = arith.negf %add3A_245 : vector<64x128xf32>
    %logistic3A_247 = math.exp %logistic3A_246 : vector<64x128xf32>
    %logistic3A_248 = arith.constant 1.000000e+00 : f32
    %logistic3A_249 = vector.broadcast %logistic3A_248 : f32 to vector<64x128xf32>
    %logistic3A_250 = arith.addf %logistic3A_249, %logistic3A_247 : vector<64x128xf32>
    %logistic3A_251 = arith.divf %logistic3A_249, %logistic3A_250 : vector<64x128xf32>
    %slice3A_252 = vector.extract_strided_slice %dot_general3A_31 {offsets = [192, 256], sizes = [64, 128], strides = [1, 1]} : vector<512x384xf32> to vector<64x128xf32>
    %slice3A_253 = vector.extract_strided_slice %get3A_1 {offsets = [192, 0], sizes = [64, 128], strides = [1, 1]} : vector<512x128xf32> to vector<64x128xf32>
    %mul3A_254 = arith.mulf %slice3A_253, %logistic3A_251 : vector<64x128xf32>
    %get3A_255 = arith.constant 0 : index
    %get3A_256 = arith.constant 0 : index
    %get3A_257 = vector.load %arg8[%get3A_255, %get3A_256] : memref<128x128xf32, #tpu.memory_space<vmem>>, vector<128x128xf32>
    %dot_general3A_258 = arith.constant dense<0.000000e+00> : vector<64x128xf32>
    %dot_general3A_259 = tpu.matmul %mul3A_254, %get3A_257, %dot_general3A_258 {dimension_numbers = #tpu.dot_dimension_numbers<[1], [0], [0], [1], [0, 0, 1, 1], [], []>, transpose_lhs_hint = false} : vector<64x128xf32>, vector<128x128xf32>, vector<64x128xf32> -> vector<64x128xf32>
    %add3A_260 = arith.addf %slice3A_252, %dot_general3A_259 : vector<64x128xf32>
    %slice3A_261 = vector.extract_strided_slice %slice3A_221 {offsets = [0, 256], sizes = [1, 128], strides = [1, 1]} : vector<1x384xf32> to vector<1x128xf32>
    %add3A_262 = vector.broadcast %slice3A_261 : vector<1x128xf32> to vector<64x128xf32>
    %add3A_263 = arith.addf %add3A_260, %add3A_262 : vector<64x128xf32>
    %slice3A_264 = vector.extract_strided_slice %get3A_47 {offsets = [0, 256], sizes = [1, 128], strides = [1, 1]} : vector<1x384xf32> to vector<1x128xf32>
    %add3A_265 = vector.broadcast %slice3A_264 : vector<1x128xf32> to vector<64x128xf32>
    %add3A_266 = arith.addf %add3A_263, %add3A_265 : vector<64x128xf32>
    %max3A_267 = arith.constant 0.000000e+00 : f32
    %max3A_268 = vector.broadcast %max3A_267 : f32 to vector<64x128xf32>
    %max3A_269 = arith.maximumf %add3A_266, %max3A_268 : vector<64x128xf32>
    %mul3A_270 = arith.mulf %max3A_269, %logistic3A_236 : vector<64x128xf32>
    %slice3A_271 = vector.extract_strided_slice %get3A_1 {offsets = [192, 0], sizes = [64, 128], strides = [1, 1]} : vector<512x128xf32> to vector<64x128xf32>
    %sub3A_272 = arith.constant 1.000000e+00 : f32
    %sub3A_273 = vector.broadcast %sub3A_272 : f32 to vector<64x128xf32>
    %sub3A_274 = arith.subf %sub3A_273, %logistic3A_236 : vector<64x128xf32>
    %mul3A_275 = arith.mulf %slice3A_271, %sub3A_274 : vector<64x128xf32>
    %add3A_276 = arith.addf %mul3A_270, %mul3A_275 : vector<64x128xf32>
    %swap3A_277 = arith.constant 192 : index
    %swap3A_278 = arith.constant 0 : index
    %swap3A_279 = vector.load %arg11[%swap3A_277, %swap3A_278] : memref<512x128xf32, #tpu.memory_space<vmem>>, vector<64x128xf32>
    tpu.vector_store %arg11[%swap3A_277, %swap3A_278], %add3A_276 {strides = array<i32>} : memref<512x128xf32, #tpu.memory_space<vmem>>, vector<64x128xf32>,
    %slice3A_280 = vector.extract_strided_slice %dot_general3A_44 {offsets = [4, 0], sizes = [1, 384], strides = [1, 1]} : vector<8x384xf32> to vector<1x384xf32>
    %slice3A_281 = vector.extract_strided_slice %dot_general3A_31 {offsets = [256, 0], sizes = [64, 128], strides = [1, 1]} : vector<512x384xf32> to vector<64x128xf32>
    %slice3A_282 = vector.extract_strided_slice %dot_general3A_36 {offsets = [256, 0], sizes = [64, 128], strides = [1, 1]} : vector<512x256xf32> to vector<64x128xf32>
    %add3A_283 = arith.addf %slice3A_281, %slice3A_282 : vector<64x128xf32>
    %slice3A_284 = vector.extract_strided_slice %slice3A_280 {offsets = [0, 0], sizes = [1, 128], strides = [1, 1]} : vector<1x384xf32> to vector<1x128xf32>
    %add3A_285 = vector.broadcast %slice3A_284 : vector<1x128xf32> to vector<64x128xf32>
    %add3A_286 = arith.addf %add3A_283, %add3A_285 : vector<64x128xf32>
    %slice3A_287 = vector.extract_strided_slice %get3A_47 {offsets = [0, 0], sizes = [1, 128], strides = [1, 1]} : vector<1x384xf32> to vector<1x128xf32>
    %add3A_288 = vector.broadcast %slice3A_287 : vector<1x128xf32> to vector<64x128xf32>
    %add3A_289 = arith.addf %add3A_286, %add3A_288 : vector<64x128xf32>
    %logistic3A_290 = arith.negf %add3A_289 : vector<64x128xf32>
    %logistic3A_291 = math.exp %logistic3A_290 : vector<64x128xf32>
    %logistic3A_292 = arith.constant 1.000000e+00 : f32
    %logistic3A_293 = vector.broadcast %logistic3A_292 : f32 to vector<64x128xf32>
    %logistic3A_294 = arith.addf %logistic3A_293, %logistic3A_291 : vector<64x128xf32>
    %logistic3A_295 = arith.divf %logistic3A_293, %logistic3A_294 : vector<64x128xf32>
    %slice3A_296 = vector.extract_strided_slice %dot_general3A_31 {offsets = [256, 128], sizes = [64, 128], strides = [1, 1]} : vector<512x384xf32> to vector<64x128xf32>
    %slice3A_297 = vector.extract_strided_slice %dot_general3A_36 {offsets = [256, 128], sizes = [64, 128], strides = [1, 1]} : vector<512x256xf32> to vector<64x128xf32>
    %add3A_298 = arith.addf %slice3A_296, %slice3A_297 : vector<64x128xf32>
    %slice3A_299 = vector.extract_strided_slice %slice3A_280 {offsets = [0, 128], sizes = [1, 128], strides = [1, 1]} : vector<1x384xf32> to vector<1x128xf32>
    %add3A_300 = vector.broadcast %slice3A_299 : vector<1x128xf32> to vector<64x128xf32>
    %add3A_301 = arith.addf %add3A_298, %add3A_300 : vector<64x128xf32>
    %slice3A_302 = vector.extract_strided_slice %get3A_47 {offsets = [0, 128], sizes = [1, 128], strides = [1, 1]} : vector<1x384xf32> to vector<1x128xf32>
    %add3A_303 = vector.broadcast %slice3A_302 : vector<1x128xf32> to vector<64x128xf32>
    %add3A_304 = arith.addf %add3A_301, %add3A_303 : vector<64x128xf32>
    %logistic3A_305 = arith.negf %add3A_304 : vector<64x128xf32>
    %logistic3A_306 = math.exp %logistic3A_305 : vector<64x128xf32>
    %logistic3A_307 = arith.constant 1.000000e+00 : f32
    %logistic3A_308 = vector.broadcast %logistic3A_307 : f32 to vector<64x128xf32>
    %logistic3A_309 = arith.addf %logistic3A_308, %logistic3A_306 : vector<64x128xf32>
    %logistic3A_310 = arith.divf %logistic3A_308, %logistic3A_309 : vector<64x128xf32>
    %slice3A_311 = vector.extract_strided_slice %dot_general3A_31 {offsets = [256, 256], sizes = [64, 128], strides = [1, 1]} : vector<512x384xf32> to vector<64x128xf32>
    %slice3A_312 = vector.extract_strided_slice %get3A_1 {offsets = [256, 0], sizes = [64, 128], strides = [1, 1]} : vector<512x128xf32> to vector<64x128xf32>
    %mul3A_313 = arith.mulf %slice3A_312, %logistic3A_310 : vector<64x128xf32>
    %get3A_314 = arith.constant 0 : index
    %get3A_315 = arith.constant 0 : index
    %get3A_316 = vector.load %arg8[%get3A_314, %get3A_315] : memref<128x128xf32, #tpu.memory_space<vmem>>, vector<128x128xf32>
    %dot_general3A_317 = arith.constant dense<0.000000e+00> : vector<64x128xf32>
    %dot_general3A_318 = tpu.matmul %mul3A_313, %get3A_316, %dot_general3A_317 {dimension_numbers = #tpu.dot_dimension_numbers<[1], [0], [0], [1], [0, 0, 1, 1], [], []>, transpose_lhs_hint = false} : vector<64x128xf32>, vector<128x128xf32>, vector<64x128xf32> -> vector<64x128xf32>
    %add3A_319 = arith.addf %slice3A_311, %dot_general3A_318 : vector<64x128xf32>
    %slice3A_320 = vector.extract_strided_slice %slice3A_280 {offsets = [0, 256], sizes = [1, 128], strides = [1, 1]} : vector<1x384xf32> to vector<1x128xf32>
    %add3A_321 = vector.broadcast %slice3A_320 : vector<1x128xf32> to vector<64x128xf32>
    %add3A_322 = arith.addf %add3A_319, %add3A_321 : vector<64x128xf32>
    %slice3A_323 = vector.extract_strided_slice %get3A_47 {offsets = [0, 256], sizes = [1, 128], strides = [1, 1]} : vector<1x384xf32> to vector<1x128xf32>
    %add3A_324 = vector.broadcast %slice3A_323 : vector<1x128xf32> to vector<64x128xf32>
    %add3A_325 = arith.addf %add3A_322, %add3A_324 : vector<64x128xf32>
    %max3A_326 = arith.constant 0.000000e+00 : f32
    %max3A_327 = vector.broadcast %max3A_326 : f32 to vector<64x128xf32>
    %max3A_328 = arith.maximumf %add3A_325, %max3A_327 : vector<64x128xf32>
    %mul3A_329 = arith.mulf %max3A_328, %logistic3A_295 : vector<64x128xf32>
    %slice3A_330 = vector.extract_strided_slice %get3A_1 {offsets = [256, 0], sizes = [64, 128], strides = [1, 1]} : vector<512x128xf32> to vector<64x128xf32>
    %sub3A_331 = arith.constant 1.000000e+00 : f32
    %sub3A_332 = vector.broadcast %sub3A_331 : f32 to vector<64x128xf32>
    %sub3A_333 = arith.subf %sub3A_332, %logistic3A_295 : vector<64x128xf32>
    %mul3A_334 = arith.mulf %slice3A_330, %sub3A_333 : vector<64x128xf32>
    %add3A_335 = arith.addf %mul3A_329, %mul3A_334 : vector<64x128xf32>
    %swap3A_336 = arith.constant 256 : index
    %swap3A_337 = arith.constant 0 : index
    %swap3A_338 = vector.load %arg11[%swap3A_336, %swap3A_337] : memref<512x128xf32, #tpu.memory_space<vmem>>, vector<64x128xf32>
    tpu.vector_store %arg11[%swap3A_336, %swap3A_337], %add3A_335 {strides = array<i32>} : memref<512x128xf32, #tpu.memory_space<vmem>>, vector<64x128xf32>,
    %slice3A_339 = vector.extract_strided_slice %dot_general3A_44 {offsets = [5, 0], sizes = [1, 384], strides = [1, 1]} : vector<8x384xf32> to vector<1x384xf32>
    %slice3A_340 = vector.extract_strided_slice %dot_general3A_31 {offsets = [320, 0], sizes = [64, 128], strides = [1, 1]} : vector<512x384xf32> to vector<64x128xf32>
    %slice3A_341 = vector.extract_strided_slice %dot_general3A_36 {offsets = [320, 0], sizes = [64, 128], strides = [1, 1]} : vector<512x256xf32> to vector<64x128xf32>
    %add3A_342 = arith.addf %slice3A_340, %slice3A_341 : vector<64x128xf32>
    %slice3A_343 = vector.extract_strided_slice %slice3A_339 {offsets = [0, 0], sizes = [1, 128], strides = [1, 1]} : vector<1x384xf32> to vector<1x128xf32>
    %add3A_344 = vector.broadcast %slice3A_343 : vector<1x128xf32> to vector<64x128xf32>
    %add3A_345 = arith.addf %add3A_342, %add3A_344 : vector<64x128xf32>
    %slice3A_346 = vector.extract_strided_slice %get3A_47 {offsets = [0, 0], sizes = [1, 128], strides = [1, 1]} : vector<1x384xf32> to vector<1x128xf32>
    %add3A_347 = vector.broadcast %slice3A_346 : vector<1x128xf32> to vector<64x128xf32>
    %add3A_348 = arith.addf %add3A_345, %add3A_347 : vector<64x128xf32>
    %logistic3A_349 = arith.negf %add3A_348 : vector<64x128xf32>
    %logistic3A_350 = math.exp %logistic3A_349 : vector<64x128xf32>
    %logistic3A_351 = arith.constant 1.000000e+00 : f32
    %logistic3A_352 = vector.broadcast %logistic3A_351 : f32 to vector<64x128xf32>
    %logistic3A_353 = arith.addf %logistic3A_352, %logistic3A_350 : vector<64x128xf32>
    %logistic3A_354 = arith.divf %logistic3A_352, %logistic3A_353 : vector<64x128xf32>
    %slice3A_355 = vector.extract_strided_slice %dot_general3A_31 {offsets = [320, 128], sizes = [64, 128], strides = [1, 1]} : vector<512x384xf32> to vector<64x128xf32>
    %slice3A_356 = vector.extract_strided_slice %dot_general3A_36 {offsets = [320, 128], sizes = [64, 128], strides = [1, 1]} : vector<512x256xf32> to vector<64x128xf32>
    %add3A_357 = arith.addf %slice3A_355, %slice3A_356 : vector<64x128xf32>
    %slice3A_358 = vector.extract_strided_slice %slice3A_339 {offsets = [0, 128], sizes = [1, 128], strides = [1, 1]} : vector<1x384xf32> to vector<1x128xf32>
    %add3A_359 = vector.broadcast %slice3A_358 : vector<1x128xf32> to vector<64x128xf32>
    %add3A_360 = arith.addf %add3A_357, %add3A_359 : vector<64x128xf32>
    %slice3A_361 = vector.extract_strided_slice %get3A_47 {offsets = [0, 128], sizes = [1, 128], strides = [1, 1]} : vector<1x384xf32> to vector<1x128xf32>
    %add3A_362 = vector.broadcast %slice3A_361 : vector<1x128xf32> to vector<64x128xf32>
    %add3A_363 = arith.addf %add3A_360, %add3A_362 : vector<64x128xf32>
    %logistic3A_364 = arith.negf %add3A_363 : vector<64x128xf32>
    %logistic3A_365 = math.exp %logistic3A_364 : vector<64x128xf32>
    %logistic3A_366 = arith.constant 1.000000e+00 : f32
    %logistic3A_367 = vector.broadcast %logistic3A_366 : f32 to vector<64x128xf32>
    %logistic3A_368 = arith.addf %logistic3A_367, %logistic3A_365 : vector<64x128xf32>
    %logistic3A_369 = arith.divf %logistic3A_367, %logistic3A_368 : vector<64x128xf32>
    %slice3A_370 = vector.extract_strided_slice %dot_general3A_31 {offsets = [320, 256], sizes = [64, 128], strides = [1, 1]} : vector<512x384xf32> to vector<64x128xf32>
    %slice3A_371 = vector.extract_strided_slice %get3A_1 {offsets = [320, 0], sizes = [64, 128], strides = [1, 1]} : vector<512x128xf32> to vector<64x128xf32>
    %mul3A_372 = arith.mulf %slice3A_371, %logistic3A_369 : vector<64x128xf32>
    %get3A_373 = arith.constant 0 : index
    %get3A_374 = arith.constant 0 : index
    %get3A_375 = vector.load %arg8[%get3A_373, %get3A_374] : memref<128x128xf32, #tpu.memory_space<vmem>>, vector<128x128xf32>
    %dot_general3A_376 = arith.constant dense<0.000000e+00> : vector<64x128xf32>
    %dot_general3A_377 = tpu.matmul %mul3A_372, %get3A_375, %dot_general3A_376 {dimension_numbers = #tpu.dot_dimension_numbers<[1], [0], [0], [1], [0, 0, 1, 1], [], []>, transpose_lhs_hint = false} : vector<64x128xf32>, vector<128x128xf32>, vector<64x128xf32> -> vector<64x128xf32>
    %add3A_378 = arith.addf %slice3A_370, %dot_general3A_377 : vector<64x128xf32>
    %slice3A_379 = vector.extract_strided_slice %slice3A_339 {offsets = [0, 256], sizes = [1, 128], strides = [1, 1]} : vector<1x384xf32> to vector<1x128xf32>
    %add3A_380 = vector.broadcast %slice3A_379 : vector<1x128xf32> to vector<64x128xf32>
    %add3A_381 = arith.addf %add3A_378, %add3A_380 : vector<64x128xf32>
    %slice3A_382 = vector.extract_strided_slice %get3A_47 {offsets = [0, 256], sizes = [1, 128], strides = [1, 1]} : vector<1x384xf32> to vector<1x128xf32>
    %add3A_383 = vector.broadcast %slice3A_382 : vector<1x128xf32> to vector<64x128xf32>
    %add3A_384 = arith.addf %add3A_381, %add3A_383 : vector<64x128xf32>
    %max3A_385 = arith.constant 0.000000e+00 : f32
    %max3A_386 = vector.broadcast %max3A_385 : f32 to vector<64x128xf32>
    %max3A_387 = arith.maximumf %add3A_384, %max3A_386 : vector<64x128xf32>
    %mul3A_388 = arith.mulf %max3A_387, %logistic3A_354 : vector<64x128xf32>
    %slice3A_389 = vector.extract_strided_slice %get3A_1 {offsets = [320, 0], sizes = [64, 128], strides = [1, 1]} : vector<512x128xf32> to vector<64x128xf32>
    %sub3A_390 = arith.constant 1.000000e+00 : f32
    %sub3A_391 = vector.broadcast %sub3A_390 : f32 to vector<64x128xf32>
    %sub3A_392 = arith.subf %sub3A_391, %logistic3A_354 : vector<64x128xf32>
    %mul3A_393 = arith.mulf %slice3A_389, %sub3A_392 : vector<64x128xf32>
    %add3A_394 = arith.addf %mul3A_388, %mul3A_393 : vector<64x128xf32>
    %swap3A_395 = arith.constant 320 : index
    %swap3A_396 = arith.constant 0 : index
    %swap3A_397 = vector.load %arg11[%swap3A_395, %swap3A_396] : memref<512x128xf32, #tpu.memory_space<vmem>>, vector<64x128xf32>
    tpu.vector_store %arg11[%swap3A_395, %swap3A_396], %add3A_394 {strides = array<i32>} : memref<512x128xf32, #tpu.memory_space<vmem>>, vector<64x128xf32>,
    %slice3A_398 = vector.extract_strided_slice %dot_general3A_44 {offsets = [6, 0], sizes = [1, 384], strides = [1, 1]} : vector<8x384xf32> to vector<1x384xf32>
    %slice3A_399 = vector.extract_strided_slice %dot_general3A_31 {offsets = [384, 0], sizes = [64, 128], strides = [1, 1]} : vector<512x384xf32> to vector<64x128xf32>
    %slice3A_400 = vector.extract_strided_slice %dot_general3A_36 {offsets = [384, 0], sizes = [64, 128], strides = [1, 1]} : vector<512x256xf32> to vector<64x128xf32>
    %add3A_401 = arith.addf %slice3A_399, %slice3A_400 : vector<64x128xf32>
    %slice3A_402 = vector.extract_strided_slice %slice3A_398 {offsets = [0, 0], sizes = [1, 128], strides = [1, 1]} : vector<1x384xf32> to vector<1x128xf32>
    %add3A_403 = vector.broadcast %slice3A_402 : vector<1x128xf32> to vector<64x128xf32>
    %add3A_404 = arith.addf %add3A_401, %add3A_403 : vector<64x128xf32>
    %slice3A_405 = vector.extract_strided_slice %get3A_47 {offsets = [0, 0], sizes = [1, 128], strides = [1, 1]} : vector<1x384xf32> to vector<1x128xf32>
    %add3A_406 = vector.broadcast %slice3A_405 : vector<1x128xf32> to vector<64x128xf32>
    %add3A_407 = arith.addf %add3A_404, %add3A_406 : vector<64x128xf32>
    %logistic3A_408 = arith.negf %add3A_407 : vector<64x128xf32>
    %logistic3A_409 = math.exp %logistic3A_408 : vector<64x128xf32>
    %logistic3A_410 = arith.constant 1.000000e+00 : f32
    %logistic3A_411 = vector.broadcast %logistic3A_410 : f32 to vector<64x128xf32>
    %logistic3A_412 = arith.addf %logistic3A_411, %logistic3A_409 : vector<64x128xf32>
    %logistic3A_413 = arith.divf %logistic3A_411, %logistic3A_412 : vector<64x128xf32>
    %slice3A_414 = vector.extract_strided_slice %dot_general3A_31 {offsets = [384, 128], sizes = [64, 128], strides = [1, 1]} : vector<512x384xf32> to vector<64x128xf32>
    %slice3A_415 = vector.extract_strided_slice %dot_general3A_36 {offsets = [384, 128], sizes = [64, 128], strides = [1, 1]} : vector<512x256xf32> to vector<64x128xf32>
    %add3A_416 = arith.addf %slice3A_414, %slice3A_415 : vector<64x128xf32>
    %slice3A_417 = vector.extract_strided_slice %slice3A_398 {offsets = [0, 128], sizes = [1, 128], strides = [1, 1]} : vector<1x384xf32> to vector<1x128xf32>
    %add3A_418 = vector.broadcast %slice3A_417 : vector<1x128xf32> to vector<64x128xf32>
    %add3A_419 = arith.addf %add3A_416, %add3A_418 : vector<64x128xf32>
    %slice3A_420 = vector.extract_strided_slice %get3A_47 {offsets = [0, 128], sizes = [1, 128], strides = [1, 1]} : vector<1x384xf32> to vector<1x128xf32>
    %add3A_421 = vector.broadcast %slice3A_420 : vector<1x128xf32> to vector<64x128xf32>
    %add3A_422 = arith.addf %add3A_419, %add3A_421 : vector<64x128xf32>
    %logistic3A_423 = arith.negf %add3A_422 : vector<64x128xf32>
    %logistic3A_424 = math.exp %logistic3A_423 : vector<64x128xf32>
    %logistic3A_425 = arith.constant 1.000000e+00 : f32
    %logistic3A_426 = vector.broadcast %logistic3A_425 : f32 to vector<64x128xf32>
    %logistic3A_427 = arith.addf %logistic3A_426, %logistic3A_424 : vector<64x128xf32>
    %logistic3A_428 = arith.divf %logistic3A_426, %logistic3A_427 : vector<64x128xf32>
    %slice3A_429 = vector.extract_strided_slice %dot_general3A_31 {offsets = [384, 256], sizes = [64, 128], strides = [1, 1]} : vector<512x384xf32> to vector<64x128xf32>
    %slice3A_430 = vector.extract_strided_slice %get3A_1 {offsets = [384, 0], sizes = [64, 128], strides = [1, 1]} : vector<512x128xf32> to vector<64x128xf32>
    %mul3A_431 = arith.mulf %slice3A_430, %logistic3A_428 : vector<64x128xf32>
    %get3A_432 = arith.constant 0 : index
    %get3A_433 = arith.constant 0 : index
    %get3A_434 = vector.load %arg8[%get3A_432, %get3A_433] : memref<128x128xf32, #tpu.memory_space<vmem>>, vector<128x128xf32>
    %dot_general3A_435 = arith.constant dense<0.000000e+00> : vector<64x128xf32>
    %dot_general3A_436 = tpu.matmul %mul3A_431, %get3A_434, %dot_general3A_435 {dimension_numbers = #tpu.dot_dimension_numbers<[1], [0], [0], [1], [0, 0, 1, 1], [], []>, transpose_lhs_hint = false} : vector<64x128xf32>, vector<128x128xf32>, vector<64x128xf32> -> vector<64x128xf32>
    %add3A_437 = arith.addf %slice3A_429, %dot_general3A_436 : vector<64x128xf32>
    %slice3A_438 = vector.extract_strided_slice %slice3A_398 {offsets = [0, 256], sizes = [1, 128], strides = [1, 1]} : vector<1x384xf32> to vector<1x128xf32>
    %add3A_439 = vector.broadcast %slice3A_438 : vector<1x128xf32> to vector<64x128xf32>
    %add3A_440 = arith.addf %add3A_437, %add3A_439 : vector<64x128xf32>
    %slice3A_441 = vector.extract_strided_slice %get3A_47 {offsets = [0, 256], sizes = [1, 128], strides = [1, 1]} : vector<1x384xf32> to vector<1x128xf32>
    %add3A_442 = vector.broadcast %slice3A_441 : vector<1x128xf32> to vector<64x128xf32>
    %add3A_443 = arith.addf %add3A_440, %add3A_442 : vector<64x128xf32>
    %max3A_444 = arith.constant 0.000000e+00 : f32
    %max3A_445 = vector.broadcast %max3A_444 : f32 to vector<64x128xf32>
    %max3A_446 = arith.maximumf %add3A_443, %max3A_445 : vector<64x128xf32>
    %mul3A_447 = arith.mulf %max3A_446, %logistic3A_413 : vector<64x128xf32>
    %slice3A_448 = vector.extract_strided_slice %get3A_1 {offsets = [384, 0], sizes = [64, 128], strides = [1, 1]} : vector<512x128xf32> to vector<64x128xf32>
    %sub3A_449 = arith.constant 1.000000e+00 : f32
    %sub3A_450 = vector.broadcast %sub3A_449 : f32 to vector<64x128xf32>
    %sub3A_451 = arith.subf %sub3A_450, %logistic3A_413 : vector<64x128xf32>
    %mul3A_452 = arith.mulf %slice3A_448, %sub3A_451 : vector<64x128xf32>
    %add3A_453 = arith.addf %mul3A_447, %mul3A_452 : vector<64x128xf32>
    %swap3A_454 = arith.constant 384 : index
    %swap3A_455 = arith.constant 0 : index
    %swap3A_456 = vector.load %arg11[%swap3A_454, %swap3A_455] : memref<512x128xf32, #tpu.memory_space<vmem>>, vector<64x128xf32>
    tpu.vector_store %arg11[%swap3A_454, %swap3A_455], %add3A_453 {strides = array<i32>} : memref<512x128xf32, #tpu.memory_space<vmem>>, vector<64x128xf32>,
    %slice3A_457 = vector.extract_strided_slice %dot_general3A_44 {offsets = [7, 0], sizes = [1, 384], strides = [1, 1]} : vector<8x384xf32> to vector<1x384xf32>
    %slice3A_458 = vector.extract_strided_slice %dot_general3A_31 {offsets = [448, 0], sizes = [64, 128], strides = [1, 1]} : vector<512x384xf32> to vector<64x128xf32>
    %slice3A_459 = vector.extract_strided_slice %dot_general3A_36 {offsets = [448, 0], sizes = [64, 128], strides = [1, 1]} : vector<512x256xf32> to vector<64x128xf32>
    %add3A_460 = arith.addf %slice3A_458, %slice3A_459 : vector<64x128xf32>
    %slice3A_461 = vector.extract_strided_slice %slice3A_457 {offsets = [0, 0], sizes = [1, 128], strides = [1, 1]} : vector<1x384xf32> to vector<1x128xf32>
    %add3A_462 = vector.broadcast %slice3A_461 : vector<1x128xf32> to vector<64x128xf32>
    %add3A_463 = arith.addf %add3A_460, %add3A_462 : vector<64x128xf32>
    %slice3A_464 = vector.extract_strided_slice %get3A_47 {offsets = [0, 0], sizes = [1, 128], strides = [1, 1]} : vector<1x384xf32> to vector<1x128xf32>
    %add3A_465 = vector.broadcast %slice3A_464 : vector<1x128xf32> to vector<64x128xf32>
    %add3A_466 = arith.addf %add3A_463, %add3A_465 : vector<64x128xf32>
    %logistic3A_467 = arith.negf %add3A_466 : vector<64x128xf32>
    %logistic3A_468 = math.exp %logistic3A_467 : vector<64x128xf32>
    %logistic3A_469 = arith.constant 1.000000e+00 : f32
    %logistic3A_470 = vector.broadcast %logistic3A_469 : f32 to vector<64x128xf32>
    %logistic3A_471 = arith.addf %logistic3A_470, %logistic3A_468 : vector<64x128xf32>
    %logistic3A_472 = arith.divf %logistic3A_470, %logistic3A_471 : vector<64x128xf32>
    %slice3A_473 = vector.extract_strided_slice %dot_general3A_31 {offsets = [448, 128], sizes = [64, 128], strides = [1, 1]} : vector<512x384xf32> to vector<64x128xf32>
    %slice3A_474 = vector.extract_strided_slice %dot_general3A_36 {offsets = [448, 128], sizes = [64, 128], strides = [1, 1]} : vector<512x256xf32> to vector<64x128xf32>
    %add3A_475 = arith.addf %slice3A_473, %slice3A_474 : vector<64x128xf32>
    %slice3A_476 = vector.extract_strided_slice %slice3A_457 {offsets = [0, 128], sizes = [1, 128], strides = [1, 1]} : vector<1x384xf32> to vector<1x128xf32>
    %add3A_477 = vector.broadcast %slice3A_476 : vector<1x128xf32> to vector<64x128xf32>
    %add3A_478 = arith.addf %add3A_475, %add3A_477 : vector<64x128xf32>
    %slice3A_479 = vector.extract_strided_slice %get3A_47 {offsets = [0, 128], sizes = [1, 128], strides = [1, 1]} : vector<1x384xf32> to vector<1x128xf32>
    %add3A_480 = vector.broadcast %slice3A_479 : vector<1x128xf32> to vector<64x128xf32>
    %add3A_481 = arith.addf %add3A_478, %add3A_480 : vector<64x128xf32>
    %logistic3A_482 = arith.negf %add3A_481 : vector<64x128xf32>
    %logistic3A_483 = math.exp %logistic3A_482 : vector<64x128xf32>
    %logistic3A_484 = arith.constant 1.000000e+00 : f32
    %logistic3A_485 = vector.broadcast %logistic3A_484 : f32 to vector<64x128xf32>
    %logistic3A_486 = arith.addf %logistic3A_485, %logistic3A_483 : vector<64x128xf32>
    %logistic3A_487 = arith.divf %logistic3A_485, %logistic3A_486 : vector<64x128xf32>
    %slice3A_488 = vector.extract_strided_slice %dot_general3A_31 {offsets = [448, 256], sizes = [64, 128], strides = [1, 1]} : vector<512x384xf32> to vector<64x128xf32>
    %slice3A_489 = vector.extract_strided_slice %get3A_1 {offsets = [448, 0], sizes = [64, 128], strides = [1, 1]} : vector<512x128xf32> to vector<64x128xf32>
    %mul3A_490 = arith.mulf %slice3A_489, %logistic3A_487 : vector<64x128xf32>
    %get3A_491 = arith.constant 0 : index
    %get3A_492 = arith.constant 0 : index
    %get3A_493 = vector.load %arg8[%get3A_491, %get3A_492] : memref<128x128xf32, #tpu.memory_space<vmem>>, vector<128x128xf32>
    %dot_general3A_494 = arith.constant dense<0.000000e+00> : vector<64x128xf32>
    %dot_general3A_495 = tpu.matmul %mul3A_490, %get3A_493, %dot_general3A_494 {dimension_numbers = #tpu.dot_dimension_numbers<[1], [0], [0], [1], [0, 0, 1, 1], [], []>, transpose_lhs_hint = false} : vector<64x128xf32>, vector<128x128xf32>, vector<64x128xf32> -> vector<64x128xf32>
    %add3A_496 = arith.addf %slice3A_488, %dot_general3A_495 : vector<64x128xf32>
    %slice3A_497 = vector.extract_strided_slice %slice3A_457 {offsets = [0, 256], sizes = [1, 128], strides = [1, 1]} : vector<1x384xf32> to vector<1x128xf32>
    %add3A_498 = vector.broadcast %slice3A_497 : vector<1x128xf32> to vector<64x128xf32>
    %add3A_499 = arith.addf %add3A_496, %add3A_498 : vector<64x128xf32>
    %slice3A_500 = vector.extract_strided_slice %get3A_47 {offsets = [0, 256], sizes = [1, 128], strides = [1, 1]} : vector<1x384xf32> to vector<1x128xf32>
    %add3A_501 = vector.broadcast %slice3A_500 : vector<1x128xf32> to vector<64x128xf32>
    %add3A_502 = arith.addf %add3A_499, %add3A_501 : vector<64x128xf32>
    %max3A_503 = arith.constant 0.000000e+00 : f32
    %max3A_504 = vector.broadcast %max3A_503 : f32 to vector<64x128xf32>
    %max3A_505 = arith.maximumf %add3A_502, %max3A_504 : vector<64x128xf32>
    %mul3A_506 = arith.mulf %max3A_505, %logistic3A_472 : vector<64x128xf32>
    %slice3A_507 = vector.extract_strided_slice %get3A_1 {offsets = [448, 0], sizes = [64, 128], strides = [1, 1]} : vector<512x128xf32> to vector<64x128xf32>
    %sub3A_508 = arith.constant 1.000000e+00 : f32
    %sub3A_509 = vector.broadcast %sub3A_508 : f32 to vector<64x128xf32>
    %sub3A_510 = arith.subf %sub3A_509, %logistic3A_472 : vector<64x128xf32>
    %mul3A_511 = arith.mulf %slice3A_507, %sub3A_510 : vector<64x128xf32>
    %add3A_512 = arith.addf %mul3A_506, %mul3A_511 : vector<64x128xf32>
    %swap3A_513 = arith.constant 448 : index
    %swap3A_514 = arith.constant 0 : index
    %swap3A_515 = vector.load %arg11[%swap3A_513, %swap3A_514] : memref<512x128xf32, #tpu.memory_space<vmem>>, vector<64x128xf32>
    tpu.vector_store %arg11[%swap3A_513, %swap3A_514], %add3A_512 {strides = array<i32>} : memref<512x128xf32, #tpu.memory_space<vmem>>, vector<64x128xf32>,
    return
  }
  func.func @transform_0(%arg0: i32) -> (i32, i32) {
    %c0_i32 = arith.constant 0 : i32
    %c0_i32_0 = arith.constant 0 : i32
    return %arg0, %c0_i32 : i32, i32
  }
  func.func @transform_1(%arg0: i32) -> (i32, i32) {
    %c0_i32 = arith.constant 0 : i32
    %c0_i32_0 = arith.constant 0 : i32
    return %arg0, %c0_i32 : i32, i32
  }
  func.func @transform_2(%arg0: i32) -> (i32, i32) {
    %c0_i32 = arith.constant 0 : i32
    %c0_i32_0 = arith.constant 0 : i32
    return %arg0, %c0_i32 : i32, i32
  }
  func.func @transform_3(%arg0: i32) -> (i32, i32) {
    %c0_i32 = arith.constant 0 : i32
    %c0_i32_0 = arith.constant 0 : i32
    return %arg0, %c0_i32 : i32, i32
  }
  func.func @transform_4(%arg0: i32) -> (i32, i32) {
    %c0_i32 = arith.constant 0 : i32
    %c0_i32_0 = arith.constant 0 : i32
    return %arg0, %c0_i32 : i32, i32
  }
  func.func @transform_5(%arg0: i32) -> (i32, i32) {
    %c0_i32 = arith.constant 0 : i32
    %c0_i32_0 = arith.constant 0 : i32
    %c0_i32_1 = arith.constant 0 : i32
    return %c0_i32, %c0_i32_0 : i32, i32
  }
  func.func @transform_6(%arg0: i32) -> (i32, i32) {
    %c0_i32 = arith.constant 0 : i32
    %c0_i32_0 = arith.constant 0 : i32
    %c0_i32_1 = arith.constant 0 : i32
    return %c0_i32, %c0_i32_0 : i32, i32
  }
  func.func @transform_7(%arg0: i32) -> (i32, i32) {
    %c0_i32 = arith.constant 0 : i32
    %c0_i32_0 = arith.constant 0 : i32
    %c0_i32_1 = arith.constant 0 : i32
    return %c0_i32, %c0_i32_0 : i32, i32
  }
  func.func @transform_8(%arg0: i32) -> (i32, i32) {
    %c0_i32 = arith.constant 0 : i32
    %c0_i32_0 = arith.constant 0 : i32
    %c0_i32_1 = arith.constant 0 : i32
    return %c0_i32, %c0_i32_0 : i32, i32
  }
  func.func @transform_9(%arg0: i32) -> (i32, i32) {
    %c0_i32 = arith.constant 0 : i32
    %c0_i32_0 = arith.constant 0 : i32
    %c0_i32_1 = arith.constant 0 : i32
    return %c0_i32, %c0_i32_0 : i32, i32
  }
  func.func @transform_10(%arg0: i32) -> (i32, i32) {
    %c0_i32 = arith.constant 0 : i32
    %c0_i32_0 = arith.constant 0 : i32
    return %arg0, %c0_i32 : i32, i32
  }
}

module attributes {stable_mosaic.version = 14 : i64} {
  func.func @_readout_body(%arg0: i32, %arg1: memref<8x64x128xf32, #tpu.memory_space<vmem>>, %arg2: memref<8x64x1xf32, #tpu.memory_space<vmem>>, %arg3: memref<128x128xf32, #tpu.memory_space<vmem>>, %arg4: memref<1x128xf32, #tpu.memory_space<vmem>>, %arg5: memref<128x1xf32, #tpu.memory_space<vmem>>, %arg6: memref<1x1xf32, #tpu.memory_space<vmem>>, %arg7: memref<128x20xf32, #tpu.memory_space<vmem>>, %arg8: memref<1x20xf32, #tpu.memory_space<vmem>>, %arg9: memref<8x20xf32, #tpu.memory_space<vmem>>) attributes {dimension_semantics = [#tpu.dimension_semantics<arbitrary>], iteration_bounds = array<i64: 64>, scalar_prefetch = 0 : i64, scratch_operands = 0 : i64, tpu.core_type = #tpu.core_type<tc>, window_params = [{transform_indices = @transform_0, window_bounds = array<i64: 8, 64, 128>}, {transform_indices = @transform_1, window_bounds = array<i64: 8, 64, 1>}, {pipeline_mode = #tpu.pipeline_mode<synchronous>, transform_indices = @transform_2, window_bounds = array<i64: 128, 128>}, {pipeline_mode = #tpu.pipeline_mode<synchronous>, transform_indices = @transform_3, window_bounds = array<i64: 1, 128>}, {pipeline_mode = #tpu.pipeline_mode<synchronous>, transform_indices = @transform_4, window_bounds = array<i64: 128, 1>}, {pipeline_mode = #tpu.pipeline_mode<synchronous>, transform_indices = @transform_5, window_bounds = array<i64: 1, 1>}, {pipeline_mode = #tpu.pipeline_mode<synchronous>, transform_indices = @transform_6, window_bounds = array<i64: 128, 20>}, {pipeline_mode = #tpu.pipeline_mode<synchronous>, transform_indices = @transform_7, window_bounds = array<i64: 1, 20>}, {transform_indices = @transform_8, window_bounds = array<i64: 8, 20>}]} {
    %get3A = arith.constant 0 : index
    %get3A_0 = arith.constant 0 : index
    %get3A_1 = arith.constant 0 : index
    %get3A_2 = vector.load %arg1[%get3A, %get3A_0, %get3A_1] : memref<8x64x128xf32, #tpu.memory_space<vmem>>, vector<1x64x128xf32>
    %get3A_3 = vector.shape_cast %get3A_2 : vector<1x64x128xf32> to vector<64x128xf32>
    %get3A_4 = arith.constant 0 : index
    %get3A_5 = arith.constant 0 : index
    %get3A_6 = arith.constant 0 : index
    %get3A_7 = vector.load %arg2[%get3A_4, %get3A_5, %get3A_6] : memref<8x64x1xf32, #tpu.memory_space<vmem>>, vector<1x64x1xf32>
    %get3A_8 = vector.shape_cast %get3A_7 : vector<1x64x1xf32> to vector<64x1xf32>
    %mul3A = vector.broadcast %get3A_8 : vector<64x1xf32> to vector<64x128xf32>
    %mul3A_9 = arith.mulf %get3A_3, %mul3A : vector<64x128xf32>
    %get3A_10 = arith.constant 0 : index
    %get3A_11 = arith.constant 0 : index
    %get3A_12 = vector.load %arg3[%get3A_10, %get3A_11] : memref<128x128xf32, #tpu.memory_space<vmem>>, vector<128x128xf32>
    %dot_general3A = arith.constant dense<0.000000e+00> : vector<64x128xf32>
    %dot_general3A_13 = tpu.matmul %mul3A_9, %get3A_12, %dot_general3A {dimension_numbers = #tpu.dot_dimension_numbers<[1], [0], [0], [1], [0, 0, 1, 1], [], []>, transpose_lhs_hint = false} : vector<64x128xf32>, vector<128x128xf32>, vector<64x128xf32> -> vector<64x128xf32>
    %get3A_14 = arith.constant 0 : index
    %get3A_15 = arith.constant 0 : index
    %get3A_16 = vector.load %arg4[%get3A_14, %get3A_15] : memref<1x128xf32, #tpu.memory_space<vmem>>, vector<1x128xf32>
    %add3A = vector.broadcast %get3A_16 : vector<1x128xf32> to vector<64x128xf32>
    %add3A_17 = arith.addf %dot_general3A_13, %add3A : vector<64x128xf32>
    %tanh3A = math.tanh %add3A_17 : vector<64x128xf32>
    %get3A_18 = arith.constant 0 : index
    %get3A_19 = arith.constant 0 : index
    %get3A_20 = vector.load %arg5[%get3A_18, %get3A_19] : memref<128x1xf32, #tpu.memory_space<vmem>>, vector<128x1xf32>
    %dot_general3A_21 = arith.constant dense<0.000000e+00> : vector<64x1xf32>
    %dot_general3A_22 = tpu.matmul %tanh3A, %get3A_20, %dot_general3A_21 {dimension_numbers = #tpu.dot_dimension_numbers<[1], [0], [0], [1], [0, 0, 1, 1], [], []>, transpose_lhs_hint = false} : vector<64x128xf32>, vector<128x1xf32>, vector<64x1xf32> -> vector<64x1xf32>
    %get3A_23 = arith.constant 0 : index
    %get3A_24 = arith.constant 0 : index
    %get3A_25 = vector.load %arg6[%get3A_23, %get3A_24] : memref<1x1xf32, #tpu.memory_space<vmem>>, vector<1x1xf32>
    %add3A_26 = vector.broadcast %get3A_25 : vector<1x1xf32> to vector<64x1xf32>
    %add3A_27 = arith.addf %dot_general3A_22, %add3A_26 : vector<64x1xf32>
    %reduce_max3A = arith.constant dense<0xFF800000> : vector<1xf32>
    %reduce_max3A_28 = vector.multi_reduction <maximumf>, %add3A_27, %reduce_max3A [0] : vector<64x1xf32> to vector<1xf32>
    %broadcast_in_dim3A = vector.shape_cast %reduce_max3A_28 : vector<1xf32> to vector<1x1xf32>
    %sub3A = vector.broadcast %broadcast_in_dim3A : vector<1x1xf32> to vector<64x1xf32>
    %sub3A_29 = arith.subf %add3A_27, %sub3A : vector<64x1xf32>
    %exp3A = math.exp %sub3A_29 : vector<64x1xf32>
    %reduce_sum3A = arith.constant dense<0.000000e+00> : vector<1xf32>
    %reduce_sum3A_30 = vector.multi_reduction <add>, %exp3A, %reduce_sum3A [0] : vector<64x1xf32> to vector<1xf32>
    %broadcast_in_dim3A_31 = vector.shape_cast %reduce_sum3A_30 : vector<1xf32> to vector<1x1xf32>
    %div3A = vector.broadcast %broadcast_in_dim3A_31 : vector<1x1xf32> to vector<64x1xf32>
    %div3A_32 = arith.divf %exp3A, %div3A : vector<64x1xf32>
    %mul3A_33 = vector.broadcast %div3A_32 : vector<64x1xf32> to vector<64x128xf32>
    %mul3A_34 = arith.mulf %mul3A_33, %mul3A_9 : vector<64x128xf32>
    %reduce_sum3A_35 = arith.constant dense<0.000000e+00> : vector<128xf32>
    %reduce_sum3A_36 = vector.multi_reduction <add>, %mul3A_34, %reduce_sum3A_35 [0] : vector<64x128xf32> to vector<128xf32>
    %broadcast_in_dim3A_37 = vector.shape_cast %reduce_sum3A_36 : vector<128xf32> to vector<1x128xf32>
    %get3A_38 = arith.constant 0 : index
    %get3A_39 = arith.constant 0 : index
    %get3A_40 = vector.load %arg7[%get3A_38, %get3A_39] : memref<128x20xf32, #tpu.memory_space<vmem>>, vector<128x20xf32>
    %dot_general3A_41 = arith.constant dense<0.000000e+00> : vector<1x20xf32>
    %dot_general3A_42 = tpu.matmul %broadcast_in_dim3A_37, %get3A_40, %dot_general3A_41 {dimension_numbers = #tpu.dot_dimension_numbers<[1], [0], [0], [1], [0, 0, 1, 1], [], []>, transpose_lhs_hint = false} : vector<1x128xf32>, vector<128x20xf32>, vector<1x20xf32> -> vector<1x20xf32>
    %get3A_43 = arith.constant 0 : index
    %get3A_44 = arith.constant 0 : index
    %get3A_45 = vector.load %arg8[%get3A_43, %get3A_44] : memref<1x20xf32, #tpu.memory_space<vmem>>, vector<1x20xf32>
    %add3A_46 = arith.addf %dot_general3A_42, %get3A_45 : vector<1x20xf32>
    %swap3A = arith.constant 0 : index
    %swap3A_47 = arith.constant 0 : index
    %swap3A_48 = vector.load %arg9[%swap3A, %swap3A_47] : memref<8x20xf32, #tpu.memory_space<vmem>>, vector<1x20xf32>
    tpu.vector_store %arg9[%swap3A, %swap3A_47], %add3A_46 {strides = array<i32>} : memref<8x20xf32, #tpu.memory_space<vmem>>, vector<1x20xf32>,
    %get3A_49 = arith.constant 1 : index
    %get3A_50 = arith.constant 0 : index
    %get3A_51 = arith.constant 0 : index
    %get3A_52 = vector.load %arg1[%get3A_49, %get3A_50, %get3A_51] : memref<8x64x128xf32, #tpu.memory_space<vmem>>, vector<1x64x128xf32>
    %get3A_53 = vector.shape_cast %get3A_52 : vector<1x64x128xf32> to vector<64x128xf32>
    %get3A_54 = arith.constant 1 : index
    %get3A_55 = arith.constant 0 : index
    %get3A_56 = arith.constant 0 : index
    %get3A_57 = vector.load %arg2[%get3A_54, %get3A_55, %get3A_56] : memref<8x64x1xf32, #tpu.memory_space<vmem>>, vector<1x64x1xf32>
    %get3A_58 = vector.shape_cast %get3A_57 : vector<1x64x1xf32> to vector<64x1xf32>
    %mul3A_59 = vector.broadcast %get3A_58 : vector<64x1xf32> to vector<64x128xf32>
    %mul3A_60 = arith.mulf %get3A_53, %mul3A_59 : vector<64x128xf32>
    %get3A_61 = arith.constant 0 : index
    %get3A_62 = arith.constant 0 : index
    %get3A_63 = vector.load %arg3[%get3A_61, %get3A_62] : memref<128x128xf32, #tpu.memory_space<vmem>>, vector<128x128xf32>
    %dot_general3A_64 = arith.constant dense<0.000000e+00> : vector<64x128xf32>
    %dot_general3A_65 = tpu.matmul %mul3A_60, %get3A_63, %dot_general3A_64 {dimension_numbers = #tpu.dot_dimension_numbers<[1], [0], [0], [1], [0, 0, 1, 1], [], []>, transpose_lhs_hint = false} : vector<64x128xf32>, vector<128x128xf32>, vector<64x128xf32> -> vector<64x128xf32>
    %get3A_66 = arith.constant 0 : index
    %get3A_67 = arith.constant 0 : index
    %get3A_68 = vector.load %arg4[%get3A_66, %get3A_67] : memref<1x128xf32, #tpu.memory_space<vmem>>, vector<1x128xf32>
    %add3A_69 = vector.broadcast %get3A_68 : vector<1x128xf32> to vector<64x128xf32>
    %add3A_70 = arith.addf %dot_general3A_65, %add3A_69 : vector<64x128xf32>
    %tanh3A_71 = math.tanh %add3A_70 : vector<64x128xf32>
    %get3A_72 = arith.constant 0 : index
    %get3A_73 = arith.constant 0 : index
    %get3A_74 = vector.load %arg5[%get3A_72, %get3A_73] : memref<128x1xf32, #tpu.memory_space<vmem>>, vector<128x1xf32>
    %dot_general3A_75 = arith.constant dense<0.000000e+00> : vector<64x1xf32>
    %dot_general3A_76 = tpu.matmul %tanh3A_71, %get3A_74, %dot_general3A_75 {dimension_numbers = #tpu.dot_dimension_numbers<[1], [0], [0], [1], [0, 0, 1, 1], [], []>, transpose_lhs_hint = false} : vector<64x128xf32>, vector<128x1xf32>, vector<64x1xf32> -> vector<64x1xf32>
    %get3A_77 = arith.constant 0 : index
    %get3A_78 = arith.constant 0 : index
    %get3A_79 = vector.load %arg6[%get3A_77, %get3A_78] : memref<1x1xf32, #tpu.memory_space<vmem>>, vector<1x1xf32>
    %add3A_80 = vector.broadcast %get3A_79 : vector<1x1xf32> to vector<64x1xf32>
    %add3A_81 = arith.addf %dot_general3A_76, %add3A_80 : vector<64x1xf32>
    %reduce_max3A_82 = arith.constant dense<0xFF800000> : vector<1xf32>
    %reduce_max3A_83 = vector.multi_reduction <maximumf>, %add3A_81, %reduce_max3A_82 [0] : vector<64x1xf32> to vector<1xf32>
    %broadcast_in_dim3A_84 = vector.shape_cast %reduce_max3A_83 : vector<1xf32> to vector<1x1xf32>
    %sub3A_85 = vector.broadcast %broadcast_in_dim3A_84 : vector<1x1xf32> to vector<64x1xf32>
    %sub3A_86 = arith.subf %add3A_81, %sub3A_85 : vector<64x1xf32>
    %exp3A_87 = math.exp %sub3A_86 : vector<64x1xf32>
    %reduce_sum3A_88 = arith.constant dense<0.000000e+00> : vector<1xf32>
    %reduce_sum3A_89 = vector.multi_reduction <add>, %exp3A_87, %reduce_sum3A_88 [0] : vector<64x1xf32> to vector<1xf32>
    %broadcast_in_dim3A_90 = vector.shape_cast %reduce_sum3A_89 : vector<1xf32> to vector<1x1xf32>
    %div3A_91 = vector.broadcast %broadcast_in_dim3A_90 : vector<1x1xf32> to vector<64x1xf32>
    %div3A_92 = arith.divf %exp3A_87, %div3A_91 : vector<64x1xf32>
    %mul3A_93 = vector.broadcast %div3A_92 : vector<64x1xf32> to vector<64x128xf32>
    %mul3A_94 = arith.mulf %mul3A_93, %mul3A_60 : vector<64x128xf32>
    %reduce_sum3A_95 = arith.constant dense<0.000000e+00> : vector<128xf32>
    %reduce_sum3A_96 = vector.multi_reduction <add>, %mul3A_94, %reduce_sum3A_95 [0] : vector<64x128xf32> to vector<128xf32>
    %broadcast_in_dim3A_97 = vector.shape_cast %reduce_sum3A_96 : vector<128xf32> to vector<1x128xf32>
    %get3A_98 = arith.constant 0 : index
    %get3A_99 = arith.constant 0 : index
    %get3A_100 = vector.load %arg7[%get3A_98, %get3A_99] : memref<128x20xf32, #tpu.memory_space<vmem>>, vector<128x20xf32>
    %dot_general3A_101 = arith.constant dense<0.000000e+00> : vector<1x20xf32>
    %dot_general3A_102 = tpu.matmul %broadcast_in_dim3A_97, %get3A_100, %dot_general3A_101 {dimension_numbers = #tpu.dot_dimension_numbers<[1], [0], [0], [1], [0, 0, 1, 1], [], []>, transpose_lhs_hint = false} : vector<1x128xf32>, vector<128x20xf32>, vector<1x20xf32> -> vector<1x20xf32>
    %get3A_103 = arith.constant 0 : index
    %get3A_104 = arith.constant 0 : index
    %get3A_105 = vector.load %arg8[%get3A_103, %get3A_104] : memref<1x20xf32, #tpu.memory_space<vmem>>, vector<1x20xf32>
    %add3A_106 = arith.addf %dot_general3A_102, %get3A_105 : vector<1x20xf32>
    %swap3A_107 = arith.constant 1 : index
    %swap3A_108 = arith.constant 0 : index
    %swap3A_109 = vector.load %arg9[%swap3A_107, %swap3A_108] : memref<8x20xf32, #tpu.memory_space<vmem>>, vector<1x20xf32>
    tpu.vector_store %arg9[%swap3A_107, %swap3A_108], %add3A_106 {strides = array<i32>} : memref<8x20xf32, #tpu.memory_space<vmem>>, vector<1x20xf32>,
    %get3A_110 = arith.constant 2 : index
    %get3A_111 = arith.constant 0 : index
    %get3A_112 = arith.constant 0 : index
    %get3A_113 = vector.load %arg1[%get3A_110, %get3A_111, %get3A_112] : memref<8x64x128xf32, #tpu.memory_space<vmem>>, vector<1x64x128xf32>
    %get3A_114 = vector.shape_cast %get3A_113 : vector<1x64x128xf32> to vector<64x128xf32>
    %get3A_115 = arith.constant 2 : index
    %get3A_116 = arith.constant 0 : index
    %get3A_117 = arith.constant 0 : index
    %get3A_118 = vector.load %arg2[%get3A_115, %get3A_116, %get3A_117] : memref<8x64x1xf32, #tpu.memory_space<vmem>>, vector<1x64x1xf32>
    %get3A_119 = vector.shape_cast %get3A_118 : vector<1x64x1xf32> to vector<64x1xf32>
    %mul3A_120 = vector.broadcast %get3A_119 : vector<64x1xf32> to vector<64x128xf32>
    %mul3A_121 = arith.mulf %get3A_114, %mul3A_120 : vector<64x128xf32>
    %get3A_122 = arith.constant 0 : index
    %get3A_123 = arith.constant 0 : index
    %get3A_124 = vector.load %arg3[%get3A_122, %get3A_123] : memref<128x128xf32, #tpu.memory_space<vmem>>, vector<128x128xf32>
    %dot_general3A_125 = arith.constant dense<0.000000e+00> : vector<64x128xf32>
    %dot_general3A_126 = tpu.matmul %mul3A_121, %get3A_124, %dot_general3A_125 {dimension_numbers = #tpu.dot_dimension_numbers<[1], [0], [0], [1], [0, 0, 1, 1], [], []>, transpose_lhs_hint = false} : vector<64x128xf32>, vector<128x128xf32>, vector<64x128xf32> -> vector<64x128xf32>
    %get3A_127 = arith.constant 0 : index
    %get3A_128 = arith.constant 0 : index
    %get3A_129 = vector.load %arg4[%get3A_127, %get3A_128] : memref<1x128xf32, #tpu.memory_space<vmem>>, vector<1x128xf32>
    %add3A_130 = vector.broadcast %get3A_129 : vector<1x128xf32> to vector<64x128xf32>
    %add3A_131 = arith.addf %dot_general3A_126, %add3A_130 : vector<64x128xf32>
    %tanh3A_132 = math.tanh %add3A_131 : vector<64x128xf32>
    %get3A_133 = arith.constant 0 : index
    %get3A_134 = arith.constant 0 : index
    %get3A_135 = vector.load %arg5[%get3A_133, %get3A_134] : memref<128x1xf32, #tpu.memory_space<vmem>>, vector<128x1xf32>
    %dot_general3A_136 = arith.constant dense<0.000000e+00> : vector<64x1xf32>
    %dot_general3A_137 = tpu.matmul %tanh3A_132, %get3A_135, %dot_general3A_136 {dimension_numbers = #tpu.dot_dimension_numbers<[1], [0], [0], [1], [0, 0, 1, 1], [], []>, transpose_lhs_hint = false} : vector<64x128xf32>, vector<128x1xf32>, vector<64x1xf32> -> vector<64x1xf32>
    %get3A_138 = arith.constant 0 : index
    %get3A_139 = arith.constant 0 : index
    %get3A_140 = vector.load %arg6[%get3A_138, %get3A_139] : memref<1x1xf32, #tpu.memory_space<vmem>>, vector<1x1xf32>
    %add3A_141 = vector.broadcast %get3A_140 : vector<1x1xf32> to vector<64x1xf32>
    %add3A_142 = arith.addf %dot_general3A_137, %add3A_141 : vector<64x1xf32>
    %reduce_max3A_143 = arith.constant dense<0xFF800000> : vector<1xf32>
    %reduce_max3A_144 = vector.multi_reduction <maximumf>, %add3A_142, %reduce_max3A_143 [0] : vector<64x1xf32> to vector<1xf32>
    %broadcast_in_dim3A_145 = vector.shape_cast %reduce_max3A_144 : vector<1xf32> to vector<1x1xf32>
    %sub3A_146 = vector.broadcast %broadcast_in_dim3A_145 : vector<1x1xf32> to vector<64x1xf32>
    %sub3A_147 = arith.subf %add3A_142, %sub3A_146 : vector<64x1xf32>
    %exp3A_148 = math.exp %sub3A_147 : vector<64x1xf32>
    %reduce_sum3A_149 = arith.constant dense<0.000000e+00> : vector<1xf32>
    %reduce_sum3A_150 = vector.multi_reduction <add>, %exp3A_148, %reduce_sum3A_149 [0] : vector<64x1xf32> to vector<1xf32>
    %broadcast_in_dim3A_151 = vector.shape_cast %reduce_sum3A_150 : vector<1xf32> to vector<1x1xf32>
    %div3A_152 = vector.broadcast %broadcast_in_dim3A_151 : vector<1x1xf32> to vector<64x1xf32>
    %div3A_153 = arith.divf %exp3A_148, %div3A_152 : vector<64x1xf32>
    %mul3A_154 = vector.broadcast %div3A_153 : vector<64x1xf32> to vector<64x128xf32>
    %mul3A_155 = arith.mulf %mul3A_154, %mul3A_121 : vector<64x128xf32>
    %reduce_sum3A_156 = arith.constant dense<0.000000e+00> : vector<128xf32>
    %reduce_sum3A_157 = vector.multi_reduction <add>, %mul3A_155, %reduce_sum3A_156 [0] : vector<64x128xf32> to vector<128xf32>
    %broadcast_in_dim3A_158 = vector.shape_cast %reduce_sum3A_157 : vector<128xf32> to vector<1x128xf32>
    %get3A_159 = arith.constant 0 : index
    %get3A_160 = arith.constant 0 : index
    %get3A_161 = vector.load %arg7[%get3A_159, %get3A_160] : memref<128x20xf32, #tpu.memory_space<vmem>>, vector<128x20xf32>
    %dot_general3A_162 = arith.constant dense<0.000000e+00> : vector<1x20xf32>
    %dot_general3A_163 = tpu.matmul %broadcast_in_dim3A_158, %get3A_161, %dot_general3A_162 {dimension_numbers = #tpu.dot_dimension_numbers<[1], [0], [0], [1], [0, 0, 1, 1], [], []>, transpose_lhs_hint = false} : vector<1x128xf32>, vector<128x20xf32>, vector<1x20xf32> -> vector<1x20xf32>
    %get3A_164 = arith.constant 0 : index
    %get3A_165 = arith.constant 0 : index
    %get3A_166 = vector.load %arg8[%get3A_164, %get3A_165] : memref<1x20xf32, #tpu.memory_space<vmem>>, vector<1x20xf32>
    %add3A_167 = arith.addf %dot_general3A_163, %get3A_166 : vector<1x20xf32>
    %swap3A_168 = arith.constant 2 : index
    %swap3A_169 = arith.constant 0 : index
    %swap3A_170 = vector.load %arg9[%swap3A_168, %swap3A_169] : memref<8x20xf32, #tpu.memory_space<vmem>>, vector<1x20xf32>
    tpu.vector_store %arg9[%swap3A_168, %swap3A_169], %add3A_167 {strides = array<i32>} : memref<8x20xf32, #tpu.memory_space<vmem>>, vector<1x20xf32>,
    %get3A_171 = arith.constant 3 : index
    %get3A_172 = arith.constant 0 : index
    %get3A_173 = arith.constant 0 : index
    %get3A_174 = vector.load %arg1[%get3A_171, %get3A_172, %get3A_173] : memref<8x64x128xf32, #tpu.memory_space<vmem>>, vector<1x64x128xf32>
    %get3A_175 = vector.shape_cast %get3A_174 : vector<1x64x128xf32> to vector<64x128xf32>
    %get3A_176 = arith.constant 3 : index
    %get3A_177 = arith.constant 0 : index
    %get3A_178 = arith.constant 0 : index
    %get3A_179 = vector.load %arg2[%get3A_176, %get3A_177, %get3A_178] : memref<8x64x1xf32, #tpu.memory_space<vmem>>, vector<1x64x1xf32>
    %get3A_180 = vector.shape_cast %get3A_179 : vector<1x64x1xf32> to vector<64x1xf32>
    %mul3A_181 = vector.broadcast %get3A_180 : vector<64x1xf32> to vector<64x128xf32>
    %mul3A_182 = arith.mulf %get3A_175, %mul3A_181 : vector<64x128xf32>
    %get3A_183 = arith.constant 0 : index
    %get3A_184 = arith.constant 0 : index
    %get3A_185 = vector.load %arg3[%get3A_183, %get3A_184] : memref<128x128xf32, #tpu.memory_space<vmem>>, vector<128x128xf32>
    %dot_general3A_186 = arith.constant dense<0.000000e+00> : vector<64x128xf32>
    %dot_general3A_187 = tpu.matmul %mul3A_182, %get3A_185, %dot_general3A_186 {dimension_numbers = #tpu.dot_dimension_numbers<[1], [0], [0], [1], [0, 0, 1, 1], [], []>, transpose_lhs_hint = false} : vector<64x128xf32>, vector<128x128xf32>, vector<64x128xf32> -> vector<64x128xf32>
    %get3A_188 = arith.constant 0 : index
    %get3A_189 = arith.constant 0 : index
    %get3A_190 = vector.load %arg4[%get3A_188, %get3A_189] : memref<1x128xf32, #tpu.memory_space<vmem>>, vector<1x128xf32>
    %add3A_191 = vector.broadcast %get3A_190 : vector<1x128xf32> to vector<64x128xf32>
    %add3A_192 = arith.addf %dot_general3A_187, %add3A_191 : vector<64x128xf32>
    %tanh3A_193 = math.tanh %add3A_192 : vector<64x128xf32>
    %get3A_194 = arith.constant 0 : index
    %get3A_195 = arith.constant 0 : index
    %get3A_196 = vector.load %arg5[%get3A_194, %get3A_195] : memref<128x1xf32, #tpu.memory_space<vmem>>, vector<128x1xf32>
    %dot_general3A_197 = arith.constant dense<0.000000e+00> : vector<64x1xf32>
    %dot_general3A_198 = tpu.matmul %tanh3A_193, %get3A_196, %dot_general3A_197 {dimension_numbers = #tpu.dot_dimension_numbers<[1], [0], [0], [1], [0, 0, 1, 1], [], []>, transpose_lhs_hint = false} : vector<64x128xf32>, vector<128x1xf32>, vector<64x1xf32> -> vector<64x1xf32>
    %get3A_199 = arith.constant 0 : index
    %get3A_200 = arith.constant 0 : index
    %get3A_201 = vector.load %arg6[%get3A_199, %get3A_200] : memref<1x1xf32, #tpu.memory_space<vmem>>, vector<1x1xf32>
    %add3A_202 = vector.broadcast %get3A_201 : vector<1x1xf32> to vector<64x1xf32>
    %add3A_203 = arith.addf %dot_general3A_198, %add3A_202 : vector<64x1xf32>
    %reduce_max3A_204 = arith.constant dense<0xFF800000> : vector<1xf32>
    %reduce_max3A_205 = vector.multi_reduction <maximumf>, %add3A_203, %reduce_max3A_204 [0] : vector<64x1xf32> to vector<1xf32>
    %broadcast_in_dim3A_206 = vector.shape_cast %reduce_max3A_205 : vector<1xf32> to vector<1x1xf32>
    %sub3A_207 = vector.broadcast %broadcast_in_dim3A_206 : vector<1x1xf32> to vector<64x1xf32>
    %sub3A_208 = arith.subf %add3A_203, %sub3A_207 : vector<64x1xf32>
    %exp3A_209 = math.exp %sub3A_208 : vector<64x1xf32>
    %reduce_sum3A_210 = arith.constant dense<0.000000e+00> : vector<1xf32>
    %reduce_sum3A_211 = vector.multi_reduction <add>, %exp3A_209, %reduce_sum3A_210 [0] : vector<64x1xf32> to vector<1xf32>
    %broadcast_in_dim3A_212 = vector.shape_cast %reduce_sum3A_211 : vector<1xf32> to vector<1x1xf32>
    %div3A_213 = vector.broadcast %broadcast_in_dim3A_212 : vector<1x1xf32> to vector<64x1xf32>
    %div3A_214 = arith.divf %exp3A_209, %div3A_213 : vector<64x1xf32>
    %mul3A_215 = vector.broadcast %div3A_214 : vector<64x1xf32> to vector<64x128xf32>
    %mul3A_216 = arith.mulf %mul3A_215, %mul3A_182 : vector<64x128xf32>
    %reduce_sum3A_217 = arith.constant dense<0.000000e+00> : vector<128xf32>
    %reduce_sum3A_218 = vector.multi_reduction <add>, %mul3A_216, %reduce_sum3A_217 [0] : vector<64x128xf32> to vector<128xf32>
    %broadcast_in_dim3A_219 = vector.shape_cast %reduce_sum3A_218 : vector<128xf32> to vector<1x128xf32>
    %get3A_220 = arith.constant 0 : index
    %get3A_221 = arith.constant 0 : index
    %get3A_222 = vector.load %arg7[%get3A_220, %get3A_221] : memref<128x20xf32, #tpu.memory_space<vmem>>, vector<128x20xf32>
    %dot_general3A_223 = arith.constant dense<0.000000e+00> : vector<1x20xf32>
    %dot_general3A_224 = tpu.matmul %broadcast_in_dim3A_219, %get3A_222, %dot_general3A_223 {dimension_numbers = #tpu.dot_dimension_numbers<[1], [0], [0], [1], [0, 0, 1, 1], [], []>, transpose_lhs_hint = false} : vector<1x128xf32>, vector<128x20xf32>, vector<1x20xf32> -> vector<1x20xf32>
    %get3A_225 = arith.constant 0 : index
    %get3A_226 = arith.constant 0 : index
    %get3A_227 = vector.load %arg8[%get3A_225, %get3A_226] : memref<1x20xf32, #tpu.memory_space<vmem>>, vector<1x20xf32>
    %add3A_228 = arith.addf %dot_general3A_224, %get3A_227 : vector<1x20xf32>
    %swap3A_229 = arith.constant 3 : index
    %swap3A_230 = arith.constant 0 : index
    %swap3A_231 = vector.load %arg9[%swap3A_229, %swap3A_230] : memref<8x20xf32, #tpu.memory_space<vmem>>, vector<1x20xf32>
    tpu.vector_store %arg9[%swap3A_229, %swap3A_230], %add3A_228 {strides = array<i32>} : memref<8x20xf32, #tpu.memory_space<vmem>>, vector<1x20xf32>,
    %get3A_232 = arith.constant 4 : index
    %get3A_233 = arith.constant 0 : index
    %get3A_234 = arith.constant 0 : index
    %get3A_235 = vector.load %arg1[%get3A_232, %get3A_233, %get3A_234] : memref<8x64x128xf32, #tpu.memory_space<vmem>>, vector<1x64x128xf32>
    %get3A_236 = vector.shape_cast %get3A_235 : vector<1x64x128xf32> to vector<64x128xf32>
    %get3A_237 = arith.constant 4 : index
    %get3A_238 = arith.constant 0 : index
    %get3A_239 = arith.constant 0 : index
    %get3A_240 = vector.load %arg2[%get3A_237, %get3A_238, %get3A_239] : memref<8x64x1xf32, #tpu.memory_space<vmem>>, vector<1x64x1xf32>
    %get3A_241 = vector.shape_cast %get3A_240 : vector<1x64x1xf32> to vector<64x1xf32>
    %mul3A_242 = vector.broadcast %get3A_241 : vector<64x1xf32> to vector<64x128xf32>
    %mul3A_243 = arith.mulf %get3A_236, %mul3A_242 : vector<64x128xf32>
    %get3A_244 = arith.constant 0 : index
    %get3A_245 = arith.constant 0 : index
    %get3A_246 = vector.load %arg3[%get3A_244, %get3A_245] : memref<128x128xf32, #tpu.memory_space<vmem>>, vector<128x128xf32>
    %dot_general3A_247 = arith.constant dense<0.000000e+00> : vector<64x128xf32>
    %dot_general3A_248 = tpu.matmul %mul3A_243, %get3A_246, %dot_general3A_247 {dimension_numbers = #tpu.dot_dimension_numbers<[1], [0], [0], [1], [0, 0, 1, 1], [], []>, transpose_lhs_hint = false} : vector<64x128xf32>, vector<128x128xf32>, vector<64x128xf32> -> vector<64x128xf32>
    %get3A_249 = arith.constant 0 : index
    %get3A_250 = arith.constant 0 : index
    %get3A_251 = vector.load %arg4[%get3A_249, %get3A_250] : memref<1x128xf32, #tpu.memory_space<vmem>>, vector<1x128xf32>
    %add3A_252 = vector.broadcast %get3A_251 : vector<1x128xf32> to vector<64x128xf32>
    %add3A_253 = arith.addf %dot_general3A_248, %add3A_252 : vector<64x128xf32>
    %tanh3A_254 = math.tanh %add3A_253 : vector<64x128xf32>
    %get3A_255 = arith.constant 0 : index
    %get3A_256 = arith.constant 0 : index
    %get3A_257 = vector.load %arg5[%get3A_255, %get3A_256] : memref<128x1xf32, #tpu.memory_space<vmem>>, vector<128x1xf32>
    %dot_general3A_258 = arith.constant dense<0.000000e+00> : vector<64x1xf32>
    %dot_general3A_259 = tpu.matmul %tanh3A_254, %get3A_257, %dot_general3A_258 {dimension_numbers = #tpu.dot_dimension_numbers<[1], [0], [0], [1], [0, 0, 1, 1], [], []>, transpose_lhs_hint = false} : vector<64x128xf32>, vector<128x1xf32>, vector<64x1xf32> -> vector<64x1xf32>
    %get3A_260 = arith.constant 0 : index
    %get3A_261 = arith.constant 0 : index
    %get3A_262 = vector.load %arg6[%get3A_260, %get3A_261] : memref<1x1xf32, #tpu.memory_space<vmem>>, vector<1x1xf32>
    %add3A_263 = vector.broadcast %get3A_262 : vector<1x1xf32> to vector<64x1xf32>
    %add3A_264 = arith.addf %dot_general3A_259, %add3A_263 : vector<64x1xf32>
    %reduce_max3A_265 = arith.constant dense<0xFF800000> : vector<1xf32>
    %reduce_max3A_266 = vector.multi_reduction <maximumf>, %add3A_264, %reduce_max3A_265 [0] : vector<64x1xf32> to vector<1xf32>
    %broadcast_in_dim3A_267 = vector.shape_cast %reduce_max3A_266 : vector<1xf32> to vector<1x1xf32>
    %sub3A_268 = vector.broadcast %broadcast_in_dim3A_267 : vector<1x1xf32> to vector<64x1xf32>
    %sub3A_269 = arith.subf %add3A_264, %sub3A_268 : vector<64x1xf32>
    %exp3A_270 = math.exp %sub3A_269 : vector<64x1xf32>
    %reduce_sum3A_271 = arith.constant dense<0.000000e+00> : vector<1xf32>
    %reduce_sum3A_272 = vector.multi_reduction <add>, %exp3A_270, %reduce_sum3A_271 [0] : vector<64x1xf32> to vector<1xf32>
    %broadcast_in_dim3A_273 = vector.shape_cast %reduce_sum3A_272 : vector<1xf32> to vector<1x1xf32>
    %div3A_274 = vector.broadcast %broadcast_in_dim3A_273 : vector<1x1xf32> to vector<64x1xf32>
    %div3A_275 = arith.divf %exp3A_270, %div3A_274 : vector<64x1xf32>
    %mul3A_276 = vector.broadcast %div3A_275 : vector<64x1xf32> to vector<64x128xf32>
    %mul3A_277 = arith.mulf %mul3A_276, %mul3A_243 : vector<64x128xf32>
    %reduce_sum3A_278 = arith.constant dense<0.000000e+00> : vector<128xf32>
    %reduce_sum3A_279 = vector.multi_reduction <add>, %mul3A_277, %reduce_sum3A_278 [0] : vector<64x128xf32> to vector<128xf32>
    %broadcast_in_dim3A_280 = vector.shape_cast %reduce_sum3A_279 : vector<128xf32> to vector<1x128xf32>
    %get3A_281 = arith.constant 0 : index
    %get3A_282 = arith.constant 0 : index
    %get3A_283 = vector.load %arg7[%get3A_281, %get3A_282] : memref<128x20xf32, #tpu.memory_space<vmem>>, vector<128x20xf32>
    %dot_general3A_284 = arith.constant dense<0.000000e+00> : vector<1x20xf32>
    %dot_general3A_285 = tpu.matmul %broadcast_in_dim3A_280, %get3A_283, %dot_general3A_284 {dimension_numbers = #tpu.dot_dimension_numbers<[1], [0], [0], [1], [0, 0, 1, 1], [], []>, transpose_lhs_hint = false} : vector<1x128xf32>, vector<128x20xf32>, vector<1x20xf32> -> vector<1x20xf32>
    %get3A_286 = arith.constant 0 : index
    %get3A_287 = arith.constant 0 : index
    %get3A_288 = vector.load %arg8[%get3A_286, %get3A_287] : memref<1x20xf32, #tpu.memory_space<vmem>>, vector<1x20xf32>
    %add3A_289 = arith.addf %dot_general3A_285, %get3A_288 : vector<1x20xf32>
    %swap3A_290 = arith.constant 4 : index
    %swap3A_291 = arith.constant 0 : index
    %swap3A_292 = vector.load %arg9[%swap3A_290, %swap3A_291] : memref<8x20xf32, #tpu.memory_space<vmem>>, vector<1x20xf32>
    tpu.vector_store %arg9[%swap3A_290, %swap3A_291], %add3A_289 {strides = array<i32>} : memref<8x20xf32, #tpu.memory_space<vmem>>, vector<1x20xf32>,
    %get3A_293 = arith.constant 5 : index
    %get3A_294 = arith.constant 0 : index
    %get3A_295 = arith.constant 0 : index
    %get3A_296 = vector.load %arg1[%get3A_293, %get3A_294, %get3A_295] : memref<8x64x128xf32, #tpu.memory_space<vmem>>, vector<1x64x128xf32>
    %get3A_297 = vector.shape_cast %get3A_296 : vector<1x64x128xf32> to vector<64x128xf32>
    %get3A_298 = arith.constant 5 : index
    %get3A_299 = arith.constant 0 : index
    %get3A_300 = arith.constant 0 : index
    %get3A_301 = vector.load %arg2[%get3A_298, %get3A_299, %get3A_300] : memref<8x64x1xf32, #tpu.memory_space<vmem>>, vector<1x64x1xf32>
    %get3A_302 = vector.shape_cast %get3A_301 : vector<1x64x1xf32> to vector<64x1xf32>
    %mul3A_303 = vector.broadcast %get3A_302 : vector<64x1xf32> to vector<64x128xf32>
    %mul3A_304 = arith.mulf %get3A_297, %mul3A_303 : vector<64x128xf32>
    %get3A_305 = arith.constant 0 : index
    %get3A_306 = arith.constant 0 : index
    %get3A_307 = vector.load %arg3[%get3A_305, %get3A_306] : memref<128x128xf32, #tpu.memory_space<vmem>>, vector<128x128xf32>
    %dot_general3A_308 = arith.constant dense<0.000000e+00> : vector<64x128xf32>
    %dot_general3A_309 = tpu.matmul %mul3A_304, %get3A_307, %dot_general3A_308 {dimension_numbers = #tpu.dot_dimension_numbers<[1], [0], [0], [1], [0, 0, 1, 1], [], []>, transpose_lhs_hint = false} : vector<64x128xf32>, vector<128x128xf32>, vector<64x128xf32> -> vector<64x128xf32>
    %get3A_310 = arith.constant 0 : index
    %get3A_311 = arith.constant 0 : index
    %get3A_312 = vector.load %arg4[%get3A_310, %get3A_311] : memref<1x128xf32, #tpu.memory_space<vmem>>, vector<1x128xf32>
    %add3A_313 = vector.broadcast %get3A_312 : vector<1x128xf32> to vector<64x128xf32>
    %add3A_314 = arith.addf %dot_general3A_309, %add3A_313 : vector<64x128xf32>
    %tanh3A_315 = math.tanh %add3A_314 : vector<64x128xf32>
    %get3A_316 = arith.constant 0 : index
    %get3A_317 = arith.constant 0 : index
    %get3A_318 = vector.load %arg5[%get3A_316, %get3A_317] : memref<128x1xf32, #tpu.memory_space<vmem>>, vector<128x1xf32>
    %dot_general3A_319 = arith.constant dense<0.000000e+00> : vector<64x1xf32>
    %dot_general3A_320 = tpu.matmul %tanh3A_315, %get3A_318, %dot_general3A_319 {dimension_numbers = #tpu.dot_dimension_numbers<[1], [0], [0], [1], [0, 0, 1, 1], [], []>, transpose_lhs_hint = false} : vector<64x128xf32>, vector<128x1xf32>, vector<64x1xf32> -> vector<64x1xf32>
    %get3A_321 = arith.constant 0 : index
    %get3A_322 = arith.constant 0 : index
    %get3A_323 = vector.load %arg6[%get3A_321, %get3A_322] : memref<1x1xf32, #tpu.memory_space<vmem>>, vector<1x1xf32>
    %add3A_324 = vector.broadcast %get3A_323 : vector<1x1xf32> to vector<64x1xf32>
    %add3A_325 = arith.addf %dot_general3A_320, %add3A_324 : vector<64x1xf32>
    %reduce_max3A_326 = arith.constant dense<0xFF800000> : vector<1xf32>
    %reduce_max3A_327 = vector.multi_reduction <maximumf>, %add3A_325, %reduce_max3A_326 [0] : vector<64x1xf32> to vector<1xf32>
    %broadcast_in_dim3A_328 = vector.shape_cast %reduce_max3A_327 : vector<1xf32> to vector<1x1xf32>
    %sub3A_329 = vector.broadcast %broadcast_in_dim3A_328 : vector<1x1xf32> to vector<64x1xf32>
    %sub3A_330 = arith.subf %add3A_325, %sub3A_329 : vector<64x1xf32>
    %exp3A_331 = math.exp %sub3A_330 : vector<64x1xf32>
    %reduce_sum3A_332 = arith.constant dense<0.000000e+00> : vector<1xf32>
    %reduce_sum3A_333 = vector.multi_reduction <add>, %exp3A_331, %reduce_sum3A_332 [0] : vector<64x1xf32> to vector<1xf32>
    %broadcast_in_dim3A_334 = vector.shape_cast %reduce_sum3A_333 : vector<1xf32> to vector<1x1xf32>
    %div3A_335 = vector.broadcast %broadcast_in_dim3A_334 : vector<1x1xf32> to vector<64x1xf32>
    %div3A_336 = arith.divf %exp3A_331, %div3A_335 : vector<64x1xf32>
    %mul3A_337 = vector.broadcast %div3A_336 : vector<64x1xf32> to vector<64x128xf32>
    %mul3A_338 = arith.mulf %mul3A_337, %mul3A_304 : vector<64x128xf32>
    %reduce_sum3A_339 = arith.constant dense<0.000000e+00> : vector<128xf32>
    %reduce_sum3A_340 = vector.multi_reduction <add>, %mul3A_338, %reduce_sum3A_339 [0] : vector<64x128xf32> to vector<128xf32>
    %broadcast_in_dim3A_341 = vector.shape_cast %reduce_sum3A_340 : vector<128xf32> to vector<1x128xf32>
    %get3A_342 = arith.constant 0 : index
    %get3A_343 = arith.constant 0 : index
    %get3A_344 = vector.load %arg7[%get3A_342, %get3A_343] : memref<128x20xf32, #tpu.memory_space<vmem>>, vector<128x20xf32>
    %dot_general3A_345 = arith.constant dense<0.000000e+00> : vector<1x20xf32>
    %dot_general3A_346 = tpu.matmul %broadcast_in_dim3A_341, %get3A_344, %dot_general3A_345 {dimension_numbers = #tpu.dot_dimension_numbers<[1], [0], [0], [1], [0, 0, 1, 1], [], []>, transpose_lhs_hint = false} : vector<1x128xf32>, vector<128x20xf32>, vector<1x20xf32> -> vector<1x20xf32>
    %get3A_347 = arith.constant 0 : index
    %get3A_348 = arith.constant 0 : index
    %get3A_349 = vector.load %arg8[%get3A_347, %get3A_348] : memref<1x20xf32, #tpu.memory_space<vmem>>, vector<1x20xf32>
    %add3A_350 = arith.addf %dot_general3A_346, %get3A_349 : vector<1x20xf32>
    %swap3A_351 = arith.constant 5 : index
    %swap3A_352 = arith.constant 0 : index
    %swap3A_353 = vector.load %arg9[%swap3A_351, %swap3A_352] : memref<8x20xf32, #tpu.memory_space<vmem>>, vector<1x20xf32>
    tpu.vector_store %arg9[%swap3A_351, %swap3A_352], %add3A_350 {strides = array<i32>} : memref<8x20xf32, #tpu.memory_space<vmem>>, vector<1x20xf32>,
    %get3A_354 = arith.constant 6 : index
    %get3A_355 = arith.constant 0 : index
    %get3A_356 = arith.constant 0 : index
    %get3A_357 = vector.load %arg1[%get3A_354, %get3A_355, %get3A_356] : memref<8x64x128xf32, #tpu.memory_space<vmem>>, vector<1x64x128xf32>
    %get3A_358 = vector.shape_cast %get3A_357 : vector<1x64x128xf32> to vector<64x128xf32>
    %get3A_359 = arith.constant 6 : index
    %get3A_360 = arith.constant 0 : index
    %get3A_361 = arith.constant 0 : index
    %get3A_362 = vector.load %arg2[%get3A_359, %get3A_360, %get3A_361] : memref<8x64x1xf32, #tpu.memory_space<vmem>>, vector<1x64x1xf32>
    %get3A_363 = vector.shape_cast %get3A_362 : vector<1x64x1xf32> to vector<64x1xf32>
    %mul3A_364 = vector.broadcast %get3A_363 : vector<64x1xf32> to vector<64x128xf32>
    %mul3A_365 = arith.mulf %get3A_358, %mul3A_364 : vector<64x128xf32>
    %get3A_366 = arith.constant 0 : index
    %get3A_367 = arith.constant 0 : index
    %get3A_368 = vector.load %arg3[%get3A_366, %get3A_367] : memref<128x128xf32, #tpu.memory_space<vmem>>, vector<128x128xf32>
    %dot_general3A_369 = arith.constant dense<0.000000e+00> : vector<64x128xf32>
    %dot_general3A_370 = tpu.matmul %mul3A_365, %get3A_368, %dot_general3A_369 {dimension_numbers = #tpu.dot_dimension_numbers<[1], [0], [0], [1], [0, 0, 1, 1], [], []>, transpose_lhs_hint = false} : vector<64x128xf32>, vector<128x128xf32>, vector<64x128xf32> -> vector<64x128xf32>
    %get3A_371 = arith.constant 0 : index
    %get3A_372 = arith.constant 0 : index
    %get3A_373 = vector.load %arg4[%get3A_371, %get3A_372] : memref<1x128xf32, #tpu.memory_space<vmem>>, vector<1x128xf32>
    %add3A_374 = vector.broadcast %get3A_373 : vector<1x128xf32> to vector<64x128xf32>
    %add3A_375 = arith.addf %dot_general3A_370, %add3A_374 : vector<64x128xf32>
    %tanh3A_376 = math.tanh %add3A_375 : vector<64x128xf32>
    %get3A_377 = arith.constant 0 : index
    %get3A_378 = arith.constant 0 : index
    %get3A_379 = vector.load %arg5[%get3A_377, %get3A_378] : memref<128x1xf32, #tpu.memory_space<vmem>>, vector<128x1xf32>
    %dot_general3A_380 = arith.constant dense<0.000000e+00> : vector<64x1xf32>
    %dot_general3A_381 = tpu.matmul %tanh3A_376, %get3A_379, %dot_general3A_380 {dimension_numbers = #tpu.dot_dimension_numbers<[1], [0], [0], [1], [0, 0, 1, 1], [], []>, transpose_lhs_hint = false} : vector<64x128xf32>, vector<128x1xf32>, vector<64x1xf32> -> vector<64x1xf32>
    %get3A_382 = arith.constant 0 : index
    %get3A_383 = arith.constant 0 : index
    %get3A_384 = vector.load %arg6[%get3A_382, %get3A_383] : memref<1x1xf32, #tpu.memory_space<vmem>>, vector<1x1xf32>
    %add3A_385 = vector.broadcast %get3A_384 : vector<1x1xf32> to vector<64x1xf32>
    %add3A_386 = arith.addf %dot_general3A_381, %add3A_385 : vector<64x1xf32>
    %reduce_max3A_387 = arith.constant dense<0xFF800000> : vector<1xf32>
    %reduce_max3A_388 = vector.multi_reduction <maximumf>, %add3A_386, %reduce_max3A_387 [0] : vector<64x1xf32> to vector<1xf32>
    %broadcast_in_dim3A_389 = vector.shape_cast %reduce_max3A_388 : vector<1xf32> to vector<1x1xf32>
    %sub3A_390 = vector.broadcast %broadcast_in_dim3A_389 : vector<1x1xf32> to vector<64x1xf32>
    %sub3A_391 = arith.subf %add3A_386, %sub3A_390 : vector<64x1xf32>
    %exp3A_392 = math.exp %sub3A_391 : vector<64x1xf32>
    %reduce_sum3A_393 = arith.constant dense<0.000000e+00> : vector<1xf32>
    %reduce_sum3A_394 = vector.multi_reduction <add>, %exp3A_392, %reduce_sum3A_393 [0] : vector<64x1xf32> to vector<1xf32>
    %broadcast_in_dim3A_395 = vector.shape_cast %reduce_sum3A_394 : vector<1xf32> to vector<1x1xf32>
    %div3A_396 = vector.broadcast %broadcast_in_dim3A_395 : vector<1x1xf32> to vector<64x1xf32>
    %div3A_397 = arith.divf %exp3A_392, %div3A_396 : vector<64x1xf32>
    %mul3A_398 = vector.broadcast %div3A_397 : vector<64x1xf32> to vector<64x128xf32>
    %mul3A_399 = arith.mulf %mul3A_398, %mul3A_365 : vector<64x128xf32>
    %reduce_sum3A_400 = arith.constant dense<0.000000e+00> : vector<128xf32>
    %reduce_sum3A_401 = vector.multi_reduction <add>, %mul3A_399, %reduce_sum3A_400 [0] : vector<64x128xf32> to vector<128xf32>
    %broadcast_in_dim3A_402 = vector.shape_cast %reduce_sum3A_401 : vector<128xf32> to vector<1x128xf32>
    %get3A_403 = arith.constant 0 : index
    %get3A_404 = arith.constant 0 : index
    %get3A_405 = vector.load %arg7[%get3A_403, %get3A_404] : memref<128x20xf32, #tpu.memory_space<vmem>>, vector<128x20xf32>
    %dot_general3A_406 = arith.constant dense<0.000000e+00> : vector<1x20xf32>
    %dot_general3A_407 = tpu.matmul %broadcast_in_dim3A_402, %get3A_405, %dot_general3A_406 {dimension_numbers = #tpu.dot_dimension_numbers<[1], [0], [0], [1], [0, 0, 1, 1], [], []>, transpose_lhs_hint = false} : vector<1x128xf32>, vector<128x20xf32>, vector<1x20xf32> -> vector<1x20xf32>
    %get3A_408 = arith.constant 0 : index
    %get3A_409 = arith.constant 0 : index
    %get3A_410 = vector.load %arg8[%get3A_408, %get3A_409] : memref<1x20xf32, #tpu.memory_space<vmem>>, vector<1x20xf32>
    %add3A_411 = arith.addf %dot_general3A_407, %get3A_410 : vector<1x20xf32>
    %swap3A_412 = arith.constant 6 : index
    %swap3A_413 = arith.constant 0 : index
    %swap3A_414 = vector.load %arg9[%swap3A_412, %swap3A_413] : memref<8x20xf32, #tpu.memory_space<vmem>>, vector<1x20xf32>
    tpu.vector_store %arg9[%swap3A_412, %swap3A_413], %add3A_411 {strides = array<i32>} : memref<8x20xf32, #tpu.memory_space<vmem>>, vector<1x20xf32>,
    %get3A_415 = arith.constant 7 : index
    %get3A_416 = arith.constant 0 : index
    %get3A_417 = arith.constant 0 : index
    %get3A_418 = vector.load %arg1[%get3A_415, %get3A_416, %get3A_417] : memref<8x64x128xf32, #tpu.memory_space<vmem>>, vector<1x64x128xf32>
    %get3A_419 = vector.shape_cast %get3A_418 : vector<1x64x128xf32> to vector<64x128xf32>
    %get3A_420 = arith.constant 7 : index
    %get3A_421 = arith.constant 0 : index
    %get3A_422 = arith.constant 0 : index
    %get3A_423 = vector.load %arg2[%get3A_420, %get3A_421, %get3A_422] : memref<8x64x1xf32, #tpu.memory_space<vmem>>, vector<1x64x1xf32>
    %get3A_424 = vector.shape_cast %get3A_423 : vector<1x64x1xf32> to vector<64x1xf32>
    %mul3A_425 = vector.broadcast %get3A_424 : vector<64x1xf32> to vector<64x128xf32>
    %mul3A_426 = arith.mulf %get3A_419, %mul3A_425 : vector<64x128xf32>
    %get3A_427 = arith.constant 0 : index
    %get3A_428 = arith.constant 0 : index
    %get3A_429 = vector.load %arg3[%get3A_427, %get3A_428] : memref<128x128xf32, #tpu.memory_space<vmem>>, vector<128x128xf32>
    %dot_general3A_430 = arith.constant dense<0.000000e+00> : vector<64x128xf32>
    %dot_general3A_431 = tpu.matmul %mul3A_426, %get3A_429, %dot_general3A_430 {dimension_numbers = #tpu.dot_dimension_numbers<[1], [0], [0], [1], [0, 0, 1, 1], [], []>, transpose_lhs_hint = false} : vector<64x128xf32>, vector<128x128xf32>, vector<64x128xf32> -> vector<64x128xf32>
    %get3A_432 = arith.constant 0 : index
    %get3A_433 = arith.constant 0 : index
    %get3A_434 = vector.load %arg4[%get3A_432, %get3A_433] : memref<1x128xf32, #tpu.memory_space<vmem>>, vector<1x128xf32>
    %add3A_435 = vector.broadcast %get3A_434 : vector<1x128xf32> to vector<64x128xf32>
    %add3A_436 = arith.addf %dot_general3A_431, %add3A_435 : vector<64x128xf32>
    %tanh3A_437 = math.tanh %add3A_436 : vector<64x128xf32>
    %get3A_438 = arith.constant 0 : index
    %get3A_439 = arith.constant 0 : index
    %get3A_440 = vector.load %arg5[%get3A_438, %get3A_439] : memref<128x1xf32, #tpu.memory_space<vmem>>, vector<128x1xf32>
    %dot_general3A_441 = arith.constant dense<0.000000e+00> : vector<64x1xf32>
    %dot_general3A_442 = tpu.matmul %tanh3A_437, %get3A_440, %dot_general3A_441 {dimension_numbers = #tpu.dot_dimension_numbers<[1], [0], [0], [1], [0, 0, 1, 1], [], []>, transpose_lhs_hint = false} : vector<64x128xf32>, vector<128x1xf32>, vector<64x1xf32> -> vector<64x1xf32>
    %get3A_443 = arith.constant 0 : index
    %get3A_444 = arith.constant 0 : index
    %get3A_445 = vector.load %arg6[%get3A_443, %get3A_444] : memref<1x1xf32, #tpu.memory_space<vmem>>, vector<1x1xf32>
    %add3A_446 = vector.broadcast %get3A_445 : vector<1x1xf32> to vector<64x1xf32>
    %add3A_447 = arith.addf %dot_general3A_442, %add3A_446 : vector<64x1xf32>
    %reduce_max3A_448 = arith.constant dense<0xFF800000> : vector<1xf32>
    %reduce_max3A_449 = vector.multi_reduction <maximumf>, %add3A_447, %reduce_max3A_448 [0] : vector<64x1xf32> to vector<1xf32>
    %broadcast_in_dim3A_450 = vector.shape_cast %reduce_max3A_449 : vector<1xf32> to vector<1x1xf32>
    %sub3A_451 = vector.broadcast %broadcast_in_dim3A_450 : vector<1x1xf32> to vector<64x1xf32>
    %sub3A_452 = arith.subf %add3A_447, %sub3A_451 : vector<64x1xf32>
    %exp3A_453 = math.exp %sub3A_452 : vector<64x1xf32>
    %reduce_sum3A_454 = arith.constant dense<0.000000e+00> : vector<1xf32>
    %reduce_sum3A_455 = vector.multi_reduction <add>, %exp3A_453, %reduce_sum3A_454 [0] : vector<64x1xf32> to vector<1xf32>
    %broadcast_in_dim3A_456 = vector.shape_cast %reduce_sum3A_455 : vector<1xf32> to vector<1x1xf32>
    %div3A_457 = vector.broadcast %broadcast_in_dim3A_456 : vector<1x1xf32> to vector<64x1xf32>
    %div3A_458 = arith.divf %exp3A_453, %div3A_457 : vector<64x1xf32>
    %mul3A_459 = vector.broadcast %div3A_458 : vector<64x1xf32> to vector<64x128xf32>
    %mul3A_460 = arith.mulf %mul3A_459, %mul3A_426 : vector<64x128xf32>
    %reduce_sum3A_461 = arith.constant dense<0.000000e+00> : vector<128xf32>
    %reduce_sum3A_462 = vector.multi_reduction <add>, %mul3A_460, %reduce_sum3A_461 [0] : vector<64x128xf32> to vector<128xf32>
    %broadcast_in_dim3A_463 = vector.shape_cast %reduce_sum3A_462 : vector<128xf32> to vector<1x128xf32>
    %get3A_464 = arith.constant 0 : index
    %get3A_465 = arith.constant 0 : index
    %get3A_466 = vector.load %arg7[%get3A_464, %get3A_465] : memref<128x20xf32, #tpu.memory_space<vmem>>, vector<128x20xf32>
    %dot_general3A_467 = arith.constant dense<0.000000e+00> : vector<1x20xf32>
    %dot_general3A_468 = tpu.matmul %broadcast_in_dim3A_463, %get3A_466, %dot_general3A_467 {dimension_numbers = #tpu.dot_dimension_numbers<[1], [0], [0], [1], [0, 0, 1, 1], [], []>, transpose_lhs_hint = false} : vector<1x128xf32>, vector<128x20xf32>, vector<1x20xf32> -> vector<1x20xf32>
    %get3A_469 = arith.constant 0 : index
    %get3A_470 = arith.constant 0 : index
    %get3A_471 = vector.load %arg8[%get3A_469, %get3A_470] : memref<1x20xf32, #tpu.memory_space<vmem>>, vector<1x20xf32>
    %add3A_472 = arith.addf %dot_general3A_468, %get3A_471 : vector<1x20xf32>
    %swap3A_473 = arith.constant 7 : index
    %swap3A_474 = arith.constant 0 : index
    %swap3A_475 = vector.load %arg9[%swap3A_473, %swap3A_474] : memref<8x20xf32, #tpu.memory_space<vmem>>, vector<1x20xf32>
    tpu.vector_store %arg9[%swap3A_473, %swap3A_474], %add3A_472 {strides = array<i32>} : memref<8x20xf32, #tpu.memory_space<vmem>>, vector<1x20xf32>,
    return
  }
  func.func @transform_0(%arg0: i32) -> (i32, i32, i32) {
    %c0_i32 = arith.constant 0 : i32
    %c0_i32_0 = arith.constant 0 : i32
    %c0_i32_1 = arith.constant 0 : i32
    return %arg0, %c0_i32, %c0_i32_0 : i32, i32, i32
  }
  func.func @transform_1(%arg0: i32) -> (i32, i32, i32) {
    %c0_i32 = arith.constant 0 : i32
    %c0_i32_0 = arith.constant 0 : i32
    %c0_i32_1 = arith.constant 0 : i32
    return %arg0, %c0_i32, %c0_i32_0 : i32, i32, i32
  }
  func.func @transform_2(%arg0: i32) -> (i32, i32) {
    %c0_i32 = arith.constant 0 : i32
    %c0_i32_0 = arith.constant 0 : i32
    %c0_i32_1 = arith.constant 0 : i32
    return %c0_i32, %c0_i32_0 : i32, i32
  }
  func.func @transform_3(%arg0: i32) -> (i32, i32) {
    %c0_i32 = arith.constant 0 : i32
    %c0_i32_0 = arith.constant 0 : i32
    %c0_i32_1 = arith.constant 0 : i32
    return %c0_i32, %c0_i32_0 : i32, i32
  }
  func.func @transform_4(%arg0: i32) -> (i32, i32) {
    %c0_i32 = arith.constant 0 : i32
    %c0_i32_0 = arith.constant 0 : i32
    %c0_i32_1 = arith.constant 0 : i32
    return %c0_i32, %c0_i32_0 : i32, i32
  }
  func.func @transform_5(%arg0: i32) -> (i32, i32) {
    %c0_i32 = arith.constant 0 : i32
    %c0_i32_0 = arith.constant 0 : i32
    %c0_i32_1 = arith.constant 0 : i32
    return %c0_i32, %c0_i32_0 : i32, i32
  }
  func.func @transform_6(%arg0: i32) -> (i32, i32) {
    %c0_i32 = arith.constant 0 : i32
    %c0_i32_0 = arith.constant 0 : i32
    %c0_i32_1 = arith.constant 0 : i32
    return %c0_i32, %c0_i32_0 : i32, i32
  }
  func.func @transform_7(%arg0: i32) -> (i32, i32) {
    %c0_i32 = arith.constant 0 : i32
    %c0_i32_0 = arith.constant 0 : i32
    %c0_i32_1 = arith.constant 0 : i32
    return %c0_i32, %c0_i32_0 : i32, i32
  }
  func.func @transform_8(%arg0: i32) -> (i32, i32) {
    %c0_i32 = arith.constant 0 : i32
    %c0_i32_0 = arith.constant 0 : i32
    return %arg0, %c0_i32 : i32, i32
  }
}

</mosaic_0001>

<sc_bundles>
// kernel: gather_offload_async_start.1
scs
__scs_entry_jumppad:
0x0: {  	(pc) =	sbr.rel $0x88, $3  }
0x1: {  	(tag) =	ssettag $0x0;
	lr =	simm.s32 $0x1  }
0x2: {  	[smem:$0x3F8D] =	sst lr;
	_ =	strace $0xD0000000  }
0x3: {  	_ = 	snop  }
0x4: {  	_ = 	snop  }
0x5: {  	_ = 	snop  }
0x6: {  	_ = 	snop  }
0x7: {  	_ = 	snop  }
__scs_overlays_trampoline_lowered:
0x8: {  	[smem:$0x3F9C] =	sst s0  }
0x9: {  	[smem:$0x3F9D] =	sst s1  }
0xa: {  	[smem:$0x3F9E] =	sst s2  }
0xb: {  	[smem:$0x3F9F] =	sst s3  }
0xc: {  	[smem:$0x3FA0] =	sst s4  }
0xd: {  	[smem:$0x3FA1] =	sst s5  }
0xe: {  	[smem:$0x3FA2] =	sst s6  }
0xf: {  	[smem:$0x3FA3] =	sst s7  }
0x10: {  	[smem:$0x3FA4] =	sst s8  }
0x11: {  	[smem:$0x3FA5] =	sst s9;
	s0 =	simm.s32 @!p0 $0x0  }
0x12: {  	s1 =	sld [smem:$0x3F8B];
	s0 =	simm.s32 @p0 $0x1  }
0x13: {  	[smem:$0x3FA6] =	sst s0;
	s0 =	simm.s32 @!p1 $0x0  }
0x14: {  	s2 =	sld [smem:$0x3F8A];
	s0 =	simm.s32 @p1 $0x1  }
0x15: {  	[smem:$0x3FA7] =	sst s0;
	s0 =	simm.s32 @!p2 $0x0  }
0x16: {  	s3 =	sld [smem:$0x3FDB];
	s0 =	simm.s32 @p2 $0x1  }
0x17: {  	s4 =	simm.s32 $0x1BF5;
	[smem:$0x3FA9] =	sst s0  }
0x18: {  	s0 =	sld [smem:$0x3F8C];
	_ =	swait.ge [sflag:s4], $0x0  }
0x19: {  	s7 =	sld [smem:$0x3F8D]  }
0x1a: {  	s8 =	sadd.s32 $0xFFFFE003, lr  }
0x1b: {  	s9 =	sadd.s32 $0xFFFFFEF7, lr;
	s5 =	simm.s32 $0xFFFFFFFF;
	p2 =	slt.u32 s8, $0xFFFFF086  }
0x1c: {  	p1 =	slt.u32 s9, $0xF7A;
	s5 =	simm.s32 @!p2 $0x0  }
0x1d: {  	s5 =	simm.s32 @p1 $0x1;
	p0 =	seq.s32 s7, s2  }
0x1e: {  	s7 =	smul.u32 @!p0 $0xF7A, s2;
	p2 =	seq.s32 @!p0 s5, $0x0  }
0x1f: {  	s9 =	smul.u32 $0xF7A, s1;
	s8 =	simm.s32 @!p0 $0x1BF5;
	p2 =	por !p2, p0  }
0x20: {  	[sflag:s8] =	ssyncset.s32 @!p0 $0xFFFFF086;
	s6 =	sadd.s32 @!p0 s3, s7;
	s7 =	simm.s32 @!p0 $0x108  }
0x21: {  	s3 =	sadd.s32 s3, s9;
	s6 =	sadd.s32 @!p0 $0x88, s6;
	s7 =	simm.s32 @p2 $0x1082  }
0x22: {  	[simem:s7], [sflag:s8] =	dma.local @!p0 [hbm:s6], $0xF7A  }
0x23: {  	s9 =	sor.u32 $0xD0000000, s2;
	s6 =	simm.s32 $0x108;
	_ =	swait.ge @!p0 [sflag:s8], $0x0  }
0x24: {  	s3 =	sadd.s32 $0x88, s3;
	s6 =	simm.s32 @!p1 $0x1082;
	[sflag:s4] =	ssyncset.s32 $0xFFFFF086  }
0x25: {  	[simem:s6], [sflag:s4] =	dma.local [hbm:s3], $0xF7A  }
0x26: {  	[smem:$0x3F8D] =	sst s1;
	(tag) =	ssettag s2;
	_ =	strace s9  }
0x27: {  	s1 =	sld [smem:$0x3F9D]  }
0x28: {  	s2 =	sld [smem:$0x3F9E]  }
0x29: {  	s4 =	sld [smem:$0x3FA0]  }
0x2a: {  	p0 =	seq.s32 s5, $0x0;
	s5 =	sld [smem:$0x3FA1]  }
0x2b: {  	s6 =	sld [smem:$0x3FA2]  }
0x2c: {  	s7 =	sld [smem:$0x3FA3]  }
0x2d: {  	s3 =	simm.s32 $0x108;
	s8 =	sld [smem:$0x3FA4]  }
0x2e: {  	s3 =	simm.s32 @!p0 $0x1082;
	s9 =	sld [smem:$0x3FA5]  }
0x2f: {  	lr =	sadd.s32 s0, s3;
	s0 =	sld [smem:$0x3F9C]  }
0x30: {  	s3 =	sld [smem:$0x3F9F]  }
0x31: {  	[smem:$0x3FA8] =	sst s10  }
0x32: {  	s10 =	sld [smem:$0x3FA6];
	_ =	sdelay $0x3  }
0x33: {  	p0 =	seq.s32 s10, $0x1;
	s10 =	sld [smem:$0x3FA8];
	_ =	sdelay $0x3  }
0x34: {  	[smem:$0x3FA8] =	sst s10  }
0x35: {  	s10 =	sld [smem:$0x3FA7];
	_ =	sdelay $0x3  }
0x36: {  	p1 =	seq.s32 s10, $0x1;
	s10 =	sld [smem:$0x3FA8];
	_ =	sdelay $0x3  }
0x37: {  	[smem:$0x3FA8] =	sst s10  }
0x38: {  	s10 =	sld [smem:$0x3FA9]  }
0x39: {  	_ = 	snop;
	(pc) =	sbr.ind lr, $3  }
0x3a: {  	_ = 	snop  }
0x3b: {  	_ = 	snop  }
0x3c: {  	p2 =	seq.s32 s10, $0x1;
	s10 =	sld [smem:$0x3FA8]  }
0x3d: {  	_ =	shalt  }
0x3e: {  	_ =	shalt  }
0x3f: {  	_ =	shalt  }
0x40: {  	_ =	shalt  }
0x41: {  	_ =	shalt  }
0x42: {  	_ =	shalt  }
0x43: {  	_ =	shalt  }
0x44: {  	_ =	shalt  }
0x45: {  	_ =	shalt  }
0x46: {  	_ =	shalt  }
0x47: {  	_ =	shalt  }
0x48: {  	_ =	shalt  }
0x49: {  	_ =	shalt  }
0x4a: {  	_ =	shalt  }
0x4b: {  	_ =	shalt  }
0x4c: {  	_ =	shalt  }
0x4d: {  	_ =	shalt  }
0x4e: {  	_ =	shalt  }
0x4f: {  	_ =	shalt  }
0x50: {  	_ =	shalt  }
0x51: {  	_ =	shalt  }
0x52: {  	_ =	shalt  }
0x53: {  	_ =	shalt  }
0x54: {  	_ =	shalt  }
0x55: {  	_ =	shalt  }
0x56: {  	_ =	shalt  }
0x57: {  	_ =	shalt  }
0x58: {  	_ =	shalt  }
0x59: {  	_ =	shalt  }
0x5a: {  	_ =	shalt  }
0x5b: {  	_ =	shalt  }
0x5c: {  	_ =	shalt  }
0x5d: {  	_ =	shalt  }
0x5e: {  	_ =	shalt  }
0x5f: {  	_ =	shalt  }
0x60: {  	_ =	shalt  }
0x61: {  	_ =	shalt  }
0x62: {  	_ =	shalt  }
0x63: {  	_ =	shalt  }
0x64: {  	_ =	shalt  }
0x65: {  	_ =	shalt  }
0x66: {  	_ =	shalt  }
0x67: {  	_ =	shalt  }
0x68: {  	_ =	shalt  }
0x69: {  	_ =	shalt  }
0x6a: {  	_ =	shalt  }
0x6b: {  	_ =	shalt  }
0x6c: {  	_ =	shalt  }
0x6d: {  	_ =	shalt  }
0x6e: {  	_ =	shalt  }
0x6f: {  	_ =	shalt  }
0x70: {  	_ =	shalt  }
0x71: {  	_ =	shalt  }
0x72: {  	_ =	shalt  }
0x73: {  	_ =	shalt  }
0x74: {  	_ =	shalt  }
0x75: {  	_ =	shalt  }
0x76: {  	_ =	shalt  }
0x77: {  	_ =	shalt  }
0x78: {  	_ =	shalt  }
0x79: {  	_ =	shalt  }
0x7a: {  	_ =	shalt  }
0x7b: {  	_ =	shalt  }
0x7c: {  	_ =	shalt  }
0x7d: {  	_ =	shalt  }
0x7e: {  	_ =	shalt  }
0x7f: {  	_ =	shalt  }
0x80: {  	_ =	shalt  }
0x81: {  	_ =	shalt  }
0x82: {  	_ =	shalt  }
0x83: {  	_ =	shalt  }
0x84: {  	_ =	shalt  }
0x85: {  	_ =	shalt  }
0x86: {  	_ =	shalt  }
0x87: {  	_ =	shalt  }
.Lfunc_end0:
.L_simem_size_0:
called_computation.4_lowered:
.L_overlay_start_0:
0x88: {  	s2 =	sld [smem:$0x3FD9]  }
0x89: {  	s3 =	sld [smem:$0x3FFE];
	_ =	sdelay $0x1  }
0x8a: {  	s1 =	srdreg.scid  }
0x8b: {  	s0 =	sand.u32 $0x1, s1  }
0x8c: {  	s17 =	sshll.u32 s0, $0xA;
	s2 =	sadd.s32 s3, s2  }
0x8d: {  	s2 =	sadd.s32 s2, s17  }
0x8e: {  	[smem:$0x3FB4] =	sst s2  }
0x8f: {  	_ = 	snop  }
0x90: {  	(tm) =	ssettm $0x1  }
0x91: {  	s18 =	sld [smem:$0x3FFB];
	_ =	sdelay $0x3  }
0x92: {  	_ =	strace s18  }
0x93: {  	s2 =	sld [smem:$0x3FFC];
	_ =	sdelay $0x3  }
0x94: {  	_ =	strace s2  }
0x95: {  	s2 =	sld [smem:$0x3FFD];
	_ =	sdelay $0x3  }
0x96: {  	_ =	strace s2  }
0x97: {  	_ =	strace $0x8FFFFFFF  }
0x98: {  	s19 =	sld [smem:$0x3FDB];
	_ =	sdelay $0x1  }
0x99: {  	s20 =	simm.s32 $_scs_section_size  }
0x9a: {  	s4 =	simm.s32 $_size__tile_overlayer_lowered;
	s5 =	simm.s32 $_tile_overlayer_lowered  }
0x9b: {  	s6 =	simm.s32 $0x1BFF;
	s21 =	sshll.u32 s5, $0x1;
	s3 =	sadd.s32 s20, s19  }
0x9c: {  	s22 =	simm.s32 $0x0;
	s4 =	sshll.u32 s4, $0x1;
	s5 =	sadd.s32 s21, s3  }
0x9d: {  	[timem:s22], [sflag:s6] =	dma.local [hbm:s5], s4  }
0x9e: {  	_ =	swait.ge [sflag:s6], s4  }
0x9f: {  	s4 =	ssub.s32 $0x0, s4;
	[sflag:s6] =	ssyncset.done $0x0  }
0xa0: {  	[sflag:s6] =	ssyncadd.s32 s4;
	_ =	sdelay $0x1  }
0xa1: {  	s23 =	simm.s32 $0x1B8B  }
0xa2: {  	_ =	swait.ge [sflag:s23], $0x1  }
0xa3: {  	[sflag:s23] =	ssyncset.done $0x0  }
0xa4: {  	[sflag:s23] =	ssyncadd.s32 $0xFFFFFFFF  }
0xa5: {  	s4 =	sld [smem:$0x0]  }
0xa6: {  	s5 =	sand.u32 $0xFFFFFFFE, s1  }
0xa7: {  	p0 =	sne.s32 s1, s5  }
0xa8: {  	s5 =	sshll.u32 @p0 s5, $0xE  }
0xa9: {  	s5 =	sadd.s32 @p0 $0x11B8D, s5;
	s6 =	sshll.u32 @p0 s4, $0x11  }
0xaa: {  	s5 =	sor.u32 @p0 s6, s5  }
0xab: {  	[sflag:s5] =	ssyncadd.remote.s32 @p0 $0x1;
	_ =	sdelay $0x1  }
0xac: {  	s5 =	simm.s32 @p0 $0x1B8D  }
0xad: {  	_ =	swait.eq @p0 [sflag:s5], $0x1  }
0xae: {  	[sflag:s5] =	ssyncadd.s32 @p0 $0xFFFFFFFF  }
0xaf: {  	s6 =	sshll.u32 @!p0 s1, $0xE  }
0xb0: {  	s6 =	sor.u32 @!p0 $0x4000, s6;
	s5 =	simm.s32 @!p0 $0x1B8D  }
0xb1: {  	s4 =	sshll.u32 @!p0 s4, $0x11;
	s6 =	sadd.s32 @!p0 $0x11B8D, s6;
	_ =	swait.eq @!p0 [sflag:s5], $0x1  }
0xb2: {  	s4 =	sor.u32 @!p0 s4, s6;
	[sflag:s5] =	ssyncadd.s32 @!p0 $0xFFFFFFFF  }
0xb3: {  	s25 =	simm.s32 $0x1B8E;
	s24 =	sld [smem:$0x3FFE];
	[sflag:s4] =	ssyncadd.remote.s32 @!p0 $0x1  }
0xb4: {  	s26 =	simm.s32 $execute0_lowered;
	[smem:$0x3FD2] =	sst s25  }
0xb5: {  	s5 =	sshll.u32 s26, $0x1;
	_ =	strace $0x8000004C;
	[dreg:$0x1] =	wrdreg $0xFFFFFFFF  }
0xb6: {  	s28 =	simm.s32 $_size_execute0_lowered;
	s3 =	sadd.s32 s3, s5;
	[dreg:$0x0] =	wrdreg $0x0  }
0xb7: {  	s5 =	sshll.u32 s28, $0x1;
	[dreg:$0x2] =	wrdreg s3  }
0xb8: {  	[dreg:$0x3] =	wrdreg s5  }
0xb9: {  	[dreg:$0x4] =	wrdreg $0xC0  }
0xba: {  	_ =	task [dreg:s22], $0x5FFFF  }
0xbb: {  	[dreg:$0x1] =	wrdreg $0xFFFFFFFF  }
0xbc: {  	[dreg:$0x0] =	wrdreg $0x60  }
0xbd: {  	[dreg:$0x2] =	wrdreg s24  }
0xbe: {  	[dreg:$0x3] =	wrdreg $0xA  }
0xbf: {  	_ =	task.clear_ibuf [dreg:s22], $0x4FFFF;
	_ =	strace $0x9000004C  }
0xc0: {  	s29 =	simm.s32 $0xA;
	_ =	strace $0x8000004E  }
0xc1: {  	_ =	swait.ge [sflag:s29], $0x1  }
0xc2: {  	[sflag:s29] =	ssyncadd.s32 $0xFFFFFFFF  }
0xc3: {  	_ =	strace $0x9000004E  }
0xc4: {  	_ =	sfence  }
0xc5: {  	s30 =	sld [smem:$0x0];
	_ =	sdelay $0x2  }
0xc6: {  	s31 =	sshll.u32 s1, $0xD;
	s1 =	sshrl.u32 s1, $0x2  }
0xc7: {  	s4 =	sand.u32 $0x4000, s31;
	s1 =	sadd.s32 s1, s30  }
0xc8: {  	s0 =	sor.u32 s4, s0;
	s1 =	sshll.u32 s1, $0x11  }
0xc9: {  	s0 =	sor.u32 s1, s0  }
0xca: {  	s0 =	sadd.s32 $0x8F2B, s0  }
0xcb: {  	[sflag:s0] =	ssyncadd.remote.s32 $0x1  }
0xcc: {  	_ =	sfence.sel $0xFFFF  }
0xcd: {  	[dreg:$0x0] =	wrdreg $0xFFFFFFFF;
	(pc) =	sbr.abs _section_cstart, $3  }
0xce: {  	[dreg:$0x1] =	wrdreg $0xFFFFFFFF  }
0xcf: {  	_ =	task.clear_ibuf [dreg:s22], $0x2FFFF;
	_ =	strace $0x9FFFFFFF  }
0xd0: {  	(tm) =	ssettm $0x7FFFFFFF  }
0xd1: {  	_ =	shalt  }
tec
execute0_lowered:
.L_overlay_start_1:
0x0: {  	(tag) =	ssettag $0x1  }
0x1: {  	s8 =	rddreg [dreg:$0x0]  }
0x2: {  	s0 =	rddreg [dreg:$0x1];
	_ =	strace $0x8000004D;
	s1 =	srdreg.scid  }
0x3: {  	s5 =	simm.s32 $0x1;
	s10 =	simm.s32 $0x3;
	p3 =	por $0x0, $0x0  }
0x4: {  	s11 =	simm.s32 $0x80;
	s2 =	sadd.s32 $0x115CC00, s8;
	s6 =	sshll.u32 s1, $0x4  }
.Ltmp0:
0x5: {  	s1 =	stileid.u32;
	s6 =	sand.u32 $0x10, s6;
	(pc) =	sbr.rel .LBB2_1-.Ltmp0, $4  }
0x6: {  	s3 =	sadd.s32 $0xDCC00, s8;
	s4 =	sadd.s32 $0x155CC00, s8;
	s7 =	sor.u32 s1, s6  }
0x7: {  	[sflag:s5] =	ssyncpa.u1 $0x0;
	s6 =	simm.s32 $0x2;
	s7 =	sshll.u32 s7, $0xE  }
0x8: {  	s8 =	sadd.s32 $0xECC00, s8;
	[sflag:s6] =	ssyncpa.u1 $0x0;
	s9 =	sadd.s32 $0x4000, s7  }
0x9: {  	v0 =	vlaneseq.u32;
	[sflag:s10] =	ssyncpa.u1 $0x0;
	s10 =	simm.s32 $0x0;
	s12 =	smov.u32 s7  }
.LBB2_7:
0xa: {  	p0 =	slt.u32 s10, $0x2;
	s10 =	sadd.s32 $0x1, s10  }
0xb: {  	p2 =	sne.s32 s10, $0x82  }
.Ltmp1:
0xc: {  	_ = 	snop;
	(pc) =	sbr.rel @!p2 .LBB2_8-.Ltmp1, $4  }
0xd: {  	s13 =	simm.s32 @!p0 $0x3  }
0xe: {  	s14 =	sadd.s32 $0x80, s12;
	_ =	swait.ge @!p0 [sflag:s13], $0x8000  }
0xf: {  	s12 =	smov.u32 s7;
	p1 =	slt.s32 s14, s9;
	[sflag:s13] =	ssyncset.done @!p0 $0x0  }
0x10: {  	p3 =	por !p3, !p3;
	s12 =	smov.u32 @p1 s14;
	[sflag:s13] =	ssyncadd.s32 @!p0 $0xFFFF8000  }
.LBB2_1:
0x11: {  	p0 =	sgt.u32 s10, $0x7F  }
0x12: {  	s13 =	sxor.u32 @!p0 $0xFFFFFFFF, s10  }
0x13: {  	s14 =	sshrl.u32 @!p0 s12, $0x3;
	s13 =	sshll.u32 @!p0 s13, $0x7  }
0x14: {  	s16 =	sand.u32 @!p0 $0x7, s12;
	s15 =	sadd.s32 @!p0 s3, s14;
	s13 =	sand.u32 @!p0 $0x80, s13  }
0x15: {  	[tilespmem:s13], [sflag:$0x2] =	stream.linear.gather @!p0 [hbm4b:s15+s16], $0x80, $0x38;
	[tilespmem:$0x10200] =	vst v63  }
0x16: {  	s14 =	sadd.s32 @!p0 s8, s14;
	s13 =	sor.u32 @!p0 $0x100, s13  }
0x17: {  	[tilespmem:s13], [sflag:$0x2] =	stream.linear.gather @!p0 [hbm4b:s14+s16], $0x80, $0x38;
	[tilespmem:$0x10200] =	vst v63  }
0x18: {  	p0 =	seq.s32 s10, $0x0  }
0x19: {  	p1 =	seq.s32 @!p0 s10, $0x81  }
0x1a: {  	p0 =	por p0, p1  }
.Ltmp2:
0x1b: {  	_ = 	snop;
	(pc) =	sbr.rel @p0 .LBB2_7-.Ltmp2, $1  }
0x1c: {  	_ =	sdelay $0x3  }
0x1d: {  	p0 =	por $0x0, $0x0;
	s13 =	simm.s32 $0x1  }
0x1e: {  	s13 =	simm.s32 @!p0 $0x2  }
0x1f: {  	v1 =	vmov s13  }
0x20: {  	s14 =	simm.s32 @!p3 $0x0;
	vm0 =	vgt.u32 v1, v0  }
0x21: {  	s14 =	simm.s32 @p3 $0x1  }
0x22: {  	s13 =	simm.s32 $0x1;
	[smem:$0x7FC] =	sst s14  }
0x23: {  	s13 =	simm.s32 @!p3 $0x0;
	_ =	swait.ge [sflag:s6], $0x100  }
0x24: {  	s13 =	sshll.u32 s13, $0x7;
	[sflag:s6] =	ssyncset.done $0x0  }
0x25: {  	[sflag:s6] =	ssyncadd.s32 $0xFFFFFF00;
	s26 =	sadd.s32 $0x0, s13  }
0x26: {  	v2 =	vld.msk [tilespmem:s26+$0x0 ss:$0x1], vm0;
	_ =	sdelay $0x4  }
0x27: {  	(v2sf) =	vpush v2, $0x1  }
0x28: {  	p1 =	por $0x0, $0x0;
	s14 =	simm.s32 $0x1;
	(v2sf) =	vpush v2, $0x0  }
0x29: {  	s14 =	simm.s32 @!p1 $0x2  }
0x2a: {  	v1 =	vmov s14  }
0x2b: {  	vm12 =	vgt.u32 v1, v0;
	_ =	sdelay $0x3  }
0x2c: {  	p2 =	por $0x0, $0x0;
	s15 =	simm.s32 $0x1  }
0x2d: {  	s15 =	simm.s32 @!p2 $0x2;
	s28 =	sadd.s32 $0x1, s13  }
0x2e: {  	v1 =	vmov s15;
	v3 =	vld.msk [tilespmem:s28+$0x0 ss:$0x1], vm12  }
0x2f: {  	vm13 =	vgt.u32 v1, v0;
	_ =	sdelay $0x2  }
0x30: {  	p0 =	por p0, p0  }
0x31: {  	p0 =	por p0, p0;
	(v2sf) =	vpush v3, $0x1;
	s14 =	spop (v2sf)  }
0x32: {  	s29 =	sadd.s32 $0x2, s13;
	s14 =	simm.s32 @p0 $0xFFFFFFFF;
	s16 =	spop (v2sf)  }
0x33: {  	v1 =	vld.msk [tilespmem:s29+$0x0 ss:$0x1], vm13;
	(v2sf) =	vpush v3, $0x0;
	p0 =	seq.s32 s16, s14  }
0x34: {  	vm0 =	vgt.s32 @!p0 v2, $0x0  }
0x35: {  	v2 =	vnsel @!p0 vm0, $0x0, v2  }
0x36: {  	v2 =	vmin.u32 @!p0 v2, $0x1FFFF  }
0x37: {  	(v2sf) =	vpush @!p0 v2, $0x0  }
0x38: {  	(v2sf) =	vpush v1, $0x1  }
0x39: {  	(v2sf) =	vpush v1, $0x0  }
0x3a: {  	s30 =	sand.u32 $0x1, s10;
	p4 =	por $0x0, $0x0;
	s17 =	simm.s32 $0x0  }
0x3b: {  	s21 =	simm.s32 $0x14;
	s19 =	simm.s32 $0x18;
	s16 =	simm.s32 $0x1  }
0x3c: {  	p2 =	por p2, p2;
	p1 =	por p1, p1;
	s16 =	simm.s32 @!p4 $0x2  }
0x3d: {  	s22 =	simm.s32 $0x1;
	p2 =	por p2, p2;
	p1 =	por p1, p1;
	v2 =	vmov s16  }
0x3e: {  	s15 =	sor.u32 $0x100, s13;
	s24 =	sadd.s32 $0x3, s13;
	s14 =	sshll.u32 s30, $0xF;
	vm14 =	vgt.u32 v2, v0  }
0x3f: {  	s31 =	sadd.s32 $0x4, s13;
	s14 =	sor.u32 $0x200, s14;
	s20 =	simm.s32 @!p0 $0x1  }
0x40: {  	p5 =	por p0, p0;
	p4 =	por p4, p4;
	s16 =	spop (v2sf)  }
0x41: {  	s20 =	smov.u32 @p0 s17;
	s16 =	simm.s32 @p1 $0xFFFFFFFF;
	p1 =	por $0x0, $0x0  }
0x42: {  	s17 =	simm.s32 @!p0 $0x80;
	s22 =	simm.s32 @!p1 $0x2;
	s23 =	spop (v2sf)  }
0x43: {  	s18 =	sadd.s32 @!p0 $0x0, s14;
	p5 =	por p5, p5;
	v4 =	vmov s22;
	p3 =	seq.s32 s23, s16  }
0x44: {  	vm15 =	vgt.u32 v4, v0;
	v2 =	vld.msk [tilespmem:s24+$0x0 ss:$0x1], vm14;
	s24 =	simm.s32 $0x1C;
	s16 =	sadd.s32 @!p3 $0x1, s20;
	s22 =	sshll.u32 @!p3 s20, $0xA  }
0x45: {  	vm1 =	vgt.s32 @!p3 v3, $0x0;
	s22 =	sshra.s32 @!p3 s22, $0x2;
	s16 =	smov.u32 @p3 s20;
	s20 =	simm.s32 @!p3 $0x80  }
0x46: {  	v3 =	vnsel @!p3 vm1, $0x0, v3;
	s23 =	sadd.s32 @!p3 s22, s14;
	s22 =	spop @!p0 (v2sf);
	p0 =	por p3, p3  }
0x47: {  	v3 =	vmin.u32 @!p3 v3, $0x1FFFF;
	s25 =	simm.s32 @!p0 $0x0;
	s26 =	spop (v2sf);
	s28 =	sshll.u32 @!p5 s22, $0x4  }
0x48: {  	(v2sf) =	vpush @!p3 v3, $0x0;
	s25 =	simm.s32 @p0 $0x1;
	s26 =	simm.s32 @p2 $0xFFFFFFFF;
	s29 =	spop (v2sf)  }
0x49: {  	(v2sf) =	vpush v2, $0x1;
	s28 =	sand.u32 @!p5 $0x70, s28;
	[smem:$0x7FD] =	sst s25;
	p6 =	seq.s32 s29, s26  }
0x4a: {  	(v2sf) =	vpush v2, $0x0;
	s26 =	sshll.u32 @!p5 s22, $0x5;
	s25 =	sadd.s32 @!p5 s2, s28;
	s22 =	smov.u32 s16;
	v3 =	vld.msk [tilespmem:s31+$0x0 ss:$0x1], vm15  }
.LBB2_3:
0x4b: {  	s28 =	simm.s32 @!p3 $0x0;
	s29 =	smov.u32 s19;
	s19 =	smov.u32 s24  }
0x4c: {  	s24 =	sadd.s32 $0x4, s24;
	s30 =	smov.u32 s23;
	p0 =	por p5, p5  }
0x4d: {  	s31 =	sld [smem:$0x7FD];
	s28 =	simm.s32 @p3 $0x1;
	p3 =	por p6, p6  }
0x4e: {  	p2 =	sne.s32 s24, $0x200;
	[smem:$0x7FA] =	sst s28;
	s28 =	smov.u32 s16  }
0x4f: {  	vm0 =	vgt.s32 @!p6 v1, $0x0;
	s16 =	sadd.s32 @!p6 $0x1, s16;
	p6 =	por p4, p4;
	s23 =	simm.s32 @!p2 $0x0  }
0x50: {  	p4 =	por p1, p1;
	p1 =	seq.s32 s21, $0x1FC;
	s23 =	simm.s32 @p2 $0x1  }
0x51: {  	s22 =	sshll.u32 @!p3 s22, $0xA;
	[smem:$0x7FB] =	sst s23;
	s23 =	simm.s32 $0x1  }
0x52: {  	s16 =	smov.u32 @p3 s28;
	s28 =	simm.s32 @!p3 $0x80;
	s23 =	simm.s32 @!p1 $0x2  }
0x53: {  	p2 =	seq.s32 s31, $0x1;
	s31 =	sshra.s32 s21, $0x2;
	v5 =	vmov s23;
	s23 =	sand.u32 @!p0 $0x3FFF00, s26  }
0x54: {  	p5 =	por p2, p2;
	p2 =	por p3, p3;
	s25 =	sadd.s32 @!p0 s23, s25  }
0x55: {  	[tilespmem:s18], [sflag:$0x1] =	stream.strided.gather @!p0 [hbm:s25], $0x100, s17, s17, $0x38;
	[tilespmem:$0x10200] =	vst v63  }
0x56: {  	s17 =	smov.u32 s20;
	s20 =	smov.u32 s28;
	s28 =	sld [smem:$0x7FA]  }
0x57: {  	s26 =	sshra.s32 @!p3 s22, $0x2;
	s25 =	sadd.s32 s31, s13;
	s31 =	sld [smem:$0x7FB]  }
0x58: {  	s23 =	sadd.s32 @!p3 s26, s14;
	s26 =	simm.s32 @!p2 $0x0  }
0x59: {  	vm15 =	vgt.u32 v5, v0;
	s26 =	simm.s32 @p2 $0x1;
	p0 =	seq.s32 s28, $0x1  }
0x5a: {  	[smem:$0x7FD] =	sst s26;
	s26 =	spop @!p0 (v2sf);
	p0 =	seq.s32 s31, $0x1  }
.Ltmp3:
0x5b: {  	v4 =	vnsel @!p3 vm0, $0x0, v1;
	(pc) =	sbr.rel @p0 .LBB2_3-.Ltmp3, $4  }
0x5c: {  	v4 =	vmin.u32 @!p3 v4, $0x1FFFF;
	s21 =	smov.u32 s29;
	s22 =	smov.u32 s16  }
0x5d: {  	(v2sf) =	vpush @!p3 v4, $0x0;
	s18 =	smov.u32 s30;
	s28 =	spop (v2sf);
	s29 =	sshll.u32 @!p5 s26, $0x4  }
0x5e: {  	v1 =	vmov v2;
	v2 =	vmov v3;
	(v2sf) =	vpush v3, $0x1;
	s28 =	simm.s32 @p6 $0xFFFFFFFF;
	s30 =	spop (v2sf);
	s29 =	sand.u32 @!p5 $0x70, s29  }
0x5f: {  	(v2sf) =	vpush v2, $0x0;
	v3 =	vld.msk [tilespmem:s25+$0x0 ss:$0x1], vm15;
	s26 =	sshll.u32 @!p5 s26, $0x5;
	p6 =	seq.s32 s30, s28;
	s25 =	sadd.s32 @!p5 s2, s29  }
0x60: {  	_ = 	snop  }
0x61: {  	vm0 =	vgt.s32 @!p6 v1, $0x0  }
0x62: {  	v1 =	vnsel @!p6 vm0, $0x0, v1  }
0x63: {  	v1 =	vmin.u32 @!p6 v1, $0x1FFFF  }
0x64: {  	(v2sf) =	vpush @!p6 v1, $0x0  }
0x65: {  	(v2sf) =	vpush v3, $0x1  }
0x66: {  	p0 =	seq.s32 s21, $0x1FC;
	s24 =	simm.s32 $0x1;
	(v2sf) =	vpush v3, $0x0  }
0x67: {  	s24 =	simm.s32 @!p0 $0x2  }
0x68: {  	v1 =	vmov s24  }
0x69: {  	vm14 =	vgt.u32 v1, v0;
	_ =	sdelay $0x1  }
0x6a: {  	p2 =	por p4, p4  }
0x6b: {  	s31 =	sshra.s32 s21, $0x2;
	p4 =	seq.s32 s19, $0x1FC;
	s24 =	spop @!p3 (v2sf)  }
0x6c: {  	s29 =	simm.s32 $0x1;
	s21 =	sadd.s32 s31, s13;
	s28 =	spop (v2sf)  }
0x6d: {  	s29 =	simm.s32 @!p4 $0x2;
	s28 =	simm.s32 @p2 $0xFFFFFFFF;
	s30 =	spop (v2sf)  }
0x6e: {  	v4 =	vmov s29;
	v1 =	vld.msk [tilespmem:s21+$0x0 ss:$0x1], vm14;
	p3 =	seq.s32 s30, s28  }
0x6f: {  	vm1 =	vgt.u32 v4, v0;
	vm0 =	vgt.s32 @!p3 v2, $0x0  }
0x70: {  	v2 =	vnsel @!p3 vm0, $0x0, v2  }
0x71: {  	v2 =	vmin.u32 @!p3 v2, $0x1FFFF  }
0x72: {  	p1 =	por p1, p1;
	s21 =	spop @!p6 (v2sf);
	(v2sf) =	vpush @!p3 v2, $0x0  }
0x73: {  	p1 =	por p1, p1;
	s30 =	sshra.s32 s19, $0x2;
	s28 =	spop (v2sf);
	(v2sf) =	vpush v1, $0x1  }
0x74: {  	s19 =	sadd.s32 s30, s13;
	s28 =	simm.s32 @p1 $0xFFFFFFFF;
	s31 =	spop (v2sf);
	(v2sf) =	vpush v1, $0x0  }
0x75: {  	v2 =	vld.msk [tilespmem:s19+$0x0 ss:$0x1], vm1;
	p1 =	seq.s32 s31, s28  }
0x76: {  	s30 =	sld [smem:$0x7FD];
	vm0 =	vgt.s32 @!p1 v3, $0x0  }
0x77: {  	v3 =	vnsel @!p1 vm0, $0x0, v3  }
0x78: {  	p2 =	por p5, p5;
	v3 =	vmin.u32 @!p1 v3, $0x1FFFF  }
0x79: {  	s19 =	sand.u32 @!p2 $0x3FFF00, s26;
	p5 =	seq.s32 s30, $0x1;
	(v2sf) =	vpush @!p1 v3, $0x0  }
0x7a: {  	s19 =	sadd.s32 @!p2 s19, s25;
	p5 =	por p5, p5;
	(v2sf) =	vpush v2, $0x1  }
0x7b: {  	[tilespmem:s18], [sflag:$0x1] =	stream.strided.gather @!p2 [hbm:s19], $0x100, s17, s17, $0x38;
	(v2sf) =	vpush v2, $0x0;
	[tilespmem:$0x10200] =	vst v63  }
0x7c: {  	p0 =	por p0, p0;
	s17 =	sshll.u32 @!p5 s24, $0x4  }
0x7d: {  	s18 =	sshll.u32 @!p5 s24, $0x5;
	p2 =	por p5, p5;
	s17 =	sand.u32 @!p5 $0x70, s17  }
0x7e: {  	p0 =	por p0, p0;
	s18 =	sand.u32 @!p2 $0x3FFF00, s18;
	s17 =	sadd.s32 @!p5 s2, s17  }
0x7f: {  	p5 =	por p6, p6;
	s17 =	sadd.s32 @!p2 s18, s17;
	s18 =	sshll.u32 @!p6 s22, $0xA  }
0x80: {  	[tilespmem:s23], [sflag:$0x1] =	stream.strided.gather @!p2 [hbm:s17], $0x100, s20, s20, $0x38;
	[tilespmem:$0x10200] =	vst v63  }
0x81: {  	s17 =	sadd.s32 @!p6 $0x1, s16;
	p2 =	por p5, p5;
	s20 =	spop @!p3 (v2sf)  }
0x82: {  	s19 =	sshll.u32 @!p2 s21, $0x4;
	s21 =	sshll.u32 @!p2 s21, $0x5;
	s22 =	spop (v2sf)  }
0x83: {  	s19 =	sand.u32 @!p2 $0x70, s19;
	s22 =	simm.s32 @p0 $0xFFFFFFFF;
	s31 =	spop (v2sf)  }
0x84: {  	s19 =	sadd.s32 @!p2 s2, s19;
	p0 =	por p2, p2;
	p2 =	seq.s32 s31, s22  }
0x85: {  	s17 =	smov.u32 @p6 s16;
	s16 =	sshra.s32 @!p6 s18, $0x2;
	s18 =	sand.u32 @!p0 $0x3FFF00, s21;
	vm0 =	vgt.s32 @!p2 v1, $0x0  }
0x86: {  	s16 =	sadd.s32 @!p6 s16, s14;
	s21 =	simm.s32 @!p6 $0x80;
	s18 =	sadd.s32 @!p0 s18, s19;
	v1 =	vnsel @!p2 vm0, $0x0, v1  }
0x87: {  	[tilespmem:s16], [sflag:$0x1] =	stream.strided.gather @!p0 [hbm:s18], $0x100, s21, s21, $0x38;
	v1 =	vmin.u32 @!p2 v1, $0x1FFFF;
	[tilespmem:$0x10200] =	vst v63  }
0x88: {  	p4 =	por p4, p4;
	p5 =	por p3, p3;
	s18 =	spop @!p1 (v2sf);
	(v2sf) =	vpush @!p2 v1, $0x0  }
0x89: {  	s16 =	sadd.s32 @!p3 $0x1, s17;
	p0 =	por p4, p4;
	s19 =	spop (v2sf)  }
0x8a: {  	s16 =	smov.u32 @p3 s17;
	s19 =	simm.s32 @p0 $0xFFFFFFFF;
	s24 =	spop (v2sf)  }
0x8b: {  	s17 =	sshll.u32 @!p3 s17, $0xA;
	p0 =	por p5, p5;
	p4 =	seq.s32 s24, s19  }
0x8c: {  	p6 =	por p1, p1;
	s17 =	sshra.s32 @!p3 s17, $0x2;
	s21 =	sshll.u32 @!p0 s20, $0x4;
	vm0 =	vgt.s32 @!p4 v2, $0x0  }
0x8d: {  	s20 =	sshll.u32 @!p0 s20, $0x5;
	p5 =	por p0, p0;
	s21 =	sand.u32 @!p0 $0x70, s21;
	v1 =	vnsel @!p4 vm0, $0x0, v2  }
0x8e: {  	s17 =	sadd.s32 @!p3 s17, s14;
	s20 =	sand.u32 @!p5 $0x3FFF00, s20;
	s21 =	sadd.s32 @!p0 s2, s21;
	v1 =	vmin.u32 @!p4 v1, $0x1FFFF  }
0x8f: {  	s19 =	simm.s32 @!p3 $0x80;
	p0 =	por p6, p6;
	s20 =	sadd.s32 @!p5 s20, s21;
	(v2sf) =	vpush @!p4 v1, $0x0  }
0x90: {  	[tilespmem:s17], [sflag:$0x1] =	stream.strided.gather @!p5 [hbm:s20], $0x100, s19, s19, $0x38;
	[tilespmem:$0x10200] =	vst v63  }
0x91: {  	p3 =	por p0, p0;
	s19 =	sshll.u32 @!p0 s18, $0x4  }
0x92: {  	s17 =	sshll.u32 @!p1 s16, $0xA;
	s18 =	sshll.u32 @!p0 s18, $0x5;
	s19 =	sand.u32 @!p0 $0x70, s19  }
0x93: {  	s17 =	sshra.s32 @!p1 s17, $0x2;
	s18 =	sand.u32 @!p3 $0x3FFF00, s18;
	s19 =	sadd.s32 @!p0 s2, s19  }
0x94: {  	s20 =	simm.s32 @!p1 $0x80;
	s17 =	sadd.s32 @!p1 s17, s14;
	s18 =	sadd.s32 @!p3 s18, s19  }
0x95: {  	[tilespmem:s17], [sflag:$0x1] =	stream.strided.gather @!p3 [hbm:s18], $0x100, s20, s20, $0x38;
	[tilespmem:$0x10200] =	vst v63  }
0x96: {  	p5 =	por p2, p2;
	s17 =	sadd.s32 @!p1 $0x1, s16  }
0x97: {  	p0 =	por p5, p5;
	s17 =	smov.u32 @p1 s16;
	s16 =	spop @!p2 (v2sf)  }
0x98: {  	p1 =	por p0, p0;
	s19 =	sshll.u32 @!p0 s16, $0x4  }
0x99: {  	s18 =	sshll.u32 @!p2 s17, $0xA;
	s16 =	sshll.u32 @!p0 s16, $0x5;
	s19 =	sand.u32 @!p0 $0x70, s19  }
0x9a: {  	s18 =	sshra.s32 @!p2 s18, $0x2;
	s16 =	sand.u32 @!p1 $0x3FFF00, s16;
	s19 =	sadd.s32 @!p0 s2, s19  }
0x9b: {  	s20 =	simm.s32 @!p2 $0x80;
	s18 =	sadd.s32 @!p2 s18, s14;
	s16 =	sadd.s32 @!p1 s16, s19  }
0x9c: {  	[tilespmem:s18], [sflag:$0x1] =	stream.strided.gather @!p1 [hbm:s16], $0x100, s20, s20, $0x38;
	[tilespmem:$0x10200] =	vst v63  }
0x9d: {  	p6 =	por p4, p4;
	s16 =	sadd.s32 @!p2 $0x1, s17  }
0x9e: {  	p0 =	por p6, p6;
	s18 =	spop @!p4 (v2sf);
	s16 =	smov.u32 @p2 s17  }
0x9f: {  	s17 =	sshll.u32 @!p0 s18, $0x4;
	s19 =	sadd.s32 @!p4 $0x1, s16  }
0xa0: {  	s20 =	sshll.u32 @!p4 s16, $0xA;
	s18 =	sshll.u32 @!p0 s18, $0x5;
	s17 =	sand.u32 @!p0 $0x70, s17  }
0xa1: {  	s19 =	smov.u32 @p4 s16;
	s17 =	sadd.s32 @!p0 s2, s17;
	p0 =	por p0, p0  }
0xa2: {  	s16 =	sshra.s32 @!p4 s20, $0x2;
	s20 =	simm.s32 @!p4 $0x80;
	s18 =	sand.u32 @!p0 $0x3FFF00, s18  }
0xa3: {  	s16 =	sadd.s32 @!p4 s16, s14;
	s25 =	sshll.u32 s19, $0x8;
	s17 =	sadd.s32 @!p0 s18, s17  }
0xa4: {  	[tilespmem:s16], [sflag:$0x1] =	stream.strided.gather @!p0 [hbm:s17], $0x100, s20, s20, $0x38;
	[tilespmem:$0x10200] =	vst v63  }
0xa5: {  	s16 =	sand.u32 $0x3FFFFF00, s25  }
0xa6: {  	_ =	swait.ge [sflag:s5], s16  }
0xa7: {  	s16 =	ssub.s32 $0x0, s16;
	[sflag:s5] =	ssyncset.done $0x0  }
0xa8: {  	s26 =	sadd.s32 $0x0, s15;
	[sflag:s5] =	ssyncadd.s32 s16  }
0xa9: {  	v1 =	vld.msk [tilespmem:s26+$0x0 ss:$0x1], $0x1;
	_ =	sdelay $0x4  }
0xaa: {  	(v2sf) =	vpush v1, $0x0;
	_ =	sdelay $0xc  }
0xab: {  	p0 =	por $0x0, $0x0;
	s16 =	simm.s32 $0x1  }
0xac: {  	s16 =	simm.s32 @!p0 $0x2  }
0xad: {  	v1 =	vmov s16;
	s28 =	spop (v2sf)  }
0xae: {  	vm15 =	vgt.u32 v1, v0;
	s29 =	sshll.u32 s28, $0x8;
	s17 =	sshll.u32 s28, $0x7  }
0xaf: {  	s16 =	sand.u32 $0xFFFFF800, s29;
	s17 =	sand.u32 $0x380, s17  }
0xb0: {  	s16 =	sor.u32 s17, s16  }
0xb1: {  	s30 =	sadd.s32 $0x0, s14;
	s31 =	sadd.s32 $0x0, s13;
	s16 =	sshrl.u32 s16, $0x3  }
0xb2: {  	s19 =	simm.s32 $0x8;
	s18 =	simm.s32 $0x4;
	s16 =	sadd.s32 s4, s16  }
0xb3: {  	[hbm:s16] =	stream.strided.scatter [tilespmem:s30], [sflag:$0x3], $0x100, s11, s11, $0x38;
	[tilespmem:$0x10200] =	vst v63  }
0xb4: {  	p1 =	por p0, p0;
	s17 =	simm.s32 $0x1;
	s16 =	simm.s32 $0x0;
	v1 =	vld.msk [tilespmem:s31+$0x0 ss:$0x1], vm15  }
.LBB2_5:
0xb5: {  	p2 =	sne.s32 s19, $0x1FC;
	s20 =	sadd.s32 s17, s15  }
0xb6: {  	v2 =	vld.msk [tilespmem:s20+$0x0 ss:$0x1], $0x1;
	_ =	sdelay $0x3  }
0xb7: {  	(v2sf) =	vpush v1, $0x1  }
0xb8: {  	(v2sf) =	vpush v1, $0x0  }
0xb9: {  	(v2sf) =	vpush v2, $0x0;
	_ =	sdelay $0xb  }
0xba: {  	p0 =	seq.s32 s18, $0x1FC;
	s18 =	smov.u32 s19;
	s20 =	simm.s32 $0x1  }
0xbb: {  	s20 =	simm.s32 @!p0 $0x2;
	s21 =	spop (v2sf)  }
0xbc: {  	s21 =	simm.s32 @p1 $0xFFFFFFFF;
	s22 =	spop (v2sf);
	p1 =	por p0, p0  }
0xbd: {  	v1 =	vmov s20;
	s20 =	spop (v2sf);
	p0 =	sne.s32 s22, s21;
	s22 =	simm.s32 $0x1  }
0xbe: {  	vm0 =	vgt.u32 v1, v0;
	s21 =	sshll.u32 s20, $0x8;
	s20 =	sshll.u32 s20, $0x7;
	s22 =	simm.s32 @!p0 $0x0  }
0xbf: {  	s21 =	sand.u32 $0xFFFFF800, s21;
	s20 =	sand.u32 $0x380, s20;
	s16 =	sadd.s32 s22, s16  }
.Ltmp4:
0xc0: {  	s20 =	sor.u32 s20, s21;
	s21 =	sshll.u32 s16, $0xA;
	(pc) =	sbr.rel @p2 .LBB2_5-.Ltmp4, $4  }
0xc1: {  	s20 =	sshrl.u32 s20, $0x3;
	s21 =	sshra.s32 s21, $0x2  }
0xc2: {  	s22 =	sadd.s32 s17, s13;
	s21 =	sadd.s32 s21, s14;
	s20 =	sadd.s32 s4, s20  }
0xc3: {  	[hbm:s20] =	stream.strided.scatter [tilespmem:s21], [sflag:$0x3], $0x100, s11, s11, $0x38;
	[tilespmem:$0x10200] =	vst v63  }
0xc4: {  	s19 =	sadd.s32 $0x4, s19;
	s17 =	sshra.s32 s18, $0x2;
	v1 =	vld.msk [tilespmem:s22+$0x0 ss:$0x1], vm0  }
0xc5: {  	s15 =	sadd.s32 s17, s15  }
0xc6: {  	v2 =	vld.msk [tilespmem:s15+$0x0 ss:$0x1], $0x1;
	_ =	sdelay $0x2  }
0xc7: {  	(v2sf) =	vpush v1, $0x1  }
0xc8: {  	(v2sf) =	vpush v1, $0x0  }
0xc9: {  	(v2sf) =	vpush v2, $0x0;
	_ =	sdelay $0xc  }
0xca: {  	p0 =	seq.s32 s18, $0x1FC;
	s15 =	simm.s32 $0x1;
	s18 =	spop (v2sf)  }
0xcb: {  	s15 =	simm.s32 @!p0 $0x2;
	s18 =	simm.s32 @p1 $0xFFFFFFFF;
	s19 =	spop (v2sf)  }
0xcc: {  	v1 =	vmov s15;
	s28 =	spop (v2sf);
	p0 =	sne.s32 s19, s18;
	s18 =	simm.s32 $0x1  }
0xcd: {  	vm0 =	vgt.u32 v1, v0;
	s29 =	sshll.u32 s28, $0x8;
	s15 =	sshll.u32 s28, $0x7;
	s18 =	simm.s32 @!p0 $0x0  }
0xce: {  	s19 =	sand.u32 $0xFFFFF800, s29;
	s15 =	sand.u32 $0x380, s15;
	s16 =	sadd.s32 s18, s16  }
0xcf: {  	s15 =	sor.u32 s15, s19;
	s16 =	sshll.u32 s16, $0xA  }
0xd0: {  	s15 =	sshrl.u32 s15, $0x3;
	s16 =	sshra.s32 s16, $0x2  }
0xd1: {  	s13 =	sadd.s32 s17, s13;
	s14 =	sadd.s32 s16, s14;
	s15 =	sadd.s32 s4, s15  }
0xd2: {  	[hbm:s15] =	stream.strided.scatter [tilespmem:s14], [sflag:$0x3], $0x100, s11, s11, $0x38;
	[tilespmem:$0x10200] =	vst v63  }
0xd3: {  	v1 =	vld.msk [tilespmem:s13+$0x0 ss:$0x1], vm0;
	_ =	sdelay $0x4  }
0xd4: {  	(v2sf) =	vpush v1, $0x1  }
0xd5: {  	(v2sf) =	vpush v1, $0x0;
	_ =	sdelay $0xa  }
.Ltmp5:
0xd6: {  	_ = 	snop;
	(pc) =	sbr.rel .LBB2_7-.Ltmp5, $3  }
0xd7: {  	s13 =	sld [smem:$0x7FC];
	_ =	sdelay $0x1  }
0xd8: {  	s30 =	spop (v2sf)  }
0xd9: {  	p3 =	seq.s32 s13, $0x1;
	s31 =	spop (v2sf)  }
.LBB2_8:
0xda: {  	_ =	sfence.sel $0x180000  }
0xdb: {  	s2 =	simm.s32 $0x2;
	[bflag:$0x0] =	sbarrier.arrive $0xFFFF  }
0xdc: {  	s30 =	simm.s32 $0x3;
	[sflag:s2] =	ssyncpa.u1 $0x1  }
0xdd: {  	s31 =	simm.s32 $0x1;
	[sflag:s30] =	ssyncpa.u1 $0x1  }
0xde: {  	[sflag:s31] =	ssyncpa.u1 $0x1  }
0xdf: {  	p0 =	sne.s32 s1, $0x0;
	_ =	strace $0x9000004D  }
0xe0: {  	s0 =	sadd.s32 @!p0 $0x100000, s0;
	[bflag:$0x2] =	sbarrier.arrive $0xFFFF  }
0xe1: {  	[sflag:s0] =	ssyncadd.tile.s32 @!p0 $0x1;
	_ =	shalt  }
.Lfunc_end2:
_tile_overlayer_lowered:
.L_overlay_start_2:
0xe2: {  	(tag) =	ssettag $0x2  }
0xe3: {  	s0 =	rddreg [dreg:$0x0];
	s2 =	stileid.u32  }
0xe4: {  	s1 =	rddreg [dreg:$0x1];
	p0 =	sne.s32 s2, $0x0  }
0xe5: {  	s3 =	rddreg [dreg:$0x2];
	[bflag:$0x3] =	sbarrier.arrive $0xFFFF;
	s2 =	simm.s32 @!p0 $0x1C01  }
0xe6: {  	[timem:s3], [sflag:s2] =	dma.local @!p0 [hbm:s0], s1  }
0xe7: {  	s0 =	simm.s32 @!p0 $0x1  }
0xe8: {  	_ =	swait.ge @!p0 [sflag:s0], s1  }
0xe9: {  	s1 =	ssub.s32 @!p0 $0x0, s1;
	[sflag:s0] =	ssyncset.done @!p0 $0x0  }
0xea: {  	[sflag:s0] =	ssyncadd.s32 @!p0 s1  }
0xeb: {  	[bflag:$0x3] =	sbarrier.arrive $0xFFFF  }
0xec: {  	_ =	shalt  }

// kernel: gather_offload_async_start.2
scs
__scs_entry_jumppad:
0x0: {  	(pc) =	sbr.rel $0x88, $3  }
0x1: {  	(tag) =	ssettag $0x0;
	lr =	simm.s32 $0x1  }
0x2: {  	[smem:$0x3F8D] =	sst lr;
	_ =	strace $0xD0000000  }
0x3: {  	_ = 	snop  }
0x4: {  	_ = 	snop  }
0x5: {  	_ = 	snop  }
0x6: {  	_ = 	snop  }
0x7: {  	_ = 	snop  }
__scs_overlays_trampoline_lowered:
0x8: {  	[smem:$0x3F9C] =	sst s0  }
0x9: {  	[smem:$0x3F9D] =	sst s1  }
0xa: {  	[smem:$0x3F9E] =	sst s2  }
0xb: {  	[smem:$0x3F9F] =	sst s3  }
0xc: {  	[smem:$0x3FA0] =	sst s4  }
0xd: {  	[smem:$0x3FA1] =	sst s5  }
0xe: {  	[smem:$0x3FA2] =	sst s6  }
0xf: {  	[smem:$0x3FA3] =	sst s7  }
0x10: {  	[smem:$0x3FA4] =	sst s8  }
0x11: {  	[smem:$0x3FA5] =	sst s9;
	s0 =	simm.s32 @!p0 $0x0  }
0x12: {  	s1 =	sld [smem:$0x3F8B];
	s0 =	simm.s32 @p0 $0x1  }
0x13: {  	[smem:$0x3FA6] =	sst s0;
	s0 =	simm.s32 @!p1 $0x0  }
0x14: {  	s2 =	sld [smem:$0x3F8A];
	s0 =	simm.s32 @p1 $0x1  }
0x15: {  	[smem:$0x3FA7] =	sst s0;
	s0 =	simm.s32 @!p2 $0x0  }
0x16: {  	s3 =	sld [smem:$0x3FDB];
	s0 =	simm.s32 @p2 $0x1  }
0x17: {  	s4 =	simm.s32 $0x1BF5;
	[smem:$0x3FA9] =	sst s0  }
0x18: {  	s0 =	sld [smem:$0x3F8C];
	_ =	swait.ge [sflag:s4], $0x0  }
0x19: {  	s7 =	sld [smem:$0x3F8D]  }
0x1a: {  	s8 =	sadd.s32 $0xFFFFE003, lr  }
0x1b: {  	s9 =	sadd.s32 $0xFFFFFEF7, lr;
	s5 =	simm.s32 $0xFFFFFFFF;
	p2 =	slt.u32 s8, $0xFFFFF086  }
0x1c: {  	p1 =	slt.u32 s9, $0xF7A;
	s5 =	simm.s32 @!p2 $0x0  }
0x1d: {  	s5 =	simm.s32 @p1 $0x1;
	p0 =	seq.s32 s7, s2  }
0x1e: {  	s7 =	smul.u32 @!p0 $0xF7A, s2;
	p2 =	seq.s32 @!p0 s5, $0x0  }
0x1f: {  	s9 =	smul.u32 $0xF7A, s1;
	s8 =	simm.s32 @!p0 $0x1BF5;
	p2 =	por !p2, p0  }
0x20: {  	[sflag:s8] =	ssyncset.s32 @!p0 $0xFFFFF086;
	s6 =	sadd.s32 @!p0 s3, s7;
	s7 =	simm.s32 @!p0 $0x108  }
0x21: {  	s3 =	sadd.s32 s3, s9;
	s6 =	sadd.s32 @!p0 $0x88, s6;
	s7 =	simm.s32 @p2 $0x1082  }
0x22: {  	[simem:s7], [sflag:s8] =	dma.local @!p0 [hbm:s6], $0xF7A  }
0x23: {  	s9 =	sor.u32 $0xD0000000, s2;
	s6 =	simm.s32 $0x108;
	_ =	swait.ge @!p0 [sflag:s8], $0x0  }
0x24: {  	s3 =	sadd.s32 $0x88, s3;
	s6 =	simm.s32 @!p1 $0x1082;
	[sflag:s4] =	ssyncset.s32 $0xFFFFF086  }
0x25: {  	[simem:s6], [sflag:s4] =	dma.local [hbm:s3], $0xF7A  }
0x26: {  	[smem:$0x3F8D] =	sst s1;
	(tag) =	ssettag s2;
	_ =	strace s9  }
0x27: {  	s1 =	sld [smem:$0x3F9D]  }
0x28: {  	s2 =	sld [smem:$0x3F9E]  }
0x29: {  	s4 =	sld [smem:$0x3FA0]  }
0x2a: {  	p0 =	seq.s32 s5, $0x0;
	s5 =	sld [smem:$0x3FA1]  }
0x2b: {  	s6 =	sld [smem:$0x3FA2]  }
0x2c: {  	s7 =	sld [smem:$0x3FA3]  }
0x2d: {  	s3 =	simm.s32 $0x108;
	s8 =	sld [smem:$0x3FA4]  }
0x2e: {  	s3 =	simm.s32 @!p0 $0x1082;
	s9 =	sld [smem:$0x3FA5]  }
0x2f: {  	lr =	sadd.s32 s0, s3;
	s0 =	sld [smem:$0x3F9C]  }
0x30: {  	s3 =	sld [smem:$0x3F9F]  }
0x31: {  	[smem:$0x3FA8] =	sst s10  }
0x32: {  	s10 =	sld [smem:$0x3FA6];
	_ =	sdelay $0x3  }
0x33: {  	p0 =	seq.s32 s10, $0x1;
	s10 =	sld [smem:$0x3FA8];
	_ =	sdelay $0x3  }
0x34: {  	[smem:$0x3FA8] =	sst s10  }
0x35: {  	s10 =	sld [smem:$0x3FA7];
	_ =	sdelay $0x3  }
0x36: {  	p1 =	seq.s32 s10, $0x1;
	s10 =	sld [smem:$0x3FA8];
	_ =	sdelay $0x3  }
0x37: {  	[smem:$0x3FA8] =	sst s10  }
0x38: {  	s10 =	sld [smem:$0x3FA9]  }
0x39: {  	_ = 	snop;
	(pc) =	sbr.ind lr, $3  }
0x3a: {  	_ = 	snop  }
0x3b: {  	_ = 	snop  }
0x3c: {  	p2 =	seq.s32 s10, $0x1;
	s10 =	sld [smem:$0x3FA8]  }
0x3d: {  	_ =	shalt  }
0x3e: {  	_ =	shalt  }
0x3f: {  	_ =	shalt  }
0x40: {  	_ =	shalt  }
0x41: {  	_ =	shalt  }
0x42: {  	_ =	shalt  }
0x43: {  	_ =	shalt  }
0x44: {  	_ =	shalt  }
0x45: {  	_ =	shalt  }
0x46: {  	_ =	shalt  }
0x47: {  	_ =	shalt  }
0x48: {  	_ =	shalt  }
0x49: {  	_ =	shalt  }
0x4a: {  	_ =	shalt  }
0x4b: {  	_ =	shalt  }
0x4c: {  	_ =	shalt  }
0x4d: {  	_ =	shalt  }
0x4e: {  	_ =	shalt  }
0x4f: {  	_ =	shalt  }
0x50: {  	_ =	shalt  }
0x51: {  	_ =	shalt  }
0x52: {  	_ =	shalt  }
0x53: {  	_ =	shalt  }
0x54: {  	_ =	shalt  }
0x55: {  	_ =	shalt  }
0x56: {  	_ =	shalt  }
0x57: {  	_ =	shalt  }
0x58: {  	_ =	shalt  }
0x59: {  	_ =	shalt  }
0x5a: {  	_ =	shalt  }
0x5b: {  	_ =	shalt  }
0x5c: {  	_ =	shalt  }
0x5d: {  	_ =	shalt  }
0x5e: {  	_ =	shalt  }
0x5f: {  	_ =	shalt  }
0x60: {  	_ =	shalt  }
0x61: {  	_ =	shalt  }
0x62: {  	_ =	shalt  }
0x63: {  	_ =	shalt  }
0x64: {  	_ =	shalt  }
0x65: {  	_ =	shalt  }
0x66: {  	_ =	shalt  }
0x67: {  	_ =	shalt  }
0x68: {  	_ =	shalt  }
0x69: {  	_ =	shalt  }
0x6a: {  	_ =	shalt  }
0x6b: {  	_ =	shalt  }
0x6c: {  	_ =	shalt  }
0x6d: {  	_ =	shalt  }
0x6e: {  	_ =	shalt  }
0x6f: {  	_ =	shalt  }
0x70: {  	_ =	shalt  }
0x71: {  	_ =	shalt  }
0x72: {  	_ =	shalt  }
0x73: {  	_ =	shalt  }
0x74: {  	_ =	shalt  }
0x75: {  	_ =	shalt  }
0x76: {  	_ =	shalt  }
0x77: {  	_ =	shalt  }
0x78: {  	_ =	shalt  }
0x79: {  	_ =	shalt  }
0x7a: {  	_ =	shalt  }
0x7b: {  	_ =	shalt  }
0x7c: {  	_ =	shalt  }
0x7d: {  	_ =	shalt  }
0x7e: {  	_ =	shalt  }
0x7f: {  	_ =	shalt  }
0x80: {  	_ =	shalt  }
0x81: {  	_ =	shalt  }
0x82: {  	_ =	shalt  }
0x83: {  	_ =	shalt  }
0x84: {  	_ =	shalt  }
0x85: {  	_ =	shalt  }
0x86: {  	_ =	shalt  }
0x87: {  	_ =	shalt  }
.Lfunc_end0:
.L_simem_size_0:
called_computation.5_lowered:
.L_overlay_start_0:
0x88: {  	s2 =	sld [smem:$0x3FD9]  }
0x89: {  	s3 =	sld [smem:$0x3FFE];
	_ =	sdelay $0x1  }
0x8a: {  	s1 =	srdreg.scid  }
0x8b: {  	s0 =	sand.u32 $0x1, s1  }
0x8c: {  	s16 =	sshll.u32 s0, $0xA;
	s2 =	sadd.s32 s3, s2  }
0x8d: {  	s2 =	sadd.s32 s2, s16  }
0x8e: {  	[smem:$0x3FB4] =	sst s2  }
0x8f: {  	_ = 	snop  }
0x90: {  	(tm) =	ssettm $0x1  }
0x91: {  	s17 =	sld [smem:$0x3FFB];
	_ =	sdelay $0x3  }
0x92: {  	_ =	strace s17  }
0x93: {  	s2 =	sld [smem:$0x3FFC];
	_ =	sdelay $0x3  }
0x94: {  	_ =	strace s2  }
0x95: {  	s2 =	sld [smem:$0x3FFD];
	_ =	sdelay $0x3  }
0x96: {  	_ =	strace s2  }
0x97: {  	_ =	strace $0x8FFFFFFF  }
0x98: {  	s18 =	sld [smem:$0x3FDB];
	_ =	sdelay $0x1  }
0x99: {  	s19 =	simm.s32 $_scs_section_size  }
0x9a: {  	s4 =	simm.s32 $_size__tile_overlayer_lowered;
	s5 =	simm.s32 $_tile_overlayer_lowered  }
0x9b: {  	s22 =	simm.s32 $0x1BFF;
	s21 =	sshll.u32 s5, $0x1;
	s2 =	sadd.s32 s19, s18  }
0x9c: {  	s6 =	simm.s32 $0x0;
	s20 =	sshll.u32 s4, $0x1;
	s4 =	sadd.s32 s21, s2  }
0x9d: {  	[timem:s6], [sflag:s22] =	dma.local [hbm:s4], s20  }
0x9e: {  	_ =	swait.ge [sflag:s22], s20  }
0x9f: {  	s3 =	ssub.s32 $0x0, s20;
	[sflag:s22] =	ssyncset.done $0x0  }
0xa0: {  	[sflag:s22] =	ssyncadd.s32 s3;
	_ =	sdelay $0x1  }
0xa1: {  	s23 =	simm.s32 $0x1B8B  }
0xa2: {  	_ =	swait.ge [sflag:s23], $0x1  }
0xa3: {  	[sflag:s23] =	ssyncset.done $0x0  }
0xa4: {  	s25 =	simm.s32 $0x1B8E;
	s24 =	sld [smem:$0x3FFE];
	[sflag:s23] =	ssyncadd.s32 $0xFFFFFFFF  }
0xa5: {  	s26 =	simm.s32 $execute0_lowered;
	[smem:$0x3FD2] =	sst s25  }
0xa6: {  	s4 =	sshll.u32 s26, $0x1;
	_ =	strace $0x80000058;
	[dreg:$0x1] =	wrdreg $0xFFFFFFFF  }
0xa7: {  	s28 =	simm.s32 $_size_execute0_lowered;
	s2 =	sadd.s32 s2, s4;
	[dreg:$0x0] =	wrdreg $0x0  }
0xa8: {  	s4 =	sshll.u32 s28, $0x1;
	[dreg:$0x2] =	wrdreg s2  }
0xa9: {  	[dreg:$0x3] =	wrdreg s4  }
0xaa: {  	[dreg:$0x4] =	wrdreg $0xC0  }
0xab: {  	_ =	task [dreg:s6], $0x5FFFF  }
0xac: {  	[dreg:$0x1] =	wrdreg $0xFFFFFFFF  }
0xad: {  	[dreg:$0x0] =	wrdreg $0x60  }
0xae: {  	[dreg:$0x2] =	wrdreg s24  }
0xaf: {  	[dreg:$0x3] =	wrdreg $0x9  }
0xb0: {  	_ =	task.clear_ibuf [dreg:s6], $0x4FFFF;
	_ =	strace $0x90000058  }
0xb1: {  	s29 =	simm.s32 $0x9;
	_ =	strace $0x8000005A  }
0xb2: {  	_ =	swait.ge [sflag:s29], $0x1  }
0xb3: {  	[sflag:s29] =	ssyncadd.s32 $0xFFFFFFFF  }
0xb4: {  	_ =	strace $0x9000005A  }
0xb5: {  	_ =	sfence  }
0xb6: {  	s30 =	sld [smem:$0x0];
	_ =	sdelay $0x2  }
0xb7: {  	s31 =	sshll.u32 s1, $0xD;
	s1 =	sshrl.u32 s1, $0x2  }
0xb8: {  	s3 =	sand.u32 $0x4000, s31;
	s1 =	sadd.s32 s1, s30  }
0xb9: {  	s0 =	sor.u32 s3, s0;
	s1 =	sshll.u32 s1, $0x11  }
0xba: {  	s0 =	sor.u32 s1, s0  }
0xbb: {  	s0 =	sadd.s32 $0x8F2B, s0  }
0xbc: {  	[sflag:s0] =	ssyncadd.remote.s32 $0x1  }
0xbd: {  	_ =	sfence.sel $0xFFFF  }
0xbe: {  	[dreg:$0x0] =	wrdreg $0xFFFFFFFF;
	(pc) =	sbr.abs _section_cstart, $3  }
0xbf: {  	[dreg:$0x1] =	wrdreg $0xFFFFFFFF  }
0xc0: {  	_ =	task.clear_ibuf [dreg:s6], $0x2FFFF;
	_ =	strace $0x9FFFFFFF  }
0xc1: {  	(tm) =	ssettm $0x7FFFFFFF  }
tec
execute0_lowered:
.L_overlay_start_1:
0x0: {  	(tag) =	ssettag $0x1  }
0x1: {  	s8 =	rddreg [dreg:$0x0]  }
0x2: {  	s0 =	rddreg [dreg:$0x1];
	_ =	strace $0x80000059;
	s1 =	srdreg.scid  }
0x3: {  	s5 =	simm.s32 $0x1;
	s10 =	simm.s32 $0x3;
	p3 =	por $0x0, $0x0  }
0x4: {  	s11 =	simm.s32 $0x80;
	s2 =	sadd.s32 $0xAACC00, s8;
	s6 =	sshll.u32 s1, $0x4  }
.Ltmp0:
0x5: {  	s1 =	stileid.u32;
	s6 =	sand.u32 $0x10, s6;
	(pc) =	sbr.rel .LBB2_1-.Ltmp0, $4  }
0x6: {  	s3 =	sadd.s32 $0xA5400, s8;
	s4 =	sadd.s32 $0xCACC00, s8;
	s7 =	sor.u32 s1, s6  }
0x7: {  	[sflag:s5] =	ssyncpa.u1 $0x0;
	s6 =	simm.s32 $0x2;
	s7 =	sshll.u32 s7, $0xE  }
0x8: {  	s8 =	sadd.s32 $0xBD400, s8;
	[sflag:s6] =	ssyncpa.u1 $0x0;
	s9 =	sadd.s32 $0x4000, s7  }
0x9: {  	v0 =	vlaneseq.u32;
	[sflag:s10] =	ssyncpa.u1 $0x0;
	s10 =	simm.s32 $0x0;
	s12 =	smov.u32 s7  }
.LBB2_7:
0xa: {  	p0 =	slt.u32 s10, $0x2;
	s10 =	sadd.s32 $0x1, s10  }
0xb: {  	p2 =	sne.s32 s10, $0x42  }
.Ltmp1:
0xc: {  	_ = 	snop;
	(pc) =	sbr.rel @!p2 .LBB2_8-.Ltmp1, $4  }
0xd: {  	s13 =	simm.s32 @!p0 $0x3  }
0xe: {  	s14 =	sadd.s32 $0x100, s12;
	_ =	swait.ge @!p0 [sflag:s13], $0x8000  }
0xf: {  	s12 =	smov.u32 s7;
	p1 =	slt.s32 s14, s9;
	[sflag:s13] =	ssyncset.done @!p0 $0x0  }
0x10: {  	p3 =	por !p3, !p3;
	s12 =	smov.u32 @p1 s14;
	[sflag:s13] =	ssyncadd.s32 @!p0 $0xFFFF8000  }
.LBB2_1:
0x11: {  	p0 =	sgt.u32 s10, $0x3F  }
0x12: {  	s13 =	sxor.u32 @!p0 $0xFFFFFFFF, s10  }
0x13: {  	s14 =	sshrl.u32 @!p0 s12, $0x3;
	s13 =	sshll.u32 @!p0 s13, $0x8  }
0x14: {  	s16 =	sand.u32 @!p0 $0x7, s12;
	s15 =	sadd.s32 @!p0 s3, s14;
	s13 =	sand.u32 @!p0 $0x100, s13  }
0x15: {  	[tilespmem:s13], [sflag:$0x2] =	stream.linear.gather @!p0 [hbm4b:s15+s16], $0x100, $0x38;
	[tilespmem:$0x10400] =	vst v63  }
0x16: {  	s14 =	sadd.s32 @!p0 s8, s14;
	s13 =	sor.u32 @!p0 $0x200, s13  }
0x17: {  	[tilespmem:s13], [sflag:$0x2] =	stream.linear.gather @!p0 [hbm4b:s14+s16], $0x100, $0x38;
	[tilespmem:$0x10400] =	vst v63  }
0x18: {  	p0 =	seq.s32 s10, $0x0  }
0x19: {  	p1 =	seq.s32 @!p0 s10, $0x41  }
0x1a: {  	p0 =	por p0, p1  }
.Ltmp2:
0x1b: {  	_ = 	snop;
	(pc) =	sbr.rel @p0 .LBB2_7-.Ltmp2, $1  }
0x1c: {  	_ =	sdelay $0x3  }
0x1d: {  	p0 =	por $0x0, $0x0  }
0x1e: {  	s13 =	simm.s32 $0x1;
	p0 =	por p0, p0  }
0x1f: {  	s13 =	simm.s32 @!p0 $0x2  }
0x20: {  	v1 =	vmov s13  }
0x21: {  	s14 =	simm.s32 @!p3 $0x0;
	vm0 =	vgt.u32 v1, v0  }
0x22: {  	s14 =	simm.s32 @p3 $0x1  }
0x23: {  	[smem:$0x7FB] =	sst s14;
	s13 =	simm.s32 $0x1  }
0x24: {  	_ =	swait.ge [sflag:s6], $0x200;
	s13 =	simm.s32 @!p3 $0x0  }
0x25: {  	[sflag:s6] =	ssyncset.done $0x0;
	s13 =	sshll.u32 s13, $0x8  }
0x26: {  	[sflag:s6] =	ssyncadd.s32 $0xFFFFFE00;
	s25 =	sadd.s32 $0x0, s13  }
0x27: {  	p1 =	por $0x0, $0x0;
	v1 =	vld.msk [tilespmem:s25+$0x0 ss:$0x1], vm0  }
0x28: {  	p1 =	por p1, p1;
	s14 =	simm.s32 $0x1  }
0x29: {  	s14 =	simm.s32 @!p1 $0x2  }
0x2a: {  	v2 =	vmov s14  }
0x2b: {  	vm0 =	vgt.u32 v2, v0  }
0x2c: {  	(v2sf) =	vpush v1, $0x1  }
0x2d: {  	(v2sf) =	vpush v1, $0x0  }
0x2e: {  	p2 =	por $0x0, $0x0  }
0x2f: {  	p2 =	por p2, p2;
	s14 =	simm.s32 $0x1  }
0x30: {  	s14 =	simm.s32 @!p2 $0x2;
	s26 =	sadd.s32 $0x1, s13  }
0x31: {  	v2 =	vmov s14;
	v3 =	vld.msk [tilespmem:s26+$0x0 ss:$0x1], vm0  }
0x32: {  	vm1 =	vgt.u32 v2, v0;
	_ =	sdelay $0x3  }
0x33: {  	(v2sf) =	vpush v3, $0x1  }
0x34: {  	s28 =	sadd.s32 $0x2, s13;
	(v2sf) =	vpush v3, $0x0  }
0x35: {  	v4 =	vld.msk [tilespmem:s28+$0x0 ss:$0x1], vm1  }
0x36: {  	p0 =	por p0, p0  }
0x37: {  	p0 =	por p0, p0  }
0x38: {  	p0 =	por p0, p0;
	s14 =	spop (v2sf)  }
0x39: {  	s29 =	sand.u32 $0x1, s10;
	s14 =	simm.s32 @p0 $0xFFFFFFFF;
	s15 =	spop (v2sf)  }
0x3a: {  	p5 =	por $0x0, $0x0;
	s16 =	simm.s32 $0x1;
	(v2sf) =	vpush v4, $0x1;
	p0 =	seq.s32 s15, s14  }
0x3b: {  	s17 =	simm.s32 $0x0;
	p6 =	por $0x0, $0x0;
	p1 =	por p1, p1;
	vm0 =	vgt.s32 @!p0 v1, $0x0  }
0x3c: {  	s24 =	simm.s32 $0x1;
	p3 =	por p5, p5;
	p4 =	por p1, p1;
	(v2sf) =	vpush v4, $0x0;
	v1 =	vnsel @!p0 vm0, $0x0, v1  }
0x3d: {  	p1 =	por p6, p6;
	s16 =	simm.s32 @!p3 $0x2;
	p2 =	por p2, p2;
	v1 =	vmin.u32 @!p0 v1, $0x1FFFF  }
0x3e: {  	p6 =	por p4, p4;
	p5 =	por p3, p3;
	p2 =	por p2, p2;
	(v2sf) =	vpush @!p0 v1, $0x0  }
0x3f: {  	s19 =	sadd.s32 $0x3, s13;
	s30 =	sadd.s32 $0x4, s13;
	p2 =	por p2, p2;
	v1 =	vmov s16  }
0x40: {  	s15 =	sor.u32 $0x200, s13;
	s14 =	sshll.u32 s29, $0xF;
	s16 =	simm.s32 $0x1;
	vm0 =	vgt.u32 v1, v0  }
0x41: {  	s14 =	sor.u32 $0x400, s14;
	s18 =	simm.s32 @!p0 $0x1;
	s16 =	simm.s32 @!p1 $0x2  }
0x42: {  	p4 =	por p0, p0;
	s18 =	smov.u32 @p0 s17;
	s20 =	spop (v2sf);
	v1 =	vmov s16  }
0x43: {  	s17 =	simm.s32 $0x18;
	s20 =	simm.s32 @p6 $0xFFFFFFFF;
	s21 =	spop (v2sf);
	vm1 =	vgt.u32 v1, v0  }
0x44: {  	p6 =	por p5, p5;
	p1 =	por p1, p1;
	p3 =	seq.s32 s21, s20  }
0x45: {  	p5 =	por $0x0, $0x0;
	s16 =	sadd.s32 @!p0 $0x0, s14;
	s23 =	sadd.s32 @!p3 $0x1, s18  }
0x46: {  	s23 =	smov.u32 @p3 s18;
	v2 =	vld.msk [tilespmem:s19+$0x0 ss:$0x1], vm0;
	s19 =	sshll.u32 @!p3 s18, $0x9;
	s18 =	simm.s32 @!p1 $0x0  }
0x47: {  	p5 =	por p5, p5;
	s21 =	simm.s32 $0x1C;
	s18 =	simm.s32 @p1 $0x1  }
0x48: {  	s24 =	simm.s32 @!p5 $0x2;
	s19 =	sshra.s32 @!p3 s19, $0x2;
	[smem:$0x7FC] =	sst s18  }
0x49: {  	p1 =	por $0x0, $0x0;
	s22 =	spop (v2sf);
	s18 =	simm.s32 @!p5 $0x0;
	v1 =	vld.msk [tilespmem:s30+$0x0 ss:$0x1], vm1  }
0x4a: {  	vm0 =	vgt.s32 @!p3 v3, $0x0;
	s22 =	simm.s32 @p2 $0xFFFFFFFF;
	s18 =	simm.s32 @p5 $0x1;
	p5 =	por p4, p4  }
0x4b: {  	v3 =	vnsel @!p3 vm0, $0x0, v3;
	s31 =	spop (v2sf);
	p2 =	por p6, p6;
	[smem:$0x7FD] =	sst s18;
	(v2sf) =	vpush v2, $0x1  }
0x4c: {  	v3 =	vmin.u32 @!p3 v3, $0x1FFFF;
	s18 =	sadd.s32 @!p3 s19, s14;
	p4 =	seq.s32 s31, s22;
	s22 =	simm.s32 @!p5 $0x80;
	(v2sf) =	vpush v2, $0x0  }
0x4d: {  	vm0 =	vgt.s32 @!p4 v4, $0x0;
	s19 =	sshll.u32 @!p4 s23, $0x9;
	s20 =	sadd.s32 @!p4 $0x1, s23;
	(v2sf) =	vpush @!p3 v3, $0x0;
	v3 =	vmov s24;
	s25 =	spop @!p0 (v2sf)  }
0x4e: {  	v4 =	vnsel @!p4 vm0, $0x0, v4;
	s19 =	sshra.s32 @!p4 s19, $0x2;
	s20 =	smov.u32 @p4 s23;
	(v2sf) =	vpush v1, $0x1;
	vm0 =	vgt.u32 v3, v0;
	s25 =	sshll.u32 @!p5 s25, $0x4  }
0x4f: {  	s24 =	sadd.s32 $0x5, s13;
	v3 =	vmin.u32 @!p4 v4, $0x1FFFF;
	p0 =	por p3, p3;
	(v2sf) =	vpush v1, $0x0;
	s23 =	sadd.s32 @!p5 s2, s25  }
.LBB2_3:
0x50: {  	_ =	sdelay $0x1  }
0x51: {  	s26 =	sld [smem:$0x7FC]  }
0x52: {  	s25 =	simm.s32 @!p3 $0x0;
	s28 =	sld [smem:$0x7FD]  }
0x53: {  	v4 =	vld.msk [tilespmem:s24+$0x0 ss:$0x1], vm0;
	[tilespmem:s16], [sflag:$0x1] =	stream.strided.gather @!p5 [hbm:s23], $0x80, s22, s22, $0x38;
	[tilespmem:$0x10400] =	vst v63  }
0x54: {  	s31 =	smov.u32 s17;
	s17 =	smov.u32 s21;
	s25 =	simm.s32 @p3 $0x1  }
0x55: {  	(v2sf) =	vpush @!p4 v3, $0x0;
	p3 =	por p4, p4;
	p5 =	seq.s32 s26, $0x1;
	p4 =	seq.s32 s28, $0x1  }
0x56: {  	s16 =	smov.u32 s18;
	p6 =	por p5, p5;
	p5 =	por p4, p4  }
0x57: {  	s21 =	sadd.s32 $0x4, s21;
	[smem:$0x7F9] =	sst s25;
	s18 =	simm.s32 @!p5 $0x0  }
0x58: {  	s25 =	smov.u32 s20;
	p4 =	por p1, p1;
	s18 =	simm.s32 @p5 $0x1  }
0x59: {  	s20 =	simm.s32 @!p4 $0x0;
	[smem:$0x7FC] =	sst s18;
	s18 =	simm.s32 $0x1  }
0x5a: {  	s20 =	simm.s32 @p4 $0x1;
	s18 =	simm.s32 @!p4 $0x2;
	p4 =	sne.s32 s21, $0x400  }
0x5b: {  	[smem:$0x7FD] =	sst s20;
	s20 =	simm.s32 @!p4 $0x0  }
0x5c: {  	s30 =	sld [smem:$0x7F9];
	s20 =	simm.s32 @p4 $0x1  }
0x5d: {  	s23 =	sshra.s32 s31, $0x2;
	[smem:$0x7FA] =	sst s20  }
0x5e: {  	v3 =	vmov s18;
	s18 =	sadd.s32 @!p3 s19, s14;
	s19 =	spop (v2sf);
	s31 =	sld [smem:$0x7FA]  }
0x5f: {  	s19 =	simm.s32 @p2 $0xFFFFFFFF  }
0x60: {  	s29 =	spop (v2sf);
	p2 =	por p6, p6;
	p6 =	seq.s32 s30, $0x1  }
0x61: {  	s24 =	spop @!p6 (v2sf);
	p6 =	seq.s32 s31, $0x1  }
.Ltmp3:
0x62: {  	_ = 	snop;
	(pc) =	sbr.rel @p6 .LBB2_3-.Ltmp3, $4  }
0x63: {  	p1 =	seq.s32 s17, $0x3FC;
	p5 =	por p0, p0;
	p4 =	seq.s32 s29, s19  }
0x64: {  	p0 =	por p3, p3;
	s22 =	simm.s32 @!p5 $0x80;
	vm1 =	vgt.s32 @!p4 v2, $0x0;
	s19 =	sshll.u32 @!p4 s25, $0x9  }
0x65: {  	vm0 =	vgt.u32 v3, v0;
	(v2sf) =	vpush v4, $0x1;
	s20 =	sadd.s32 @!p4 $0x1, s25;
	s26 =	sshll.u32 @!p5 s24, $0x4;
	s24 =	sadd.s32 s23, s13;
	v3 =	vnsel @!p4 vm1, $0x0, v2  }
0x66: {  	(v2sf) =	vpush v4, $0x0;
	s19 =	sshra.s32 @!p4 s19, $0x2;
	v2 =	vmovc v1;
	v1 =	vmov v4;
	s20 =	smov.u32 @p4 s25;
	s23 =	sadd.s32 @!p5 s2, s26;
	v3 =	vmin.u32 @!p4 v3, $0x1FFFF  }
0x67: {  	_ = 	snop  }
0x68: {  	p6 =	por p1, p1;
	s21 =	simm.s32 $0x1  }
0x69: {  	s21 =	simm.s32 @!p6 $0x2  }
0x6a: {  	v4 =	vmov s21  }
0x6b: {  	vm1 =	vgt.u32 v4, v0  }
0x6c: {  	v4 =	vld.msk [tilespmem:s24+$0x0 ss:$0x1], vm0;
	_ =	sdelay $0x2  }
0x6d: {  	s17 =	sshra.s32 s17, $0x2;
	s21 =	spop (v2sf)  }
0x6e: {  	s17 =	sadd.s32 s17, s13;
	(v2sf) =	vpush @!p4 v3, $0x0;
	s21 =	simm.s32 @p2 $0xFFFFFFFF;
	s31 =	spop (v2sf)  }
0x6f: {  	p2 =	seq.s32 s31, s21;
	(v2sf) =	vpush v4, $0x1;
	v3 =	vld.msk [tilespmem:s17+$0x0 ss:$0x1], vm1  }
0x70: {  	vm0 =	vgt.s32 @!p2 v2, $0x0;
	(v2sf) =	vpush v4, $0x0  }
0x71: {  	v2 =	vnsel @!p2 vm0, $0x0, v2  }
0x72: {  	[tilespmem:s16], [sflag:$0x1] =	stream.strided.gather @!p5 [hbm:s23], $0x80, s22, s22, $0x38;
	v2 =	vmin.u32 @!p2 v2, $0x1FFFF;
	[tilespmem:$0x10400] =	vst v63  }
0x73: {  	s22 =	sld [smem:$0x7FC];
	(v2sf) =	vpush @!p2 v2, $0x0  }
0x74: {  	(v2sf) =	vpush v3, $0x1  }
0x75: {  	p0 =	por p0, p0;
	(v2sf) =	vpush v3, $0x0  }
0x76: {  	s17 =	spop @!p3 (v2sf);
	p3 =	seq.s32 s22, $0x1;
	s22 =	sld [smem:$0x7FD]  }
0x77: {  	p1 =	por p3, p3;
	s17 =	sshll.u32 @!p0 s17, $0x4  }
0x78: {  	p1 =	por p1, p1;
	s17 =	sadd.s32 @!p0 s2, s17  }
0x79: {  	p5 =	seq.s32 s22, $0x1;
	s22 =	simm.s32 @!p0 $0x80;
	s16 =	spop (v2sf)  }
0x7a: {  	[tilespmem:s18], [sflag:$0x1] =	stream.strided.gather @!p0 [hbm:s17], $0x80, s22, s22, $0x38;
	[tilespmem:$0x10400] =	vst v63  }
0x7b: {  	s23 =	spop (v2sf);
	s16 =	simm.s32 @p1 $0xFFFFFFFF  }
0x7c: {  	p3 =	por p5, p5;
	p1 =	seq.s32 s23, s16  }
0x7d: {  	p3 =	por p3, p3;
	vm0 =	vgt.s32 @!p1 v1, $0x0;
	s16 =	spop @!p4 (v2sf)  }
0x7e: {  	p0 =	por p3, p3;
	v1 =	vnsel @!p1 vm0, $0x0, v1;
	s17 =	spop (v2sf)  }
0x7f: {  	v1 =	vmin.u32 @!p1 v1, $0x1FFFF;
	s17 =	simm.s32 @p0 $0xFFFFFFFF;
	s24 =	spop (v2sf)  }
0x80: {  	(v2sf) =	vpush @!p1 v1, $0x0;
	p0 =	seq.s32 s24, s17  }
0x81: {  	p5 =	por p6, p6;
	vm0 =	vgt.s32 @!p0 v4, $0x0  }
0x82: {  	p3 =	por p5, p5;
	s17 =	spop @!p2 (v2sf);
	v1 =	vnsel @!p0 vm0, $0x0, v4  }
0x83: {  	p3 =	por p3, p3;
	v1 =	vmin.u32 @!p0 v1, $0x1FFFF;
	s18 =	spop (v2sf)  }
0x84: {  	p6 =	por p4, p4;
	(v2sf) =	vpush @!p0 v1, $0x0;
	s18 =	simm.s32 @p3 $0xFFFFFFFF;
	s25 =	spop (v2sf)  }
0x85: {  	p5 =	por p6, p6;
	p3 =	seq.s32 s25, s18  }
0x86: {  	p6 =	por p2, p2;
	s16 =	sshll.u32 @!p5 s16, $0x4;
	vm0 =	vgt.s32 @!p3 v3, $0x0  }
0x87: {  	s16 =	sadd.s32 @!p5 s2, s16;
	s18 =	sadd.s32 @!p4 s19, s14;
	s19 =	simm.s32 @!p5 $0x80;
	v1 =	vnsel @!p3 vm0, $0x0, v3  }
0x88: {  	[tilespmem:s18], [sflag:$0x1] =	stream.strided.gather @!p5 [hbm:s16], $0x80, s19, s19, $0x38;
	v1 =	vmin.u32 @!p3 v1, $0x1FFFF;
	[tilespmem:$0x10400] =	vst v63  }
0x89: {  	p4 =	por p6, p6;
	s16 =	sshll.u32 @!p2 s20, $0x9;
	(v2sf) =	vpush @!p3 v1, $0x0  }
0x8a: {  	s18 =	sadd.s32 @!p2 $0x1, s20;
	s17 =	sshll.u32 @!p4 s17, $0x4;
	s19 =	simm.s32 @!p4 $0x80  }
0x8b: {  	p5 =	por p0, p0;
	p6 =	por p3, p3;
	s16 =	sshra.s32 @!p2 s16, $0x2  }
0x8c: {  	s18 =	smov.u32 @p2 s20;
	s17 =	sadd.s32 @!p4 s2, s17;
	s16 =	sadd.s32 @!p2 s16, s14  }
0x8d: {  	[tilespmem:s16], [sflag:$0x1] =	stream.strided.gather @!p4 [hbm:s17], $0x80, s19, s19, $0x38;
	[tilespmem:$0x10400] =	vst v63  }
0x8e: {  	s16 =	sshll.u32 @!p1 s18, $0x9;
	p4 =	por p1, p1;
	s17 =	sadd.s32 @!p1 $0x1, s18  }
0x8f: {  	s19 =	spop @!p1 (v2sf);
	p2 =	por p4, p4;
	s16 =	sshra.s32 @!p1 s16, $0x2  }
0x90: {  	s17 =	smov.u32 @p1 s18;
	s18 =	sshll.u32 @!p2 s19, $0x4;
	s16 =	sadd.s32 @!p1 s16, s14  }
0x91: {  	s19 =	simm.s32 @!p2 $0x80;
	p1 =	por p5, p5;
	s18 =	sadd.s32 @!p2 s2, s18  }
0x92: {  	[tilespmem:s16], [sflag:$0x1] =	stream.strided.gather @!p2 [hbm:s18], $0x80, s19, s19, $0x38;
	[tilespmem:$0x10400] =	vst v63  }
0x93: {  	s16 =	sshll.u32 @!p0 s17, $0x9;
	s18 =	sadd.s32 @!p0 $0x1, s17;
	s19 =	spop @!p0 (v2sf)  }
0x94: {  	s16 =	sshra.s32 @!p0 s16, $0x2;
	s18 =	smov.u32 @p0 s17;
	s17 =	sshll.u32 @!p1 s19, $0x4  }
0x95: {  	s16 =	sadd.s32 @!p0 s16, s14;
	s19 =	simm.s32 @!p1 $0x80;
	s17 =	sadd.s32 @!p1 s2, s17  }
0x96: {  	[tilespmem:s16], [sflag:$0x1] =	stream.strided.gather @!p1 [hbm:s17], $0x80, s19, s19, $0x38;
	[tilespmem:$0x10400] =	vst v63  }
0x97: {  	p0 =	por p6, p6;
	s16 =	sshll.u32 @!p3 s18, $0x9  }
0x98: {  	s17 =	sadd.s32 @!p3 $0x1, s18;
	s16 =	sshra.s32 @!p3 s16, $0x2;
	s19 =	spop @!p3 (v2sf)  }
0x99: {  	s17 =	smov.u32 @p3 s18;
	s16 =	sadd.s32 @!p3 s16, s14;
	s18 =	sshll.u32 @!p0 s19, $0x4  }
0x9a: {  	s26 =	sshll.u32 s17, $0x7;
	s19 =	simm.s32 @!p0 $0x80;
	s18 =	sadd.s32 @!p0 s2, s18  }
0x9b: {  	[tilespmem:s16], [sflag:$0x1] =	stream.strided.gather @!p0 [hbm:s18], $0x80, s19, s19, $0x38;
	[tilespmem:$0x10400] =	vst v63  }
0x9c: {  	s16 =	sand.u32 $0x3FFFFF80, s26  }
0x9d: {  	_ =	swait.ge [sflag:s5], s16  }
0x9e: {  	s16 =	ssub.s32 $0x0, s16;
	[sflag:s5] =	ssyncset.done $0x0  }
0x9f: {  	s28 =	sadd.s32 $0x0, s15;
	[sflag:s5] =	ssyncadd.s32 s16  }
0xa0: {  	v1 =	vld.msk [tilespmem:s28+$0x0 ss:$0x1], $0x1;
	_ =	sdelay $0x4  }
0xa1: {  	(v2sf) =	vpush v1, $0x0;
	_ =	sdelay $0xa  }
0xa2: {  	p0 =	por $0x0, $0x0;
	s16 =	simm.s32 $0x1  }
0xa3: {  	s16 =	simm.s32 @!p0 $0x2  }
0xa4: {  	v1 =	vmov s16  }
0xa5: {  	vm15 =	vgt.u32 v1, v0  }
0xa6: {  	s29 =	spop (v2sf)  }
0xa7: {  	s16 =	sshll.u32 s29, $0x4  }
0xa8: {  	s16 =	sand.u32 $0x1FFFFFF0, s16  }
0xa9: {  	s30 =	sadd.s32 $0x0, s14;
	s31 =	sadd.s32 $0x0, s13;
	s16 =	sadd.s32 s4, s16  }
0xaa: {  	[hbm:s16] =	stream.strided.scatter [tilespmem:s30], [sflag:$0x3], $0x80, s11, s11, $0x38;
	[tilespmem:$0x10400] =	vst v63  }
0xab: {  	s17 =	simm.s32 $0x1;
	s18 =	simm.s32 $0x4;
	v1 =	vld.msk [tilespmem:s31+$0x0 ss:$0x1], vm15  }
0xac: {  	s19 =	simm.s32 $0x8;
	p0 =	por p0, p0;
	s16 =	simm.s32 $0x0  }
.LBB2_5:
0xad: {  	p1 =	sne.s32 s19, $0x3FC;
	s20 =	sadd.s32 s17, s15  }
0xae: {  	v2 =	vld.msk [tilespmem:s20+$0x0 ss:$0x1], $0x1;
	_ =	sdelay $0x1  }
0xaf: {  	(v2sf) =	vpush v1, $0x1  }
0xb0: {  	(v2sf) =	vpush v1, $0x0;
	_ =	sdelay $0x2  }
0xb1: {  	(v2sf) =	vpush v2, $0x0;
	_ =	sdelay $0x9  }
0xb2: {  	p2 =	seq.s32 s18, $0x3FC;
	s18 =	smov.u32 s19;
	s20 =	simm.s32 $0x1  }
0xb3: {  	s20 =	simm.s32 @!p2 $0x2;
	s21 =	spop (v2sf)  }
0xb4: {  	s21 =	simm.s32 @p0 $0xFFFFFFFF;
	s22 =	spop (v2sf);
	p0 =	por p2, p2  }
0xb5: {  	v1 =	vmov s20;
	s20 =	simm.s32 $0x1;
	p2 =	sne.s32 s22, s21  }
0xb6: {  	vm0 =	vgt.u32 v1, v0;
	s20 =	simm.s32 @!p2 $0x0  }
0xb7: {  	s21 =	spop (v2sf);
	s16 =	sadd.s32 s20, s16  }
0xb8: {  	s20 =	sshll.u32 s21, $0x4;
	s21 =	sshll.u32 s16, $0x9  }
0xb9: {  	s17 =	sadd.s32 s17, s13;
	s20 =	sand.u32 $0x1FFFFFF0, s20;
	s21 =	sshra.s32 s21, $0x2  }
.Ltmp4:
0xba: {  	s21 =	sadd.s32 s21, s14;
	s20 =	sadd.s32 s4, s20;
	(pc) =	sbr.rel @p1 .LBB2_5-.Ltmp4, $3  }
0xbb: {  	[hbm:s20] =	stream.strided.scatter [tilespmem:s21], [sflag:$0x3], $0x80, s11, s11, $0x38;
	[tilespmem:$0x10400] =	vst v63  }
0xbc: {  	v1 =	vld.msk [tilespmem:s17+$0x0 ss:$0x1], vm0;
	_ =	sdelay $0x1  }
0xbd: {  	s19 =	sadd.s32 $0x4, s19;
	s17 =	sshra.s32 s18, $0x2  }
0xbe: {  	s15 =	sadd.s32 s17, s15  }
0xbf: {  	v2 =	vld.msk [tilespmem:s15+$0x0 ss:$0x1], $0x1  }
0xc0: {  	(v2sf) =	vpush v1, $0x1  }
0xc1: {  	(v2sf) =	vpush v1, $0x0;
	_ =	sdelay $0x2  }
0xc2: {  	(v2sf) =	vpush v2, $0x0;
	_ =	sdelay $0xa  }
0xc3: {  	p1 =	seq.s32 s18, $0x3FC;
	s15 =	simm.s32 $0x1;
	s18 =	spop (v2sf)  }
0xc4: {  	s15 =	simm.s32 @!p1 $0x2;
	s18 =	simm.s32 @p0 $0xFFFFFFFF;
	s19 =	spop (v2sf)  }
0xc5: {  	v1 =	vmov s15;
	s15 =	simm.s32 $0x1;
	p0 =	sne.s32 s19, s18  }
0xc6: {  	vm0 =	vgt.u32 v1, v0;
	s15 =	simm.s32 @!p0 $0x0  }
0xc7: {  	s26 =	spop (v2sf);
	s15 =	sadd.s32 s15, s16  }
0xc8: {  	s28 =	sshll.u32 s26, $0x4;
	s15 =	sshll.u32 s15, $0x9  }
0xc9: {  	s16 =	sand.u32 $0x1FFFFFF0, s28;
	s15 =	sshra.s32 s15, $0x2  }
0xca: {  	s13 =	sadd.s32 s17, s13;
	s14 =	sadd.s32 s15, s14;
	s29 =	sadd.s32 s4, s16  }
0xcb: {  	[hbm:s29] =	stream.strided.scatter [tilespmem:s14], [sflag:$0x3], $0x80, s11, s11, $0x38;
	[tilespmem:$0x10400] =	vst v63  }
0xcc: {  	v1 =	vld.msk [tilespmem:s13+$0x0 ss:$0x1], vm0;
	_ =	sdelay $0x4  }
0xcd: {  	(v2sf) =	vpush v1, $0x1  }
0xce: {  	(v2sf) =	vpush v1, $0x0;
	_ =	sdelay $0xa  }
.Ltmp5:
0xcf: {  	_ = 	snop;
	(pc) =	sbr.rel .LBB2_7-.Ltmp5, $3  }
0xd0: {  	s13 =	sld [smem:$0x7FB];
	_ =	sdelay $0x1  }
0xd1: {  	s30 =	spop (v2sf)  }
0xd2: {  	p3 =	seq.s32 s13, $0x1;
	s31 =	spop (v2sf)  }
.LBB2_8:
0xd3: {  	_ =	sfence.sel $0x180000  }
0xd4: {  	s2 =	simm.s32 $0x2;
	[bflag:$0x0] =	sbarrier.arrive $0xFFFF  }
0xd5: {  	s30 =	simm.s32 $0x3;
	[sflag:s2] =	ssyncpa.u1 $0x1  }
0xd6: {  	s31 =	simm.s32 $0x1;
	[sflag:s30] =	ssyncpa.u1 $0x1  }
0xd7: {  	[sflag:s31] =	ssyncpa.u1 $0x1  }
0xd8: {  	p0 =	sne.s32 s1, $0x0;
	_ =	strace $0x90000059  }
0xd9: {  	s0 =	sadd.s32 @!p0 $0x100000, s0;
	[bflag:$0x2] =	sbarrier.arrive $0xFFFF  }
0xda: {  	[sflag:s0] =	ssyncadd.tile.s32 @!p0 $0x1;
	_ =	shalt  }
.Lfunc_end2:
_tile_overlayer_lowered:
.L_overlay_start_2:
0xdb: {  	(tag) =	ssettag $0x2  }
0xdc: {  	s0 =	rddreg [dreg:$0x0];
	s2 =	stileid.u32  }
0xdd: {  	s1 =	rddreg [dreg:$0x1];
	p0 =	sne.s32 s2, $0x0  }
0xde: {  	s3 =	rddreg [dreg:$0x2];
	[bflag:$0x3] =	sbarrier.arrive $0xFFFF;
	s2 =	simm.s32 @!p0 $0x1C01  }
0xdf: {  	[timem:s3], [sflag:s2] =	dma.local @!p0 [hbm:s0], s1  }
0xe0: {  	s0 =	simm.s32 @!p0 $0x1  }
0xe1: {  	_ =	swait.ge @!p0 [sflag:s0], s1  }
0xe2: {  	s1 =	ssub.s32 @!p0 $0x0, s1;
	[sflag:s0] =	ssyncset.done @!p0 $0x0  }
0xe3: {  	[sflag:s0] =	ssyncadd.s32 @!p0 s1  }
0xe4: {  	[bflag:$0x3] =	sbarrier.arrive $0xFFFF  }
0xe5: {  	_ =	shalt  }

// kernel: gather_offload_async_start.3
scs
__scs_entry_jumppad:
0x0: {  	(pc) =	sbr.rel $0x88, $3  }
0x1: {  	(tag) =	ssettag $0x0;
	lr =	simm.s32 $0x1  }
0x2: {  	[smem:$0x3F8D] =	sst lr;
	_ =	strace $0xD0000000  }
0x3: {  	_ = 	snop  }
0x4: {  	_ = 	snop  }
0x5: {  	_ = 	snop  }
0x6: {  	_ = 	snop  }
0x7: {  	_ = 	snop  }
__scs_overlays_trampoline_lowered:
0x8: {  	[smem:$0x3F9C] =	sst s0  }
0x9: {  	[smem:$0x3F9D] =	sst s1  }
0xa: {  	[smem:$0x3F9E] =	sst s2  }
0xb: {  	[smem:$0x3F9F] =	sst s3  }
0xc: {  	[smem:$0x3FA0] =	sst s4  }
0xd: {  	[smem:$0x3FA1] =	sst s5  }
0xe: {  	[smem:$0x3FA2] =	sst s6  }
0xf: {  	[smem:$0x3FA3] =	sst s7  }
0x10: {  	[smem:$0x3FA4] =	sst s8  }
0x11: {  	[smem:$0x3FA5] =	sst s9;
	s0 =	simm.s32 @!p0 $0x0  }
0x12: {  	s1 =	sld [smem:$0x3F8B];
	s0 =	simm.s32 @p0 $0x1  }
0x13: {  	[smem:$0x3FA6] =	sst s0;
	s0 =	simm.s32 @!p1 $0x0  }
0x14: {  	s2 =	sld [smem:$0x3F8A];
	s0 =	simm.s32 @p1 $0x1  }
0x15: {  	[smem:$0x3FA7] =	sst s0;
	s0 =	simm.s32 @!p2 $0x0  }
0x16: {  	s3 =	sld [smem:$0x3FDB];
	s0 =	simm.s32 @p2 $0x1  }
0x17: {  	s4 =	simm.s32 $0x1BF5;
	[smem:$0x3FA9] =	sst s0  }
0x18: {  	s0 =	sld [smem:$0x3F8C];
	_ =	swait.ge [sflag:s4], $0x0  }
0x19: {  	s7 =	sld [smem:$0x3F8D]  }
0x1a: {  	s8 =	sadd.s32 $0xFFFFE003, lr  }
0x1b: {  	s9 =	sadd.s32 $0xFFFFFEF7, lr;
	s5 =	simm.s32 $0xFFFFFFFF;
	p2 =	slt.u32 s8, $0xFFFFF086  }
0x1c: {  	p1 =	slt.u32 s9, $0xF7A;
	s5 =	simm.s32 @!p2 $0x0  }
0x1d: {  	s5 =	simm.s32 @p1 $0x1;
	p0 =	seq.s32 s7, s2  }
0x1e: {  	s7 =	smul.u32 @!p0 $0xF7A, s2;
	p2 =	seq.s32 @!p0 s5, $0x0  }
0x1f: {  	s9 =	smul.u32 $0xF7A, s1;
	s8 =	simm.s32 @!p0 $0x1BF5;
	p2 =	por !p2, p0  }
0x20: {  	[sflag:s8] =	ssyncset.s32 @!p0 $0xFFFFF086;
	s6 =	sadd.s32 @!p0 s3, s7;
	s7 =	simm.s32 @!p0 $0x108  }
0x21: {  	s3 =	sadd.s32 s3, s9;
	s6 =	sadd.s32 @!p0 $0x88, s6;
	s7 =	simm.s32 @p2 $0x1082  }
0x22: {  	[simem:s7], [sflag:s8] =	dma.local @!p0 [hbm:s6], $0xF7A  }
0x23: {  	s9 =	sor.u32 $0xD0000000, s2;
	s6 =	simm.s32 $0x108;
	_ =	swait.ge @!p0 [sflag:s8], $0x0  }
0x24: {  	s3 =	sadd.s32 $0x88, s3;
	s6 =	simm.s32 @!p1 $0x1082;
	[sflag:s4] =	ssyncset.s32 $0xFFFFF086  }
0x25: {  	[simem:s6], [sflag:s4] =	dma.local [hbm:s3], $0xF7A  }
0x26: {  	[smem:$0x3F8D] =	sst s1;
	(tag) =	ssettag s2;
	_ =	strace s9  }
0x27: {  	s1 =	sld [smem:$0x3F9D]  }
0x28: {  	s2 =	sld [smem:$0x3F9E]  }
0x29: {  	s4 =	sld [smem:$0x3FA0]  }
0x2a: {  	p0 =	seq.s32 s5, $0x0;
	s5 =	sld [smem:$0x3FA1]  }
0x2b: {  	s6 =	sld [smem:$0x3FA2]  }
0x2c: {  	s7 =	sld [smem:$0x3FA3]  }
0x2d: {  	s3 =	simm.s32 $0x108;
	s8 =	sld [smem:$0x3FA4]  }
0x2e: {  	s3 =	simm.s32 @!p0 $0x1082;
	s9 =	sld [smem:$0x3FA5]  }
0x2f: {  	lr =	sadd.s32 s0, s3;
	s0 =	sld [smem:$0x3F9C]  }
0x30: {  	s3 =	sld [smem:$0x3F9F]  }
0x31: {  	[smem:$0x3FA8] =	sst s10  }
0x32: {  	s10 =	sld [smem:$0x3FA6];
	_ =	sdelay $0x3  }
0x33: {  	p0 =	seq.s32 s10, $0x1;
	s10 =	sld [smem:$0x3FA8];
	_ =	sdelay $0x3  }
0x34: {  	[smem:$0x3FA8] =	sst s10  }
0x35: {  	s10 =	sld [smem:$0x3FA7];
	_ =	sdelay $0x3  }
0x36: {  	p1 =	seq.s32 s10, $0x1;
	s10 =	sld [smem:$0x3FA8];
	_ =	sdelay $0x3  }
0x37: {  	[smem:$0x3FA8] =	sst s10  }
0x38: {  	s10 =	sld [smem:$0x3FA9]  }
0x39: {  	_ = 	snop;
	(pc) =	sbr.ind lr, $3  }
0x3a: {  	_ = 	snop  }
0x3b: {  	_ = 	snop  }
0x3c: {  	p2 =	seq.s32 s10, $0x1;
	s10 =	sld [smem:$0x3FA8]  }
0x3d: {  	_ =	shalt  }
0x3e: {  	_ =	shalt  }
0x3f: {  	_ =	shalt  }
0x40: {  	_ =	shalt  }
0x41: {  	_ =	shalt  }
0x42: {  	_ =	shalt  }
0x43: {  	_ =	shalt  }
0x44: {  	_ =	shalt  }
0x45: {  	_ =	shalt  }
0x46: {  	_ =	shalt  }
0x47: {  	_ =	shalt  }
0x48: {  	_ =	shalt  }
0x49: {  	_ =	shalt  }
0x4a: {  	_ =	shalt  }
0x4b: {  	_ =	shalt  }
0x4c: {  	_ =	shalt  }
0x4d: {  	_ =	shalt  }
0x4e: {  	_ =	shalt  }
0x4f: {  	_ =	shalt  }
0x50: {  	_ =	shalt  }
0x51: {  	_ =	shalt  }
0x52: {  	_ =	shalt  }
0x53: {  	_ =	shalt  }
0x54: {  	_ =	shalt  }
0x55: {  	_ =	shalt  }
0x56: {  	_ =	shalt  }
0x57: {  	_ =	shalt  }
0x58: {  	_ =	shalt  }
0x59: {  	_ =	shalt  }
0x5a: {  	_ =	shalt  }
0x5b: {  	_ =	shalt  }
0x5c: {  	_ =	shalt  }
0x5d: {  	_ =	shalt  }
0x5e: {  	_ =	shalt  }
0x5f: {  	_ =	shalt  }
0x60: {  	_ =	shalt  }
0x61: {  	_ =	shalt  }
0x62: {  	_ =	shalt  }
0x63: {  	_ =	shalt  }
0x64: {  	_ =	shalt  }
0x65: {  	_ =	shalt  }
0x66: {  	_ =	shalt  }
0x67: {  	_ =	shalt  }
0x68: {  	_ =	shalt  }
0x69: {  	_ =	shalt  }
0x6a: {  	_ =	shalt  }
0x6b: {  	_ =	shalt  }
0x6c: {  	_ =	shalt  }
0x6d: {  	_ =	shalt  }
0x6e: {  	_ =	shalt  }
0x6f: {  	_ =	shalt  }
0x70: {  	_ =	shalt  }
0x71: {  	_ =	shalt  }
0x72: {  	_ =	shalt  }
0x73: {  	_ =	shalt  }
0x74: {  	_ =	shalt  }
0x75: {  	_ =	shalt  }
0x76: {  	_ =	shalt  }
0x77: {  	_ =	shalt  }
0x78: {  	_ =	shalt  }
0x79: {  	_ =	shalt  }
0x7a: {  	_ =	shalt  }
0x7b: {  	_ =	shalt  }
0x7c: {  	_ =	shalt  }
0x7d: {  	_ =	shalt  }
0x7e: {  	_ =	shalt  }
0x7f: {  	_ =	shalt  }
0x80: {  	_ =	shalt  }
0x81: {  	_ =	shalt  }
0x82: {  	_ =	shalt  }
0x83: {  	_ =	shalt  }
0x84: {  	_ =	shalt  }
0x85: {  	_ =	shalt  }
0x86: {  	_ =	shalt  }
0x87: {  	_ =	shalt  }
.Lfunc_end0:
.L_simem_size_0:
called_computation.6_lowered:
.L_overlay_start_0:
0x88: {  	s2 =	sld [smem:$0x3FD9]  }
0x89: {  	s3 =	sld [smem:$0x3FFE];
	_ =	sdelay $0x1  }
0x8a: {  	s1 =	srdreg.scid  }
0x8b: {  	s0 =	sand.u32 $0x1, s1  }
0x8c: {  	s17 =	sshll.u32 s0, $0xA;
	s2 =	sadd.s32 s3, s2  }
0x8d: {  	s2 =	sadd.s32 s2, s17  }
0x8e: {  	[smem:$0x3FB4] =	sst s2  }
0x8f: {  	_ = 	snop  }
0x90: {  	(tm) =	ssettm $0x1  }
0x91: {  	s18 =	sld [smem:$0x3FFB];
	_ =	sdelay $0x3  }
0x92: {  	_ =	strace s18  }
0x93: {  	s2 =	sld [smem:$0x3FFC];
	_ =	sdelay $0x3  }
0x94: {  	_ =	strace s2  }
0x95: {  	s2 =	sld [smem:$0x3FFD];
	_ =	sdelay $0x3  }
0x96: {  	_ =	strace s2  }
0x97: {  	_ =	strace $0x8FFFFFFF  }
0x98: {  	s19 =	sld [smem:$0x3FDB];
	_ =	sdelay $0x1  }
0x99: {  	s20 =	simm.s32 $_scs_section_size  }
0x9a: {  	s4 =	simm.s32 $_size__tile_overlayer_lowered;
	s5 =	simm.s32 $_tile_overlayer_lowered  }
0x9b: {  	s6 =	simm.s32 $0x1BFF;
	s21 =	sshll.u32 s5, $0x1;
	s3 =	sadd.s32 s20, s19  }
0x9c: {  	s22 =	simm.s32 $0x0;
	s4 =	sshll.u32 s4, $0x1;
	s5 =	sadd.s32 s21, s3  }
0x9d: {  	[timem:s22], [sflag:s6] =	dma.local [hbm:s5], s4  }
0x9e: {  	_ =	swait.ge [sflag:s6], s4  }
0x9f: {  	s4 =	ssub.s32 $0x0, s4;
	[sflag:s6] =	ssyncset.done $0x0  }
0xa0: {  	[sflag:s6] =	ssyncadd.s32 s4;
	_ =	sdelay $0x1  }
0xa1: {  	s23 =	simm.s32 $0x1B8B  }
0xa2: {  	_ =	swait.ge [sflag:s23], $0x1  }
0xa3: {  	[sflag:s23] =	ssyncset.done $0x0  }
0xa4: {  	[sflag:s23] =	ssyncadd.s32 $0xFFFFFFFF  }
0xa5: {  	s4 =	sld [smem:$0x0]  }
0xa6: {  	s5 =	sand.u32 $0xFFFFFFFE, s1  }
0xa7: {  	p0 =	sne.s32 s1, s5  }
0xa8: {  	s5 =	sshll.u32 @p0 s5, $0xE  }
0xa9: {  	s5 =	sadd.s32 @p0 $0x11B8D, s5;
	s6 =	sshll.u32 @p0 s4, $0x11  }
0xaa: {  	s5 =	sor.u32 @p0 s6, s5  }
0xab: {  	[sflag:s5] =	ssyncadd.remote.s32 @p0 $0x1;
	_ =	sdelay $0x1  }
0xac: {  	s5 =	simm.s32 @p0 $0x1B8D  }
0xad: {  	_ =	swait.eq @p0 [sflag:s5], $0x1  }
0xae: {  	[sflag:s5] =	ssyncadd.s32 @p0 $0xFFFFFFFF  }
0xaf: {  	s6 =	sshll.u32 @!p0 s1, $0xE  }
0xb0: {  	s6 =	sor.u32 @!p0 $0x4000, s6;
	s5 =	simm.s32 @!p0 $0x1B8D  }
0xb1: {  	s4 =	sshll.u32 @!p0 s4, $0x11;
	s6 =	sadd.s32 @!p0 $0x11B8D, s6;
	_ =	swait.eq @!p0 [sflag:s5], $0x1  }
0xb2: {  	s4 =	sor.u32 @!p0 s4, s6;
	[sflag:s5] =	ssyncadd.s32 @!p0 $0xFFFFFFFF  }
0xb3: {  	s25 =	simm.s32 $0x1B8E;
	s24 =	sld [smem:$0x3FFE];
	[sflag:s4] =	ssyncadd.remote.s32 @!p0 $0x1  }
0xb4: {  	s26 =	simm.s32 $execute0_lowered;
	[smem:$0x3FD2] =	sst s25  }
0xb5: {  	s5 =	sshll.u32 s26, $0x1;
	_ =	strace $0x8000005B;
	[dreg:$0x1] =	wrdreg $0xFFFFFFFF  }
0xb6: {  	s28 =	simm.s32 $_size_execute0_lowered;
	s3 =	sadd.s32 s3, s5;
	[dreg:$0x0] =	wrdreg $0x0  }
0xb7: {  	s5 =	sshll.u32 s28, $0x1;
	[dreg:$0x2] =	wrdreg s3  }
0xb8: {  	[dreg:$0x3] =	wrdreg s5  }
0xb9: {  	[dreg:$0x4] =	wrdreg $0xC0  }
0xba: {  	_ =	task [dreg:s22], $0x5FFFF  }
0xbb: {  	[dreg:$0x1] =	wrdreg $0xFFFFFFFF  }
0xbc: {  	[dreg:$0x0] =	wrdreg $0x60  }
0xbd: {  	[dreg:$0x2] =	wrdreg s24  }
0xbe: {  	[dreg:$0x3] =	wrdreg $0xA  }
0xbf: {  	_ =	task.clear_ibuf [dreg:s22], $0x4FFFF;
	_ =	strace $0x9000005B  }
0xc0: {  	s29 =	simm.s32 $0xA;
	_ =	strace $0x8000005D  }
0xc1: {  	_ =	swait.ge [sflag:s29], $0x1  }
0xc2: {  	[sflag:s29] =	ssyncadd.s32 $0xFFFFFFFF  }
0xc3: {  	_ =	strace $0x9000005D  }
0xc4: {  	_ =	sfence  }
0xc5: {  	s30 =	sld [smem:$0x0];
	_ =	sdelay $0x2  }
0xc6: {  	s31 =	sshll.u32 s1, $0xD;
	s1 =	sshrl.u32 s1, $0x2  }
0xc7: {  	s4 =	sand.u32 $0x4000, s31;
	s1 =	sadd.s32 s1, s30  }
0xc8: {  	s0 =	sor.u32 s4, s0;
	s1 =	sshll.u32 s1, $0x11  }
0xc9: {  	s0 =	sor.u32 s1, s0  }
0xca: {  	s0 =	sadd.s32 $0x8F2B, s0  }
0xcb: {  	[sflag:s0] =	ssyncadd.remote.s32 $0x1  }
0xcc: {  	_ =	sfence.sel $0xFFFF  }
0xcd: {  	[dreg:$0x0] =	wrdreg $0xFFFFFFFF;
	(pc) =	sbr.abs _section_cstart, $3  }
0xce: {  	[dreg:$0x1] =	wrdreg $0xFFFFFFFF  }
0xcf: {  	_ =	task.clear_ibuf [dreg:s22], $0x2FFFF;
	_ =	strace $0x9FFFFFFF  }
0xd0: {  	(tm) =	ssettm $0x7FFFFFFF  }
0xd1: {  	_ =	shalt  }
tec
execute0_lowered:
.L_overlay_start_1:
0x0: {  	(tag) =	ssettag $0x1  }
0x1: {  	s8 =	rddreg [dreg:$0x0]  }
0x2: {  	s0 =	rddreg [dreg:$0x1];
	_ =	strace $0x8000005C;
	s1 =	srdreg.scid  }
0x3: {  	s5 =	simm.s32 $0x1;
	s10 =	simm.s32 $0x3;
	p3 =	por $0x0, $0x0  }
0x4: {  	s11 =	simm.s32 $0x80;
	s2 =	sadd.s32 $0x14ACC00, s8;
	s6 =	sshll.u32 s1, $0x4  }
.Ltmp0:
0x5: {  	s1 =	stileid.u32;
	s6 =	sand.u32 $0x10, s6;
	(pc) =	sbr.rel .LBB2_1-.Ltmp0, $4  }
0x6: {  	s3 =	sadd.s32 $0x84400, s8;
	s4 =	sadd.s32 $0x18ACC00, s8;
	s7 =	sor.u32 s1, s6  }
0x7: {  	[sflag:s5] =	ssyncpa.u1 $0x0;
	s6 =	simm.s32 $0x2;
	s7 =	sshll.u32 s7, $0xE  }
0x8: {  	s8 =	sadd.s32 $0x11CC00, s8;
	[sflag:s6] =	ssyncpa.u1 $0x0;
	s9 =	sadd.s32 $0x4000, s7  }
0x9: {  	v0 =	vlaneseq.u32;
	[sflag:s10] =	ssyncpa.u1 $0x0;
	s10 =	simm.s32 $0x0;
	s12 =	smov.u32 s7  }
.LBB2_7:
0xa: {  	p0 =	slt.u32 s10, $0x2;
	s10 =	sadd.s32 $0x1, s10  }
0xb: {  	p2 =	sne.s32 s10, $0x82  }
.Ltmp1:
0xc: {  	_ = 	snop;
	(pc) =	sbr.rel @!p2 .LBB2_8-.Ltmp1, $4  }
0xd: {  	s13 =	simm.s32 @!p0 $0x3  }
0xe: {  	s14 =	sadd.s32 $0x80, s12;
	_ =	swait.ge @!p0 [sflag:s13], $0x8000  }
0xf: {  	s12 =	smov.u32 s7;
	p1 =	slt.s32 s14, s9;
	[sflag:s13] =	ssyncset.done @!p0 $0x0  }
0x10: {  	p3 =	por !p3, !p3;
	s12 =	smov.u32 @p1 s14;
	[sflag:s13] =	ssyncadd.s32 @!p0 $0xFFFF8000  }
.LBB2_1:
0x11: {  	p0 =	sgt.u32 s10, $0x7F  }
0x12: {  	s13 =	sxor.u32 @!p0 $0xFFFFFFFF, s10  }
0x13: {  	s14 =	sshrl.u32 @!p0 s12, $0x3;
	s13 =	sshll.u32 @!p0 s13, $0x7  }
0x14: {  	s16 =	sand.u32 @!p0 $0x7, s12;
	s15 =	sadd.s32 @!p0 s3, s14;
	s13 =	sand.u32 @!p0 $0x80, s13  }
0x15: {  	[tilespmem:s13], [sflag:$0x2] =	stream.linear.gather @!p0 [hbm4b:s15+s16], $0x80, $0x38;
	[tilespmem:$0x10200] =	vst v63  }
0x16: {  	s14 =	sadd.s32 @!p0 s8, s14;
	s13 =	sor.u32 @!p0 $0x100, s13  }
0x17: {  	[tilespmem:s13], [sflag:$0x2] =	stream.linear.gather @!p0 [hbm4b:s14+s16], $0x80, $0x38;
	[tilespmem:$0x10200] =	vst v63  }
0x18: {  	p0 =	seq.s32 s10, $0x0  }
0x19: {  	p1 =	seq.s32 @!p0 s10, $0x81  }
0x1a: {  	p0 =	por p0, p1  }
.Ltmp2:
0x1b: {  	_ = 	snop;
	(pc) =	sbr.rel @p0 .LBB2_7-.Ltmp2, $1  }
0x1c: {  	_ =	sdelay $0x3  }
0x1d: {  	p0 =	por $0x0, $0x0;
	s13 =	simm.s32 $0x1  }
0x1e: {  	s13 =	simm.s32 @!p0 $0x2  }
0x1f: {  	v1 =	vmov s13  }
0x20: {  	s14 =	simm.s32 @!p3 $0x0;
	vm0 =	vgt.u32 v1, v0  }
0x21: {  	s14 =	simm.s32 @p3 $0x1  }
0x22: {  	s13 =	simm.s32 $0x1;
	[smem:$0x7FC] =	sst s14  }
0x23: {  	s13 =	simm.s32 @!p3 $0x0;
	_ =	swait.ge [sflag:s6], $0x100  }
0x24: {  	s13 =	sshll.u32 s13, $0x7;
	[sflag:s6] =	ssyncset.done $0x0  }
0x25: {  	[sflag:s6] =	ssyncadd.s32 $0xFFFFFF00;
	s26 =	sadd.s32 $0x0, s13  }
0x26: {  	v2 =	vld.msk [tilespmem:s26+$0x0 ss:$0x1], vm0;
	_ =	sdelay $0x4  }
0x27: {  	(v2sf) =	vpush v2, $0x1  }
0x28: {  	p1 =	por $0x0, $0x0;
	s14 =	simm.s32 $0x1;
	(v2sf) =	vpush v2, $0x0  }
0x29: {  	s14 =	simm.s32 @!p1 $0x2  }
0x2a: {  	v1 =	vmov s14  }
0x2b: {  	vm12 =	vgt.u32 v1, v0;
	_ =	sdelay $0x3  }
0x2c: {  	p2 =	por $0x0, $0x0;
	s15 =	simm.s32 $0x1  }
0x2d: {  	s15 =	simm.s32 @!p2 $0x2;
	s28 =	sadd.s32 $0x1, s13  }
0x2e: {  	v1 =	vmov s15;
	v3 =	vld.msk [tilespmem:s28+$0x0 ss:$0x1], vm12  }
0x2f: {  	vm13 =	vgt.u32 v1, v0;
	_ =	sdelay $0x2  }
0x30: {  	p0 =	por p0, p0  }
0x31: {  	p0 =	por p0, p0;
	(v2sf) =	vpush v3, $0x1;
	s14 =	spop (v2sf)  }
0x32: {  	s29 =	sadd.s32 $0x2, s13;
	s14 =	simm.s32 @p0 $0xFFFFFFFF;
	s16 =	spop (v2sf)  }
0x33: {  	v1 =	vld.msk [tilespmem:s29+$0x0 ss:$0x1], vm13;
	(v2sf) =	vpush v3, $0x0;
	p0 =	seq.s32 s16, s14  }
0x34: {  	vm0 =	vgt.s32 @!p0 v2, $0x0  }
0x35: {  	v2 =	vnsel @!p0 vm0, $0x0, v2  }
0x36: {  	v2 =	vmin.u32 @!p0 v2, $0x1FFFF  }
0x37: {  	(v2sf) =	vpush @!p0 v2, $0x0  }
0x38: {  	(v2sf) =	vpush v1, $0x1  }
0x39: {  	(v2sf) =	vpush v1, $0x0  }
0x3a: {  	s30 =	sand.u32 $0x1, s10;
	p4 =	por $0x0, $0x0;
	s17 =	simm.s32 $0x0  }
0x3b: {  	s21 =	simm.s32 $0x14;
	s19 =	simm.s32 $0x18;
	s16 =	simm.s32 $0x1  }
0x3c: {  	p2 =	por p2, p2;
	p1 =	por p1, p1;
	s16 =	simm.s32 @!p4 $0x2  }
0x3d: {  	s22 =	simm.s32 $0x1;
	p2 =	por p2, p2;
	p1 =	por p1, p1;
	v2 =	vmov s16  }
0x3e: {  	s15 =	sor.u32 $0x100, s13;
	s24 =	sadd.s32 $0x3, s13;
	s14 =	sshll.u32 s30, $0xF;
	vm14 =	vgt.u32 v2, v0  }
0x3f: {  	s31 =	sadd.s32 $0x4, s13;
	s14 =	sor.u32 $0x200, s14;
	s20 =	simm.s32 @!p0 $0x1  }
0x40: {  	p5 =	por p0, p0;
	p4 =	por p4, p4;
	s16 =	spop (v2sf)  }
0x41: {  	s20 =	smov.u32 @p0 s17;
	s16 =	simm.s32 @p1 $0xFFFFFFFF;
	p1 =	por $0x0, $0x0  }
0x42: {  	s17 =	simm.s32 @!p0 $0x80;
	s22 =	simm.s32 @!p1 $0x2;
	s23 =	spop (v2sf)  }
0x43: {  	s18 =	sadd.s32 @!p0 $0x0, s14;
	p5 =	por p5, p5;
	v4 =	vmov s22;
	p3 =	seq.s32 s23, s16  }
0x44: {  	vm15 =	vgt.u32 v4, v0;
	v2 =	vld.msk [tilespmem:s24+$0x0 ss:$0x1], vm14;
	s24 =	simm.s32 $0x1C;
	s16 =	sadd.s32 @!p3 $0x1, s20;
	s22 =	sshll.u32 @!p3 s20, $0xA  }
0x45: {  	vm1 =	vgt.s32 @!p3 v3, $0x0;
	s22 =	sshra.s32 @!p3 s22, $0x2;
	s16 =	smov.u32 @p3 s20;
	s20 =	simm.s32 @!p3 $0x80  }
0x46: {  	v3 =	vnsel @!p3 vm1, $0x0, v3;
	s23 =	sadd.s32 @!p3 s22, s14;
	s22 =	spop @!p0 (v2sf);
	p0 =	por p3, p3  }
0x47: {  	v3 =	vmin.u32 @!p3 v3, $0x1FFFF;
	s25 =	simm.s32 @!p0 $0x0;
	s26 =	spop (v2sf);
	s28 =	sshll.u32 @!p5 s22, $0x4  }
0x48: {  	(v2sf) =	vpush @!p3 v3, $0x0;
	s25 =	simm.s32 @p0 $0x1;
	s26 =	simm.s32 @p2 $0xFFFFFFFF;
	s29 =	spop (v2sf)  }
0x49: {  	(v2sf) =	vpush v2, $0x1;
	s28 =	sand.u32 @!p5 $0x70, s28;
	[smem:$0x7FD] =	sst s25;
	p6 =	seq.s32 s29, s26  }
0x4a: {  	(v2sf) =	vpush v2, $0x0;
	s26 =	sshll.u32 @!p5 s22, $0x5;
	s25 =	sadd.s32 @!p5 s2, s28;
	s22 =	smov.u32 s16;
	v3 =	vld.msk [tilespmem:s31+$0x0 ss:$0x1], vm15  }
.LBB2_3:
0x4b: {  	s28 =	simm.s32 @!p3 $0x0;
	s29 =	smov.u32 s19;
	s19 =	smov.u32 s24  }
0x4c: {  	s24 =	sadd.s32 $0x4, s24;
	s30 =	smov.u32 s23;
	p0 =	por p5, p5  }
0x4d: {  	s31 =	sld [smem:$0x7FD];
	s28 =	simm.s32 @p3 $0x1;
	p3 =	por p6, p6  }
0x4e: {  	p2 =	sne.s32 s24, $0x200;
	[smem:$0x7FA] =	sst s28;
	s28 =	smov.u32 s16  }
0x4f: {  	vm0 =	vgt.s32 @!p6 v1, $0x0;
	s16 =	sadd.s32 @!p6 $0x1, s16;
	p6 =	por p4, p4;
	s23 =	simm.s32 @!p2 $0x0  }
0x50: {  	p4 =	por p1, p1;
	p1 =	seq.s32 s21, $0x1FC;
	s23 =	simm.s32 @p2 $0x1  }
0x51: {  	s22 =	sshll.u32 @!p3 s22, $0xA;
	[smem:$0x7FB] =	sst s23;
	s23 =	simm.s32 $0x1  }
0x52: {  	s16 =	smov.u32 @p3 s28;
	s28 =	simm.s32 @!p3 $0x80;
	s23 =	simm.s32 @!p1 $0x2  }
0x53: {  	p2 =	seq.s32 s31, $0x1;
	s31 =	sshra.s32 s21, $0x2;
	v5 =	vmov s23;
	s23 =	sand.u32 @!p0 $0x3FFF00, s26  }
0x54: {  	p5 =	por p2, p2;
	p2 =	por p3, p3;
	s25 =	sadd.s32 @!p0 s23, s25  }
0x55: {  	[tilespmem:s18], [sflag:$0x1] =	stream.strided.gather @!p0 [hbm:s25], $0x100, s17, s17, $0x38;
	[tilespmem:$0x10200] =	vst v63  }
0x56: {  	s17 =	smov.u32 s20;
	s20 =	smov.u32 s28;
	s28 =	sld [smem:$0x7FA]  }
0x57: {  	s26 =	sshra.s32 @!p3 s22, $0x2;
	s25 =	sadd.s32 s31, s13;
	s31 =	sld [smem:$0x7FB]  }
0x58: {  	s23 =	sadd.s32 @!p3 s26, s14;
	s26 =	simm.s32 @!p2 $0x0  }
0x59: {  	vm15 =	vgt.u32 v5, v0;
	s26 =	simm.s32 @p2 $0x1;
	p0 =	seq.s32 s28, $0x1  }
0x5a: {  	[smem:$0x7FD] =	sst s26;
	s26 =	spop @!p0 (v2sf);
	p0 =	seq.s32 s31, $0x1  }
.Ltmp3:
0x5b: {  	v4 =	vnsel @!p3 vm0, $0x0, v1;
	(pc) =	sbr.rel @p0 .LBB2_3-.Ltmp3, $4  }
0x5c: {  	v4 =	vmin.u32 @!p3 v4, $0x1FFFF;
	s21 =	smov.u32 s29;
	s22 =	smov.u32 s16  }
0x5d: {  	(v2sf) =	vpush @!p3 v4, $0x0;
	s18 =	smov.u32 s30;
	s28 =	spop (v2sf);
	s29 =	sshll.u32 @!p5 s26, $0x4  }
0x5e: {  	v1 =	vmov v2;
	v2 =	vmov v3;
	(v2sf) =	vpush v3, $0x1;
	s28 =	simm.s32 @p6 $0xFFFFFFFF;
	s30 =	spop (v2sf);
	s29 =	sand.u32 @!p5 $0x70, s29  }
0x5f: {  	(v2sf) =	vpush v2, $0x0;
	v3 =	vld.msk [tilespmem:s25+$0x0 ss:$0x1], vm15;
	s26 =	sshll.u32 @!p5 s26, $0x5;
	p6 =	seq.s32 s30, s28;
	s25 =	sadd.s32 @!p5 s2, s29  }
0x60: {  	_ = 	snop  }
0x61: {  	vm0 =	vgt.s32 @!p6 v1, $0x0  }
0x62: {  	v1 =	vnsel @!p6 vm0, $0x0, v1  }
0x63: {  	v1 =	vmin.u32 @!p6 v1, $0x1FFFF  }
0x64: {  	(v2sf) =	vpush @!p6 v1, $0x0  }
0x65: {  	(v2sf) =	vpush v3, $0x1  }
0x66: {  	p0 =	seq.s32 s21, $0x1FC;
	s24 =	simm.s32 $0x1;
	(v2sf) =	vpush v3, $0x0  }
0x67: {  	s24 =	simm.s32 @!p0 $0x2  }
0x68: {  	v1 =	vmov s24  }
0x69: {  	vm14 =	vgt.u32 v1, v0;
	_ =	sdelay $0x1  }
0x6a: {  	p2 =	por p4, p4  }
0x6b: {  	s31 =	sshra.s32 s21, $0x2;
	p4 =	seq.s32 s19, $0x1FC;
	s24 =	spop @!p3 (v2sf)  }
0x6c: {  	s29 =	simm.s32 $0x1;
	s21 =	sadd.s32 s31, s13;
	s28 =	spop (v2sf)  }
0x6d: {  	s29 =	simm.s32 @!p4 $0x2;
	s28 =	simm.s32 @p2 $0xFFFFFFFF;
	s30 =	spop (v2sf)  }
0x6e: {  	v4 =	vmov s29;
	v1 =	vld.msk [tilespmem:s21+$0x0 ss:$0x1], vm14;
	p3 =	seq.s32 s30, s28  }
0x6f: {  	vm1 =	vgt.u32 v4, v0;
	vm0 =	vgt.s32 @!p3 v2, $0x0  }
0x70: {  	v2 =	vnsel @!p3 vm0, $0x0, v2  }
0x71: {  	v2 =	vmin.u32 @!p3 v2, $0x1FFFF  }
0x72: {  	p1 =	por p1, p1;
	s21 =	spop @!p6 (v2sf);
	(v2sf) =	vpush @!p3 v2, $0x0  }
0x73: {  	p1 =	por p1, p1;
	s30 =	sshra.s32 s19, $0x2;
	s28 =	spop (v2sf);
	(v2sf) =	vpush v1, $0x1  }
0x74: {  	s19 =	sadd.s32 s30, s13;
	s28 =	simm.s32 @p1 $0xFFFFFFFF;
	s31 =	spop (v2sf);
	(v2sf) =	vpush v1, $0x0  }
0x75: {  	v2 =	vld.msk [tilespmem:s19+$0x0 ss:$0x1], vm1;
	p1 =	seq.s32 s31, s28  }
0x76: {  	s30 =	sld [smem:$0x7FD];
	vm0 =	vgt.s32 @!p1 v3, $0x0  }
0x77: {  	v3 =	vnsel @!p1 vm0, $0x0, v3  }
0x78: {  	p2 =	por p5, p5;
	v3 =	vmin.u32 @!p1 v3, $0x1FFFF  }
0x79: {  	s19 =	sand.u32 @!p2 $0x3FFF00, s26;
	p5 =	seq.s32 s30, $0x1;
	(v2sf) =	vpush @!p1 v3, $0x0  }
0x7a: {  	s19 =	sadd.s32 @!p2 s19, s25;
	p5 =	por p5, p5;
	(v2sf) =	vpush v2, $0x1  }
0x7b: {  	[tilespmem:s18], [sflag:$0x1] =	stream.strided.gather @!p2 [hbm:s19], $0x100, s17, s17, $0x38;
	(v2sf) =	vpush v2, $0x0;
	[tilespmem:$0x10200] =	vst v63  }
0x7c: {  	p0 =	por p0, p0;
	s17 =	sshll.u32 @!p5 s24, $0x4  }
0x7d: {  	s18 =	sshll.u32 @!p5 s24, $0x5;
	p2 =	por p5, p5;
	s17 =	sand.u32 @!p5 $0x70, s17  }
0x7e: {  	p0 =	por p0, p0;
	s18 =	sand.u32 @!p2 $0x3FFF00, s18;
	s17 =	sadd.s32 @!p5 s2, s17  }
0x7f: {  	p5 =	por p6, p6;
	s17 =	sadd.s32 @!p2 s18, s17;
	s18 =	sshll.u32 @!p6 s22, $0xA  }
0x80: {  	[tilespmem:s23], [sflag:$0x1] =	stream.strided.gather @!p2 [hbm:s17], $0x100, s20, s20, $0x38;
	[tilespmem:$0x10200] =	vst v63  }
0x81: {  	s17 =	sadd.s32 @!p6 $0x1, s16;
	p2 =	por p5, p5;
	s20 =	spop @!p3 (v2sf)  }
0x82: {  	s19 =	sshll.u32 @!p2 s21, $0x4;
	s21 =	sshll.u32 @!p2 s21, $0x5;
	s22 =	spop (v2sf)  }
0x83: {  	s19 =	sand.u32 @!p2 $0x70, s19;
	s22 =	simm.s32 @p0 $0xFFFFFFFF;
	s31 =	spop (v2sf)  }
0x84: {  	s19 =	sadd.s32 @!p2 s2, s19;
	p0 =	por p2, p2;
	p2 =	seq.s32 s31, s22  }
0x85: {  	s17 =	smov.u32 @p6 s16;
	s16 =	sshra.s32 @!p6 s18, $0x2;
	s18 =	sand.u32 @!p0 $0x3FFF00, s21;
	vm0 =	vgt.s32 @!p2 v1, $0x0  }
0x86: {  	s16 =	sadd.s32 @!p6 s16, s14;
	s21 =	simm.s32 @!p6 $0x80;
	s18 =	sadd.s32 @!p0 s18, s19;
	v1 =	vnsel @!p2 vm0, $0x0, v1  }
0x87: {  	[tilespmem:s16], [sflag:$0x1] =	stream.strided.gather @!p0 [hbm:s18], $0x100, s21, s21, $0x38;
	v1 =	vmin.u32 @!p2 v1, $0x1FFFF;
	[tilespmem:$0x10200] =	vst v63  }
0x88: {  	p4 =	por p4, p4;
	p5 =	por p3, p3;
	s18 =	spop @!p1 (v2sf);
	(v2sf) =	vpush @!p2 v1, $0x0  }
0x89: {  	s16 =	sadd.s32 @!p3 $0x1, s17;
	p0 =	por p4, p4;
	s19 =	spop (v2sf)  }
0x8a: {  	s16 =	smov.u32 @p3 s17;
	s19 =	simm.s32 @p0 $0xFFFFFFFF;
	s24 =	spop (v2sf)  }
0x8b: {  	s17 =	sshll.u32 @!p3 s17, $0xA;
	p0 =	por p5, p5;
	p4 =	seq.s32 s24, s19  }
0x8c: {  	p6 =	por p1, p1;
	s17 =	sshra.s32 @!p3 s17, $0x2;
	s21 =	sshll.u32 @!p0 s20, $0x4;
	vm0 =	vgt.s32 @!p4 v2, $0x0  }
0x8d: {  	s20 =	sshll.u32 @!p0 s20, $0x5;
	p5 =	por p0, p0;
	s21 =	sand.u32 @!p0 $0x70, s21;
	v1 =	vnsel @!p4 vm0, $0x0, v2  }
0x8e: {  	s17 =	sadd.s32 @!p3 s17, s14;
	s20 =	sand.u32 @!p5 $0x3FFF00, s20;
	s21 =	sadd.s32 @!p0 s2, s21;
	v1 =	vmin.u32 @!p4 v1, $0x1FFFF  }
0x8f: {  	s19 =	simm.s32 @!p3 $0x80;
	p0 =	por p6, p6;
	s20 =	sadd.s32 @!p5 s20, s21;
	(v2sf) =	vpush @!p4 v1, $0x0  }
0x90: {  	[tilespmem:s17], [sflag:$0x1] =	stream.strided.gather @!p5 [hbm:s20], $0x100, s19, s19, $0x38;
	[tilespmem:$0x10200] =	vst v63  }
0x91: {  	p3 =	por p0, p0;
	s19 =	sshll.u32 @!p0 s18, $0x4  }
0x92: {  	s17 =	sshll.u32 @!p1 s16, $0xA;
	s18 =	sshll.u32 @!p0 s18, $0x5;
	s19 =	sand.u32 @!p0 $0x70, s19  }
0x93: {  	s17 =	sshra.s32 @!p1 s17, $0x2;
	s18 =	sand.u32 @!p3 $0x3FFF00, s18;
	s19 =	sadd.s32 @!p0 s2, s19  }
0x94: {  	s20 =	simm.s32 @!p1 $0x80;
	s17 =	sadd.s32 @!p1 s17, s14;
	s18 =	sadd.s32 @!p3 s18, s19  }
0x95: {  	[tilespmem:s17], [sflag:$0x1] =	stream.strided.gather @!p3 [hbm:s18], $0x100, s20, s20, $0x38;
	[tilespmem:$0x10200] =	vst v63  }
0x96: {  	p5 =	por p2, p2;
	s17 =	sadd.s32 @!p1 $0x1, s16  }
0x97: {  	p0 =	por p5, p5;
	s17 =	smov.u32 @p1 s16;
	s16 =	spop @!p2 (v2sf)  }
0x98: {  	p1 =	por p0, p0;
	s19 =	sshll.u32 @!p0 s16, $0x4  }
0x99: {  	s18 =	sshll.u32 @!p2 s17, $0xA;
	s16 =	sshll.u32 @!p0 s16, $0x5;
	s19 =	sand.u32 @!p0 $0x70, s19  }
0x9a: {  	s18 =	sshra.s32 @!p2 s18, $0x2;
	s16 =	sand.u32 @!p1 $0x3FFF00, s16;
	s19 =	sadd.s32 @!p0 s2, s19  }
0x9b: {  	s20 =	simm.s32 @!p2 $0x80;
	s18 =	sadd.s32 @!p2 s18, s14;
	s16 =	sadd.s32 @!p1 s16, s19  }
0x9c: {  	[tilespmem:s18], [sflag:$0x1] =	stream.strided.gather @!p1 [hbm:s16], $0x100, s20, s20, $0x38;
	[tilespmem:$0x10200] =	vst v63  }
0x9d: {  	p6 =	por p4, p4;
	s16 =	sadd.s32 @!p2 $0x1, s17  }
0x9e: {  	p0 =	por p6, p6;
	s18 =	spop @!p4 (v2sf);
	s16 =	smov.u32 @p2 s17  }
0x9f: {  	s17 =	sshll.u32 @!p0 s18, $0x4;
	s19 =	sadd.s32 @!p4 $0x1, s16  }
0xa0: {  	s20 =	sshll.u32 @!p4 s16, $0xA;
	s18 =	sshll.u32 @!p0 s18, $0x5;
	s17 =	sand.u32 @!p0 $0x70, s17  }
0xa1: {  	s19 =	smov.u32 @p4 s16;
	s17 =	sadd.s32 @!p0 s2, s17;
	p0 =	por p0, p0  }
0xa2: {  	s16 =	sshra.s32 @!p4 s20, $0x2;
	s20 =	simm.s32 @!p4 $0x80;
	s18 =	sand.u32 @!p0 $0x3FFF00, s18  }
0xa3: {  	s16 =	sadd.s32 @!p4 s16, s14;
	s25 =	sshll.u32 s19, $0x8;
	s17 =	sadd.s32 @!p0 s18, s17  }
0xa4: {  	[tilespmem:s16], [sflag:$0x1] =	stream.strided.gather @!p0 [hbm:s17], $0x100, s20, s20, $0x38;
	[tilespmem:$0x10200] =	vst v63  }
0xa5: {  	s16 =	sand.u32 $0x3FFFFF00, s25  }
0xa6: {  	_ =	swait.ge [sflag:s5], s16  }
0xa7: {  	s16 =	ssub.s32 $0x0, s16;
	[sflag:s5] =	ssyncset.done $0x0  }
0xa8: {  	s26 =	sadd.s32 $0x0, s15;
	[sflag:s5] =	ssyncadd.s32 s16  }
0xa9: {  	v1 =	vld.msk [tilespmem:s26+$0x0 ss:$0x1], $0x1;
	_ =	sdelay $0x4  }
0xaa: {  	(v2sf) =	vpush v1, $0x0;
	_ =	sdelay $0xc  }
0xab: {  	p0 =	por $0x0, $0x0;
	s16 =	simm.s32 $0x1  }
0xac: {  	s16 =	simm.s32 @!p0 $0x2  }
0xad: {  	v1 =	vmov s16;
	s28 =	spop (v2sf)  }
0xae: {  	vm15 =	vgt.u32 v1, v0;
	s29 =	sshll.u32 s28, $0x8;
	s17 =	sshll.u32 s28, $0x7  }
0xaf: {  	s16 =	sand.u32 $0xFFFFF800, s29;
	s17 =	sand.u32 $0x380, s17  }
0xb0: {  	s16 =	sor.u32 s17, s16  }
0xb1: {  	s30 =	sadd.s32 $0x0, s14;
	s31 =	sadd.s32 $0x0, s13;
	s16 =	sshrl.u32 s16, $0x3  }
0xb2: {  	s19 =	simm.s32 $0x8;
	s18 =	simm.s32 $0x4;
	s16 =	sadd.s32 s4, s16  }
0xb3: {  	[hbm:s16] =	stream.strided.scatter [tilespmem:s30], [sflag:$0x3], $0x100, s11, s11, $0x38;
	[tilespmem:$0x10200] =	vst v63  }
0xb4: {  	p1 =	por p0, p0;
	s17 =	simm.s32 $0x1;
	s16 =	simm.s32 $0x0;
	v1 =	vld.msk [tilespmem:s31+$0x0 ss:$0x1], vm15  }
.LBB2_5:
0xb5: {  	p2 =	sne.s32 s19, $0x1FC;
	s20 =	sadd.s32 s17, s15  }
0xb6: {  	v2 =	vld.msk [tilespmem:s20+$0x0 ss:$0x1], $0x1;
	_ =	sdelay $0x3  }
0xb7: {  	(v2sf) =	vpush v1, $0x1  }
0xb8: {  	(v2sf) =	vpush v1, $0x0  }
0xb9: {  	(v2sf) =	vpush v2, $0x0;
	_ =	sdelay $0xb  }
0xba: {  	p0 =	seq.s32 s18, $0x1FC;
	s18 =	smov.u32 s19;
	s20 =	simm.s32 $0x1  }
0xbb: {  	s20 =	simm.s32 @!p0 $0x2;
	s21 =	spop (v2sf)  }
0xbc: {  	s21 =	simm.s32 @p1 $0xFFFFFFFF;
	s22 =	spop (v2sf);
	p1 =	por p0, p0  }
0xbd: {  	v1 =	vmov s20;
	s20 =	spop (v2sf);
	p0 =	sne.s32 s22, s21;
	s22 =	simm.s32 $0x1  }
0xbe: {  	vm0 =	vgt.u32 v1, v0;
	s21 =	sshll.u32 s20, $0x8;
	s20 =	sshll.u32 s20, $0x7;
	s22 =	simm.s32 @!p0 $0x0  }
0xbf: {  	s21 =	sand.u32 $0xFFFFF800, s21;
	s20 =	sand.u32 $0x380, s20;
	s16 =	sadd.s32 s22, s16  }
.Ltmp4:
0xc0: {  	s20 =	sor.u32 s20, s21;
	s21 =	sshll.u32 s16, $0xA;
	(pc) =	sbr.rel @p2 .LBB2_5-.Ltmp4, $4  }
0xc1: {  	s20 =	sshrl.u32 s20, $0x3;
	s21 =	sshra.s32 s21, $0x2  }
0xc2: {  	s22 =	sadd.s32 s17, s13;
	s21 =	sadd.s32 s21, s14;
	s20 =	sadd.s32 s4, s20  }
0xc3: {  	[hbm:s20] =	stream.strided.scatter [tilespmem:s21], [sflag:$0x3], $0x100, s11, s11, $0x38;
	[tilespmem:$0x10200] =	vst v63  }
0xc4: {  	s19 =	sadd.s32 $0x4, s19;
	s17 =	sshra.s32 s18, $0x2;
	v1 =	vld.msk [tilespmem:s22+$0x0 ss:$0x1], vm0  }
0xc5: {  	s15 =	sadd.s32 s17, s15  }
0xc6: {  	v2 =	vld.msk [tilespmem:s15+$0x0 ss:$0x1], $0x1;
	_ =	sdelay $0x2  }
0xc7: {  	(v2sf) =	vpush v1, $0x1  }
0xc8: {  	(v2sf) =	vpush v1, $0x0  }
0xc9: {  	(v2sf) =	vpush v2, $0x0;
	_ =	sdelay $0xc  }
0xca: {  	p0 =	seq.s32 s18, $0x1FC;
	s15 =	simm.s32 $0x1;
	s18 =	spop (v2sf)  }
0xcb: {  	s15 =	simm.s32 @!p0 $0x2;
	s18 =	simm.s32 @p1 $0xFFFFFFFF;
	s19 =	spop (v2sf)  }
0xcc: {  	v1 =	vmov s15;
	s28 =	spop (v2sf);
	p0 =	sne.s32 s19, s18;
	s18 =	simm.s32 $0x1  }
0xcd: {  	vm0 =	vgt.u32 v1, v0;
	s29 =	sshll.u32 s28, $0x8;
	s15 =	sshll.u32 s28, $0x7;
	s18 =	simm.s32 @!p0 $0x0  }
0xce: {  	s19 =	sand.u32 $0xFFFFF800, s29;
	s15 =	sand.u32 $0x380, s15;
	s16 =	sadd.s32 s18, s16  }
0xcf: {  	s15 =	sor.u32 s15, s19;
	s16 =	sshll.u32 s16, $0xA  }
0xd0: {  	s15 =	sshrl.u32 s15, $0x3;
	s16 =	sshra.s32 s16, $0x2  }
0xd1: {  	s13 =	sadd.s32 s17, s13;
	s14 =	sadd.s32 s16, s14;
	s15 =	sadd.s32 s4, s15  }
0xd2: {  	[hbm:s15] =	stream.strided.scatter [tilespmem:s14], [sflag:$0x3], $0x100, s11, s11, $0x38;
	[tilespmem:$0x10200] =	vst v63  }
0xd3: {  	v1 =	vld.msk [tilespmem:s13+$0x0 ss:$0x1], vm0;
	_ =	sdelay $0x4  }
0xd4: {  	(v2sf) =	vpush v1, $0x1  }
0xd5: {  	(v2sf) =	vpush v1, $0x0;
	_ =	sdelay $0xa  }
.Ltmp5:
0xd6: {  	_ = 	snop;
	(pc) =	sbr.rel .LBB2_7-.Ltmp5, $3  }
0xd7: {  	s13 =	sld [smem:$0x7FC];
	_ =	sdelay $0x1  }
0xd8: {  	s30 =	spop (v2sf)  }
0xd9: {  	p3 =	seq.s32 s13, $0x1;
	s31 =	spop (v2sf)  }
.LBB2_8:
0xda: {  	_ =	sfence.sel $0x180000  }
0xdb: {  	s2 =	simm.s32 $0x2;
	[bflag:$0x0] =	sbarrier.arrive $0xFFFF  }
0xdc: {  	s30 =	simm.s32 $0x3;
	[sflag:s2] =	ssyncpa.u1 $0x1  }
0xdd: {  	s31 =	simm.s32 $0x1;
	[sflag:s30] =	ssyncpa.u1 $0x1  }
0xde: {  	[sflag:s31] =	ssyncpa.u1 $0x1  }
0xdf: {  	p0 =	sne.s32 s1, $0x0;
	_ =	strace $0x9000005C  }
0xe0: {  	s0 =	sadd.s32 @!p0 $0x100000, s0;
	[bflag:$0x2] =	sbarrier.arrive $0xFFFF  }
0xe1: {  	[sflag:s0] =	ssyncadd.tile.s32 @!p0 $0x1;
	_ =	shalt  }
.Lfunc_end2:
_tile_overlayer_lowered:
.L_overlay_start_2:
0xe2: {  	(tag) =	ssettag $0x2  }
0xe3: {  	s0 =	rddreg [dreg:$0x0];
	s2 =	stileid.u32  }
0xe4: {  	s1 =	rddreg [dreg:$0x1];
	p0 =	sne.s32 s2, $0x0  }
0xe5: {  	s3 =	rddreg [dreg:$0x2];
	[bflag:$0x3] =	sbarrier.arrive $0xFFFF;
	s2 =	simm.s32 @!p0 $0x1C01  }
0xe6: {  	[timem:s3], [sflag:s2] =	dma.local @!p0 [hbm:s0], s1  }
0xe7: {  	s0 =	simm.s32 @!p0 $0x1  }
0xe8: {  	_ =	swait.ge @!p0 [sflag:s0], s1  }
0xe9: {  	s1 =	ssub.s32 @!p0 $0x0, s1;
	[sflag:s0] =	ssyncset.done @!p0 $0x0  }
0xea: {  	[sflag:s0] =	ssyncadd.s32 @!p0 s1  }
0xeb: {  	[bflag:$0x3] =	sbarrier.arrive $0xFFFF  }
0xec: {  	_ =	shalt  }

// kernel: gather_offload_async_start.4
scs
__scs_entry_jumppad:
0x0: {  	(pc) =	sbr.rel $0x88, $3  }
0x1: {  	(tag) =	ssettag $0x0;
	lr =	simm.s32 $0x1  }
0x2: {  	[smem:$0x3F8D] =	sst lr;
	_ =	strace $0xD0000000  }
0x3: {  	_ = 	snop  }
0x4: {  	_ = 	snop  }
0x5: {  	_ = 	snop  }
0x6: {  	_ = 	snop  }
0x7: {  	_ = 	snop  }
__scs_overlays_trampoline_lowered:
0x8: {  	[smem:$0x3F9C] =	sst s0  }
0x9: {  	[smem:$0x3F9D] =	sst s1  }
0xa: {  	[smem:$0x3F9E] =	sst s2  }
0xb: {  	[smem:$0x3F9F] =	sst s3  }
0xc: {  	[smem:$0x3FA0] =	sst s4  }
0xd: {  	[smem:$0x3FA1] =	sst s5  }
0xe: {  	[smem:$0x3FA2] =	sst s6  }
0xf: {  	[smem:$0x3FA3] =	sst s7  }
0x10: {  	[smem:$0x3FA4] =	sst s8  }
0x11: {  	[smem:$0x3FA5] =	sst s9;
	s0 =	simm.s32 @!p0 $0x0  }
0x12: {  	s1 =	sld [smem:$0x3F8B];
	s0 =	simm.s32 @p0 $0x1  }
0x13: {  	[smem:$0x3FA6] =	sst s0;
	s0 =	simm.s32 @!p1 $0x0  }
0x14: {  	s2 =	sld [smem:$0x3F8A];
	s0 =	simm.s32 @p1 $0x1  }
0x15: {  	[smem:$0x3FA7] =	sst s0;
	s0 =	simm.s32 @!p2 $0x0  }
0x16: {  	s3 =	sld [smem:$0x3FDB];
	s0 =	simm.s32 @p2 $0x1  }
0x17: {  	s4 =	simm.s32 $0x1BF5;
	[smem:$0x3FA9] =	sst s0  }
0x18: {  	s0 =	sld [smem:$0x3F8C];
	_ =	swait.ge [sflag:s4], $0x0  }
0x19: {  	s7 =	sld [smem:$0x3F8D]  }
0x1a: {  	s8 =	sadd.s32 $0xFFFFE003, lr  }
0x1b: {  	s9 =	sadd.s32 $0xFFFFFEF7, lr;
	s5 =	simm.s32 $0xFFFFFFFF;
	p2 =	slt.u32 s8, $0xFFFFF086  }
0x1c: {  	p1 =	slt.u32 s9, $0xF7A;
	s5 =	simm.s32 @!p2 $0x0  }
0x1d: {  	s5 =	simm.s32 @p1 $0x1;
	p0 =	seq.s32 s7, s2  }
0x1e: {  	s7 =	smul.u32 @!p0 $0xF7A, s2;
	p2 =	seq.s32 @!p0 s5, $0x0  }
0x1f: {  	s9 =	smul.u32 $0xF7A, s1;
	s8 =	simm.s32 @!p0 $0x1BF5;
	p2 =	por !p2, p0  }
0x20: {  	[sflag:s8] =	ssyncset.s32 @!p0 $0xFFFFF086;
	s6 =	sadd.s32 @!p0 s3, s7;
	s7 =	simm.s32 @!p0 $0x108  }
0x21: {  	s3 =	sadd.s32 s3, s9;
	s6 =	sadd.s32 @!p0 $0x88, s6;
	s7 =	simm.s32 @p2 $0x1082  }
0x22: {  	[simem:s7], [sflag:s8] =	dma.local @!p0 [hbm:s6], $0xF7A  }
0x23: {  	s9 =	sor.u32 $0xD0000000, s2;
	s6 =	simm.s32 $0x108;
	_ =	swait.ge @!p0 [sflag:s8], $0x0  }
0x24: {  	s3 =	sadd.s32 $0x88, s3;
	s6 =	simm.s32 @!p1 $0x1082;
	[sflag:s4] =	ssyncset.s32 $0xFFFFF086  }
0x25: {  	[simem:s6], [sflag:s4] =	dma.local [hbm:s3], $0xF7A  }
0x26: {  	[smem:$0x3F8D] =	sst s1;
	(tag) =	ssettag s2;
	_ =	strace s9  }
0x27: {  	s1 =	sld [smem:$0x3F9D]  }
0x28: {  	s2 =	sld [smem:$0x3F9E]  }
0x29: {  	s4 =	sld [smem:$0x3FA0]  }
0x2a: {  	p0 =	seq.s32 s5, $0x0;
	s5 =	sld [smem:$0x3FA1]  }
0x2b: {  	s6 =	sld [smem:$0x3FA2]  }
0x2c: {  	s7 =	sld [smem:$0x3FA3]  }
0x2d: {  	s3 =	simm.s32 $0x108;
	s8 =	sld [smem:$0x3FA4]  }
0x2e: {  	s3 =	simm.s32 @!p0 $0x1082;
	s9 =	sld [smem:$0x3FA5]  }
0x2f: {  	lr =	sadd.s32 s0, s3;
	s0 =	sld [smem:$0x3F9C]  }
0x30: {  	s3 =	sld [smem:$0x3F9F]  }
0x31: {  	[smem:$0x3FA8] =	sst s10  }
0x32: {  	s10 =	sld [smem:$0x3FA6];
	_ =	sdelay $0x3  }
0x33: {  	p0 =	seq.s32 s10, $0x1;
	s10 =	sld [smem:$0x3FA8];
	_ =	sdelay $0x3  }
0x34: {  	[smem:$0x3FA8] =	sst s10  }
0x35: {  	s10 =	sld [smem:$0x3FA7];
	_ =	sdelay $0x3  }
0x36: {  	p1 =	seq.s32 s10, $0x1;
	s10 =	sld [smem:$0x3FA8];
	_ =	sdelay $0x3  }
0x37: {  	[smem:$0x3FA8] =	sst s10  }
0x38: {  	s10 =	sld [smem:$0x3FA9]  }
0x39: {  	_ = 	snop;
	(pc) =	sbr.ind lr, $3  }
0x3a: {  	_ = 	snop  }
0x3b: {  	_ = 	snop  }
0x3c: {  	p2 =	seq.s32 s10, $0x1;
	s10 =	sld [smem:$0x3FA8]  }
0x3d: {  	_ =	shalt  }
0x3e: {  	_ =	shalt  }
0x3f: {  	_ =	shalt  }
0x40: {  	_ =	shalt  }
0x41: {  	_ =	shalt  }
0x42: {  	_ =	shalt  }
0x43: {  	_ =	shalt  }
0x44: {  	_ =	shalt  }
0x45: {  	_ =	shalt  }
0x46: {  	_ =	shalt  }
0x47: {  	_ =	shalt  }
0x48: {  	_ =	shalt  }
0x49: {  	_ =	shalt  }
0x4a: {  	_ =	shalt  }
0x4b: {  	_ =	shalt  }
0x4c: {  	_ =	shalt  }
0x4d: {  	_ =	shalt  }
0x4e: {  	_ =	shalt  }
0x4f: {  	_ =	shalt  }
0x50: {  	_ =	shalt  }
0x51: {  	_ =	shalt  }
0x52: {  	_ =	shalt  }
0x53: {  	_ =	shalt  }
0x54: {  	_ =	shalt  }
0x55: {  	_ =	shalt  }
0x56: {  	_ =	shalt  }
0x57: {  	_ =	shalt  }
0x58: {  	_ =	shalt  }
0x59: {  	_ =	shalt  }
0x5a: {  	_ =	shalt  }
0x5b: {  	_ =	shalt  }
0x5c: {  	_ =	shalt  }
0x5d: {  	_ =	shalt  }
0x5e: {  	_ =	shalt  }
0x5f: {  	_ =	shalt  }
0x60: {  	_ =	shalt  }
0x61: {  	_ =	shalt  }
0x62: {  	_ =	shalt  }
0x63: {  	_ =	shalt  }
0x64: {  	_ =	shalt  }
0x65: {  	_ =	shalt  }
0x66: {  	_ =	shalt  }
0x67: {  	_ =	shalt  }
0x68: {  	_ =	shalt  }
0x69: {  	_ =	shalt  }
0x6a: {  	_ =	shalt  }
0x6b: {  	_ =	shalt  }
0x6c: {  	_ =	shalt  }
0x6d: {  	_ =	shalt  }
0x6e: {  	_ =	shalt  }
0x6f: {  	_ =	shalt  }
0x70: {  	_ =	shalt  }
0x71: {  	_ =	shalt  }
0x72: {  	_ =	shalt  }
0x73: {  	_ =	shalt  }
0x74: {  	_ =	shalt  }
0x75: {  	_ =	shalt  }
0x76: {  	_ =	shalt  }
0x77: {  	_ =	shalt  }
0x78: {  	_ =	shalt  }
0x79: {  	_ =	shalt  }
0x7a: {  	_ =	shalt  }
0x7b: {  	_ =	shalt  }
0x7c: {  	_ =	shalt  }
0x7d: {  	_ =	shalt  }
0x7e: {  	_ =	shalt  }
0x7f: {  	_ =	shalt  }
0x80: {  	_ =	shalt  }
0x81: {  	_ =	shalt  }
0x82: {  	_ =	shalt  }
0x83: {  	_ =	shalt  }
0x84: {  	_ =	shalt  }
0x85: {  	_ =	shalt  }
0x86: {  	_ =	shalt  }
0x87: {  	_ =	shalt  }
.Lfunc_end0:
.L_simem_size_0:
called_computation.7_lowered:
.L_overlay_start_0:
0x88: {  	s2 =	sld [smem:$0x3FD9]  }
0x89: {  	s3 =	sld [smem:$0x3FFE];
	_ =	sdelay $0x1  }
0x8a: {  	s1 =	srdreg.scid  }
0x8b: {  	s0 =	sand.u32 $0x1, s1  }
0x8c: {  	s17 =	sshll.u32 s0, $0xA;
	s2 =	sadd.s32 s3, s2  }
0x8d: {  	s2 =	sadd.s32 s2, s17  }
0x8e: {  	[smem:$0x3FB4] =	sst s2  }
0x8f: {  	_ = 	snop  }
0x90: {  	s2 =	sld [smem:$0x3FC5];
	(tm) =	ssettm $0x1  }
0x91: {  	s18 =	sld [smem:$0x3FFB];
	_ =	sdelay $0x3  }
0x92: {  	_ =	strace s18  }
0x93: {  	s3 =	sld [smem:$0x3FFC];
	_ =	sdelay $0x3  }
0x94: {  	_ =	strace s3  }
0x95: {  	s3 =	sld [smem:$0x3FFD];
	_ =	sdelay $0x3  }
0x96: {  	_ =	strace s3  }
0x97: {  	_ =	strace $0x8FFFFFFF  }
0x98: {  	s19 =	sld [smem:$0x3FDB];
	_ =	sdelay $0x1  }
0x99: {  	s4 =	simm.s32 $_scs_section_size  }
0x9a: {  	s5 =	simm.s32 $_size__tile_overlayer_lowered;
	s6 =	simm.s32 $_tile_overlayer_lowered  }
0x9b: {  	s22 =	simm.s32 $0x1BFF;
	s21 =	sshll.u32 s6, $0x1;
	s3 =	sadd.s32 s4, s19  }
0x9c: {  	s7 =	simm.s32 $0x0;
	s20 =	sshll.u32 s5, $0x1;
	s5 =	sadd.s32 s21, s3  }
0x9d: {  	[timem:s7], [sflag:s22] =	dma.local [hbm:s5], s20  }
0x9e: {  	_ =	swait.ge [sflag:s22], s20  }
0x9f: {  	s4 =	ssub.s32 $0x0, s20;
	[sflag:s22] =	ssyncset.done $0x0  }
0xa0: {  	[sflag:s22] =	ssyncadd.s32 s4;
	_ =	sdelay $0x1  }
0xa1: {  	s23 =	simm.s32 $0x1B8B  }
0xa2: {  	_ =	swait.ge [sflag:s23], $0x1  }
0xa3: {  	[sflag:s23] =	ssyncset.done $0x0  }
0xa4: {  	s25 =	simm.s32 $0x1B8E;
	s24 =	sld [smem:$0x3FFE];
	[sflag:s23] =	ssyncadd.s32 $0xFFFFFFFF  }
0xa5: {  	s26 =	simm.s32 $execute0_lowered;
	[smem:$0x3FD2] =	sst s25  }
0xa6: {  	s5 =	sshll.u32 s26, $0x1;
	_ =	strace $0x80000046;
	[dreg:$0x1] =	wrdreg $0xFFFFFFFF  }
0xa7: {  	s28 =	simm.s32 $_size_execute0_lowered;
	s3 =	sadd.s32 s3, s5;
	[dreg:$0x0] =	wrdreg $0x0  }
0xa8: {  	s5 =	sshll.u32 s28, $0x1;
	[dreg:$0x2] =	wrdreg s3  }
0xa9: {  	[dreg:$0x3] =	wrdreg s5  }
0xaa: {  	[dreg:$0x4] =	wrdreg $0xC0  }
0xab: {  	_ =	task [dreg:s7], $0x5FFFF  }
0xac: {  	[dreg:$0x1] =	wrdreg $0xFFFFFFFF  }
0xad: {  	[dreg:$0x0] =	wrdreg $0x60  }
0xae: {  	[dreg:$0x2] =	wrdreg s2  }
0xaf: {  	[dreg:$0x3] =	wrdreg s24  }
0xb0: {  	[dreg:$0x4] =	wrdreg $0x9  }
0xb1: {  	_ =	task.clear_ibuf [dreg:s7], $0x5FFFF;
	_ =	strace $0x90000046  }
0xb2: {  	s29 =	simm.s32 $0x9;
	_ =	strace $0x80000048  }
0xb3: {  	_ =	swait.ge [sflag:s29], $0x1  }
0xb4: {  	[sflag:s29] =	ssyncadd.s32 $0xFFFFFFFF  }
0xb5: {  	_ =	strace $0x90000048  }
0xb6: {  	_ =	sfence  }
0xb7: {  	s30 =	sld [smem:$0x0];
	_ =	sdelay $0x2  }
0xb8: {  	s31 =	sshll.u32 s1, $0xD;
	s1 =	sshrl.u32 s1, $0x2  }
0xb9: {  	s3 =	sand.u32 $0x4000, s31;
	s1 =	sadd.s32 s1, s30  }
0xba: {  	s0 =	sor.u32 s3, s0;
	s1 =	sshll.u32 s1, $0x11  }
0xbb: {  	s0 =	sor.u32 s1, s0  }
0xbc: {  	s0 =	sadd.s32 $0x8F2B, s0  }
0xbd: {  	[sflag:s0] =	ssyncadd.remote.s32 $0x1  }
0xbe: {  	_ =	sfence.sel $0xFFFF  }
0xbf: {  	[dreg:$0x0] =	wrdreg $0xFFFFFFFF;
	(pc) =	sbr.abs _section_cstart, $3  }
0xc0: {  	[dreg:$0x1] =	wrdreg $0xFFFFFFFF  }
0xc1: {  	_ =	task.clear_ibuf [dreg:s7], $0x2FFFF;
	_ =	strace $0x9FFFFFFF  }
0xc2: {  	(tm) =	ssettm $0x7FFFFFFF  }
0xc3: {  	_ =	shalt  }
tec
execute0_lowered:
.L_overlay_start_1:
0x0: {  	(tag) =	ssettag $0x1  }
0x1: {  	s2 =	rddreg [dreg:$0x0]  }
0x2: {  	s7 =	rddreg [dreg:$0x1]  }
0x3: {  	s0 =	rddreg [dreg:$0x2]  }
0x4: {  	s1 =	srdreg.scid;
	_ =	strace $0x80000047;
	s4 =	simm.s32 $0x1  }
0x5: {  	s9 =	simm.s32 $0x3;
	s11 =	simm.s32 $0x0;
	s5 =	sshll.u32 s1, $0x4  }
.Ltmp0:
0x6: {  	s1 =	stileid.u32;
	s5 =	sand.u32 $0x10, s5;
	(pc) =	sbr.rel .LBB2_1-.Ltmp0, $4  }
0x7: {  	p0 =	por $0x0, $0x0;
	s3 =	sadd.s32 $0x4400, s7;
	s6 =	sor.u32 s1, s5  }
0x8: {  	[sflag:s4] =	ssyncpa.u1 $0x0;
	s5 =	simm.s32 $0x2;
	s6 =	sshll.u32 s6, $0xA  }
0x9: {  	s7 =	sadd.s32 $0x5400, s7;
	[sflag:s5] =	ssyncpa.u1 $0x0;
	s8 =	sadd.s32 $0x400, s6  }
0xa: {  	vm0 =	vmmov $0xff;
	vm1 =	vcmask $0x3F20;
	[sflag:s9] =	ssyncpa.u1 $0x0;
	s10 =	smov.u32 s6;
	s9 =	simm.s32 $0x0  }
.LBB2_7:
0xb: {  	p1 =	slt.u32 s9, $0x2;
	s11 =	sadd.s32 $0x100, s10  }
0xc: {  	s13 =	smov.u32 s6;
	s9 =	sadd.s32 $0x1, s9;
	p2 =	slt.s32 s11, s8  }
0xd: {  	s13 =	smov.u32 @p2 s11;
	p2 =	sne.s32 s9, $0x6  }
.Ltmp1:
0xe: {  	_ = 	snop;
	(pc) =	sbr.rel @!p2 .LBB2_8-.Ltmp1, $4  }
0xf: {  	s12 =	simm.s32 @!p1 $0x3  }
0x10: {  	_ =	swait.ge @!p1 [sflag:s12], $0x8000  }
0x11: {  	p0 =	por !p0, !p0;
	[sflag:s12] =	ssyncset.done @!p1 $0x0  }
0x12: {  	s11 =	smov.u32 s10;
	s10 =	smov.u32 s13;
	[sflag:s12] =	ssyncadd.s32 @!p1 $0xFFFF8000  }
.LBB2_1:
0x13: {  	p1 =	sgt.u32 s9, $0x3  }
0x14: {  	s12 =	sxor.u32 @!p1 $0xFFFFFFFF, s9  }
0x15: {  	s13 =	sshrl.u32 @!p1 s10, $0x3;
	s12 =	sshll.u32 @!p1 s12, $0x8  }
0x16: {  	s14 =	sand.u32 @!p1 $0x7, s10;
	s13 =	sadd.s32 @!p1 s3, s13;
	s12 =	sand.u32 @!p1 $0x100, s12  }
0x17: {  	[tilespmem:s12], [sflag:$0x2] =	stream.linear.gather @!p1 [hbm4b:s13+s14], $0x100, $0x38;
	[tilespmem:$0x10200] =	vst v63  }
0x18: {  	p1 =	seq.s32 s9, $0x0  }
0x19: {  	p2 =	seq.s32 @!p1 s9, $0x5  }
0x1a: {  	p1 =	por p1, p2  }
.Ltmp2:
0x1b: {  	_ = 	snop;
	(pc) =	sbr.rel @p1 .LBB2_7-.Ltmp2, $1  }
0x1c: {  	_ =	sdelay $0x3  }
0x1d: {  	s12 =	simm.s32 $0x1  }
0x1e: {  	_ =	swait.ge [sflag:s5], $0x100;
	s12 =	simm.s32 @!p0 $0x0  }
0x1f: {  	[sflag:s5] =	ssyncset.done $0x0;
	s14 =	sshll.u32 s12, $0x8  }
0x20: {  	[sflag:s5] =	ssyncadd.s32 $0xFFFFFF00;
	s13 =	sadd.s32 $0x0, s14  }
0x21: {  	v0 =	vld.msk [tilespmem:s13+$0x0 ss:$0x1], $0xffff;
	_ =	sdelay $0x4  }
0x22: {  	vm2 =	vgt.s32 v0, $0x0  }
0x23: {  	v0 =	vnsel vm2, $0x0, v0  }
0x24: {  	v0 =	vmin.u32 v0, $0x1869F  }
0x25: {  	v0 =	vshll.u32 v0, $0x4;
	_ =	sdelay $0x2  }
0x26: {  	s12 =	sshll.u32 s12, $0xF  }
0x27: {  	s12 =	sor.u32 $0x200, s12  }
0x28: {  	[tilespmem:s12], [sflag:$0x1] =	stream.indirect_vreg.gather [hbm:s2], $0x80, v0, vm0, $0x38;
	[tilespmem:$0x10200] =	vst v63  }
0x29: {  	s15 =	sadd.s32 $0x10, s14;
	s13 =	sadd.s32 $0x400, s12  }
0x2a: {  	[tilespmem:s13], [sflag:$0x1] =	stream.indirect_vreg.gather [hbm:s2], $0x80, v0, vm1, $0x38;
	[tilespmem:$0x10200] =	vst v63  }
0x2b: {  	s16 =	simm.s32 $0x80;
	v0 =	vld.msk [tilespmem:s15+$0x0 ss:$0x1], $0xffff;
	s15 =	smov.u32 s12  }
.LBB2_3:
0x2c: {  	p1 =	sne.s32 s16, $0x3C0;
	_ =	sdelay $0x4  }
0x2d: {  	vm2 =	vgt.s32 v0, $0x0  }
0x2e: {  	v0 =	vnsel vm2, $0x0, v0  }
0x2f: {  	v0 =	vmin.u32 v0, $0x1869F  }
0x30: {  	v0 =	vshll.u32 v0, $0x4;
	_ =	sdelay $0x3  }
.Ltmp3:
0x31: {  	s17 =	sshra.s32 s16, $0x2;
	s15 =	sadd.s32 $0x800, s15;
	(pc) =	sbr.rel @p1 .LBB2_3-.Ltmp3, $4  }
0x32: {  	[tilespmem:s15], [sflag:$0x1] =	stream.indirect_vreg.gather [hbm:s2], $0x80, v0, vm0, $0x38;
	[tilespmem:$0x10200] =	vst v63  }
0x33: {  	s17 =	sadd.s32 s17, s14;
	s18 =	sadd.s32 $0x400, s15  }
0x34: {  	[tilespmem:s18], [sflag:$0x1] =	stream.indirect_vreg.gather [hbm:s2], $0x80, v0, vm1, $0x38;
	[tilespmem:$0x10200] =	vst v63  }
0x35: {  	s16 =	sadd.s32 $0x40, s16;
	v0 =	vld.msk [tilespmem:s17+$0x0 ss:$0x1], $0xffff  }
0x36: {  	_ =	sdelay $0x3  }
0x37: {  	vm2 =	vgt.s32 v0, $0x0  }
0x38: {  	v0 =	vnsel vm2, $0x0, v0  }
0x39: {  	v0 =	vmin.u32 v0, $0x1869F  }
0x3a: {  	v0 =	vshll.u32 v0, $0x4;
	_ =	sdelay $0x3  }
0x3b: {  	s14 =	sadd.s32 $0x800, s15  }
0x3c: {  	[tilespmem:s14], [sflag:$0x1] =	stream.indirect_vreg.gather [hbm:s2], $0x80, v0, vm0, $0x38;
	[tilespmem:$0x10200] =	vst v63  }
0x3d: {  	s14 =	sadd.s32 $0x400, s14  }
0x3e: {  	[tilespmem:s14], [sflag:$0x1] =	stream.indirect_vreg.gather [hbm:s2], $0x80, v0, vm1, $0x38;
	[tilespmem:$0x10200] =	vst v63  }
0x3f: {  	s11 =	sshll.u32 s11, $0x4;
	_ =	swait.ge [sflag:s4], $0x8000  }
0x40: {  	s11 =	sadd.s32 s11, s7;
	[sflag:s4] =	ssyncset.done $0x0  }
0x41: {  	s15 =	sadd.s32 $0x0, s11;
	s14 =	simm.s32 $0x80;
	[sflag:s4] =	ssyncadd.s32 $0xFFFF8000  }
.LBB2_5:
0x42: {  	[hbm:s15] =	stream.linear.scatter [tilespmem:s12], [sflag:$0x3], $0x400, $0x38;
	[tilespmem:$0x10200] =	vst v63  }
0x43: {  	s15 =	smov.u32 s14;
	s12 =	smov.u32 s13;
	p1 =	sne.s32 s14, $0xF80  }
.Ltmp4:
0x44: {  	s14 =	sadd.s32 $0x80, s14;
	(pc) =	sbr.rel @p1 .LBB2_5-.Ltmp4, $2  }
0x45: {  	_ =	sdelay $0x2  }
0x46: {  	s13 =	sadd.s32 $0x400, s13;
	s15 =	sadd.s32 s15, s11  }
.Ltmp5:
0x47: {  	(pc) =	sbr.rel .LBB2_7-.Ltmp5, $2  }
0x48: {  	_ =	sdelay $0x2  }
0x49: {  	[hbm:s15] =	stream.linear.scatter [tilespmem:s12], [sflag:$0x3], $0x400, $0x38;
	[tilespmem:$0x10200] =	vst v63  }
.LBB2_8:
0x4a: {  	_ =	sfence.sel $0x180000  }
0x4b: {  	s2 =	simm.s32 $0x2;
	[bflag:$0x0] =	sbarrier.arrive $0xFFFF  }
0x4c: {  	s30 =	simm.s32 $0x3;
	[sflag:s2] =	ssyncpa.u1 $0x1  }
0x4d: {  	s31 =	simm.s32 $0x1;
	[sflag:s30] =	ssyncpa.u1 $0x1  }
0x4e: {  	[sflag:s31] =	ssyncpa.u1 $0x1  }
0x4f: {  	p0 =	sne.s32 s1, $0x0;
	_ =	strace $0x90000047  }
0x50: {  	s0 =	sadd.s32 @!p0 $0x100000, s0;
	[bflag:$0x2] =	sbarrier.arrive $0xFFFF  }
0x51: {  	[sflag:s0] =	ssyncadd.tile.s32 @!p0 $0x1;
	_ =	shalt  }
.Lfunc_end2:
_tile_overlayer_lowered:
.L_overlay_start_2:
0x52: {  	(tag) =	ssettag $0x2  }
0x53: {  	s0 =	rddreg [dreg:$0x0];
	s2 =	stileid.u32  }
0x54: {  	s1 =	rddreg [dreg:$0x1];
	p0 =	sne.s32 s2, $0x0  }
0x55: {  	s3 =	rddreg [dreg:$0x2];
	[bflag:$0x3] =	sbarrier.arrive $0xFFFF;
	s2 =	simm.s32 @!p0 $0x1C01  }
0x56: {  	[timem:s3], [sflag:s2] =	dma.local @!p0 [hbm:s0], s1  }
0x57: {  	s0 =	simm.s32 @!p0 $0x1  }
0x58: {  	_ =	swait.ge @!p0 [sflag:s0], s1  }
0x59: {  	s1 =	ssub.s32 @!p0 $0x0, s1;
	[sflag:s0] =	ssyncset.done @!p0 $0x0  }
0x5a: {  	[sflag:s0] =	ssyncadd.s32 @!p0 s1  }
0x5b: {  	[bflag:$0x3] =	sbarrier.arrive $0xFFFF  }
0x5c: {  	_ =	shalt  }

// kernel: gather_offload_async_start
scs
__scs_entry_jumppad:
0x0: {  	(pc) =	sbr.rel $0x88, $3  }
0x1: {  	(tag) =	ssettag $0x0;
	lr =	simm.s32 $0x1  }
0x2: {  	[smem:$0x3F8D] =	sst lr;
	_ =	strace $0xD0000000  }
0x3: {  	_ = 	snop  }
0x4: {  	_ = 	snop  }
0x5: {  	_ = 	snop  }
0x6: {  	_ = 	snop  }
0x7: {  	_ = 	snop  }
__scs_overlays_trampoline_lowered:
0x8: {  	[smem:$0x3F9C] =	sst s0  }
0x9: {  	[smem:$0x3F9D] =	sst s1  }
0xa: {  	[smem:$0x3F9E] =	sst s2  }
0xb: {  	[smem:$0x3F9F] =	sst s3  }
0xc: {  	[smem:$0x3FA0] =	sst s4  }
0xd: {  	[smem:$0x3FA1] =	sst s5  }
0xe: {  	[smem:$0x3FA2] =	sst s6  }
0xf: {  	[smem:$0x3FA3] =	sst s7  }
0x10: {  	[smem:$0x3FA4] =	sst s8  }
0x11: {  	[smem:$0x3FA5] =	sst s9;
	s0 =	simm.s32 @!p0 $0x0  }
0x12: {  	s1 =	sld [smem:$0x3F8B];
	s0 =	simm.s32 @p0 $0x1  }
0x13: {  	[smem:$0x3FA6] =	sst s0;
	s0 =	simm.s32 @!p1 $0x0  }
0x14: {  	s2 =	sld [smem:$0x3F8A];
	s0 =	simm.s32 @p1 $0x1  }
0x15: {  	[smem:$0x3FA7] =	sst s0;
	s0 =	simm.s32 @!p2 $0x0  }
0x16: {  	s3 =	sld [smem:$0x3FDB];
	s0 =	simm.s32 @p2 $0x1  }
0x17: {  	s4 =	simm.s32 $0x1BF5;
	[smem:$0x3FA9] =	sst s0  }
0x18: {  	s0 =	sld [smem:$0x3F8C];
	_ =	swait.ge [sflag:s4], $0x0  }
0x19: {  	s7 =	sld [smem:$0x3F8D]  }
0x1a: {  	s8 =	sadd.s32 $0xFFFFE003, lr  }
0x1b: {  	s9 =	sadd.s32 $0xFFFFFEF7, lr;
	s5 =	simm.s32 $0xFFFFFFFF;
	p2 =	slt.u32 s8, $0xFFFFF086  }
0x1c: {  	p1 =	slt.u32 s9, $0xF7A;
	s5 =	simm.s32 @!p2 $0x0  }
0x1d: {  	s5 =	simm.s32 @p1 $0x1;
	p0 =	seq.s32 s7, s2  }
0x1e: {  	s7 =	smul.u32 @!p0 $0xF7A, s2;
	p2 =	seq.s32 @!p0 s5, $0x0  }
0x1f: {  	s9 =	smul.u32 $0xF7A, s1;
	s8 =	simm.s32 @!p0 $0x1BF5;
	p2 =	por !p2, p0  }
0x20: {  	[sflag:s8] =	ssyncset.s32 @!p0 $0xFFFFF086;
	s6 =	sadd.s32 @!p0 s3, s7;
	s7 =	simm.s32 @!p0 $0x108  }
0x21: {  	s3 =	sadd.s32 s3, s9;
	s6 =	sadd.s32 @!p0 $0x88, s6;
	s7 =	simm.s32 @p2 $0x1082  }
0x22: {  	[simem:s7], [sflag:s8] =	dma.local @!p0 [hbm:s6], $0xF7A  }
0x23: {  	s9 =	sor.u32 $0xD0000000, s2;
	s6 =	simm.s32 $0x108;
	_ =	swait.ge @!p0 [sflag:s8], $0x0  }
0x24: {  	s3 =	sadd.s32 $0x88, s3;
	s6 =	simm.s32 @!p1 $0x1082;
	[sflag:s4] =	ssyncset.s32 $0xFFFFF086  }
0x25: {  	[simem:s6], [sflag:s4] =	dma.local [hbm:s3], $0xF7A  }
0x26: {  	[smem:$0x3F8D] =	sst s1;
	(tag) =	ssettag s2;
	_ =	strace s9  }
0x27: {  	s1 =	sld [smem:$0x3F9D]  }
0x28: {  	s2 =	sld [smem:$0x3F9E]  }
0x29: {  	s4 =	sld [smem:$0x3FA0]  }
0x2a: {  	p0 =	seq.s32 s5, $0x0;
	s5 =	sld [smem:$0x3FA1]  }
0x2b: {  	s6 =	sld [smem:$0x3FA2]  }
0x2c: {  	s7 =	sld [smem:$0x3FA3]  }
0x2d: {  	s3 =	simm.s32 $0x108;
	s8 =	sld [smem:$0x3FA4]  }
0x2e: {  	s3 =	simm.s32 @!p0 $0x1082;
	s9 =	sld [smem:$0x3FA5]  }
0x2f: {  	lr =	sadd.s32 s0, s3;
	s0 =	sld [smem:$0x3F9C]  }
0x30: {  	s3 =	sld [smem:$0x3F9F]  }
0x31: {  	[smem:$0x3FA8] =	sst s10  }
0x32: {  	s10 =	sld [smem:$0x3FA6];
	_ =	sdelay $0x3  }
0x33: {  	p0 =	seq.s32 s10, $0x1;
	s10 =	sld [smem:$0x3FA8];
	_ =	sdelay $0x3  }
0x34: {  	[smem:$0x3FA8] =	sst s10  }
0x35: {  	s10 =	sld [smem:$0x3FA7];
	_ =	sdelay $0x3  }
0x36: {  	p1 =	seq.s32 s10, $0x1;
	s10 =	sld [smem:$0x3FA8];
	_ =	sdelay $0x3  }
0x37: {  	[smem:$0x3FA8] =	sst s10  }
0x38: {  	s10 =	sld [smem:$0x3FA9]  }
0x39: {  	_ = 	snop;
	(pc) =	sbr.ind lr, $3  }
0x3a: {  	_ = 	snop  }
0x3b: {  	_ = 	snop  }
0x3c: {  	p2 =	seq.s32 s10, $0x1;
	s10 =	sld [smem:$0x3FA8]  }
0x3d: {  	_ =	shalt  }
0x3e: {  	_ =	shalt  }
0x3f: {  	_ =	shalt  }
0x40: {  	_ =	shalt  }
0x41: {  	_ =	shalt  }
0x42: {  	_ =	shalt  }
0x43: {  	_ =	shalt  }
0x44: {  	_ =	shalt  }
0x45: {  	_ =	shalt  }
0x46: {  	_ =	shalt  }
0x47: {  	_ =	shalt  }
0x48: {  	_ =	shalt  }
0x49: {  	_ =	shalt  }
0x4a: {  	_ =	shalt  }
0x4b: {  	_ =	shalt  }
0x4c: {  	_ =	shalt  }
0x4d: {  	_ =	shalt  }
0x4e: {  	_ =	shalt  }
0x4f: {  	_ =	shalt  }
0x50: {  	_ =	shalt  }
0x51: {  	_ =	shalt  }
0x52: {  	_ =	shalt  }
0x53: {  	_ =	shalt  }
0x54: {  	_ =	shalt  }
0x55: {  	_ =	shalt  }
0x56: {  	_ =	shalt  }
0x57: {  	_ =	shalt  }
0x58: {  	_ =	shalt  }
0x59: {  	_ =	shalt  }
0x5a: {  	_ =	shalt  }
0x5b: {  	_ =	shalt  }
0x5c: {  	_ =	shalt  }
0x5d: {  	_ =	shalt  }
0x5e: {  	_ =	shalt  }
0x5f: {  	_ =	shalt  }
0x60: {  	_ =	shalt  }
0x61: {  	_ =	shalt  }
0x62: {  	_ =	shalt  }
0x63: {  	_ =	shalt  }
0x64: {  	_ =	shalt  }
0x65: {  	_ =	shalt  }
0x66: {  	_ =	shalt  }
0x67: {  	_ =	shalt  }
0x68: {  	_ =	shalt  }
0x69: {  	_ =	shalt  }
0x6a: {  	_ =	shalt  }
0x6b: {  	_ =	shalt  }
0x6c: {  	_ =	shalt  }
0x6d: {  	_ =	shalt  }
0x6e: {  	_ =	shalt  }
0x6f: {  	_ =	shalt  }
0x70: {  	_ =	shalt  }
0x71: {  	_ =	shalt  }
0x72: {  	_ =	shalt  }
0x73: {  	_ =	shalt  }
0x74: {  	_ =	shalt  }
0x75: {  	_ =	shalt  }
0x76: {  	_ =	shalt  }
0x77: {  	_ =	shalt  }
0x78: {  	_ =	shalt  }
0x79: {  	_ =	shalt  }
0x7a: {  	_ =	shalt  }
0x7b: {  	_ =	shalt  }
0x7c: {  	_ =	shalt  }
0x7d: {  	_ =	shalt  }
0x7e: {  	_ =	shalt  }
0x7f: {  	_ =	shalt  }
0x80: {  	_ =	shalt  }
0x81: {  	_ =	shalt  }
0x82: {  	_ =	shalt  }
0x83: {  	_ =	shalt  }
0x84: {  	_ =	shalt  }
0x85: {  	_ =	shalt  }
0x86: {  	_ =	shalt  }
0x87: {  	_ =	shalt  }
.Lfunc_end0:
.L_simem_size_0:
called_computation.3_lowered:
.L_overlay_start_0:
0x88: {  	s2 =	sld [smem:$0x3FD9]  }
0x89: {  	s3 =	sld [smem:$0x3FFE];
	_ =	sdelay $0x1  }
0x8a: {  	s1 =	srdreg.scid  }
0x8b: {  	s0 =	sand.u32 $0x1, s1  }
0x8c: {  	s16 =	sshll.u32 s0, $0xA;
	s2 =	sadd.s32 s3, s2  }
0x8d: {  	s2 =	sadd.s32 s2, s16  }
0x8e: {  	[smem:$0x3FB4] =	sst s2  }
0x8f: {  	_ = 	snop  }
0x90: {  	(tm) =	ssettm $0x1  }
0x91: {  	s17 =	sld [smem:$0x3FFB];
	_ =	sdelay $0x3  }
0x92: {  	_ =	strace s17  }
0x93: {  	s2 =	sld [smem:$0x3FFC];
	_ =	sdelay $0x3  }
0x94: {  	_ =	strace s2  }
0x95: {  	s2 =	sld [smem:$0x3FFD];
	_ =	sdelay $0x3  }
0x96: {  	_ =	strace s2  }
0x97: {  	_ =	strace $0x8FFFFFFF  }
0x98: {  	s18 =	sld [smem:$0x3FDB];
	_ =	sdelay $0x1  }
0x99: {  	s19 =	simm.s32 $_scs_section_size  }
0x9a: {  	s4 =	simm.s32 $_size__tile_overlayer_lowered;
	s5 =	simm.s32 $_tile_overlayer_lowered  }
0x9b: {  	s22 =	simm.s32 $0x1BFF;
	s21 =	sshll.u32 s5, $0x1;
	s2 =	sadd.s32 s19, s18  }
0x9c: {  	s6 =	simm.s32 $0x0;
	s20 =	sshll.u32 s4, $0x1;
	s4 =	sadd.s32 s21, s2  }
0x9d: {  	[timem:s6], [sflag:s22] =	dma.local [hbm:s4], s20  }
0x9e: {  	_ =	swait.ge [sflag:s22], s20  }
0x9f: {  	s3 =	ssub.s32 $0x0, s20;
	[sflag:s22] =	ssyncset.done $0x0  }
0xa0: {  	[sflag:s22] =	ssyncadd.s32 s3;
	_ =	sdelay $0x1  }
0xa1: {  	s23 =	simm.s32 $0x1B8B  }
0xa2: {  	_ =	swait.ge [sflag:s23], $0x1  }
0xa3: {  	[sflag:s23] =	ssyncset.done $0x0  }
0xa4: {  	s25 =	simm.s32 $0x1B8E;
	s24 =	sld [smem:$0x3FFE];
	[sflag:s23] =	ssyncadd.s32 $0xFFFFFFFF  }
0xa5: {  	s26 =	simm.s32 $execute0_lowered;
	[smem:$0x3FD2] =	sst s25  }
0xa6: {  	s4 =	sshll.u32 s26, $0x1;
	_ =	strace $0x80000049;
	[dreg:$0x1] =	wrdreg $0xFFFFFFFF  }
0xa7: {  	s28 =	simm.s32 $_size_execute0_lowered;
	s2 =	sadd.s32 s2, s4;
	[dreg:$0x0] =	wrdreg $0x0  }
0xa8: {  	s4 =	sshll.u32 s28, $0x1;
	[dreg:$0x2] =	wrdreg s2  }
0xa9: {  	[dreg:$0x3] =	wrdreg s4  }
0xaa: {  	[dreg:$0x4] =	wrdreg $0xC0  }
0xab: {  	_ =	task [dreg:s6], $0x5FFFF  }
0xac: {  	[dreg:$0x1] =	wrdreg $0xFFFFFFFF  }
0xad: {  	[dreg:$0x0] =	wrdreg $0x60  }
0xae: {  	[dreg:$0x2] =	wrdreg s24  }
0xaf: {  	[dreg:$0x3] =	wrdreg $0x9  }
0xb0: {  	_ =	task.clear_ibuf [dreg:s6], $0x4FFFF;
	_ =	strace $0x90000049  }
0xb1: {  	s29 =	simm.s32 $0x9;
	_ =	strace $0x8000004B  }
0xb2: {  	_ =	swait.ge [sflag:s29], $0x1  }
0xb3: {  	[sflag:s29] =	ssyncadd.s32 $0xFFFFFFFF  }
0xb4: {  	_ =	strace $0x9000004B  }
0xb5: {  	_ =	sfence  }
0xb6: {  	s30 =	sld [smem:$0x0];
	_ =	sdelay $0x2  }
0xb7: {  	s31 =	sshll.u32 s1, $0xD;
	s1 =	sshrl.u32 s1, $0x2  }
0xb8: {  	s3 =	sand.u32 $0x4000, s31;
	s1 =	sadd.s32 s1, s30  }
0xb9: {  	s0 =	sor.u32 s3, s0;
	s1 =	sshll.u32 s1, $0x11  }
0xba: {  	s0 =	sor.u32 s1, s0  }
0xbb: {  	s0 =	sadd.s32 $0x8F2B, s0  }
0xbc: {  	[sflag:s0] =	ssyncadd.remote.s32 $0x1  }
0xbd: {  	_ =	sfence.sel $0xFFFF  }
0xbe: {  	[dreg:$0x0] =	wrdreg $0xFFFFFFFF;
	(pc) =	sbr.abs _section_cstart, $3  }
0xbf: {  	[dreg:$0x1] =	wrdreg $0xFFFFFFFF  }
0xc0: {  	_ =	task.clear_ibuf [dreg:s6], $0x2FFFF;
	_ =	strace $0x9FFFFFFF  }
0xc1: {  	(tm) =	ssettm $0x7FFFFFFF  }
tec
execute0_lowered:
.L_overlay_start_1:
0x0: {  	(tag) =	ssettag $0x1  }
0x1: {  	s8 =	rddreg [dreg:$0x0]  }
0x2: {  	s0 =	rddreg [dreg:$0x1];
	_ =	strace $0x8000004A;
	s1 =	srdreg.scid  }
0x3: {  	s5 =	simm.s32 $0x1;
	s10 =	simm.s32 $0x3;
	p3 =	por $0x0, $0x0  }
0x4: {  	s11 =	simm.s32 $0x80;
	s2 =	sadd.s32 $0x75CC00, s8;
	s6 =	sshll.u32 s1, $0x4  }
.Ltmp0:
0x5: {  	s1 =	stileid.u32;
	s6 =	sand.u32 $0x10, s6;
	(pc) =	sbr.rel .LBB2_1-.Ltmp0, $4  }
0x6: {  	s3 =	sadd.s32 $0xB9400, s8;
	s4 =	sadd.s32 $0x95CC00, s8;
	s7 =	sor.u32 s1, s6  }
0x7: {  	[sflag:s5] =	ssyncpa.u1 $0x0;
	s6 =	simm.s32 $0x2;
	s7 =	sshll.u32 s7, $0xE  }
0x8: {  	s8 =	sadd.s32 $0xC9400, s8;
	[sflag:s6] =	ssyncpa.u1 $0x0;
	s9 =	sadd.s32 $0x4000, s7  }
0x9: {  	v0 =	vlaneseq.u32;
	[sflag:s10] =	ssyncpa.u1 $0x0;
	s10 =	simm.s32 $0x0;
	s12 =	smov.u32 s7  }
.LBB2_7:
0xa: {  	p0 =	slt.u32 s10, $0x2;
	s10 =	sadd.s32 $0x1, s10  }
0xb: {  	p2 =	sne.s32 s10, $0x42  }
.Ltmp1:
0xc: {  	_ = 	snop;
	(pc) =	sbr.rel @!p2 .LBB2_8-.Ltmp1, $4  }
0xd: {  	s13 =	simm.s32 @!p0 $0x3  }
0xe: {  	s14 =	sadd.s32 $0x100, s12;
	_ =	swait.ge @!p0 [sflag:s13], $0x8000  }
0xf: {  	s12 =	smov.u32 s7;
	p1 =	slt.s32 s14, s9;
	[sflag:s13] =	ssyncset.done @!p0 $0x0  }
0x10: {  	p3 =	por !p3, !p3;
	s12 =	smov.u32 @p1 s14;
	[sflag:s13] =	ssyncadd.s32 @!p0 $0xFFFF8000  }
.LBB2_1:
0x11: {  	p0 =	sgt.u32 s10, $0x3F  }
0x12: {  	s13 =	sxor.u32 @!p0 $0xFFFFFFFF, s10  }
0x13: {  	s14 =	sshrl.u32 @!p0 s12, $0x3;
	s13 =	sshll.u32 @!p0 s13, $0x8  }
0x14: {  	s16 =	sand.u32 @!p0 $0x7, s12;
	s15 =	sadd.s32 @!p0 s3, s14;
	s13 =	sand.u32 @!p0 $0x100, s13  }
0x15: {  	[tilespmem:s13], [sflag:$0x2] =	stream.linear.gather @!p0 [hbm4b:s15+s16], $0x100, $0x38;
	[tilespmem:$0x10400] =	vst v63  }
0x16: {  	s14 =	sadd.s32 @!p0 s8, s14;
	s13 =	sor.u32 @!p0 $0x200, s13  }
0x17: {  	[tilespmem:s13], [sflag:$0x2] =	stream.linear.gather @!p0 [hbm4b:s14+s16], $0x100, $0x38;
	[tilespmem:$0x10400] =	vst v63  }
0x18: {  	p0 =	seq.s32 s10, $0x0  }
0x19: {  	p1 =	seq.s32 @!p0 s10, $0x41  }
0x1a: {  	p0 =	por p0, p1  }
.Ltmp2:
0x1b: {  	_ = 	snop;
	(pc) =	sbr.rel @p0 .LBB2_7-.Ltmp2, $1  }
0x1c: {  	_ =	sdelay $0x3  }
0x1d: {  	p0 =	por $0x0, $0x0  }
0x1e: {  	s13 =	simm.s32 $0x1;
	p0 =	por p0, p0  }
0x1f: {  	s13 =	simm.s32 @!p0 $0x2  }
0x20: {  	v1 =	vmov s13  }
0x21: {  	s14 =	simm.s32 @!p3 $0x0;
	vm0 =	vgt.u32 v1, v0  }
0x22: {  	s14 =	simm.s32 @p3 $0x1  }
0x23: {  	[smem:$0x7FB] =	sst s14;
	s13 =	simm.s32 $0x1  }
0x24: {  	_ =	swait.ge [sflag:s6], $0x200;
	s13 =	simm.s32 @!p3 $0x0  }
0x25: {  	[sflag:s6] =	ssyncset.done $0x0;
	s13 =	sshll.u32 s13, $0x8  }
0x26: {  	[sflag:s6] =	ssyncadd.s32 $0xFFFFFE00;
	s25 =	sadd.s32 $0x0, s13  }
0x27: {  	p1 =	por $0x0, $0x0;
	v1 =	vld.msk [tilespmem:s25+$0x0 ss:$0x1], vm0  }
0x28: {  	p1 =	por p1, p1;
	s14 =	simm.s32 $0x1  }
0x29: {  	s14 =	simm.s32 @!p1 $0x2  }
0x2a: {  	v2 =	vmov s14  }
0x2b: {  	vm0 =	vgt.u32 v2, v0  }
0x2c: {  	(v2sf) =	vpush v1, $0x1  }
0x2d: {  	(v2sf) =	vpush v1, $0x0  }
0x2e: {  	p2 =	por $0x0, $0x0  }
0x2f: {  	p2 =	por p2, p2;
	s14 =	simm.s32 $0x1  }
0x30: {  	s14 =	simm.s32 @!p2 $0x2;
	s26 =	sadd.s32 $0x1, s13  }
0x31: {  	v2 =	vmov s14;
	v3 =	vld.msk [tilespmem:s26+$0x0 ss:$0x1], vm0  }
0x32: {  	vm1 =	vgt.u32 v2, v0;
	_ =	sdelay $0x3  }
0x33: {  	(v2sf) =	vpush v3, $0x1  }
0x34: {  	s28 =	sadd.s32 $0x2, s13;
	(v2sf) =	vpush v3, $0x0  }
0x35: {  	v4 =	vld.msk [tilespmem:s28+$0x0 ss:$0x1], vm1  }
0x36: {  	p0 =	por p0, p0  }
0x37: {  	p0 =	por p0, p0  }
0x38: {  	p0 =	por p0, p0;
	s14 =	spop (v2sf)  }
0x39: {  	s29 =	sand.u32 $0x1, s10;
	s14 =	simm.s32 @p0 $0xFFFFFFFF;
	s15 =	spop (v2sf)  }
0x3a: {  	p5 =	por $0x0, $0x0;
	s16 =	simm.s32 $0x1;
	(v2sf) =	vpush v4, $0x1;
	p0 =	seq.s32 s15, s14  }
0x3b: {  	s17 =	simm.s32 $0x0;
	p6 =	por $0x0, $0x0;
	p1 =	por p1, p1;
	vm0 =	vgt.s32 @!p0 v1, $0x0  }
0x3c: {  	s24 =	simm.s32 $0x1;
	p3 =	por p5, p5;
	p4 =	por p1, p1;
	(v2sf) =	vpush v4, $0x0;
	v1 =	vnsel @!p0 vm0, $0x0, v1  }
0x3d: {  	p1 =	por p6, p6;
	s16 =	simm.s32 @!p3 $0x2;
	p2 =	por p2, p2;
	v1 =	vmin.u32 @!p0 v1, $0x1FFFF  }
0x3e: {  	p6 =	por p4, p4;
	p5 =	por p3, p3;
	p2 =	por p2, p2;
	(v2sf) =	vpush @!p0 v1, $0x0  }
0x3f: {  	s19 =	sadd.s32 $0x3, s13;
	s30 =	sadd.s32 $0x4, s13;
	p2 =	por p2, p2;
	v1 =	vmov s16  }
0x40: {  	s15 =	sor.u32 $0x200, s13;
	s14 =	sshll.u32 s29, $0xF;
	s16 =	simm.s32 $0x1;
	vm0 =	vgt.u32 v1, v0  }
0x41: {  	s14 =	sor.u32 $0x400, s14;
	s18 =	simm.s32 @!p0 $0x1;
	s16 =	simm.s32 @!p1 $0x2  }
0x42: {  	p4 =	por p0, p0;
	s18 =	smov.u32 @p0 s17;
	s20 =	spop (v2sf);
	v1 =	vmov s16  }
0x43: {  	s17 =	simm.s32 $0x18;
	s20 =	simm.s32 @p6 $0xFFFFFFFF;
	s21 =	spop (v2sf);
	vm1 =	vgt.u32 v1, v0  }
0x44: {  	p6 =	por p5, p5;
	p1 =	por p1, p1;
	p3 =	seq.s32 s21, s20  }
0x45: {  	p5 =	por $0x0, $0x0;
	s16 =	sadd.s32 @!p0 $0x0, s14;
	s23 =	sadd.s32 @!p3 $0x1, s18  }
0x46: {  	s23 =	smov.u32 @p3 s18;
	v2 =	vld.msk [tilespmem:s19+$0x0 ss:$0x1], vm0;
	s19 =	sshll.u32 @!p3 s18, $0x9;
	s18 =	simm.s32 @!p1 $0x0  }
0x47: {  	p5 =	por p5, p5;
	s21 =	simm.s32 $0x1C;
	s18 =	simm.s32 @p1 $0x1  }
0x48: {  	s24 =	simm.s32 @!p5 $0x2;
	s19 =	sshra.s32 @!p3 s19, $0x2;
	[smem:$0x7FC] =	sst s18  }
0x49: {  	p1 =	por $0x0, $0x0;
	s22 =	spop (v2sf);
	s18 =	simm.s32 @!p5 $0x0;
	v1 =	vld.msk [tilespmem:s30+$0x0 ss:$0x1], vm1  }
0x4a: {  	vm0 =	vgt.s32 @!p3 v3, $0x0;
	s22 =	simm.s32 @p2 $0xFFFFFFFF;
	s18 =	simm.s32 @p5 $0x1;
	p5 =	por p4, p4  }
0x4b: {  	v3 =	vnsel @!p3 vm0, $0x0, v3;
	s31 =	spop (v2sf);
	p2 =	por p6, p6;
	[smem:$0x7FD] =	sst s18;
	(v2sf) =	vpush v2, $0x1  }
0x4c: {  	v3 =	vmin.u32 @!p3 v3, $0x1FFFF;
	s18 =	sadd.s32 @!p3 s19, s14;
	p4 =	seq.s32 s31, s22;
	s22 =	simm.s32 @!p5 $0x80;
	(v2sf) =	vpush v2, $0x0  }
0x4d: {  	vm0 =	vgt.s32 @!p4 v4, $0x0;
	s19 =	sshll.u32 @!p4 s23, $0x9;
	s20 =	sadd.s32 @!p4 $0x1, s23;
	(v2sf) =	vpush @!p3 v3, $0x0;
	v3 =	vmov s24;
	s25 =	spop @!p0 (v2sf)  }
0x4e: {  	v4 =	vnsel @!p4 vm0, $0x0, v4;
	s19 =	sshra.s32 @!p4 s19, $0x2;
	s20 =	smov.u32 @p4 s23;
	(v2sf) =	vpush v1, $0x1;
	vm0 =	vgt.u32 v3, v0;
	s25 =	sshll.u32 @!p5 s25, $0x4  }
0x4f: {  	s24 =	sadd.s32 $0x5, s13;
	v3 =	vmin.u32 @!p4 v4, $0x1FFFF;
	p0 =	por p3, p3;
	(v2sf) =	vpush v1, $0x0;
	s23 =	sadd.s32 @!p5 s2, s25  }
.LBB2_3:
0x50: {  	_ =	sdelay $0x1  }
0x51: {  	s26 =	sld [smem:$0x7FC]  }
0x52: {  	s25 =	simm.s32 @!p3 $0x0;
	s28 =	sld [smem:$0x7FD]  }
0x53: {  	v4 =	vld.msk [tilespmem:s24+$0x0 ss:$0x1], vm0;
	[tilespmem:s16], [sflag:$0x1] =	stream.strided.gather @!p5 [hbm:s23], $0x80, s22, s22, $0x38;
	[tilespmem:$0x10400] =	vst v63  }
0x54: {  	s31 =	smov.u32 s17;
	s17 =	smov.u32 s21;
	s25 =	simm.s32 @p3 $0x1  }
0x55: {  	(v2sf) =	vpush @!p4 v3, $0x0;
	p3 =	por p4, p4;
	p5 =	seq.s32 s26, $0x1;
	p4 =	seq.s32 s28, $0x1  }
0x56: {  	s16 =	smov.u32 s18;
	p6 =	por p5, p5;
	p5 =	por p4, p4  }
0x57: {  	s21 =	sadd.s32 $0x4, s21;
	[smem:$0x7F9] =	sst s25;
	s18 =	simm.s32 @!p5 $0x0  }
0x58: {  	s25 =	smov.u32 s20;
	p4 =	por p1, p1;
	s18 =	simm.s32 @p5 $0x1  }
0x59: {  	s20 =	simm.s32 @!p4 $0x0;
	[smem:$0x7FC] =	sst s18;
	s18 =	simm.s32 $0x1  }
0x5a: {  	s20 =	simm.s32 @p4 $0x1;
	s18 =	simm.s32 @!p4 $0x2;
	p4 =	sne.s32 s21, $0x400  }
0x5b: {  	[smem:$0x7FD] =	sst s20;
	s20 =	simm.s32 @!p4 $0x0  }
0x5c: {  	s30 =	sld [smem:$0x7F9];
	s20 =	simm.s32 @p4 $0x1  }
0x5d: {  	s23 =	sshra.s32 s31, $0x2;
	[smem:$0x7FA] =	sst s20  }
0x5e: {  	v3 =	vmov s18;
	s18 =	sadd.s32 @!p3 s19, s14;
	s19 =	spop (v2sf);
	s31 =	sld [smem:$0x7FA]  }
0x5f: {  	s19 =	simm.s32 @p2 $0xFFFFFFFF  }
0x60: {  	s29 =	spop (v2sf);
	p2 =	por p6, p6;
	p6 =	seq.s32 s30, $0x1  }
0x61: {  	s24 =	spop @!p6 (v2sf);
	p6 =	seq.s32 s31, $0x1  }
.Ltmp3:
0x62: {  	_ = 	snop;
	(pc) =	sbr.rel @p6 .LBB2_3-.Ltmp3, $4  }
0x63: {  	p1 =	seq.s32 s17, $0x3FC;
	p5 =	por p0, p0;
	p4 =	seq.s32 s29, s19  }
0x64: {  	p0 =	por p3, p3;
	s22 =	simm.s32 @!p5 $0x80;
	vm1 =	vgt.s32 @!p4 v2, $0x0;
	s19 =	sshll.u32 @!p4 s25, $0x9  }
0x65: {  	vm0 =	vgt.u32 v3, v0;
	(v2sf) =	vpush v4, $0x1;
	s20 =	sadd.s32 @!p4 $0x1, s25;
	s26 =	sshll.u32 @!p5 s24, $0x4;
	s24 =	sadd.s32 s23, s13;
	v3 =	vnsel @!p4 vm1, $0x0, v2  }
0x66: {  	(v2sf) =	vpush v4, $0x0;
	s19 =	sshra.s32 @!p4 s19, $0x2;
	v2 =	vmovc v1;
	v1 =	vmov v4;
	s20 =	smov.u32 @p4 s25;
	s23 =	sadd.s32 @!p5 s2, s26;
	v3 =	vmin.u32 @!p4 v3, $0x1FFFF  }
0x67: {  	_ = 	snop  }
0x68: {  	p6 =	por p1, p1;
	s21 =	simm.s32 $0x1  }
0x69: {  	s21 =	simm.s32 @!p6 $0x2  }
0x6a: {  	v4 =	vmov s21  }
0x6b: {  	vm1 =	vgt.u32 v4, v0  }
0x6c: {  	v4 =	vld.msk [tilespmem:s24+$0x0 ss:$0x1], vm0;
	_ =	sdelay $0x2  }
0x6d: {  	s17 =	sshra.s32 s17, $0x2;
	s21 =	spop (v2sf)  }
0x6e: {  	s17 =	sadd.s32 s17, s13;
	(v2sf) =	vpush @!p4 v3, $0x0;
	s21 =	simm.s32 @p2 $0xFFFFFFFF;
	s31 =	spop (v2sf)  }
0x6f: {  	p2 =	seq.s32 s31, s21;
	(v2sf) =	vpush v4, $0x1;
	v3 =	vld.msk [tilespmem:s17+$0x0 ss:$0x1], vm1  }
0x70: {  	vm0 =	vgt.s32 @!p2 v2, $0x0;
	(v2sf) =	vpush v4, $0x0  }
0x71: {  	v2 =	vnsel @!p2 vm0, $0x0, v2  }
0x72: {  	[tilespmem:s16], [sflag:$0x1] =	stream.strided.gather @!p5 [hbm:s23], $0x80, s22, s22, $0x38;
	v2 =	vmin.u32 @!p2 v2, $0x1FFFF;
	[tilespmem:$0x10400] =	vst v63  }
0x73: {  	s22 =	sld [smem:$0x7FC];
	(v2sf) =	vpush @!p2 v2, $0x0  }
0x74: {  	(v2sf) =	vpush v3, $0x1  }
0x75: {  	p0 =	por p0, p0;
	(v2sf) =	vpush v3, $0x0  }
0x76: {  	s17 =	spop @!p3 (v2sf);
	p3 =	seq.s32 s22, $0x1;
	s22 =	sld [smem:$0x7FD]  }
0x77: {  	p1 =	por p3, p3;
	s17 =	sshll.u32 @!p0 s17, $0x4  }
0x78: {  	p1 =	por p1, p1;
	s17 =	sadd.s32 @!p0 s2, s17  }
0x79: {  	p5 =	seq.s32 s22, $0x1;
	s22 =	simm.s32 @!p0 $0x80;
	s16 =	spop (v2sf)  }
0x7a: {  	[tilespmem:s18], [sflag:$0x1] =	stream.strided.gather @!p0 [hbm:s17], $0x80, s22, s22, $0x38;
	[tilespmem:$0x10400] =	vst v63  }
0x7b: {  	s23 =	spop (v2sf);
	s16 =	simm.s32 @p1 $0xFFFFFFFF  }
0x7c: {  	p3 =	por p5, p5;
	p1 =	seq.s32 s23, s16  }
0x7d: {  	p3 =	por p3, p3;
	vm0 =	vgt.s32 @!p1 v1, $0x0;
	s16 =	spop @!p4 (v2sf)  }
0x7e: {  	p0 =	por p3, p3;
	v1 =	vnsel @!p1 vm0, $0x0, v1;
	s17 =	spop (v2sf)  }
0x7f: {  	v1 =	vmin.u32 @!p1 v1, $0x1FFFF;
	s17 =	simm.s32 @p0 $0xFFFFFFFF;
	s24 =	spop (v2sf)  }
0x80: {  	(v2sf) =	vpush @!p1 v1, $0x0;
	p0 =	seq.s32 s24, s17  }
0x81: {  	p5 =	por p6, p6;
	vm0 =	vgt.s32 @!p0 v4, $0x0  }
0x82: {  	p3 =	por p5, p5;
	s17 =	spop @!p2 (v2sf);
	v1 =	vnsel @!p0 vm0, $0x0, v4  }
0x83: {  	p3 =	por p3, p3;
	v1 =	vmin.u32 @!p0 v1, $0x1FFFF;
	s18 =	spop (v2sf)  }
0x84: {  	p6 =	por p4, p4;
	(v2sf) =	vpush @!p0 v1, $0x0;
	s18 =	simm.s32 @p3 $0xFFFFFFFF;
	s25 =	spop (v2sf)  }
0x85: {  	p5 =	por p6, p6;
	p3 =	seq.s32 s25, s18  }
0x86: {  	p6 =	por p2, p2;
	s16 =	sshll.u32 @!p5 s16, $0x4;
	vm0 =	vgt.s32 @!p3 v3, $0x0  }
0x87: {  	s16 =	sadd.s32 @!p5 s2, s16;
	s18 =	sadd.s32 @!p4 s19, s14;
	s19 =	simm.s32 @!p5 $0x80;
	v1 =	vnsel @!p3 vm0, $0x0, v3  }
0x88: {  	[tilespmem:s18], [sflag:$0x1] =	stream.strided.gather @!p5 [hbm:s16], $0x80, s19, s19, $0x38;
	v1 =	vmin.u32 @!p3 v1, $0x1FFFF;
	[tilespmem:$0x10400] =	vst v63  }
0x89: {  	p4 =	por p6, p6;
	s16 =	sshll.u32 @!p2 s20, $0x9;
	(v2sf) =	vpush @!p3 v1, $0x0  }
0x8a: {  	s18 =	sadd.s32 @!p2 $0x1, s20;
	s17 =	sshll.u32 @!p4 s17, $0x4;
	s19 =	simm.s32 @!p4 $0x80  }
0x8b: {  	p5 =	por p0, p0;
	p6 =	por p3, p3;
	s16 =	sshra.s32 @!p2 s16, $0x2  }
0x8c: {  	s18 =	smov.u32 @p2 s20;
	s17 =	sadd.s32 @!p4 s2, s17;
	s16 =	sadd.s32 @!p2 s16, s14  }
0x8d: {  	[tilespmem:s16], [sflag:$0x1] =	stream.strided.gather @!p4 [hbm:s17], $0x80, s19, s19, $0x38;
	[tilespmem:$0x10400] =	vst v63  }
0x8e: {  	s16 =	sshll.u32 @!p1 s18, $0x9;
	p4 =	por p1, p1;
	s17 =	sadd.s32 @!p1 $0x1, s18  }
0x8f: {  	s19 =	spop @!p1 (v2sf);
	p2 =	por p4, p4;
	s16 =	sshra.s32 @!p1 s16, $0x2  }
0x90: {  	s17 =	smov.u32 @p1 s18;
	s18 =	sshll.u32 @!p2 s19, $0x4;
	s16 =	sadd.s32 @!p1 s16, s14  }
0x91: {  	s19 =	simm.s32 @!p2 $0x80;
	p1 =	por p5, p5;
	s18 =	sadd.s32 @!p2 s2, s18  }
0x92: {  	[tilespmem:s16], [sflag:$0x1] =	stream.strided.gather @!p2 [hbm:s18], $0x80, s19, s19, $0x38;
	[tilespmem:$0x10400] =	vst v63  }
0x93: {  	s16 =	sshll.u32 @!p0 s17, $0x9;
	s18 =	sadd.s32 @!p0 $0x1, s17;
	s19 =	spop @!p0 (v2sf)  }
0x94: {  	s16 =	sshra.s32 @!p0 s16, $0x2;
	s18 =	smov.u32 @p0 s17;
	s17 =	sshll.u32 @!p1 s19, $0x4  }
0x95: {  	s16 =	sadd.s32 @!p0 s16, s14;
	s19 =	simm.s32 @!p1 $0x80;
	s17 =	sadd.s32 @!p1 s2, s17  }
0x96: {  	[tilespmem:s16], [sflag:$0x1] =	stream.strided.gather @!p1 [hbm:s17], $0x80, s19, s19, $0x38;
	[tilespmem:$0x10400] =	vst v63  }
0x97: {  	p0 =	por p6, p6;
	s16 =	sshll.u32 @!p3 s18, $0x9  }
0x98: {  	s17 =	sadd.s32 @!p3 $0x1, s18;
	s16 =	sshra.s32 @!p3 s16, $0x2;
	s19 =	spop @!p3 (v2sf)  }
0x99: {  	s17 =	smov.u32 @p3 s18;
	s16 =	sadd.s32 @!p3 s16, s14;
	s18 =	sshll.u32 @!p0 s19, $0x4  }
0x9a: {  	s26 =	sshll.u32 s17, $0x7;
	s19 =	simm.s32 @!p0 $0x80;
	s18 =	sadd.s32 @!p0 s2, s18  }
0x9b: {  	[tilespmem:s16], [sflag:$0x1] =	stream.strided.gather @!p0 [hbm:s18], $0x80, s19, s19, $0x38;
	[tilespmem:$0x10400] =	vst v63  }
0x9c: {  	s16 =	sand.u32 $0x3FFFFF80, s26  }
0x9d: {  	_ =	swait.ge [sflag:s5], s16  }
0x9e: {  	s16 =	ssub.s32 $0x0, s16;
	[sflag:s5] =	ssyncset.done $0x0  }
0x9f: {  	s28 =	sadd.s32 $0x0, s15;
	[sflag:s5] =	ssyncadd.s32 s16  }
0xa0: {  	v1 =	vld.msk [tilespmem:s28+$0x0 ss:$0x1], $0x1;
	_ =	sdelay $0x4  }
0xa1: {  	(v2sf) =	vpush v1, $0x0;
	_ =	sdelay $0xa  }
0xa2: {  	p0 =	por $0x0, $0x0;
	s16 =	simm.s32 $0x1  }
0xa3: {  	s16 =	simm.s32 @!p0 $0x2  }
0xa4: {  	v1 =	vmov s16  }
0xa5: {  	vm15 =	vgt.u32 v1, v0  }
0xa6: {  	s29 =	spop (v2sf)  }
0xa7: {  	s16 =	sshll.u32 s29, $0x4  }
0xa8: {  	s16 =	sand.u32 $0x1FFFFFF0, s16  }
0xa9: {  	s30 =	sadd.s32 $0x0, s14;
	s31 =	sadd.s32 $0x0, s13;
	s16 =	sadd.s32 s4, s16  }
0xaa: {  	[hbm:s16] =	stream.strided.scatter [tilespmem:s30], [sflag:$0x3], $0x80, s11, s11, $0x38;
	[tilespmem:$0x10400] =	vst v63  }
0xab: {  	s17 =	simm.s32 $0x1;
	s18 =	simm.s32 $0x4;
	v1 =	vld.msk [tilespmem:s31+$0x0 ss:$0x1], vm15  }
0xac: {  	s19 =	simm.s32 $0x8;
	p0 =	por p0, p0;
	s16 =	simm.s32 $0x0  }
.LBB2_5:
0xad: {  	p1 =	sne.s32 s19, $0x3FC;
	s20 =	sadd.s32 s17, s15  }
0xae: {  	v2 =	vld.msk [tilespmem:s20+$0x0 ss:$0x1], $0x1;
	_ =	sdelay $0x1  }
0xaf: {  	(v2sf) =	vpush v1, $0x1  }
0xb0: {  	(v2sf) =	vpush v1, $0x0;
	_ =	sdelay $0x2  }
0xb1: {  	(v2sf) =	vpush v2, $0x0;
	_ =	sdelay $0x9  }
0xb2: {  	p2 =	seq.s32 s18, $0x3FC;
	s18 =	smov.u32 s19;
	s20 =	simm.s32 $0x1  }
0xb3: {  	s20 =	simm.s32 @!p2 $0x2;
	s21 =	spop (v2sf)  }
0xb4: {  	s21 =	simm.s32 @p0 $0xFFFFFFFF;
	s22 =	spop (v2sf);
	p0 =	por p2, p2  }
0xb5: {  	v1 =	vmov s20;
	s20 =	simm.s32 $0x1;
	p2 =	sne.s32 s22, s21  }
0xb6: {  	vm0 =	vgt.u32 v1, v0;
	s20 =	simm.s32 @!p2 $0x0  }
0xb7: {  	s21 =	spop (v2sf);
	s16 =	sadd.s32 s20, s16  }
0xb8: {  	s20 =	sshll.u32 s21, $0x4;
	s21 =	sshll.u32 s16, $0x9  }
0xb9: {  	s17 =	sadd.s32 s17, s13;
	s20 =	sand.u32 $0x1FFFFFF0, s20;
	s21 =	sshra.s32 s21, $0x2  }
.Ltmp4:
0xba: {  	s21 =	sadd.s32 s21, s14;
	s20 =	sadd.s32 s4, s20;
	(pc) =	sbr.rel @p1 .LBB2_5-.Ltmp4, $3  }
0xbb: {  	[hbm:s20] =	stream.strided.scatter [tilespmem:s21], [sflag:$0x3], $0x80, s11, s11, $0x38;
	[tilespmem:$0x10400] =	vst v63  }
0xbc: {  	v1 =	vld.msk [tilespmem:s17+$0x0 ss:$0x1], vm0;
	_ =	sdelay $0x1  }
0xbd: {  	s19 =	sadd.s32 $0x4, s19;
	s17 =	sshra.s32 s18, $0x2  }
0xbe: {  	s15 =	sadd.s32 s17, s15  }
0xbf: {  	v2 =	vld.msk [tilespmem:s15+$0x0 ss:$0x1], $0x1  }
0xc0: {  	(v2sf) =	vpush v1, $0x1  }
0xc1: {  	(v2sf) =	vpush v1, $0x0;
	_ =	sdelay $0x2  }
0xc2: {  	(v2sf) =	vpush v2, $0x0;
	_ =	sdelay $0xa  }
0xc3: {  	p1 =	seq.s32 s18, $0x3FC;
	s15 =	simm.s32 $0x1;
	s18 =	spop (v2sf)  }
0xc4: {  	s15 =	simm.s32 @!p1 $0x2;
	s18 =	simm.s32 @p0 $0xFFFFFFFF;
	s19 =	spop (v2sf)  }
0xc5: {  	v1 =	vmov s15;
	s15 =	simm.s32 $0x1;
	p0 =	sne.s32 s19, s18  }
0xc6: {  	vm0 =	vgt.u32 v1, v0;
	s15 =	simm.s32 @!p0 $0x0  }
0xc7: {  	s26 =	spop (v2sf);
	s15 =	sadd.s32 s15, s16  }
0xc8: {  	s28 =	sshll.u32 s26, $0x4;
	s15 =	sshll.u32 s15, $0x9  }
0xc9: {  	s16 =	sand.u32 $0x1FFFFFF0, s28;
	s15 =	sshra.s32 s15, $0x2  }
0xca: {  	s13 =	sadd.s32 s17, s13;
	s14 =	sadd.s32 s15, s14;
	s29 =	sadd.s32 s4, s16  }
0xcb: {  	[hbm:s29] =	stream.strided.scatter [tilespmem:s14], [sflag:$0x3], $0x80, s11, s11, $0x38;
	[tilespmem:$0x10400] =	vst v63  }
0xcc: {  	v1 =	vld.msk [tilespmem:s13+$0x0 ss:$0x1], vm0;
	_ =	sdelay $0x4  }
0xcd: {  	(v2sf) =	vpush v1, $0x1  }
0xce: {  	(v2sf) =	vpush v1, $0x0;
	_ =	sdelay $0xa  }
.Ltmp5:
0xcf: {  	_ = 	snop;
	(pc) =	sbr.rel .LBB2_7-.Ltmp5, $3  }
0xd0: {  	s13 =	sld [smem:$0x7FB];
	_ =	sdelay $0x1  }
0xd1: {  	s30 =	spop (v2sf)  }
0xd2: {  	p3 =	seq.s32 s13, $0x1;
	s31 =	spop (v2sf)  }
.LBB2_8:
0xd3: {  	_ =	sfence.sel $0x180000  }
0xd4: {  	s2 =	simm.s32 $0x2;
	[bflag:$0x0] =	sbarrier.arrive $0xFFFF  }
0xd5: {  	s30 =	simm.s32 $0x3;
	[sflag:s2] =	ssyncpa.u1 $0x1  }
0xd6: {  	s31 =	simm.s32 $0x1;
	[sflag:s30] =	ssyncpa.u1 $0x1  }
0xd7: {  	[sflag:s31] =	ssyncpa.u1 $0x1  }
0xd8: {  	p0 =	sne.s32 s1, $0x0;
	_ =	strace $0x9000004A  }
0xd9: {  	s0 =	sadd.s32 @!p0 $0x100000, s0;
	[bflag:$0x2] =	sbarrier.arrive $0xFFFF  }
0xda: {  	[sflag:s0] =	ssyncadd.tile.s32 @!p0 $0x1;
	_ =	shalt  }
.Lfunc_end2:
_tile_overlayer_lowered:
.L_overlay_start_2:
0xdb: {  	(tag) =	ssettag $0x2  }
0xdc: {  	s0 =	rddreg [dreg:$0x0];
	s2 =	stileid.u32  }
0xdd: {  	s1 =	rddreg [dreg:$0x1];
	p0 =	sne.s32 s2, $0x0  }
0xde: {  	s3 =	rddreg [dreg:$0x2];
	[bflag:$0x3] =	sbarrier.arrive $0xFFFF;
	s2 =	simm.s32 @!p0 $0x1C01  }
0xdf: {  	[timem:s3], [sflag:s2] =	dma.local @!p0 [hbm:s0], s1  }
0xe0: {  	s0 =	simm.s32 @!p0 $0x1  }
0xe1: {  	_ =	swait.ge @!p0 [sflag:s0], s1  }
0xe2: {  	s1 =	ssub.s32 @!p0 $0x0, s1;
	[sflag:s0] =	ssyncset.done @!p0 $0x0  }
0xe3: {  	[sflag:s0] =	ssyncadd.s32 @!p0 s1  }
0xe4: {  	[bflag:$0x3] =	sbarrier.arrive $0xFFFF  }
0xe5: {  	_ =	shalt  }

// kernel: scatter_offload_async_start.1
scs
__scs_entry_jumppad:
0x0: {  	(pc) =	sbr.rel $0x88, $3  }
0x1: {  	(tag) =	ssettag $0x0;
	lr =	simm.s32 $0x1  }
0x2: {  	[smem:$0x3F8D] =	sst lr;
	_ =	strace $0xD0000000  }
0x3: {  	_ = 	snop  }
0x4: {  	_ = 	snop  }
0x5: {  	_ = 	snop  }
0x6: {  	_ = 	snop  }
0x7: {  	_ = 	snop  }
__scs_overlays_trampoline_lowered:
0x8: {  	[smem:$0x3F9C] =	sst s0  }
0x9: {  	[smem:$0x3F9D] =	sst s1  }
0xa: {  	[smem:$0x3F9E] =	sst s2  }
0xb: {  	[smem:$0x3F9F] =	sst s3  }
0xc: {  	[smem:$0x3FA0] =	sst s4  }
0xd: {  	[smem:$0x3FA1] =	sst s5  }
0xe: {  	[smem:$0x3FA2] =	sst s6  }
0xf: {  	[smem:$0x3FA3] =	sst s7  }
0x10: {  	[smem:$0x3FA4] =	sst s8  }
0x11: {  	[smem:$0x3FA5] =	sst s9;
	s0 =	simm.s32 @!p0 $0x0  }
0x12: {  	s1 =	sld [smem:$0x3F8B];
	s0 =	simm.s32 @p0 $0x1  }
0x13: {  	[smem:$0x3FA6] =	sst s0;
	s0 =	simm.s32 @!p1 $0x0  }
0x14: {  	s2 =	sld [smem:$0x3F8A];
	s0 =	simm.s32 @p1 $0x1  }
0x15: {  	[smem:$0x3FA7] =	sst s0;
	s0 =	simm.s32 @!p2 $0x0  }
0x16: {  	s3 =	sld [smem:$0x3FDB];
	s0 =	simm.s32 @p2 $0x1  }
0x17: {  	s4 =	simm.s32 $0x1BF5;
	[smem:$0x3FA9] =	sst s0  }
0x18: {  	s0 =	sld [smem:$0x3F8C];
	_ =	swait.ge [sflag:s4], $0x0  }
0x19: {  	s7 =	sld [smem:$0x3F8D]  }
0x1a: {  	s8 =	sadd.s32 $0xFFFFE003, lr  }
0x1b: {  	s9 =	sadd.s32 $0xFFFFFEF7, lr;
	s5 =	simm.s32 $0xFFFFFFFF;
	p2 =	slt.u32 s8, $0xFFFFF086  }
0x1c: {  	p1 =	slt.u32 s9, $0xF7A;
	s5 =	simm.s32 @!p2 $0x0  }
0x1d: {  	s5 =	simm.s32 @p1 $0x1;
	p0 =	seq.s32 s7, s2  }
0x1e: {  	s7 =	smul.u32 @!p0 $0xF7A, s2;
	p2 =	seq.s32 @!p0 s5, $0x0  }
0x1f: {  	s9 =	smul.u32 $0xF7A, s1;
	s8 =	simm.s32 @!p0 $0x1BF5;
	p2 =	por !p2, p0  }
0x20: {  	[sflag:s8] =	ssyncset.s32 @!p0 $0xFFFFF086;
	s6 =	sadd.s32 @!p0 s3, s7;
	s7 =	simm.s32 @!p0 $0x108  }
0x21: {  	s3 =	sadd.s32 s3, s9;
	s6 =	sadd.s32 @!p0 $0x88, s6;
	s7 =	simm.s32 @p2 $0x1082  }
0x22: {  	[simem:s7], [sflag:s8] =	dma.local @!p0 [hbm:s6], $0xF7A  }
0x23: {  	s9 =	sor.u32 $0xD0000000, s2;
	s6 =	simm.s32 $0x108;
	_ =	swait.ge @!p0 [sflag:s8], $0x0  }
0x24: {  	s3 =	sadd.s32 $0x88, s3;
	s6 =	simm.s32 @!p1 $0x1082;
	[sflag:s4] =	ssyncset.s32 $0xFFFFF086  }
0x25: {  	[simem:s6], [sflag:s4] =	dma.local [hbm:s3], $0xF7A  }
0x26: {  	[smem:$0x3F8D] =	sst s1;
	(tag) =	ssettag s2;
	_ =	strace s9  }
0x27: {  	s1 =	sld [smem:$0x3F9D]  }
0x28: {  	s2 =	sld [smem:$0x3F9E]  }
0x29: {  	s4 =	sld [smem:$0x3FA0]  }
0x2a: {  	p0 =	seq.s32 s5, $0x0;
	s5 =	sld [smem:$0x3FA1]  }
0x2b: {  	s6 =	sld [smem:$0x3FA2]  }
0x2c: {  	s7 =	sld [smem:$0x3FA3]  }
0x2d: {  	s3 =	simm.s32 $0x108;
	s8 =	sld [smem:$0x3FA4]  }
0x2e: {  	s3 =	simm.s32 @!p0 $0x1082;
	s9 =	sld [smem:$0x3FA5]  }
0x2f: {  	lr =	sadd.s32 s0, s3;
	s0 =	sld [smem:$0x3F9C]  }
0x30: {  	s3 =	sld [smem:$0x3F9F]  }
0x31: {  	[smem:$0x3FA8] =	sst s10  }
0x32: {  	s10 =	sld [smem:$0x3FA6];
	_ =	sdelay $0x3  }
0x33: {  	p0 =	seq.s32 s10, $0x1;
	s10 =	sld [smem:$0x3FA8];
	_ =	sdelay $0x3  }
0x34: {  	[smem:$0x3FA8] =	sst s10  }
0x35: {  	s10 =	sld [smem:$0x3FA7];
	_ =	sdelay $0x3  }
0x36: {  	p1 =	seq.s32 s10, $0x1;
	s10 =	sld [smem:$0x3FA8];
	_ =	sdelay $0x3  }
0x37: {  	[smem:$0x3FA8] =	sst s10  }
0x38: {  	s10 =	sld [smem:$0x3FA9]  }
0x39: {  	_ = 	snop;
	(pc) =	sbr.ind lr, $3  }
0x3a: {  	_ = 	snop  }
0x3b: {  	_ = 	snop  }
0x3c: {  	p2 =	seq.s32 s10, $0x1;
	s10 =	sld [smem:$0x3FA8]  }
0x3d: {  	_ =	shalt  }
0x3e: {  	_ =	shalt  }
0x3f: {  	_ =	shalt  }
0x40: {  	_ =	shalt  }
0x41: {  	_ =	shalt  }
0x42: {  	_ =	shalt  }
0x43: {  	_ =	shalt  }
0x44: {  	_ =	shalt  }
0x45: {  	_ =	shalt  }
0x46: {  	_ =	shalt  }
0x47: {  	_ =	shalt  }
0x48: {  	_ =	shalt  }
0x49: {  	_ =	shalt  }
0x4a: {  	_ =	shalt  }
0x4b: {  	_ =	shalt  }
0x4c: {  	_ =	shalt  }
0x4d: {  	_ =	shalt  }
0x4e: {  	_ =	shalt  }
0x4f: {  	_ =	shalt  }
0x50: {  	_ =	shalt  }
0x51: {  	_ =	shalt  }
0x52: {  	_ =	shalt  }
0x53: {  	_ =	shalt  }
0x54: {  	_ =	shalt  }
0x55: {  	_ =	shalt  }
0x56: {  	_ =	shalt  }
0x57: {  	_ =	shalt  }
0x58: {  	_ =	shalt  }
0x59: {  	_ =	shalt  }
0x5a: {  	_ =	shalt  }
0x5b: {  	_ =	shalt  }
0x5c: {  	_ =	shalt  }
0x5d: {  	_ =	shalt  }
0x5e: {  	_ =	shalt  }
0x5f: {  	_ =	shalt  }
0x60: {  	_ =	shalt  }
0x61: {  	_ =	shalt  }
0x62: {  	_ =	shalt  }
0x63: {  	_ =	shalt  }
0x64: {  	_ =	shalt  }
0x65: {  	_ =	shalt  }
0x66: {  	_ =	shalt  }
0x67: {  	_ =	shalt  }
0x68: {  	_ =	shalt  }
0x69: {  	_ =	shalt  }
0x6a: {  	_ =	shalt  }
0x6b: {  	_ =	shalt  }
0x6c: {  	_ =	shalt  }
0x6d: {  	_ =	shalt  }
0x6e: {  	_ =	shalt  }
0x6f: {  	_ =	shalt  }
0x70: {  	_ =	shalt  }
0x71: {  	_ =	shalt  }
0x72: {  	_ =	shalt  }
0x73: {  	_ =	shalt  }
0x74: {  	_ =	shalt  }
0x75: {  	_ =	shalt  }
0x76: {  	_ =	shalt  }
0x77: {  	_ =	shalt  }
0x78: {  	_ =	shalt  }
0x79: {  	_ =	shalt  }
0x7a: {  	_ =	shalt  }
0x7b: {  	_ =	shalt  }
0x7c: {  	_ =	shalt  }
0x7d: {  	_ =	shalt  }
0x7e: {  	_ =	shalt  }
0x7f: {  	_ =	shalt  }
0x80: {  	_ =	shalt  }
0x81: {  	_ =	shalt  }
0x82: {  	_ =	shalt  }
0x83: {  	_ =	shalt  }
0x84: {  	_ =	shalt  }
0x85: {  	_ =	shalt  }
0x86: {  	_ =	shalt  }
0x87: {  	_ =	shalt  }
.Lfunc_end0:
.L_simem_size_0:
called_computation.1_lowered:
.L_overlay_start_0:
0x88: {  	s2 =	sld [smem:$0x3FD9]  }
0x89: {  	s3 =	sld [smem:$0x3FFE];
	_ =	sdelay $0x1  }
0x8a: {  	s1 =	srdreg.scid  }
0x8b: {  	s0 =	sand.u32 $0x1, s1  }
0x8c: {  	s12 =	sshll.u32 s0, $0xA;
	s2 =	sadd.s32 s3, s2  }
0x8d: {  	s2 =	sadd.s32 s2, s12  }
0x8e: {  	[smem:$0x3FB4] =	sst s2  }
0x8f: {  	_ = 	snop  }
0x90: {  	(tm) =	ssettm $0x1  }
0x91: {  	s13 =	sld [smem:$0x3FFB];
	_ =	sdelay $0x3  }
0x92: {  	_ =	strace s13  }
0x93: {  	s2 =	sld [smem:$0x3FFC];
	_ =	sdelay $0x3  }
0x94: {  	_ =	strace s2  }
0x95: {  	s2 =	sld [smem:$0x3FFD];
	_ =	sdelay $0x3  }
0x96: {  	_ =	strace s2  }
0x97: {  	_ =	strace $0x8FFFFFFF  }
0x98: {  	s14 =	sld [smem:$0x3FDB];
	_ =	sdelay $0x1  }
0x99: {  	s15 =	simm.s32 $_scs_section_size  }
0x9a: {  	s4 =	simm.s32 $_size__tile_overlayer_lowered;
	s5 =	simm.s32 $_tile_overlayer_lowered  }
0x9b: {  	s19 =	simm.s32 $0x1BFF;
	s17 =	sshll.u32 s5, $0x1;
	s6 =	sadd.s32 s15, s14  }
0x9c: {  	s20 =	simm.s32 $0x0;
	s16 =	sshll.u32 s4, $0x1;
	s18 =	sadd.s32 s17, s6  }
0x9d: {  	[timem:s20], [sflag:s19] =	dma.local [hbm:s18], s16  }
0x9e: {  	_ =	swait.ge [sflag:s19], s16  }
0x9f: {  	s3 =	ssub.s32 $0x0, s16;
	[sflag:s19] =	ssyncset.done $0x0  }
0xa0: {  	[sflag:s19] =	ssyncadd.s32 s3;
	_ =	sdelay $0x1  }
0xa1: {  	s21 =	simm.s32 $0x1B8B  }
0xa2: {  	_ =	swait.ge [sflag:s21], $0x1  }
0xa3: {  	[sflag:s21] =	ssyncset.done $0x0  }
0xa4: {  	[sflag:s21] =	ssyncadd.s32 $0xFFFFFFFF  }
0xa5: {  	s3 =	sld [smem:$0x0]  }
0xa6: {  	s4 =	sand.u32 $0xFFFFFFFE, s1  }
0xa7: {  	p0 =	sne.s32 s1, s4  }
0xa8: {  	s4 =	sshll.u32 @p0 s4, $0xE  }
0xa9: {  	s5 =	sadd.s32 @p0 $0x11B8D, s4;
	s7 =	sshll.u32 @p0 s3, $0x11  }
0xaa: {  	s5 =	sor.u32 @p0 s7, s5  }
0xab: {  	[sflag:s5] =	ssyncadd.remote.s32 @p0 $0x1;
	_ =	sdelay $0x1  }
0xac: {  	s5 =	simm.s32 @p0 $0x1B8D  }
0xad: {  	_ =	swait.eq @p0 [sflag:s5], $0x1  }
0xae: {  	[sflag:s5] =	ssyncadd.s32 @p0 $0xFFFFFFFF  }
0xaf: {  	s7 =	sshll.u32 @!p0 s1, $0xE  }
0xb0: {  	s7 =	sor.u32 @!p0 $0x4000, s7;
	s5 =	simm.s32 @!p0 $0x1B8D  }
0xb1: {  	s9 =	sshll.u32 @!p0 s3, $0x11;
	s8 =	sadd.s32 @!p0 $0x11B8D, s7;
	_ =	swait.eq @!p0 [sflag:s5], $0x1  }
0xb2: {  	[sflag:s5] =	ssyncadd.s32 @!p0 $0xFFFFFFFF;
	s5 =	sor.u32 @!p0 s9, s8  }
0xb3: {  	s23 =	simm.s32 $0x1B8E;
	s22 =	sld [smem:$0x3FFE];
	[sflag:s5] =	ssyncadd.remote.s32 @!p0 $0x1  }
0xb4: {  	s24 =	simm.s32 $execute0_lowered;
	[smem:$0x3FD2] =	sst s23  }
0xb5: {  	s8 =	sshll.u32 s24, $0x1;
	_ =	strace $0x80000052;
	[dreg:$0x1] =	wrdreg $0xFFFFFFFF  }
0xb6: {  	s25 =	simm.s32 $_size_execute0_lowered;
	s8 =	sadd.s32 s6, s8;
	[dreg:$0x0] =	wrdreg $0x0  }
0xb7: {  	s9 =	sshll.u32 s25, $0x1;
	[dreg:$0x2] =	wrdreg s8  }
0xb8: {  	[dreg:$0x3] =	wrdreg s9  }
0xb9: {  	[dreg:$0x4] =	wrdreg $0xC0  }
0xba: {  	s26 =	simm.s32 $execute1_lowered;
	_ =	task [dreg:s20], $0x5FFFF  }
0xbb: {  	s8 =	sshll.u32 s26, $0x1;
	[dreg:$0x1] =	wrdreg $0xFFFFFFFF  }
0xbc: {  	s6 =	sadd.s32 s6, s8;
	[dreg:$0x0] =	wrdreg $0x60  }
0xbd: {  	[dreg:$0x2] =	wrdreg s6  }
0xbe: {  	[dreg:$0x3] =	wrdreg s22  }
0xbf: {  	[dreg:$0x4] =	wrdreg $0xA  }
0xc0: {  	_ =	task.clear_ibuf [dreg:s20], $0x5FFFF;
	_ =	strace $0x90000052  }
0xc1: {  	s28 =	simm.s32 $0xA;
	_ =	strace $0x80000054  }
0xc2: {  	_ =	swait.ge [sflag:s28], $0x1  }
0xc3: {  	[sflag:s28] =	ssyncadd.s32 $0xFFFFFFFF  }
0xc4: {  	_ =	strace $0x90000054  }
0xc5: {  	s6 =	sld [smem:$0x0];
	_ =	sdelay $0x3  }
0xc6: {  	s4 =	sadd.s32 @p0 $0x11BF3, s4;
	s8 =	sshll.u32 @p0 s6, $0x11  }
0xc7: {  	s4 =	sor.u32 @p0 s8, s4  }
0xc8: {  	[sflag:s4] =	ssyncadd.remote.s32 @p0 $0x1;
	_ =	sdelay $0x1  }
0xc9: {  	s4 =	simm.s32 @p0 $0x1BF3  }
0xca: {  	_ =	swait.eq @p0 [sflag:s4], $0x1  }
0xcb: {  	[sflag:s4] =	ssyncadd.s32 @p0 $0xFFFFFFFF;
	_ =	sdelay $0x1  }
0xcc: {  	s4 =	simm.s32 @!p0 $0x1BF3  }
0xcd: {  	s7 =	sadd.s32 @!p0 $0x11BF3, s7;
	s6 =	sshll.u32 @!p0 s6, $0x11;
	_ =	swait.eq @!p0 [sflag:s4], $0x1  }
0xce: {  	[sflag:s4] =	ssyncadd.s32 @!p0 $0xFFFFFFFF;
	s4 =	sor.u32 @!p0 s6, s7  }
0xcf: {  	[sflag:s4] =	ssyncadd.remote.s32 @!p0 $0x1  }
0xd0: {  	_ =	strace $0x80000055;
	[dreg:$0x1] =	wrdreg $0xFFFFFFFF  }
0xd1: {  	[dreg:$0x0] =	wrdreg $0x2030  }
0xd2: {  	[dreg:$0x2] =	wrdreg s22  }
0xd3: {  	[dreg:$0x3] =	wrdreg s1  }
0xd4: {  	[dreg:$0x4] =	wrdreg s3  }
0xd5: {  	[dreg:$0x5] =	wrdreg $0xB  }
0xd6: {  	_ =	task.clear_ibuf [dreg:s20], $0x6FFFF;
	_ =	strace $0x90000055  }
0xd7: {  	s29 =	simm.s32 $0xB;
	_ =	strace $0x80000057  }
0xd8: {  	_ =	swait.ge [sflag:s29], $0x1  }
0xd9: {  	[sflag:s29] =	ssyncadd.s32 $0xFFFFFFFF  }
0xda: {  	_ =	strace $0x90000057  }
0xdb: {  	_ =	sfence  }
0xdc: {  	s30 =	sld [smem:$0x0];
	_ =	sdelay $0x2  }
0xdd: {  	s31 =	sshll.u32 s1, $0xD;
	s1 =	sshrl.u32 s1, $0x2  }
0xde: {  	s4 =	sand.u32 $0x4000, s31;
	s1 =	sadd.s32 s1, s30  }
0xdf: {  	s0 =	sor.u32 s4, s0;
	s1 =	sshll.u32 s1, $0x11  }
0xe0: {  	s0 =	sor.u32 s1, s0  }
0xe1: {  	s0 =	sadd.s32 $0x8F2B, s0  }
0xe2: {  	[sflag:s0] =	ssyncadd.remote.s32 $0x1  }
0xe3: {  	_ =	sfence.sel $0xFFFF  }
0xe4: {  	[dreg:$0x0] =	wrdreg $0xFFFFFFFF;
	(pc) =	sbr.abs _section_cstart, $3  }
0xe5: {  	[dreg:$0x1] =	wrdreg $0xFFFFFFFF  }
0xe6: {  	_ =	task.clear_ibuf [dreg:s20], $0x2FFFF;
	_ =	strace $0x9FFFFFFF  }
0xe7: {  	(tm) =	ssettm $0x7FFFFFFF  }
tec
execute0_lowered:
.L_overlay_start_1:
0x0: {  	(tag) =	ssettag $0x1  }
0x1: {  	s2 =	rddreg [dreg:$0x0]  }
0x2: {  	s4 =	rddreg [dreg:$0x1]  }
0x3: {  	s0 =	rddreg [dreg:$0x2];
	s3 =	stileid.u32;
	[bflag:$0x3] =	sbarrier.arrive $0xFFFF  }
0x4: {  	s1 =	simm.s32 $_size_execute1_lowered;
	s29 =	srdreg.scid;
	p0 =	sne.s32 s3, $0x0  }
0x5: {  	s1 =	sshll.u32 s1, $0x1;
	s5 =	simm.s32 @!p0 $0x1C3F;
	s6 =	simm.s32 @!p0 $0x4060  }
0x6: {  	[timem:s6], [sflag:s5] =	dma.local @!p0 [hbm:s2], s1  }
0x7: {  	s2 =	sshll.u32 s29, $0x7  }
0x8: {  	s7 =	simm.s32 $0x1;
	s3 =	sshll.u32 s3, $0x8;
	s2 =	sand.u32 $0x80, s2  }
0x9: {  	s8 =	simm.s32 $0x2;
	s9 =	simm.s32 $0x0;
	s2 =	sor.u32 s3, s2  }
0xa: {  	s12 =	simm.s32 $0x0;
	s11 =	simm.s32 $0x0;
	s30 =	ssub.s32 $0x20000, s2  }
.Ltmp0:
0xb: {  	s5 =	simm.s32 $0x1;
	s31 =	sand.u32 $0xF80, s30;
	(pc) =	sbr.rel .LBB2_1-.Ltmp0, $4  }
0xc: {  	_ =	strace $0x80000053;
	s3 =	sadd.s32 $0x12CC00, s4;
	p1 =	sne.s32 s31, $0x0  }
0xd: {  	[sflag:s5] =	ssyncpa.u1 $0x0;
	s6 =	sshrl.u32 s30, $0xC;
	s7 =	simm.s32 @!p1 $0x0  }
0xe: {  	s4 =	sadd.s32 $0x32CC00, s4;
	[sflag:s8] =	ssyncpa.u1 $0x0;
	s6 =	sadd.s32 s7, s6  }
0xf: {  	s8 =	simm.s32 $0x0;
	s10 =	smov.u32 s2;
	s7 =	sadd.s32 $0x1, s6  }
.LBB2_4:
0x10: {  	_ =	sdelay $0x3  }
0x11: {  	[tilespmem:v0+s14+$0xFFFFFFA0 ss:$0x1] =	vst.idx.msk $0xffff, v6  }
0x12: {  	v56 =	vld.idx.msk [tilespmem:v1+s15+$0x30 ss:$0x1], $0xffff;
	[tilespmem:v0+s14+$0xFFFFFFB0 ss:$0x1] =	vst.idx.msk $0xffff, v4  }
0x13: {  	v57 =	vld.idx.msk [tilespmem:v1+s15+$0xFFFFFFC0 ss:$0x1], $0xffff;
	[tilespmem:v0+s14+$0xFFFFFFC0 ss:$0x1] =	vst.idx.msk $0xffff, v2  }
0x14: {  	v58 =	vld.idx.msk [tilespmem:v1+s15+$0xFFFFFFD0 ss:$0x1], $0xffff;
	[tilespmem:v0+s14+$0xFFFFFFD0 ss:$0x1] =	vst.idx.msk $0xffff, v3  }
0x15: {  	v59 =	vld.idx.msk [tilespmem:v1+s15+$0xFFFFFFE0 ss:$0x1], $0xffff;
	[tilespmem:v0+s14+$0xFFFFFFE0 ss:$0x1] =	vst.idx.msk $0xffff, v5  }
0x16: {  	v60 =	vld.idx.msk [tilespmem:v1+s15+$0xFFFFFFF0 ss:$0x1], $0xffff;
	[tilespmem:v0+s14+$0xFFFFFFF0 ss:$0x1] =	vst.idx.msk $0xffff, v7  }
0x17: {  	v61 =	vld.idx.msk [tilespmem:v1+s15+$0x0 ss:$0x1], $0xffff;
	[tilespmem:v0+s15+$0x0 ss:$0x1] =	vst.idx.msk $0xffff, v56  }
0x18: {  	v62 =	vld.idx.msk [tilespmem:v1+s15+$0x10 ss:$0x1], $0xffff;
	[tilespmem:v0+s15+$0xFFFFFF90 ss:$0x1] =	vst.idx.msk $0xffff, v57  }
0x19: {  	v63 =	vld.idx.msk [tilespmem:v1+s15+$0x20 ss:$0x1], $0xffff;
	[tilespmem:v0+s15+$0xFFFFFFA0 ss:$0x1] =	vst.idx.msk $0xffff, v58  }
0x1a: {  	[tilespmem:v0+s15+$0xFFFFFFB0 ss:$0x1] =	vst.idx.msk $0xffff, v59  }
0x1b: {  	[tilespmem:v0+s15+$0xFFFFFFC0 ss:$0x1] =	vst.idx.msk $0xffff, v60  }
0x1c: {  	s12 =	sshll.u32 s12, $0x4;
	[tilespmem:v0+s15+$0xFFFFFFD0 ss:$0x1] =	vst.idx.msk $0xffff, v61  }
0x1d: {  	s12 =	sand.u32 $0x1FFFF0, s12;
	[tilespmem:v0+s15+$0xFFFFFFE0 ss:$0x1] =	vst.idx.msk $0xffff, v62  }
0x1e: {  	s12 =	sadd.s32 s4, s12;
	[tilespmem:v0+s15+$0xFFFFFFF0 ss:$0x1] =	vst.idx.msk $0xffff, v63  }
0x1f: {  	[hbm4b:s12+s8] =	stream.linear.scatter [tilespmem:s13], [sflag:$0x2], $0x4000, $0x38;
	[tilespmem:$0x10000] =	vst v63  }
.LBB2_5:
0x20: {  	s14 =	sadd.s32 $0x1000, s10  }
0x21: {  	p2 =	sgt.s32 s14, $0x1FFFF  }
0x22: {  	s14 =	smov.u32 @p2 s2;
	p2 =	sne.s32 s11, s7  }
.Ltmp1:
0x23: {  	p1 =	slt.u32 s11, $0x2;
	(pc) =	sbr.rel @!p2 .LBB2_6-.Ltmp1, $4  }
0x24: {  	s13 =	simm.s32 @!p1 $0x2  }
0x25: {  	s15 =	sadd.s32 $0x1, s11;
	_ =	swait.ge @!p1 [sflag:s13], $0x4000  }
0x26: {  	s12 =	smov.u32 s10;
	s9 =	sadd.s32 $0x4000, s9;
	[sflag:s13] =	ssyncset.done @!p1 $0x0  }
0x27: {  	s11 =	smov.u32 s15;
	s10 =	smov.u32 s14;
	[sflag:s13] =	ssyncadd.s32 @!p1 $0xFFFFC000  }
.LBB2_1:
0x28: {  	p1 =	sge.u32 s11, s6  }
0x29: {  	s13 =	sxor.u32 @!p1 $0xFFFFFFFF, s11;
	s14 =	sshll.u32 @!p1 s10, $0x4  }
0x2a: {  	s31 =	sadd.s32 $0xFFFFFFFF, s11;
	s13 =	sshll.u32 @!p1 s13, $0xE;
	s14 =	sand.u32 @!p1 $0x1FFFF0, s14  }
0x2b: {  	s15 =	simm.s32 @!p1 $0x0;
	s13 =	sand.u32 @!p1 $0x4000, s13;
	s14 =	sadd.s32 @!p1 s3, s14  }
0x2c: {  	[tilespmem:s13], [sflag:$0x1] =	stream.linear.gather @!p1 [hbm4b:s14+s15], $0x4000, $0x38;
	[tilespmem:$0x10000] =	vst v63  }
0x2d: {  	p1 =	sge.u32 s31, s6  }
.Ltmp2:
0x2e: {  	_ = 	snop;
	(pc) =	sbr.rel @p1 .LBB2_5-.Ltmp2, $1  }
0x2f: {  	_ =	sdelay $0x3  }
0x30: {  	s13 =	sand.u32 $0x4000, s9  }
0x31: {  	s14 =	sor.u32 $0x40, s13  }
0x32: {  	v1 =	vmov s14;
	_ =	sdelay $0x1  }
0x33: {  	_ =	swait.ge [sflag:s5], $0x4000  }
0x34: {  	[sflag:s5] =	ssyncset.done $0x0  }
0x35: {  	[sflag:s5] =	ssyncadd.s32 $0xFFFFC000;
	s14 =	simm.s32 $0x0  }
0x36: {  	s13 =	sor.u32 $0x8070, s13;
	v7 =	vld.idx.msk [tilespmem:v1+s14+$0x30 ss:$0x1], $0xffff  }
0x37: {  	v0 =	vmov s13;
	v8 =	vld.idx.msk [tilespmem:v1+s14+$0xFFFFFFC0 ss:$0x1], $0xffff  }
0x38: {  	v6 =	vld.idx.msk [tilespmem:v1+s14+$0xFFFFFFD0 ss:$0x1], $0xffff  }
0x39: {  	v4 =	vld.idx.msk [tilespmem:v1+s14+$0xFFFFFFE0 ss:$0x1], $0xffff  }
0x3a: {  	v2 =	vld.idx.msk [tilespmem:v1+s14+$0xFFFFFFF0 ss:$0x1], $0xffff  }
0x3b: {  	s31 =	sshll.u32 s11, $0xE;
	v3 =	vld.idx.msk [tilespmem:v1+s14+$0x0 ss:$0x1], $0xffff  }
0x3c: {  	s13 =	sand.u32 $0x4000, s31;
	v5 =	vld.idx.msk [tilespmem:v1+s14+$0x10 ss:$0x1], $0xffff;
	[tilespmem:v0+s14+$0x0 ss:$0x1] =	vst.idx.msk $0xffff, v7  }
0x3d: {  	s15 =	simm.s32 $0x80;
	s16 =	simm.s32 $0x400;
	s13 =	sor.u32 $0x8000, s13;
	[tilespmem:v0+s14+$0xFFFFFF90 ss:$0x1] =	vst.idx.msk $0xffff, v8;
	v7 =	vld.idx.msk [tilespmem:v1+s14+$0x20 ss:$0x1], $0xffff  }
.LBB2_3:
0x3e: {  	p1 =	sne.s32 s16, $0xFE00;
	v8 =	vld.idx.msk [tilespmem:v1+s15+$0x30 ss:$0x1], $0xffff;
	[tilespmem:v0+s14+$0xFFFFFFA0 ss:$0x1] =	vst.idx.msk $0xffff, v6  }
0x3f: {  	v9 =	vld.idx.msk [tilespmem:v1+s15+$0xFFFFFFC0 ss:$0x1], $0xffff;
	[tilespmem:v0+s14+$0xFFFFFFB0 ss:$0x1] =	vst.idx.msk $0xffff, v4  }
0x40: {  	v6 =	vld.idx.msk [tilespmem:v1+s15+$0xFFFFFFD0 ss:$0x1], $0xffff;
	[tilespmem:v0+s14+$0xFFFFFFC0 ss:$0x1] =	vst.idx.msk $0xffff, v2  }
.Ltmp3:
0x41: {  	v4 =	vld.idx.msk [tilespmem:v1+s15+$0xFFFFFFE0 ss:$0x1], $0xffff;
	[tilespmem:v0+s14+$0xFFFFFFD0 ss:$0x1] =	vst.idx.msk $0xffff, v3;
	(pc) =	sbr.rel @p1 .LBB2_3-.Ltmp3, $4  }
0x42: {  	v2 =	vld.idx.msk [tilespmem:v1+s15+$0xFFFFFFF0 ss:$0x1], $0xffff;
	[tilespmem:v0+s14+$0xFFFFFFE0 ss:$0x1] =	vst.idx.msk $0xffff, v5  }
0x43: {  	v3 =	vld.idx.msk [tilespmem:v1+s15+$0x0 ss:$0x1], $0xffff;
	[tilespmem:v0+s14+$0xFFFFFFF0 ss:$0x1] =	vst.idx.msk $0xffff, v7;
	s14 =	smov.u32 s15  }
0x44: {  	v5 =	vld.idx.msk [tilespmem:v1+s14+$0x10 ss:$0x1], $0xffff;
	[tilespmem:v0+s14+$0x0 ss:$0x1] =	vst.idx.msk $0xffff, v8  }
0x45: {  	s15 =	sshra.s32 s16, $0x2;
	s16 =	sadd.s32 $0x200, s16;
	[tilespmem:v0+s14+$0xFFFFFF90 ss:$0x1] =	vst.idx.msk $0xffff, v9;
	v7 =	vld.idx.msk [tilespmem:v1+s14+$0x20 ss:$0x1], $0xffff  }
.Ltmp4:
0x46: {  	_ = 	snop;
	(pc) =	sbr.rel .LBB2_4-.Ltmp4, $1  }
0x47: {  	_ =	sdelay $0x3  }
.LBB2_6:
0x48: {  	_ =	sfence.sel $0x180000  }
0x49: {  	s2 =	simm.s32 $0x1;
	[bflag:$0x0] =	sbarrier.arrive $0xFFFF  }
0x4a: {  	s31 =	simm.s32 $0x2;
	[sflag:s2] =	ssyncpa.u1 $0x1  }
0x4b: {  	[sflag:s31] =	ssyncpa.u1 $0x1  }
0x4c: {  	_ =	strace $0x90000053  }
0x4d: {  	s0 =	sadd.s32 @!p0 $0x100000, s0;
	[bflag:$0x2] =	sbarrier.arrive $0xFFFF  }
0x4e: {  	[sflag:s0] =	ssyncadd.tile.s32 @!p0 $0x1;
	s0 =	simm.s32 @!p0 $0x3F  }
0x4f: {  	_ =	swait.ge @!p0 [sflag:s0], s1  }
0x50: {  	s1 =	ssub.s32 @!p0 $0x0, s1;
	[sflag:s0] =	ssyncset.done @!p0 $0x0  }
0x51: {  	[sflag:s0] =	ssyncadd.s32 @!p0 s1  }
0x52: {  	[bflag:$0x3] =	sbarrier.arrive $0xFFFF  }
0x53: {  	_ =	shalt  }
.Lfunc_end2:
execute1_lowered:
.L_overlay_start_2:
0x54: {  	(tag) =	ssettag $0x2  }
0x55: {  	s0 =	rddreg [dreg:$0x0]  }
0x56: {  	s2 =	rddreg [dreg:$0x1];
	_ =	strace $0x80000056;
	s1 =	simm.s32 $0x1  }
0x57: {  	s9 =	simm.s32 $0x108;
	v0 =	vimm.s32 $0x0;
	[sflag:s1] =	ssyncpa.u1 $0x0  }
0x58: {  	[tilespmem:s9+$0x70] =	vst v0  }
0x59: {  	[tilespmem:s9+$0x60] =	vst v0  }
0x5a: {  	[tilespmem:s9+$0x50] =	vst v0  }
0x5b: {  	[tilespmem:s9+$0x40] =	vst v0  }
0x5c: {  	s1 =	sadd.s32 $0x32CC00, s0;
	s15 =	sadd.s32 $0xFCC00, s0;
	[tilespmem:s9+$0x30] =	vst v0  }
0x5d: {  	s6 =	sadd.s32 $0x255CC00, s0;
	s2 =	sand.u32 $0x1, s2;
	s14 =	sadd.s32 $0x10CC00, s0;
	[tilespmem:s9+$0x20] =	vst v0  }
0x5e: {  	s0 =	simm.s32 $0x40;
	[dreg:$0x4] =	wrdreg s2;
	s16 =	sshll.u32 s2, $0xF;
	[tilespmem:s9+$0x10] =	vst v0  }
.LBB3_1:
0x5f: {  	s0 =	sadd.s32 $0x40, s0;
	[tilespmem:s9+$0x0] =	vst v0;
	s9 =	sadd.s32 $0x80, s9  }
0x60: {  	p0 =	slt.u32 s0, $0x3C40;
	[tilespmem:s9+$0x70] =	vst v0  }
0x61: {  	[tilespmem:s9+$0x60] =	vst v0  }
.Ltmp5:
0x62: {  	[tilespmem:s9+$0x50] =	vst v0;
	(pc) =	sbr.rel @p0 .LBB3_1-.Ltmp5, $4  }
0x63: {  	[tilespmem:s9+$0x40] =	vst v0  }
0x64: {  	[tilespmem:s9+$0x30] =	vst v0  }
0x65: {  	[tilespmem:s9+$0x20] =	vst v0  }
0x66: {  	[tilespmem:s9+$0x10] =	vst v0  }
0x67: {  	s5 =	stileid.u32  }
0x68: {  	s0 =	smul.u32 $0x44, s5  }
0x69: {  	s2 =	smin.u32 s5, $0x5  }
0x6a: {  	s0 =	sadd.s32 s2, s0  }
0x6b: {  	p0 =	slt.u32 s5, $0x5;
	s7 =	smul.u32 $0xF0, s0;
	s0 =	simm.s32 $0x40B0  }
0x6c: {  	s0 =	simm.s32 @!p0 $0x3FC0  }
0x6d: {  	s0 =	sadd.s32 s0, s7  }
0x6e: {  	s8 =	smin.u32 s0, $0x40000  }
0x6f: {  	s0 =	ssub.s32 s8, s7  }
0x70: {  	p0 =	sgt.s32 s0, $0x0  }
0x71: {  	s0 =	simm.s32 @!p0 $0x0  }
0x72: {  	s3 =	simm.s32 $0x2;
	s10 =	simm.s32 $0x9;
	s30 =	smulhi.u32 $0x88888889, s0  }
0x73: {  	s4 =	simm.s32 $0xA;
	s11 =	simm.s32 $0xB;
	s12 =	simm.s32 $0x1  }
0x74: {  	s14 =	sadd.s32 s16, s14;
	s15 =	sadd.s32 s16, s15;
	s2 =	sshrl.u32 s30, $0x7  }
0x75: {  	s22 =	simm.s32 $0x0;
	s18 =	simm.s32 $0xC;
	s31 =	smul.u32 $0xF0, s2  }
.Ltmp6:
0x76: {  	[tilespmem:s9+$0x0] =	vst v0;
	v0 =	vimm.s32 $0xFFFFFFFF;
	s20 =	simm.s32 $0x0;
	[sflag:s3] =	ssyncpa.u1 $0x0;
	(pc) =	sbr.rel .LBB3_3-.Ltmp6, $4  }
0x77: {  	[tilespmem:$0xF208] =	vst v0;
	[sflag:s10] =	ssyncpa.u1 $0x0;
	p0 =	sne.s32 s0, s31;
	s0 =	simm.s32 $0x1  }
0x78: {  	s21 =	simm.s32 $0x0;
	[sflag:s4] =	ssyncpa.u1 $0x0;
	s0 =	simm.s32 @!p0 $0x0  }
0x79: {  	s16 =	sshll.u32 s5, $0x8;
	[sflag:s11] =	ssyncpa.u1 $0x0;
	s13 =	sadd.s32 s0, s2  }
0x7a: {  	v0 =	vlaneseq.u32;
	s19 =	smov.u32 s7;
	p0 =	por $0x0, $0x0;
	s17 =	sadd.s32 $0x1, s13  }
.LBB3_18:
0x7b: {  	s0 =	sshrl.u32 s31, $0x2  }
.LBB3_20:
0x7c: {  	_ =	swait.ge [sflag:s18], s0  }
0x7d: {  	s31 =	ssub.s32 $0x0, s0;
	v1 =	vmov s24;
	vm0 =	veq.s32 v0, $0x0;
	[sflag:s18] =	ssyncset.done $0x0  }
0x7e: {  	vm15 =	veq.s32 v0, $0x2;
	v1 =	vsel vm0, s30, v1;
	[sflag:s18] =	ssyncadd.s32 s31  }
0x7f: {  	v1 =	vsel vm15, s22, v1;
	[sflag:s18] =	ssyncpa.u1 $0x1  }
0x80: {  	[tilespmem:$0xF208] =	vst v1  }
.LBB3_21:
0x81: {  	s0 =	sadd.s32 $0xF0, s19  }
0x82: {  	s2 =	smov.u32 s7;
	p1 =	slt.s32 s0, s8  }
0x83: {  	s2 =	smov.u32 @p1 s0;
	p1 =	sne.s32 s21, s17  }
.Ltmp7:
0x84: {  	_ = 	snop;
	(pc) =	sbr.rel @!p1 .LBB3_22-.Ltmp7, $3  }
0x85: {  	_ =	sdelay $0x1  }
0x86: {  	s22 =	smov.u32 s20;
	s31 =	sadd.s32 $0x1, s21;
	s20 =	smov.u32 s19  }
0x87: {  	p0 =	por !p0, !p0;
	s21 =	smov.u32 s31;
	s19 =	smov.u32 s2  }
.LBB3_3:
0x88: {  	p1 =	sge.u32 s21, s13  }
0x89: {  	s0 =	smulhi.u32 @!p1 $0xAAAAAAAB, s21  }
0x8a: {  	s2 =	smov.u32 s19;
	p2 =	sgt.s32 @!p1 s19, $0x3FF10  }
0x8b: {  	s3 =	sshra.s32 @!p1 s19, $0x1F;
	p2 =	por !p2, p1;
	s0 =	sshrl.u32 @!p1 s0, $0x1  }
0x8c: {  	s3 =	sand.u32 @!p1 s3, s19;
	s2 =	simm.s32 @p2 $0x3FF10;
	s0 =	smul.u32 @!p1 $0x3, s0  }
0x8d: {  	s2 =	ssub.s32 @!p1 s2, s3  }
0x8e: {  	s2 =	sadd.s32 @!p1 $0xFFFC00F0, s2;
	s0 =	ssub.s32 @!p1 s21, s0  }
0x8f: {  	s3 =	sshll.u32 @!p1 s2, $0x2;
	p2 =	sgt.s32 @!p1 s2, $0xEF;
	s0 =	smul.u32 @!p1 $0x3C0, s0  }
0x90: {  	s4 =	sand.u32 @!p1 $0x7, s19;
	s2 =	ssub.s32 @!p1 $0x3C0, s3;
	p2 =	por !p2, p1  }
0x91: {  	s3 =	sshrl.u32 @!p1 s19, $0x3;
	s2 =	sshrl.u32 @!p1 s2, $0x2;
	s0 =	sshrl.u32 @!p1 s0, $0x2  }
0x92: {  	s3 =	sadd.s32 @!p1 s3, s14;
	s2 =	simm.s32 @!p2 $0x0;
	s0 =	sadd.s32 @!p1 $0x10248, s0  }
0x93: {  	[tilespmem:s0], [sflag:$0xA] =	stream.linear.gather @!p1 [hbm4b:s3+s4], s2, $0x38;
	[tilespmem:$0x1F6F8] =	vst v63  }
0x94: {  	s0 =	sadd.s32 $0xFFFFFFFF, s21  }
0x95: {  	p1 =	sge.u32 s0, s13  }
0x96: {  	p2 =	sgt.s32 @!p1 s20, $0x3FF10  }
0x97: {  	s2 =	smov.u32 s20;
	s3 =	sshra.s32 @!p1 s20, $0x1F;
	p2 =	por !p2, p1  }
0x98: {  	s3 =	sand.u32 @!p1 s3, s20;
	s2 =	simm.s32 @p2 $0x3FF10  }
0x99: {  	s2 =	ssub.s32 @!p1 s2, s3  }
0x9a: {  	s2 =	sadd.s32 @!p1 $0xFFFC00F0, s2  }
0x9b: {  	s4 =	sand.u32 @!p1 $0x1, s0;
	s3 =	sshll.u32 @!p1 s2, $0x2  }
0x9c: {  	p2 =	sgt.s32 @!p1 s2, $0xEF;
	s2 =	ssub.s32 @!p1 $0x3C0, s3;
	s3 =	smulhi.u32 @!p1 $0xAAAAAAAB, s0  }
0x9d: {  	s23 =	smul.u32 @!p1 $0x3C0, s4;
	p2 =	por !p2, p1;
	s2 =	sshrl.u32 @!p1 s2, $0x2  }
0x9e: {  	s5 =	simm.s32 @!p1 $0xA;
	s2 =	simm.s32 @!p2 $0x0;
	s3 =	sshrl.u32 @!p1 s3, $0x1  }
0x9f: {  	s23 =	sshrl.u32 @!p1 s23, $0x2;
	_ =	swait.ge @!p1 [sflag:s5], s2;
	s3 =	smul.u32 @!p1 $0x3, s3  }
0xa0: {  	s23 =	sadd.s32 @!p1 $0x10518, s23;
	s24 =	ssub.s32 @!p1 $0x0, s2;
	[sflag:s5] =	ssyncset.done @!p1 $0x0  }
0xa1: {  	[sflag:s5] =	ssyncadd.s32 @!p1 s24;
	s5 =	sshrl.u32 @!p1 s20, $0x3;
	s0 =	ssub.s32 @!p1 s0, s3  }
0xa2: {  	s24 =	sand.u32 @!p1 $0x7, s20;
	s5 =	sadd.s32 @!p1 s5, s15;
	s0 =	smul.u32 @!p1 $0x3C0, s0  }
0xa3: {  	[tilespmem:s23], [sflag:$0xB] =	stream.linear.gather @!p1 [hbm4b:s5+s24], s2, $0x38;
	[tilespmem:$0x1F6F8] =	vst v63  }
0xa4: {  	s3 =	ssub.s32 @!p1 $0x40000, s20;
	s2 =	smul.u32 @!p1 $0x1E000, s4  }
0xa5: {  	p2 =	slt.s32 @!p1 s3, $0xF0  }
0xa6: {  	p2 =	por !p2, p1;
	s0 =	sshrl.u32 @!p1 s0, $0x2;
	s2 =	sshrl.u32 @!p1 s2, $0x2  }
0xa7: {  	s3 =	simm.s32 @p2 $0xF0;
	s0 =	sadd.s32 @!p1 $0x10248, s0;
	s2 =	sor.u32 @!p1 $0x106F8, s2  }
0xa8: {  	[tilespmem:s2], [sflag:$0x9] =	stream.indirect.gather @!p1 [hbm4b:s6+s3], $0x80, s0, s3, $0xb8;
	[tilespmem:$0x1F6F8] =	vst v63  }
0xa9: {  	p1 =	slt.u32 s21, $0x2  }
.Ltmp8:
0xaa: {  	_ = 	snop;
	(pc) =	sbr.rel @p1 .LBB3_21-.Ltmp8, $1  }
0xab: {  	_ =	sdelay $0x3  }
0xac: {  	p1 =	sgt.s32 s22, $0x3FF10  }
0xad: {  	s0 =	smov.u32 s22;
	s2 =	sshra.s32 s22, $0x1F;
	s3 =	ssub.s32 $0x40000, s22  }
0xae: {  	s0 =	simm.s32 @!p1 $0x3FF10;
	s2 =	sand.u32 s2, s22;
	p1 =	slt.s32 s3, $0xF0  }
0xaf: {  	s0 =	ssub.s32 s0, s2;
	s3 =	simm.s32 @!p1 $0xF0  }
0xb0: {  	s0 =	sadd.s32 $0xFFFC00F0, s0;
	s25 =	sshll.u32 s3, $0x7  }
0xb1: {  	s26 =	sshll.u32 s0, $0x2;
	s2 =	sand.u32 $0x3FFFFF80, s25  }
0xb2: {  	p1 =	sgt.s32 s0, $0xEF;
	s29 =	ssub.s32 $0x3C0, s26;
	_ =	swait.ge [sflag:s10], s2  }
0xb3: {  	s2 =	ssub.s32 $0x0, s2;
	[sflag:s10] =	ssyncset.done $0x0;
	s0 =	sshrl.u32 s29, $0x2  }
0xb4: {  	[sflag:s10] =	ssyncadd.s32 s2;
	s0 =	simm.s32 @p1 $0x0  }
0xb5: {  	_ =	swait.ge [sflag:s11], s0  }
0xb6: {  	s0 =	ssub.s32 $0x0, s0;
	[sflag:s11] =	ssyncset.done $0x0  }
0xb7: {  	[sflag:s11] =	ssyncadd.s32 s0  }
0xb8: {  	v1 =	vld [tilespmem:$0xF208];
	_ =	sdelay $0x4  }
0xb9: {  	(v2sf) =	vpush v1, $0x0  }
0xba: {  	(v2sf) =	vpush v1, $0x1  }
0xbb: {  	(v2sf) =	vpush v1, $0x2;
	_ =	sdelay $0x3  }
0xbc: {  	s0 =	sadd.s32 $0xF0, s22  }
0xbd: {  	s2 =	ssub.s32 $0x80000, s22;
	p1 =	slt.s32 s8, s0  }
0xbe: {  	s0 =	smov.u32 @p1 s8;
	p1 =	sgt.s32 s2, $0x0  }
0xbf: {  	s26 =	ssub.s32 s0, s22;
	s2 =	simm.s32 @!p1 $0x0  }
0xc0: {  	p1 =	slt.s32 s2, s26  }
0xc1: {  	s26 =	smov.u32 @p1 s2  }
0xc2: {  	s25 =	simm.s32 $0x1;
	p1 =	slt.s32 s26, $0x1  }
.Ltmp9:
0xc3: {  	s25 =	simm.s32 @!p0 $0x0;
	(pc) =	sbr.rel @p1 .LBB3_8-.Ltmp9, $4  }
0xc4: {  	s31 =	smul.u32 $0x3C0, s25  }
0xc5: {  	s28 =	spop (v2sf)  }
0xc6: {  	s0 =	sshrl.u32 s31, $0x2;
	s30 =	spop (v2sf)  }
0xc7: {  	s23 =	sadd.s32 $0x10518, s0;
	s22 =	spop (v2sf)  }
0xc8: {  	s0 =	smin.u32 s26, $0x10  }
0xc9: {  	v1 =	vmov s0  }
0xca: {  	p2 =	sgt.s32 s26, $0x10;
	vm1 =	vgt.u32 v1, v0  }
.Ltmp10:
0xcb: {  	_ = 	snop;
	(pc) =	sbr.rel @!p2 .LBB3_7-.Ltmp10, $2  }
0xcc: {  	_ =	sdelay $0x2  }
0xcd: {  	s4 =	simm.s32 $0x10;
	s24 =	sadd.s32 $0xFFFFFFF0, s26;
	s0 =	smov.u32 s23;
	vm0 =	vmmov vm1  }
.LBB3_6:
0xce: {  	s2 =	smin.u32 s24, $0x10;
	s4 =	sadd.s32 $0x10, s4;
	v1 =	vld.msk [tilespmem:s0+$0x0 ss:$0x1], vm1  }
0xcf: {  	v2 =	vmov s2;
	p2 =	slt.s32 s4, s26  }
0xd0: {  	vm1 =	vgt.u32 v2, v0  }
.Ltmp11:
0xd1: {  	(pc) =	sbr.rel @p2 .LBB3_6-.Ltmp11, $3  }
0xd2: {  	_ =	sdelay $0x1  }
0xd3: {  	v1 =	vshll.u32 v1, $0x4  }
0xd4: {  	s24 =	sadd.s32 $0xFFFFFFF0, s24;
	[tilespmem:s0+$0x0] =	vst.msk vm0, v1;
	s0 =	sadd.s32 $0x10, s0;
	vm0 =	vmmov vm1  }
.LBB3_7:
0xd5: {  	_ =	sdelay $0x4  }
0xd6: {  	v1 =	vld.msk [tilespmem:s0+$0x0 ss:$0x1], vm1;
	_ =	sdelay $0x4  }
0xd7: {  	v1 =	vshll.u32 v1, $0x4  }
0xd8: {  	[tilespmem:s0+$0x0] =	vst.msk vm0, v1  }
.LBB3_8:
0xd9: {  	s0 =	sand.u32 $0x1, s21  }
0xda: {  	s0 =	smul.u32 $0xF0, s0  }
0xdb: {  	p2 =	sne.s32 s30, $0xFFFFFFFF  }
0xdc: {  	v1 =	vld.msk @!p2 [tilespmem:s0+$0x10518], $0x1;
	_ =	sdelay $0x4  }
0xdd: {  	(v2sf) =	vpush @!p2 v1, $0x0;
	_ =	sdelay $0xc  }
.Ltmp12:
0xde: {  	_ = 	snop;
	(pc) =	sbr.rel @p1 .LBB3_19-.Ltmp12, $4  }
0xdf: {  	_ = 	snop  }
0xe0: {  	s29 =	spop @!p2 (v2sf)  }
0xe1: {  	s22 =	simm.s32 @!p2 $0x0;
	s24 =	smov.u32 s29  }
0xe2: {  	[sflag:s18] =	ssyncpa.u1 $0x0;
	s29 =	smov.u32 @p2 s28;
	s24 =	smov.u32 @p2 s30  }
0xe3: {  	v1 =	vld.msk [tilespmem:s23+$0x0], $0x1;
	_ =	sdelay $0x4  }
0xe4: {  	(v2sf) =	vpush v1, $0x0;
	_ =	sdelay $0xe  }
0xe5: {  	s2 =	smul.u32 $0x1E000, s25;
	s0 =	spop (v2sf)  }
0xe6: {  	s26 =	ssub.s32 $0x0, s26;
	p1 =	seq.s32 s29, s0  }
0xe7: {  	s30 =	sadd.s32 $0x1, s26;
	s2 =	sshrl.u32 s2, $0x2;
	p2 =	sgt.s32 @!p1 s29, $0x0  }
0xe8: {  	s25 =	sor.u32 $0x10738, s2;
	s2 =	smov.u32 s29;
	p2 =	por !p2, p1  }
0xe9: {  	s2 =	simm.s32 @p2 $0x0;
	p2 =	seq.s32 s30, $0x0  }
.Ltmp13:
0xea: {  	_ = 	snop;
	(pc) =	sbr.rel @p2 .LBB3_11-.Ltmp13, $4  }
0xeb: {  	_ = 	snop  }
0xec: {  	s28 =	simm.s32 $0x0;
	s31 =	sadd.s32 $0x1, s23;
	s2 =	smin.u32 @!p1 s2, $0x1FFFF0  }
0xed: {  	s4 =	simm.s32 @!p1 $0x1;
	s5 =	simm.s32 @!p1 $0x7988;
	s3 =	sand.u32 @!p1 $0x1FFFF8, s2  }
0xee: {  	s4 =	smov.u32 @p1 s28;
	s2 =	sand.u32 @!p1 $0x7, s2;
	s3 =	sadd.s32 @!p1 s1, s3  }
.LBB3_10:
0xef: {  	s9 =	smov.u32 s4  }
0xf0: {  	[tilespmem:s5], [sflag:$0x2] =	stream.linear.gather @!p1 [hbm4b:s3+s2], $0x80, $0x38;
	[tilespmem:$0x1F6F8] =	vst v63  }
0xf1: {  	s30 =	sadd.s32 $0x1, s30;
	s2 =	smov.u32 s0;
	v1 =	vld.msk [tilespmem:s31+$0x0], $0x1  }
0xf2: {  	p2 =	seq.s32 s30, $0x0;
	_ =	sdelay $0x3  }
0xf3: {  	(v2sf) =	vpush v1, $0x0;
	_ =	sdelay $0xe  }
0xf4: {  	s0 =	spop (v2sf)  }
0xf5: {  	p1 =	seq.s32 s2, s0  }
0xf6: {  	p3 =	sgt.s32 @!p1 s2, $0x0;
	s3 =	sshll.u32 @!p1 s4, $0x9;
	s4 =	sadd.s32 @!p1 $0x1, s4  }
.Ltmp14:
0xf7: {  	p3 =	por !p3, p1;
	s3 =	sshra.s32 @!p1 s3, $0x2;
	(pc) =	sbr.rel @!p2 .LBB3_10-.Ltmp14, $4  }
0xf8: {  	s4 =	smov.u32 @p1 s9;
	s2 =	simm.s32 @p3 $0x0;
	s5 =	sadd.s32 @!p1 $0x7988, s3  }
0xf9: {  	s2 =	smin.u32 @!p1 s2, $0x1FFFF0  }
0xfa: {  	s3 =	sand.u32 @!p1 $0x1FFFF8, s2;
	s2 =	sand.u32 @!p1 $0x7, s2  }
0xfb: {  	s31 =	sadd.s32 $0x1, s31;
	s3 =	sadd.s32 @!p1 s1, s3  }
.LBB3_11:
0xfc: {  	[tilespmem:s5], [sflag:$0x2] =	stream.linear.gather @!p1 [hbm4b:s3+s2], $0x80, $0x38;
	[tilespmem:$0x1F6F8] =	vst v63  }
.Ltmp15:
0xfd: {  	s0 =	sshll.u32 s4, $0x7;
	(pc) =	sbr.rel .LBB3_12-.Ltmp15, $4  }
0xfe: {  	s30 =	simm.s32 $0x2;
	s0 =	sand.u32 $0x3FFFFF80, s0  }
0xff: {  	_ =	swait.ge [sflag:s30], s0  }
0x100: {  	s0 =	ssub.s32 $0x0, s0;
	[sflag:s30] =	ssyncset.done $0x0  }
0x101: {  	s31 =	simm.s32 $0x0;
	[sflag:s30] =	ssyncadd.s32 s0  }
.LBB3_13:
0x102: {  	v1 =	vld [tilespmem:s25+$0xFFFFFFC0];
	_ =	sdelay $0x3  }
0x103: {  	s0 =	sshra.s32 s0, $0x2  }
0x104: {  	[tilespmem:s0+$0x108] =	vst.add.f32.msk $0xffff, v1  }
0x105: {  	v1 =	vld [tilespmem:s25+$0xFFFFFFD0];
	_ =	sdelay $0x4  }
0x106: {  	[tilespmem:s0+$0x118] =	vst.add.f32.msk $0xffff, v1  }
0x107: {  	v1 =	vld [tilespmem:s25+$0xFFFFFFE0];
	_ =	sdelay $0x4  }
0x108: {  	[tilespmem:s0+$0x128] =	vst.add.f32.msk $0xffff, v1  }
0x109: {  	v1 =	vld [tilespmem:s25+$0xFFFFFFF0];
	_ =	sdelay $0x4  }
0x10a: {  	[tilespmem:s0+$0x138] =	vst.add.f32.msk $0xffff, v1  }
0x10b: {  	v1 =	vld [tilespmem:s25+$0x0];
	_ =	sdelay $0x4  }
0x10c: {  	[tilespmem:s0+$0x148] =	vst.add.f32.msk $0xffff, v1  }
0x10d: {  	v1 =	vld [tilespmem:s25+$0x10];
	_ =	sdelay $0x4  }
0x10e: {  	[tilespmem:s0+$0x158] =	vst.add.f32.msk $0xffff, v1  }
0x10f: {  	v1 =	vld [tilespmem:s25+$0x20];
	_ =	sdelay $0x4  }
0x110: {  	[tilespmem:s0+$0x168] =	vst.add.f32.msk $0xffff, v1  }
0x111: {  	v1 =	vld [tilespmem:s25+$0x30];
	_ =	sdelay $0x4  }
0x112: {  	[tilespmem:s0+$0x178] =	vst.add.f32.msk $0xffff, v1  }
.LBB3_17:
0x113: {  	s26 =	sadd.s32 $0x1, s26  }
0x114: {  	p1 =	seq.s32 s26, $0x0  }
.Ltmp16:
0x115: {  	_ = 	snop;
	(pc) =	sbr.rel @p1 .LBB3_18-.Ltmp16, $2  }
0x116: {  	_ =	sdelay $0x2  }
0x117: {  	s23 =	sadd.s32 $0x1, s23;
	s25 =	sadd.s32 $0x80, s25;
	s29 =	smov.u32 s30  }
.LBB3_12:
0x118: {  	v1 =	vld.msk [tilespmem:s23+$0x0], $0x1;
	_ =	sdelay $0x4  }
0x119: {  	(v2sf) =	vpush v1, $0x0;
	_ =	sdelay $0xe  }
0x11a: {  	s30 =	spop (v2sf)  }
0x11b: {  	p1 =	sne.s32 s29, s30  }
.Ltmp17:
0x11c: {  	_ = 	snop;
	(pc) =	sbr.rel @!p1 .LBB3_13-.Ltmp17, $2  }
0x11d: {  	_ =	sdelay $0x2  }
0x11e: {  	s0 =	sshll.u32 s22, $0x9  }
0x11f: {  	p1 =	seq.s32 s29, s24  }
.Ltmp18:
0x120: {  	_ = 	snop;
	(pc) =	sbr.rel @!p1 .LBB3_15-.Ltmp18, $1  }
0x121: {  	_ =	sdelay $0x3  }
0x122: {  	s0 =	sshra.s32 s0, $0x2  }
.Ltmp19:
0x123: {  	s0 =	sadd.s32 $0x108, s0;
	(pc) =	sbr.rel .LBB3_16-.Ltmp19, $4  }
0x124: {  	[spmem:s16] =	stream.linear.scatter [tilespmem:s0], [sflag:$0x1], $0x80, $0x38;
	[tilespmem:$0x1F6F8] =	vst v63  }
0x125: {  	_ =	swait.ge [sflag:s12], $0x80  }
0x126: {  	[sflag:s12] =	ssyncset.done $0x0  }
0x127: {  	[sflag:s12] =	ssyncadd.s32 $0xFFFFFF80  }
.LBB3_15:
0x128: {  	s2 =	sshll.u32 s28, $0x9  }
0x129: {  	s2 =	sshra.s32 s2, $0x2  }
0x12a: {  	v1 =	vld [tilespmem:s2+$0x7988];
	_ =	sdelay $0x3  }
0x12b: {  	s0 =	sshra.s32 s0, $0x2  }
0x12c: {  	[tilespmem:s0+$0x108] =	vst.add.f32.msk $0xffff, v1  }
0x12d: {  	v1 =	vld [tilespmem:s2+$0x7998];
	_ =	sdelay $0x4  }
0x12e: {  	[tilespmem:s0+$0x118] =	vst.add.f32.msk $0xffff, v1  }
0x12f: {  	v1 =	vld [tilespmem:s2+$0x79A8];
	_ =	sdelay $0x4  }
0x130: {  	[tilespmem:s0+$0x128] =	vst.add.f32.msk $0xffff, v1  }
0x131: {  	v1 =	vld [tilespmem:s2+$0x79B8];
	_ =	sdelay $0x4  }
0x132: {  	[tilespmem:s0+$0x138] =	vst.add.f32.msk $0xffff, v1  }
0x133: {  	v1 =	vld [tilespmem:s2+$0x79C8];
	_ =	sdelay $0x4  }
0x134: {  	[tilespmem:s0+$0x148] =	vst.add.f32.msk $0xffff, v1  }
0x135: {  	v1 =	vld [tilespmem:s2+$0x79D8];
	_ =	sdelay $0x4  }
0x136: {  	[tilespmem:s0+$0x158] =	vst.add.f32.msk $0xffff, v1  }
0x137: {  	v1 =	vld [tilespmem:s2+$0x79E8];
	_ =	sdelay $0x4  }
0x138: {  	[tilespmem:s0+$0x168] =	vst.add.f32.msk $0xffff, v1  }
0x139: {  	v1 =	vld [tilespmem:s2+$0x79F8];
	_ =	sdelay $0x2  }
0x13a: {  	p1 =	sgt.u32 s29, $0x1FFFF0  }
0x13b: {  	s2 =	sand.u32 @!p1 $0x1FFFF8, s29  }
0x13c: {  	s3 =	sadd.s32 $0x108, s0;
	[tilespmem:s0+$0x178] =	vst.add.f32.msk $0xffff, v1;
	s0 =	sadd.s32 @!p1 s1, s2;
	s2 =	sand.u32 @!p1 $0x7, s29  }
0x13d: {  	[hbm4b:s0+s2] =	stream.linear.scatter @!p1 [tilespmem:s3], [sflag:$0xC], $0x80, $0x38;
	[tilespmem:$0x1F6F8] =	vst v63  }
0x13e: {  	s0 =	simm.s32 $0x0  }
0x13f: {  	s0 =	simm.s32 @!p1 $0x200  }
0x140: {  	s31 =	sadd.s32 s0, s31  }
.LBB3_16:
0x141: {  	s0 =	sadd.s32 $0x1, s22  }
0x142: {  	s2 =	smulhi.u32 $0x88888889, s0;
	_ =	sdelay $0x1  }
0x143: {  	v1 =	vld [tilespmem:s25+$0xFFFFFFC0];
	s2 =	sshrl.u32 s2, $0x7  }
0x144: {  	s2 =	smul.u32 $0xF0, s2;
	_ =	sdelay $0x1  }
0x145: {  	s22 =	ssub.s32 s0, s2  }
0x146: {  	s0 =	sshll.u32 s22, $0x7  }
0x147: {  	[tilespmem:s0+$0x108] =	vst v1  }
0x148: {  	v1 =	vld [tilespmem:s25+$0xFFFFFFD0];
	_ =	sdelay $0x4  }
0x149: {  	[tilespmem:s0+$0x118] =	vst v1  }
0x14a: {  	v1 =	vld [tilespmem:s25+$0xFFFFFFE0];
	_ =	sdelay $0x4  }
0x14b: {  	[tilespmem:s0+$0x128] =	vst v1  }
0x14c: {  	v1 =	vld [tilespmem:s25+$0xFFFFFFF0];
	_ =	sdelay $0x4  }
0x14d: {  	[tilespmem:s0+$0x138] =	vst v1  }
0x14e: {  	v1 =	vld [tilespmem:s25+$0x0];
	_ =	sdelay $0x4  }
0x14f: {  	[tilespmem:s0+$0x148] =	vst v1  }
0x150: {  	v1 =	vld [tilespmem:s25+$0x10];
	_ =	sdelay $0x4  }
0x151: {  	[tilespmem:s0+$0x158] =	vst v1  }
0x152: {  	v1 =	vld [tilespmem:s25+$0x20];
	_ =	sdelay $0x4  }
0x153: {  	[tilespmem:s0+$0x168] =	vst v1  }
0x154: {  	v1 =	vld [tilespmem:s25+$0x30]  }
.Ltmp20:
0x155: {  	_ = 	snop;
	(pc) =	sbr.rel .LBB3_17-.Ltmp20, $2  }
0x156: {  	_ =	sdelay $0x2  }
0x157: {  	s28 =	sadd.s32 $0x1, s28;
	[tilespmem:s0+$0x178] =	vst v1  }
.LBB3_19:
.Ltmp21:
0x158: {  	(pc) =	sbr.rel .LBB3_20-.Ltmp21, $4  }
0x159: {  	_ = 	snop  }
0x15a: {  	s0 =	simm.s32 $0x2  }
0x15b: {  	_ =	swait.ge [sflag:s0], $0x0  }
0x15c: {  	s30 =	smov.u32 s29;
	[sflag:s0] =	ssyncset.done $0x0;
	s0 =	simm.s32 $0x0  }
.LBB3_22:
0x15d: {  	_ =	sfence.sel $0x180000  }
0x15e: {  	s0 =	simm.s32 $0x9;
	[bflag:$0x0] =	sbarrier.arrive $0xFFFF  }
0x15f: {  	s24 =	simm.s32 $0xA;
	[sflag:s0] =	ssyncpa.u1 $0x1  }
0x160: {  	s25 =	simm.s32 $0xB;
	[sflag:s24] =	ssyncpa.u1 $0x1  }
0x161: {  	s26 =	simm.s32 $0x2;
	[sflag:s25] =	ssyncpa.u1 $0x1  }
0x162: {  	[sflag:s26] =	ssyncpa.u1 $0x1  }
0x163: {  	v0 =	vld [tilespmem:$0xF208];
	_ =	sdelay $0x4  }
0x164: {  	(v2sf) =	vpush v0, $0x0  }
0x165: {  	(v2sf) =	vpush v0, $0x1;
	_ =	sdelay $0x1  }
0x166: {  	(v2sf) =	vpush v0, $0x2;
	_ =	sdelay $0xb  }
0x167: {  	s0 =	spop (v2sf)  }
0x168: {  	s2 =	spop (v2sf)  }
0x169: {  	s3 =	smov.u32 s0;
	p0 =	sne.s32 s0, s2  }
0x16a: {  	s4 =	spop (v2sf);
	s3 =	simm.s32 @!p0 $0xFFFFFFFF  }
0x16b: {  	v2 =	vimm.s32 $0x1;
	v3 =	vlaneseq.u32;
	p0 =	seq.s32 s4, $0xFFFFFFFF;
	v1 =	vmov s3  }
0x16c: {  	s16 =	stileid.u32;
	v0 =	vperm.xlane v0, v2;
	p1 =	sne.s32 @!p0 s0, s2;
	v1 =	vperm.xlane v1, v3  }
0x16d: {  	vm0 =	vcmask $0x3F04;
	s6 =	simm.s32 $0xF208;
	s0 =	simm.s32 @!p0 $0x1;
	p1 =	por !p1, p0  }
0x16e: {  	s3 =	sshll.u32 s16, $0x1;
	s2 =	sshll.u32 @!p0 s4, $0x9;
	s0 =	simm.s32 @p1 $0x0;
	v0 =	vsel vm0, v1, v0  }
0x16f: {  	s5 =	sor.u32 $0x1000, s3;
	s2 =	sshra.s32 @!p0 s2, $0x2;
	s0 =	sor.u32 @!p0 s0, s3;
	[tilespmem:$0xF208] =	vst v0  }
0x170: {  	[spmem:s5] =	stream.linear.scatter [tilespmem:s6], [sflag:$0x1], $0x2, $0x38;
	[tilespmem:$0x1F6F8] =	vst v63  }
0x171: {  	s2 =	sadd.s32 @!p0 $0x108, s2;
	s0 =	sshll.u32 @!p0 s0, $0x7  }
0x172: {  	[spmem:s0] =	stream.linear.scatter @!p0 [tilespmem:s2], [sflag:$0x1], $0x80, $0x38;
	[tilespmem:$0x1F6F8] =	vst v63  }
0x173: {  	s0 =	simm.s32 @!p0 $0x82  }
0x174: {  	s28 =	simm.s32 $0x1;
	s0 =	simm.s32 @p0 $0x2  }
0x175: {  	_ =	swait.ge [sflag:s28], s0  }
0x176: {  	s0 =	ssub.s32 $0x0, s0;
	[sflag:s28] =	ssyncset.done $0x0  }
0x177: {  	p0 =	sne.s32 s16, $0x0;
	[sflag:s28] =	ssyncadd.s32 s0  }
.Ltmp22:
0x178: {  	_ =	sfence.stream.spmem;
	(pc) =	sbr.rel @p0 .LBB3_39-.Ltmp22, $4  }
0x179: {  	s29 =	simm.s32 $0x3;
	[bflag:$0x0] =	sbarrier.arrive $0xFFFF  }
0x17a: {  	s30 =	simm.s32 $0x4;
	[sflag:s29] =	ssyncpa.u1 $0x1  }
0x17b: {  	s31 =	simm.s32 $0x3C;
	[sflag:s30] =	ssyncpa.u1 $0x1  }
0x17c: {  	s15 =	rddreg [dreg:$0x4];
	[sflag:s31] =	ssyncpa.u1 $0x1  }
0x17d: {  	_ =	sfence.stream.spmem;
	s0 =	simm.s32 $0x5  }
0x17e: {  	s2 =	simm.s32 $0x1000;
	s3 =	simm.s32 $0xF218;
	[sflag:s0] =	ssyncpa.u1 $0x0  }
0x17f: {  	[tilespmem:s3], [sflag:$0x5] =	stream.linear.gather [spmem:s2], $0x20, $0x38;
	[tilespmem:$0x1F6F8] =	vst v63  }
0x180: {  	s26 =	simm.s32 $0x0;
	s28 =	simm.s32 $0xF238  }
0x181: {  	[tilespmem:s28], [sflag:$0x5] =	stream.linear.gather [spmem:s26], $0x1000, $0x38;
	[tilespmem:$0x1F6F8] =	vst v63  }
0x182: {  	_ =	swait.ge [sflag:s0], $0x1020  }
0x183: {  	[sflag:s0] =	ssyncset.done $0x0  }
0x184: {  	s29 =	simm.s32 $0x0;
	[sflag:s0] =	ssyncadd.s32 $0xFFFFEFE0  }
0x185: {  	v0 =	vld.msk [tilespmem:s29+$0xF218], $0x1;
	_ =	sdelay $0x1  }
0x186: {  	s30 =	simm.s32 $0x1  }
0x187: {  	v1 =	vld.msk [tilespmem:s30+$0xF218], $0x1;
	_ =	sdelay $0x1  }
0x188: {  	(v2sf) =	vpush v0, $0x0;
	_ =	sdelay $0x2  }
0x189: {  	(v2sf) =	vpush v1, $0x0;
	_ =	sdelay $0x2  }
0x18a: {  	s31 =	simm.s32 $0x2  }
0x18b: {  	v0 =	vld.msk [tilespmem:s31+$0xF218], $0x1;
	_ =	sdelay $0x2  }
0x18c: {  	s4 =	simm.s32 $0xFFFFFFFF;
	s5 =	simm.s32 $0xFFFFFFFF;
	s0 =	simm.s32 $0xC  }
.LBB3_24:
0x18d: {  	s2 =	smov.u32 s5;
	s3 =	smov.u32 s4  }
0x18e: {  	s4 =	sshra.s32 s0, $0x2;
	p1 =	sne.s32 s0, $0x7C;
	s0 =	sadd.s32 $0x4, s0;
	(v2sf) =	vpush v0, $0x0  }
0x18f: {  	v0 =	vld.msk [tilespmem:s4+$0xF218], $0x1  }
.Ltmp23:
0x190: {  	(pc) =	sbr.rel @p1 .LBB3_24-.Ltmp23, $4  }
0x191: {  	s5 =	spop (v2sf)  }
0x192: {  	p2 =	sne.s32 s3, $0xFFFFFFFF;
	s4 =	smov.u32 s5  }
0x193: {  	p3 =	seq.s32 s5, $0xFFFFFFFF;
	s4 =	smov.u32 @p2 s3  }
0x194: {  	s5 =	smov.u32 @p3 s2;
	s4 =	smov.u32 @p3 s3  }
0x195: {  	(v2sf) =	vpush v0, $0x0;
	_ =	sdelay $0x8  }
0x196: {  	s0 =	spop (v2sf)  }
0x197: {  	p1 =	sne.s32 s4, $0xFFFFFFFF;
	s2 =	smov.u32 s0  }
0x198: {  	s9 =	simm.s32 $0x6;
	p2 =	seq.s32 s0, $0xFFFFFFFF;
	s2 =	smov.u32 @p1 s4  }
0x199: {  	s6 =	simm.s32 $0x0;
	s2 =	smov.u32 @p2 s4;
	s3 =	spop (v2sf)  }
0x19a: {  	s0 =	smov.u32 @p2 s5;
	p1 =	sne.s32 s2, $0xFFFFFFFF;
	s4 =	smov.u32 s3  }
.Ltmp24:
0x19b: {  	p2 =	seq.s32 s3, $0xFFFFFFFF;
	s4 =	smov.u32 @p1 s2;
	(pc) =	sbr.rel .LBB3_26-.Ltmp24, $4  }
0x19c: {  	s10 =	simm.s32 $0xF188;
	s4 =	smov.u32 @p2 s2;
	s7 =	spop (v2sf)  }
0x19d: {  	s11 =	simm.s32 $0x0;
	p1 =	sne.s32 s4, $0xFFFFFFFF;
	s8 =	smov.u32 s7  }
0x19e: {  	s3 =	smov.u32 @p2 s0;
	p2 =	seq.s32 s7, $0xFFFFFFFF;
	s8 =	smov.u32 @p1 s4  }
0x19f: {  	[sflag:s9] =	ssyncpa.u1 $0x0;
	s7 =	smov.u32 @p2 s3;
	s8 =	smov.u32 @p2 s4  }
.LBB3_32:
0x1a0: {  	p1 =	sgt.u32 s12, $0x1FFFF0  }
0x1a1: {  	p2 =	seq.s32 @!p1 s12, s8  }
0x1a2: {  	p1 =	por p1, p2  }
0x1a3: {  	p2 =	sne.s32 @!p1 s12, s7  }
0x1a4: {  	p1 =	por p1, !p2  }
0x1a5: {  	s0 =	sshll.u32 @p1 s11, $0x9  }
0x1a6: {  	s0 =	sand.u32 @!p1 $0x1FFFF8, s12  }
0x1a7: {  	s2 =	sand.u32 @!p1 $0x7, s12;
	s0 =	sadd.s32 @!p1 s1, s0  }
0x1a8: {  	[tilespmem:s10], [sflag:$0x6] =	stream.linear.gather @!p1 [hbm4b:s0+s2], $0x80, $0x38;
	[tilespmem:$0x1F6F8] =	vst v63  }
0x1a9: {  	_ =	swait.ge @!p1 [sflag:s9], $0x80  }
0x1aa: {  	[sflag:s9] =	ssyncset.done @!p1 $0x0  }
0x1ab: {  	[sflag:s9] =	ssyncadd.s32 @!p1 $0xFFFFFF80  }
0x1ac: {  	v1 =	vld @!p1 [tilespmem:$0xF188];
	_ =	sdelay $0x2  }
0x1ad: {  	s0 =	sshll.u32 @!p1 s11, $0x9  }
0x1ae: {  	s2 =	sshrl.u32 @!p1 s0, $0x2  }
0x1af: {  	[tilespmem:s2+$0xF238] =	vst.add.f32.msk @!p1 $0xffff, v1  }
0x1b0: {  	v1 =	vld @!p1 [tilespmem:$0xF198];
	_ =	sdelay $0x4  }
0x1b1: {  	[tilespmem:s2+$0xF248] =	vst.add.f32.msk @!p1 $0xffff, v1  }
0x1b2: {  	v1 =	vld @!p1 [tilespmem:$0xF1A8];
	_ =	sdelay $0x4  }
0x1b3: {  	[tilespmem:s2+$0xF258] =	vst.add.f32.msk @!p1 $0xffff, v1  }
0x1b4: {  	v1 =	vld @!p1 [tilespmem:$0xF1B8];
	_ =	sdelay $0x4  }
0x1b5: {  	[tilespmem:s2+$0xF268] =	vst.add.f32.msk @!p1 $0xffff, v1  }
0x1b6: {  	v1 =	vld @!p1 [tilespmem:$0xF1C8];
	_ =	sdelay $0x4  }
0x1b7: {  	[tilespmem:s2+$0xF278] =	vst.add.f32.msk @!p1 $0xffff, v1  }
0x1b8: {  	v1 =	vld @!p1 [tilespmem:$0xF1D8];
	_ =	sdelay $0x4  }
0x1b9: {  	[tilespmem:s2+$0xF288] =	vst.add.f32.msk @!p1 $0xffff, v1  }
0x1ba: {  	v1 =	vld @!p1 [tilespmem:$0xF1E8];
	_ =	sdelay $0x4  }
0x1bb: {  	[tilespmem:s2+$0xF298] =	vst.add.f32.msk @!p1 $0xffff, v1  }
0x1bc: {  	v1 =	vld @!p1 [tilespmem:$0xF1F8];
	_ =	sdelay $0x4  }
0x1bd: {  	[tilespmem:s2+$0xF2A8] =	vst.add.f32.msk @!p1 $0xffff, v1  }
0x1be: {  	s0 =	sshrl.u32 s0, $0x2;
	[tilespmem:s6+$0xF218] =	vst.msk $0x1, v0  }
0x1bf: {  	v0 =	vld [tilespmem:s0+$0xF238];
	_ =	sdelay $0x2  }
0x1c0: {  	s31 =	sshll.u32 s6, $0x9  }
0x1c1: {  	s2 =	sshra.s32 s31, $0x2  }
0x1c2: {  	[tilespmem:s2+$0xF238] =	vst v0  }
0x1c3: {  	v0 =	vld [tilespmem:s0+$0xF248];
	_ =	sdelay $0x4  }
0x1c4: {  	[tilespmem:s2+$0xF248] =	vst v0  }
0x1c5: {  	v0 =	vld [tilespmem:s0+$0xF258];
	_ =	sdelay $0x4  }
0x1c6: {  	[tilespmem:s2+$0xF258] =	vst v0  }
0x1c7: {  	v0 =	vld [tilespmem:s0+$0xF268];
	_ =	sdelay $0x4  }
0x1c8: {  	[tilespmem:s2+$0xF268] =	vst v0  }
0x1c9: {  	v0 =	vld [tilespmem:s0+$0xF278];
	_ =	sdelay $0x4  }
0x1ca: {  	[tilespmem:s2+$0xF278] =	vst v0  }
0x1cb: {  	v0 =	vld [tilespmem:s0+$0xF288];
	_ =	sdelay $0x4  }
0x1cc: {  	[tilespmem:s2+$0xF288] =	vst v0  }
0x1cd: {  	v0 =	vld [tilespmem:s0+$0xF298];
	_ =	sdelay $0x4  }
0x1ce: {  	[tilespmem:s2+$0xF298] =	vst v0  }
0x1cf: {  	v0 =	vld [tilespmem:s0+$0xF2A8];
	_ =	sdelay $0x4  }
0x1d0: {  	s6 =	sadd.s32 $0x1, s6;
	[tilespmem:s2+$0xF2A8] =	vst v0  }
.LBB3_33:
0x1d1: {  	s11 =	sadd.s32 $0x1, s11  }
0x1d2: {  	p1 =	sne.s32 s11, $0x20  }
.Ltmp25:
0x1d3: {  	_ = 	snop;
	(pc) =	sbr.rel @!p1 .LBB3_34-.Ltmp25, $1  }
0x1d4: {  	_ =	sdelay $0x3  }
.LBB3_26:
0x1d5: {  	v0 =	vld.msk [tilespmem:s11+$0xF218], $0x1;
	_ =	sdelay $0x4  }
0x1d6: {  	(v2sf) =	vpush v0, $0x0;
	_ =	sdelay $0xe  }
0x1d7: {  	s12 =	spop (v2sf)  }
0x1d8: {  	p1 =	seq.s32 s12, $0xFFFFFFFF  }
.Ltmp26:
0x1d9: {  	_ = 	snop;
	(pc) =	sbr.rel @p1 .LBB3_33-.Ltmp26, $1  }
0x1da: {  	_ =	sdelay $0x3  }
0x1db: {  	p1 =	slt.s32 s6, $0x1  }
.Ltmp27:
0x1dc: {  	_ = 	snop;
	(pc) =	sbr.rel @p1 .LBB3_32-.Ltmp27, $1  }
0x1dd: {  	_ =	sdelay $0x3  }
0x1de: {  	s13 =	simm.s32 $0xF218;
	p1 =	por $0x0, $0x0  }
0x1df: {  	v1 =	vld.msk @!p1 [tilespmem:s13+$0x0], $0x1;
	_ =	sdelay $0x4  }
0x1e0: {  	(v2sf) =	vpush @!p1 v1, $0x0;
	_ =	sdelay $0xd  }
0x1e1: {  	p3 =	sne.s32 s6, $0x1  }
.Ltmp28:
0x1e2: {  	s0 =	spop @!p1 (v2sf);
	(pc) =	sbr.rel @!p3 .LBB3_30-.Ltmp28, $4  }
0x1e3: {  	p2 =	seq.s32 @!p1 s12, s0  }
0x1e4: {  	s14 =	simm.s32 $0x0;
	p2 =	por !p2, p1  }
0x1e5: {  	s2 =	simm.s32 $0xFFFFFFFF;
	s14 =	simm.s32 @p2 $0xFFFFFFFF  }
0x1e6: {  	s0 =	simm.s32 $0x1;
	s14 =	smov.u32 @p1 s2  }
.LBB3_29:
0x1e7: {  	s2 =	smov.u32 s14;
	p1 =	sne.s32 s14, $0xFFFFFFFF  }
0x1e8: {  	s13 =	sadd.s32 $0x1, s13;
	s14 =	smov.u32 s0;
	s0 =	sadd.s32 $0x1, s0  }
0x1e9: {  	p2 =	sne.s32 s6, s0;
	v1 =	vld.msk @!p1 [tilespmem:s13+$0x0], $0x1;
	_ =	sdelay $0x4  }
0x1ea: {  	(v2sf) =	vpush @!p1 v1, $0x0;
	_ =	sdelay $0xe  }
.Ltmp29:
0x1eb: {  	s3 =	spop @!p1 (v2sf);
	(pc) =	sbr.rel @p2 .LBB3_29-.Ltmp29, $4  }
0x1ec: {  	p3 =	seq.s32 @!p1 s12, s3  }
0x1ed: {  	p3 =	por !p3, p1  }
0x1ee: {  	s14 =	simm.s32 @p3 $0xFFFFFFFF  }
0x1ef: {  	s14 =	smov.u32 @p1 s2  }
.LBB3_30:
0x1f0: {  	p1 =	seq.s32 s14, $0xFFFFFFFF  }
.Ltmp30:
0x1f1: {  	_ = 	snop;
	(pc) =	sbr.rel @p1 .LBB3_32-.Ltmp30, $1  }
0x1f2: {  	_ =	sdelay $0x3  }
0x1f3: {  	s0 =	sshll.u32 s11, $0x7  }
0x1f4: {  	s0 =	sand.u32 $0x3FFFFF80, s0  }
0x1f5: {  	v0 =	vld [tilespmem:s0+$0xF238];
	_ =	sdelay $0x2  }
0x1f6: {  	s2 =	sshll.u32 s14, $0x9  }
0x1f7: {  	s2 =	sshra.s32 s2, $0x2  }
0x1f8: {  	[tilespmem:s2+$0xF238] =	vst.add.f32.msk $0xffff, v0  }
0x1f9: {  	v0 =	vld [tilespmem:s0+$0xF248];
	_ =	sdelay $0x4  }
0x1fa: {  	[tilespmem:s2+$0xF248] =	vst.add.f32.msk $0xffff, v0  }
0x1fb: {  	v0 =	vld [tilespmem:s0+$0xF258];
	_ =	sdelay $0x4  }
0x1fc: {  	[tilespmem:s2+$0xF258] =	vst.add.f32.msk $0xffff, v0  }
0x1fd: {  	v0 =	vld [tilespmem:s0+$0xF268];
	_ =	sdelay $0x4  }
0x1fe: {  	[tilespmem:s2+$0xF268] =	vst.add.f32.msk $0xffff, v0  }
0x1ff: {  	v0 =	vld [tilespmem:s0+$0xF278];
	_ =	sdelay $0x4  }
0x200: {  	[tilespmem:s2+$0xF278] =	vst.add.f32.msk $0xffff, v0  }
0x201: {  	v0 =	vld [tilespmem:s0+$0xF288];
	_ =	sdelay $0x4  }
0x202: {  	[tilespmem:s2+$0xF288] =	vst.add.f32.msk $0xffff, v0  }
0x203: {  	v0 =	vld [tilespmem:s0+$0xF298];
	_ =	sdelay $0x4  }
0x204: {  	[tilespmem:s2+$0xF298] =	vst.add.f32.msk $0xffff, v0  }
0x205: {  	v0 =	vld [tilespmem:s0+$0xF2A8]  }
.Ltmp31:
0x206: {  	_ = 	snop;
	(pc) =	sbr.rel .LBB3_33-.Ltmp31, $2  }
0x207: {  	_ =	sdelay $0x2  }
0x208: {  	[tilespmem:s2+$0xF2A8] =	vst.add.f32.msk $0xffff, v0  }
.LBB3_34:
0x209: {  	s0 =	simm.s32 $0x6;
	p1 =	seq.s32 s6, $0x0  }
0x20a: {  	[sflag:s0] =	ssyncpa.u1 $0x1;
	v0 =	vimm.s32 @p1 $0xFFFFFFFF  }
0x20b: {  	s9 =	sadd.s32 $0xFFFFFFFF, s6;
	[tilespmem:$0x10238] =	vst @p1 v0  }
0x20c: {  	v0 =	vld.msk @!p1 [tilespmem:s9+$0xF218], $0x1;
	_ =	sdelay $0x1  }
0x20d: {  	v1 =	vld.msk @!p1 [tilespmem:$0xF218], $0x1;
	_ =	sdelay $0x2  }
0x20e: {  	p2 =	seq.s32 @!p1 s9, $0x0;
	v0 =	vbroadcast @!p1 v0, $0x0  }
0x20f: {  	vm0 =	vmmov @!p1 $0x1;
	p2 =	por !p2, p1  }
0x210: {  	v1 =	vnsel @!p1 vm0, $0xFFFFFFFF, v1;
	vm0 =	vcmask @!p1 $0x308;
	v0 =	vpsel !p2, $0xFFFFFFFF, v0  }
0x211: {  	p2 =	sne.s32 @!p1 s8, s7;
	v0 =	vsel @!p1 vm0, v1, v0  }
0x212: {  	s0 =	simm.s32 @!p1 $0xF238;
	s2 =	simm.s32 @!p1 $0x0;
	p3 =	por !p2, p1;
	[tilespmem:$0x10238] =	vst @!p1 v0  }
0x213: {  	[spmem:s2] =	stream.linear.scatter @!p1 [tilespmem:s0], [sflag:$0x1], $0x80, $0x38;
	[tilespmem:$0x1F6F8] =	vst v63  }
0x214: {  	s0 =	sshll.u32 @!p3 s9, $0x9  }
0x215: {  	s0 =	sshra.s32 @!p3 s0, $0x2  }
0x216: {  	s2 =	simm.s32 @!p3 $0x80;
	s0 =	sadd.s32 @!p3 $0xF238, s0  }
0x217: {  	[spmem:s2] =	stream.linear.scatter @!p3 [tilespmem:s0], [sflag:$0x1], $0x80, $0x38;
	[tilespmem:$0x1F6F8] =	vst v63  }
0x218: {  	s0 =	simm.s32 @!p3 $0x1  }
0x219: {  	_ =	swait.ge @!p3 [sflag:s0], $0x100  }
0x21a: {  	p1 =	por p2, p1;
	[sflag:s0] =	ssyncset.done @!p3 $0x0  }
0x21b: {  	[sflag:s0] =	ssyncadd.s32 @!p3 $0xFFFFFF00;
	s0 =	simm.s32 @!p1 $0x1  }
0x21c: {  	_ =	swait.ge @!p1 [sflag:s0], $0x80  }
0x21d: {  	s29 =	simm.s32 $0x10238;
	[sflag:s0] =	ssyncset.done @!p1 $0x0  }
0x21e: {  	s30 =	simm.s32 $0x1000;
	s31 =	simm.s32 $0x1;
	[sflag:s0] =	ssyncadd.s32 @!p1 $0xFFFFFF80  }
0x21f: {  	[spmem:s30] =	stream.linear.scatter [tilespmem:s29], [sflag:$0x1], $0x10, $0x38;
	[tilespmem:$0x1F6F8] =	vst v63  }
0x220: {  	_ =	swait.ge [sflag:s31], $0x10  }
0x221: {  	[sflag:s31] =	ssyncset.done $0x0  }
0x222: {  	p1 =	seq.s32 s15, $0x0;
	s8 =	rddreg [dreg:$0x1];
	[sflag:s31] =	ssyncadd.s32 $0xFFFFFFF0  }
0x223: {  	s2 =	sshll.u32 @p1 s8, $0xE;
	s7 =	rddreg [dreg:$0x2]  }
0x224: {  	s0 =	sadd.s32 @p1 $0x15C3C, s2;
	s2 =	sshll.u32 @p1 s7, $0x11  }
0x225: {  	_ =	sfence.stream.spmem;
	s0 =	sor.u32 @p1 s2, s0  }
0x226: {  	[sflag:s0] =	ssyncadd.remote.s32 @p1 $0x1;
	s0 =	simm.s32 @p1 $0x4  }
0x227: {  	s3 =	simm.s32 @!p1 $0x3C;
	s2 =	sand.u32 $0xFFFFFFFE, s8;
	_ =	swait.ge @p1 [sflag:s0], $0x22  }
0x228: {  	s4 =	simm.s32 @!p1 $0x0;
	s2 =	sadd.s32 @!p1 $0x4, s2;
	[sflag:s0] =	ssyncset.done @p1 $0x0  }
0x229: {  	s5 =	simm.s32 @!p1 $0x100;
	[sflag:s0] =	ssyncadd.s32 @p1 $0xFFFFFFDE;
	s0 =	sshll.u32 @!p1 s2, $0x1A  }
0x22a: {  	s2 =	sshll.u32 @!p1 s2, $0xD;
	s0 =	sor.u32 @!p1 s0, s7;
	_ =	swait.eq @!p1 [sflag:s3], $0x1  }
0x22b: {  	s2 =	sor.u32 @!p1 $0x1C04, s2;
	s3 =	simm.s32 @!p1 $0x1C03;
	s0 =	sor.u32 @!p1 $0x80004000, s0  }
0x22c: {  	[spmem:s5], [sflag:s2] =	dma.general @!p1 [spmem:s4], [sflag:s3], length:$0x20, [dreg:$0x0], stride_count:$0x0, ici_dest:s0, dma_misc:DstOpCode:WRITE  }
0x22d: {  	p2 =	slt.s32 s9, $0x2;
	s4 =	simm.s32 @!p1 $0x200;
	s5 =	simm.s32 @!p1 $0x202  }
0x22e: {  	[spmem:s5], [sflag:s2] =	dma.general @!p1 [spmem:s4], [sflag:s3], length:$0x2, [dreg:$0x0], stride_count:$0x0, ici_dest:s0, dma_misc:DstOpCode:WRITE  }
.Ltmp32:
0x22f: {  	s0 =	simm.s32 @!p1 $0x3;
	(pc) =	sbr.rel @p2 .LBB3_38-.Ltmp32, $4  }
0x230: {  	s2 =	sshll.u32 @!p1 s8, $0xE;
	_ =	swait.ge @!p1 [sflag:s0], $0x22  }
0x231: {  	s3 =	sshll.u32 @!p1 s7, $0x11;
	s2 =	sadd.s32 @!p1 $0x11C3C, s2;
	[sflag:s0] =	ssyncset.done @!p1 $0x0  }
0x232: {  	[sflag:s0] =	ssyncadd.s32 @!p1 $0xFFFFFFDE;
	s0 =	sor.u32 @!p1 s3, s2  }
0x233: {  	[sflag:s0] =	ssyncadd.remote.s32 @!p1 $0xFFFFFFFF;
	s0 =	simm.s32 $0x0  }
0x234: {  	s0 =	simm.s32 $0xF219  }
0x235: {  	v0 =	vld.msk [tilespmem:s0+$0x0], $0x1;
	_ =	sdelay $0x4  }
0x236: {  	(v2sf) =	vpush v0, $0x0;
	_ =	sdelay $0xb  }
0x237: {  	s31 =	sadd.s32 $0xFFFFFFFE, s6  }
0x238: {  	s0 =	sadd.s32 $0xFFFFFFFF, s31  }
0x239: {  	p2 =	sne.s32 s0, $0x0  }
.Ltmp33:
0x23a: {  	s2 =	spop (v2sf);
	(pc) =	sbr.rel @!p2 .LBB3_37-.Ltmp33, $4  }
0x23b: {  	s4 =	simm.s32 $0xF2B8;
	s7 =	simm.s32 $0x0;
	p1 =	sgt.u32 s2, $0x1FFFF0  }
0x23c: {  	s5 =	simm.s32 $0x0;
	s6 =	simm.s32 $0xF21A;
	s3 =	sand.u32 @!p1 $0x1FFFF8, s2  }
0x23d: {  	s2 =	sand.u32 @!p1 $0x7, s2;
	s7 =	simm.s32 @!p1 $0x200;
	s3 =	sadd.s32 @!p1 s1, s3  }
0x23e: {  	[hbm4b:s3+s2] =	stream.linear.scatter @!p1 [tilespmem:s4], [sflag:$0x5], $0x80, $0x38;
	[tilespmem:$0x1F6F8] =	vst v63  }
.LBB3_36:
0x23f: {  	v0 =	vld.msk [tilespmem:s6+$0x0], $0x1;
	s0 =	sadd.s32 $0xFFFFFFFF, s0;
	s5 =	sadd.s32 s5, s7  }
0x240: {  	p1 =	sne.s32 s0, $0x0;
	_ =	sdelay $0x3  }
0x241: {  	(v2sf) =	vpush v0, $0x0;
	_ =	sdelay $0xe  }
.Ltmp34:
0x242: {  	s2 =	spop (v2sf);
	(pc) =	sbr.rel @p1 .LBB3_36-.Ltmp34, $4  }
0x243: {  	s7 =	simm.s32 $0x0;
	p2 =	sgt.u32 s2, $0x1FFFF0  }
0x244: {  	s4 =	sadd.s32 $0x80, s4;
	s7 =	simm.s32 @!p2 $0x200;
	s3 =	sand.u32 @!p2 $0x1FFFF8, s2  }
0x245: {  	s6 =	sadd.s32 $0x1, s6;
	s2 =	sand.u32 @!p2 $0x7, s2;
	s3 =	sadd.s32 @!p2 s1, s3  }
0x246: {  	[hbm4b:s3+s2] =	stream.linear.scatter @!p2 [tilespmem:s4], [sflag:$0x5], $0x80, $0x38;
	[tilespmem:$0x1F6F8] =	vst v63  }
.LBB3_37:
0x247: {  	s0 =	sadd.s32 s5, s7  }
0x248: {  	s0 =	sshrl.u32 s0, $0x2  }
.LBB3_38:
0x249: {  	s2 =	simm.s32 $0x5  }
0x24a: {  	_ =	swait.ge [sflag:s2], s0  }
0x24b: {  	s31 =	ssub.s32 $0x0, s0;
	[sflag:s2] =	ssyncset.done $0x0  }
0x24c: {  	[sflag:s2] =	ssyncadd.s32 s31  }
0x24d: {  	[sflag:s2] =	ssyncpa.u1 $0x1  }
.LBB3_39:
0x24e: {  	s0 =	sor.u32 s15, s16  }
0x24f: {  	p1 =	sne.s32 s0, $0x0  }
.Ltmp35:
0x250: {  	_ = 	snop;
	(pc) =	sbr.rel @p1 .LBB3_54-.Ltmp35, $3  }
0x251: {  	_ =	sdelay $0x1  }
0x252: {  	[bflag:$0x0] =	sbarrier.arrive $0xFFFF  }
0x253: {  	_ =	sfence  }
0x254: {  	s0 =	simm.s32 $0x7  }
0x255: {  	s2 =	simm.s32 $0x1000;
	s3 =	simm.s32 $0xF218;
	[sflag:s0] =	ssyncpa.u1 $0x0  }
0x256: {  	[tilespmem:s3], [sflag:$0x7] =	stream.linear.gather [spmem:s2], $0x20, $0x38;
	[tilespmem:$0x1F6F8] =	vst v63  }
0x257: {  	s30 =	simm.s32 $0xF238;
	s2 =	simm.s32 $0x0  }
0x258: {  	[tilespmem:s30], [sflag:$0x7] =	stream.linear.gather [spmem:s2], $0x1000, $0x38;
	[tilespmem:$0x1F6F8] =	vst v63  }
.Ltmp36:
0x259: {  	_ = 	snop;
	(pc) =	sbr.rel .LBB3_41-.Ltmp36, $4  }
0x25a: {  	_ =	swait.ge [sflag:s0], $0x1020  }
0x25b: {  	[sflag:s0] =	ssyncset.done $0x0  }
0x25c: {  	s31 =	simm.s32 $0x8;
	[sflag:s0] =	ssyncadd.s32 $0xFFFFEFE0  }
0x25d: {  	s3 =	simm.s32 $0x0;
	[sflag:s31] =	ssyncpa.u1 $0x0  }
.LBB3_47:
0x25e: {  	p1 =	slt.u32 s4, $0x1FFFF1  }
0x25f: {  	s0 =	sand.u32 @p1 $0x1FFFF8, s4  }
0x260: {  	s4 =	sand.u32 @p1 $0x7, s4;
	s5 =	simm.s32 @p1 $0xF188;
	s0 =	sadd.s32 @p1 s1, s0  }
0x261: {  	[tilespmem:s5], [sflag:$0x8] =	stream.linear.gather @p1 [hbm4b:s0+s4], $0x80, $0x38;
	[tilespmem:$0x1F6F8] =	vst v63  }
0x262: {  	s0 =	simm.s32 @p1 $0x8  }
0x263: {  	_ =	swait.ge @p1 [sflag:s0], $0x80  }
0x264: {  	[sflag:s0] =	ssyncset.done @p1 $0x0  }
0x265: {  	[sflag:s0] =	ssyncadd.s32 @p1 $0xFFFFFF80  }
0x266: {  	v1 =	vld @p1 [tilespmem:$0xF188];
	_ =	sdelay $0x2  }
0x267: {  	s0 =	sshll.u32 @p1 s3, $0x9  }
0x268: {  	s4 =	sshrl.u32 @p1 s0, $0x2  }
0x269: {  	[tilespmem:s4+$0xF238] =	vst.add.f32.msk @p1 $0xffff, v1  }
0x26a: {  	v1 =	vld @p1 [tilespmem:$0xF198];
	_ =	sdelay $0x4  }
0x26b: {  	[tilespmem:s4+$0xF248] =	vst.add.f32.msk @p1 $0xffff, v1  }
0x26c: {  	v1 =	vld @p1 [tilespmem:$0xF1A8];
	_ =	sdelay $0x4  }
0x26d: {  	[tilespmem:s4+$0xF258] =	vst.add.f32.msk @p1 $0xffff, v1  }
0x26e: {  	v1 =	vld @p1 [tilespmem:$0xF1B8];
	_ =	sdelay $0x4  }
0x26f: {  	[tilespmem:s4+$0xF268] =	vst.add.f32.msk @p1 $0xffff, v1  }
0x270: {  	v1 =	vld @p1 [tilespmem:$0xF1C8];
	_ =	sdelay $0x4  }
0x271: {  	[tilespmem:s4+$0xF278] =	vst.add.f32.msk @p1 $0xffff, v1  }
0x272: {  	v1 =	vld @p1 [tilespmem:$0xF1D8];
	_ =	sdelay $0x4  }
0x273: {  	[tilespmem:s4+$0xF288] =	vst.add.f32.msk @p1 $0xffff, v1  }
0x274: {  	v1 =	vld @p1 [tilespmem:$0xF1E8];
	_ =	sdelay $0x4  }
0x275: {  	[tilespmem:s4+$0xF298] =	vst.add.f32.msk @p1 $0xffff, v1  }
0x276: {  	v1 =	vld @p1 [tilespmem:$0xF1F8];
	_ =	sdelay $0x3  }
0x277: {  	s5 =	sshll.u32 @!p1 s3, $0x9  }
0x278: {  	s5 =	smov.u32 @p1 s0;
	[tilespmem:s4+$0xF2A8] =	vst.add.f32.msk @p1 $0xffff, v1  }
0x279: {  	s0 =	sshrl.u32 s5, $0x2;
	[tilespmem:s2+$0xF218] =	vst.msk $0x1, v0  }
0x27a: {  	v0 =	vld [tilespmem:s0+$0xF238];
	_ =	sdelay $0x2  }
0x27b: {  	s31 =	sshll.u32 s2, $0x9  }
0x27c: {  	s4 =	sshra.s32 s31, $0x2  }
0x27d: {  	[tilespmem:s4+$0xF238] =	vst v0  }
0x27e: {  	v0 =	vld [tilespmem:s0+$0xF248];
	_ =	sdelay $0x4  }
0x27f: {  	[tilespmem:s4+$0xF248] =	vst v0  }
0x280: {  	v0 =	vld [tilespmem:s0+$0xF258];
	_ =	sdelay $0x4  }
0x281: {  	[tilespmem:s4+$0xF258] =	vst v0  }
0x282: {  	v0 =	vld [tilespmem:s0+$0xF268];
	_ =	sdelay $0x4  }
0x283: {  	[tilespmem:s4+$0xF268] =	vst v0  }
0x284: {  	v0 =	vld [tilespmem:s0+$0xF278];
	_ =	sdelay $0x4  }
0x285: {  	[tilespmem:s4+$0xF278] =	vst v0  }
0x286: {  	v0 =	vld [tilespmem:s0+$0xF288];
	_ =	sdelay $0x4  }
0x287: {  	[tilespmem:s4+$0xF288] =	vst v0  }
0x288: {  	v0 =	vld [tilespmem:s0+$0xF298];
	_ =	sdelay $0x4  }
0x289: {  	[tilespmem:s4+$0xF298] =	vst v0  }
0x28a: {  	v0 =	vld [tilespmem:s0+$0xF2A8];
	_ =	sdelay $0x4  }
0x28b: {  	s2 =	sadd.s32 $0x1, s2;
	[tilespmem:s4+$0xF2A8] =	vst v0  }
.LBB3_48:
0x28c: {  	s3 =	sadd.s32 $0x1, s3  }
0x28d: {  	p1 =	sne.s32 s3, $0x20  }
.Ltmp37:
0x28e: {  	_ = 	snop;
	(pc) =	sbr.rel @!p1 .LBB3_49-.Ltmp37, $1  }
0x28f: {  	_ =	sdelay $0x3  }
.LBB3_41:
0x290: {  	v0 =	vld.msk [tilespmem:s3+$0xF218], $0x1;
	_ =	sdelay $0x4  }
0x291: {  	(v2sf) =	vpush v0, $0x0;
	_ =	sdelay $0xe  }
0x292: {  	s4 =	spop (v2sf)  }
0x293: {  	p1 =	seq.s32 s4, $0xFFFFFFFF  }
.Ltmp38:
0x294: {  	_ = 	snop;
	(pc) =	sbr.rel @p1 .LBB3_48-.Ltmp38, $1  }
0x295: {  	_ =	sdelay $0x3  }
0x296: {  	p1 =	slt.s32 s2, $0x1  }
.Ltmp39:
0x297: {  	_ = 	snop;
	(pc) =	sbr.rel @p1 .LBB3_47-.Ltmp39, $1  }
0x298: {  	_ =	sdelay $0x3  }
0x299: {  	s5 =	simm.s32 $0xF218;
	p1 =	por $0x0, $0x0  }
0x29a: {  	v1 =	vld.msk @!p1 [tilespmem:s5+$0x0], $0x1;
	_ =	sdelay $0x4  }
0x29b: {  	(v2sf) =	vpush @!p1 v1, $0x0;
	_ =	sdelay $0xd  }
0x29c: {  	p3 =	sne.s32 s2, $0x1  }
.Ltmp40:
0x29d: {  	s0 =	spop @!p1 (v2sf);
	(pc) =	sbr.rel @!p3 .LBB3_45-.Ltmp40, $4  }
0x29e: {  	p2 =	seq.s32 @!p1 s4, s0  }
0x29f: {  	s6 =	simm.s32 $0x0;
	p2 =	por !p2, p1  }
0x2a0: {  	s7 =	simm.s32 $0xFFFFFFFF;
	s6 =	simm.s32 @p2 $0xFFFFFFFF  }
0x2a1: {  	s0 =	simm.s32 $0x1;
	s6 =	smov.u32 @p1 s7  }
.LBB3_44:
0x2a2: {  	s7 =	smov.u32 s6;
	p1 =	sne.s32 s6, $0xFFFFFFFF  }
0x2a3: {  	s5 =	sadd.s32 $0x1, s5;
	s6 =	smov.u32 s0;
	s0 =	sadd.s32 $0x1, s0  }
0x2a4: {  	p2 =	sne.s32 s2, s0;
	v1 =	vld.msk @!p1 [tilespmem:s5+$0x0], $0x1;
	_ =	sdelay $0x4  }
0x2a5: {  	(v2sf) =	vpush @!p1 v1, $0x0;
	_ =	sdelay $0xe  }
.Ltmp41:
0x2a6: {  	s8 =	spop @!p1 (v2sf);
	(pc) =	sbr.rel @p2 .LBB3_44-.Ltmp41, $4  }
0x2a7: {  	p3 =	seq.s32 @!p1 s4, s8  }
0x2a8: {  	p3 =	por !p3, p1  }
0x2a9: {  	s6 =	simm.s32 @p3 $0xFFFFFFFF  }
0x2aa: {  	s6 =	smov.u32 @p1 s7  }
.LBB3_45:
0x2ab: {  	p1 =	seq.s32 s6, $0xFFFFFFFF  }
.Ltmp42:
0x2ac: {  	_ = 	snop;
	(pc) =	sbr.rel @p1 .LBB3_47-.Ltmp42, $1  }
0x2ad: {  	_ =	sdelay $0x3  }
0x2ae: {  	s0 =	sshll.u32 s3, $0x7  }
0x2af: {  	s0 =	sand.u32 $0x3FFFFF80, s0  }
0x2b0: {  	v0 =	vld [tilespmem:s0+$0xF238];
	_ =	sdelay $0x2  }
0x2b1: {  	s4 =	sshll.u32 s6, $0x9  }
0x2b2: {  	s4 =	sshra.s32 s4, $0x2  }
0x2b3: {  	[tilespmem:s4+$0xF238] =	vst.add.f32.msk $0xffff, v0  }
0x2b4: {  	v0 =	vld [tilespmem:s0+$0xF248];
	_ =	sdelay $0x4  }
0x2b5: {  	[tilespmem:s4+$0xF248] =	vst.add.f32.msk $0xffff, v0  }
0x2b6: {  	v0 =	vld [tilespmem:s0+$0xF258];
	_ =	sdelay $0x4  }
0x2b7: {  	[tilespmem:s4+$0xF258] =	vst.add.f32.msk $0xffff, v0  }
0x2b8: {  	v0 =	vld [tilespmem:s0+$0xF268];
	_ =	sdelay $0x4  }
0x2b9: {  	[tilespmem:s4+$0xF268] =	vst.add.f32.msk $0xffff, v0  }
0x2ba: {  	v0 =	vld [tilespmem:s0+$0xF278];
	_ =	sdelay $0x4  }
0x2bb: {  	[tilespmem:s4+$0xF278] =	vst.add.f32.msk $0xffff, v0  }
0x2bc: {  	v0 =	vld [tilespmem:s0+$0xF288];
	_ =	sdelay $0x4  }
0x2bd: {  	[tilespmem:s4+$0xF288] =	vst.add.f32.msk $0xffff, v0  }
0x2be: {  	v0 =	vld [tilespmem:s0+$0xF298];
	_ =	sdelay $0x4  }
0x2bf: {  	[tilespmem:s4+$0xF298] =	vst.add.f32.msk $0xffff, v0  }
0x2c0: {  	v0 =	vld [tilespmem:s0+$0xF2A8]  }
.Ltmp43:
0x2c1: {  	_ = 	snop;
	(pc) =	sbr.rel .LBB3_48-.Ltmp43, $2  }
0x2c2: {  	_ =	sdelay $0x2  }
0x2c3: {  	[tilespmem:s4+$0xF2A8] =	vst.add.f32.msk $0xffff, v0  }
.LBB3_49:
0x2c4: {  	p1 =	slt.s32 s2, $0x1  }
.Ltmp44:
0x2c5: {  	_ = 	snop;
	(pc) =	sbr.rel @p1 .LBB3_53-.Ltmp44, $3  }
0x2c6: {  	_ =	sdelay $0x1  }
0x2c7: {  	s0 =	simm.s32 $0x8  }
0x2c8: {  	s3 =	simm.s32 $0x0;
	[sflag:s0] =	ssyncpa.u1 $0x1  }
0x2c9: {  	s0 =	simm.s32 $0xF218  }
0x2ca: {  	v0 =	vld.msk [tilespmem:s0+$0x0], $0x1;
	_ =	sdelay $0x4  }
0x2cb: {  	(v2sf) =	vpush v0, $0x0;
	_ =	sdelay $0xe  }
0x2cc: {  	s0 =	sadd.s32 $0xFFFFFFFF, s2;
	s5 =	spop (v2sf)  }
0x2cd: {  	p2 =	sne.s32 s0, $0x0;
	p1 =	sgt.u32 s5, $0x1FFFF0  }
.Ltmp45:
0x2ce: {  	s6 =	sand.u32 @!p1 $0x1FFFF8, s5;
	(pc) =	sbr.rel @!p2 .LBB3_52-.Ltmp45, $4  }
0x2cf: {  	s4 =	simm.s32 $0xF238;
	s5 =	sand.u32 @!p1 $0x7, s5;
	s2 =	sadd.s32 @!p1 s1, s6  }
0x2d0: {  	[hbm4b:s2+s5] =	stream.linear.scatter @!p1 [tilespmem:s4], [sflag:$0x7], $0x80, $0x38;
	[tilespmem:$0x1F6F8] =	vst v63  }
0x2d1: {  	s5 =	simm.s32 $0x0  }
0x2d2: {  	s2 =	simm.s32 $0xF219;
	s5 =	simm.s32 @!p1 $0x200  }
.LBB3_51:
0x2d3: {  	v0 =	vld.msk [tilespmem:s2+$0x0], $0x1;
	s0 =	sadd.s32 $0xFFFFFFFF, s0;
	s3 =	sadd.s32 s3, s5  }
0x2d4: {  	p1 =	sne.s32 s0, $0x0;
	_ =	sdelay $0x3  }
0x2d5: {  	(v2sf) =	vpush v0, $0x0;
	_ =	sdelay $0xe  }
.Ltmp46:
0x2d6: {  	s6 =	spop (v2sf);
	(pc) =	sbr.rel @p1 .LBB3_51-.Ltmp46, $4  }
0x2d7: {  	s5 =	simm.s32 $0x0;
	p2 =	sgt.u32 s6, $0x1FFFF0  }
0x2d8: {  	s4 =	sadd.s32 $0x80, s4;
	s5 =	simm.s32 @!p2 $0x200;
	s7 =	sand.u32 @!p2 $0x1FFFF8, s6  }
0x2d9: {  	s2 =	sadd.s32 $0x1, s2;
	s6 =	sand.u32 @!p2 $0x7, s6;
	s7 =	sadd.s32 @!p2 s1, s7  }
0x2da: {  	[hbm4b:s7+s6] =	stream.linear.scatter @!p2 [tilespmem:s4], [sflag:$0x7], $0x80, $0x38;
	[tilespmem:$0x1F6F8] =	vst v63  }
.LBB3_52:
0x2db: {  	s0 =	sadd.s32 s3, s5  }
0x2dc: {  	s3 =	sshrl.u32 s0, $0x2  }
.LBB3_53:
0x2dd: {  	s0 =	simm.s32 $0x7  }
0x2de: {  	_ =	swait.ge [sflag:s0], s3  }
0x2df: {  	s1 =	ssub.s32 $0x0, s3;
	[sflag:s0] =	ssyncset.done $0x0  }
0x2e0: {  	[sflag:s0] =	ssyncadd.s32 s1  }
0x2e1: {  	[sflag:s0] =	ssyncpa.u1 $0x1  }
.LBB3_54:
0x2e2: {  	_ =	sfence;
	s0 =	simm.s32 $0x1  }
0x2e3: {  	[sflag:s0] =	ssyncpa.u1 $0x1  }
0x2e4: {  	_ =	strace $0x90000056  }
0x2e5: {  	[bflag:$0x2] =	sbarrier.arrive $0xFFFF  }
0x2e6: {  	s0 =	rddreg [dreg:$0x3]  }
0x2e7: {  	s0 =	sadd.s32 @!p0 $0x100000, s0  }
0x2e8: {  	[sflag:s0] =	ssyncadd.tile.s32 @!p0 $0x1;
	_ =	shalt  }
.Lfunc_end3:
_tile_overlayer_lowered:
.L_overlay_start_3:
0x2e9: {  	(tag) =	ssettag $0x3  }
0x2ea: {  	s0 =	rddreg [dreg:$0x0];
	s2 =	stileid.u32  }
0x2eb: {  	s1 =	rddreg [dreg:$0x1];
	p0 =	sne.s32 s2, $0x0  }
0x2ec: {  	s3 =	rddreg [dreg:$0x2];
	[bflag:$0x3] =	sbarrier.arrive $0xFFFF;
	s2 =	simm.s32 @!p0 $0x1C01  }
0x2ed: {  	[timem:s3], [sflag:s2] =	dma.local @!p0 [hbm:s0], s1  }
0x2ee: {  	s0 =	simm.s32 @!p0 $0x1  }
0x2ef: {  	_ =	swait.ge @!p0 [sflag:s0], s1  }
0x2f0: {  	s1 =	ssub.s32 @!p0 $0x0, s1;
	[sflag:s0] =	ssyncset.done @!p0 $0x0  }
0x2f1: {  	[sflag:s0] =	ssyncadd.s32 @!p0 s1  }
0x2f2: {  	[bflag:$0x3] =	sbarrier.arrive $0xFFFF  }
0x2f3: {  	_ =	shalt  }

// kernel: scatter_offload_async_start.2
scs
__scs_entry_jumppad:
0x0: {  	(pc) =	sbr.rel $0x88, $3  }
0x1: {  	(tag) =	ssettag $0x0;
	lr =	simm.s32 $0x1  }
0x2: {  	[smem:$0x3F8D] =	sst lr;
	_ =	strace $0xD0000000  }
0x3: {  	_ = 	snop  }
0x4: {  	_ = 	snop  }
0x5: {  	_ = 	snop  }
0x6: {  	_ = 	snop  }
0x7: {  	_ = 	snop  }
__scs_overlays_trampoline_lowered:
0x8: {  	[smem:$0x3F9C] =	sst s0  }
0x9: {  	[smem:$0x3F9D] =	sst s1  }
0xa: {  	[smem:$0x3F9E] =	sst s2  }
0xb: {  	[smem:$0x3F9F] =	sst s3  }
0xc: {  	[smem:$0x3FA0] =	sst s4  }
0xd: {  	[smem:$0x3FA1] =	sst s5  }
0xe: {  	[smem:$0x3FA2] =	sst s6  }
0xf: {  	[smem:$0x3FA3] =	sst s7  }
0x10: {  	[smem:$0x3FA4] =	sst s8  }
0x11: {  	[smem:$0x3FA5] =	sst s9;
	s0 =	simm.s32 @!p0 $0x0  }
0x12: {  	s1 =	sld [smem:$0x3F8B];
	s0 =	simm.s32 @p0 $0x1  }
0x13: {  	[smem:$0x3FA6] =	sst s0;
	s0 =	simm.s32 @!p1 $0x0  }
0x14: {  	s2 =	sld [smem:$0x3F8A];
	s0 =	simm.s32 @p1 $0x1  }
0x15: {  	[smem:$0x3FA7] =	sst s0;
	s0 =	simm.s32 @!p2 $0x0  }
0x16: {  	s3 =	sld [smem:$0x3FDB];
	s0 =	simm.s32 @p2 $0x1  }
0x17: {  	s4 =	simm.s32 $0x1BF5;
	[smem:$0x3FA9] =	sst s0  }
0x18: {  	s0 =	sld [smem:$0x3F8C];
	_ =	swait.ge [sflag:s4], $0x0  }
0x19: {  	s7 =	sld [smem:$0x3F8D]  }
0x1a: {  	s8 =	sadd.s32 $0xFFFFE003, lr  }
0x1b: {  	s9 =	sadd.s32 $0xFFFFFEF7, lr;
	s5 =	simm.s32 $0xFFFFFFFF;
	p2 =	slt.u32 s8, $0xFFFFF086  }
0x1c: {  	p1 =	slt.u32 s9, $0xF7A;
	s5 =	simm.s32 @!p2 $0x0  }
0x1d: {  	s5 =	simm.s32 @p1 $0x1;
	p0 =	seq.s32 s7, s2  }
0x1e: {  	s7 =	smul.u32 @!p0 $0xF7A, s2;
	p2 =	seq.s32 @!p0 s5, $0x0  }
0x1f: {  	s9 =	smul.u32 $0xF7A, s1;
	s8 =	simm.s32 @!p0 $0x1BF5;
	p2 =	por !p2, p0  }
0x20: {  	[sflag:s8] =	ssyncset.s32 @!p0 $0xFFFFF086;
	s6 =	sadd.s32 @!p0 s3, s7;
	s7 =	simm.s32 @!p0 $0x108  }
0x21: {  	s3 =	sadd.s32 s3, s9;
	s6 =	sadd.s32 @!p0 $0x88, s6;
	s7 =	simm.s32 @p2 $0x1082  }
0x22: {  	[simem:s7], [sflag:s8] =	dma.local @!p0 [hbm:s6], $0xF7A  }
0x23: {  	s9 =	sor.u32 $0xD0000000, s2;
	s6 =	simm.s32 $0x108;
	_ =	swait.ge @!p0 [sflag:s8], $0x0  }
0x24: {  	s3 =	sadd.s32 $0x88, s3;
	s6 =	simm.s32 @!p1 $0x1082;
	[sflag:s4] =	ssyncset.s32 $0xFFFFF086  }
0x25: {  	[simem:s6], [sflag:s4] =	dma.local [hbm:s3], $0xF7A  }
0x26: {  	[smem:$0x3F8D] =	sst s1;
	(tag) =	ssettag s2;
	_ =	strace s9  }
0x27: {  	s1 =	sld [smem:$0x3F9D]  }
0x28: {  	s2 =	sld [smem:$0x3F9E]  }
0x29: {  	s4 =	sld [smem:$0x3FA0]  }
0x2a: {  	p0 =	seq.s32 s5, $0x0;
	s5 =	sld [smem:$0x3FA1]  }
0x2b: {  	s6 =	sld [smem:$0x3FA2]  }
0x2c: {  	s7 =	sld [smem:$0x3FA3]  }
0x2d: {  	s3 =	simm.s32 $0x108;
	s8 =	sld [smem:$0x3FA4]  }
0x2e: {  	s3 =	simm.s32 @!p0 $0x1082;
	s9 =	sld [smem:$0x3FA5]  }
0x2f: {  	lr =	sadd.s32 s0, s3;
	s0 =	sld [smem:$0x3F9C]  }
0x30: {  	s3 =	sld [smem:$0x3F9F]  }
0x31: {  	[smem:$0x3FA8] =	sst s10  }
0x32: {  	s10 =	sld [smem:$0x3FA6];
	_ =	sdelay $0x3  }
0x33: {  	p0 =	seq.s32 s10, $0x1;
	s10 =	sld [smem:$0x3FA8];
	_ =	sdelay $0x3  }
0x34: {  	[smem:$0x3FA8] =	sst s10  }
0x35: {  	s10 =	sld [smem:$0x3FA7];
	_ =	sdelay $0x3  }
0x36: {  	p1 =	seq.s32 s10, $0x1;
	s10 =	sld [smem:$0x3FA8];
	_ =	sdelay $0x3  }
0x37: {  	[smem:$0x3FA8] =	sst s10  }
0x38: {  	s10 =	sld [smem:$0x3FA9]  }
0x39: {  	_ = 	snop;
	(pc) =	sbr.ind lr, $3  }
0x3a: {  	_ = 	snop  }
0x3b: {  	_ = 	snop  }
0x3c: {  	p2 =	seq.s32 s10, $0x1;
	s10 =	sld [smem:$0x3FA8]  }
0x3d: {  	_ =	shalt  }
0x3e: {  	_ =	shalt  }
0x3f: {  	_ =	shalt  }
0x40: {  	_ =	shalt  }
0x41: {  	_ =	shalt  }
0x42: {  	_ =	shalt  }
0x43: {  	_ =	shalt  }
0x44: {  	_ =	shalt  }
0x45: {  	_ =	shalt  }
0x46: {  	_ =	shalt  }
0x47: {  	_ =	shalt  }
0x48: {  	_ =	shalt  }
0x49: {  	_ =	shalt  }
0x4a: {  	_ =	shalt  }
0x4b: {  	_ =	shalt  }
0x4c: {  	_ =	shalt  }
0x4d: {  	_ =	shalt  }
0x4e: {  	_ =	shalt  }
0x4f: {  	_ =	shalt  }
0x50: {  	_ =	shalt  }
0x51: {  	_ =	shalt  }
0x52: {  	_ =	shalt  }
0x53: {  	_ =	shalt  }
0x54: {  	_ =	shalt  }
0x55: {  	_ =	shalt  }
0x56: {  	_ =	shalt  }
0x57: {  	_ =	shalt  }
0x58: {  	_ =	shalt  }
0x59: {  	_ =	shalt  }
0x5a: {  	_ =	shalt  }
0x5b: {  	_ =	shalt  }
0x5c: {  	_ =	shalt  }
0x5d: {  	_ =	shalt  }
0x5e: {  	_ =	shalt  }
0x5f: {  	_ =	shalt  }
0x60: {  	_ =	shalt  }
0x61: {  	_ =	shalt  }
0x62: {  	_ =	shalt  }
0x63: {  	_ =	shalt  }
0x64: {  	_ =	shalt  }
0x65: {  	_ =	shalt  }
0x66: {  	_ =	shalt  }
0x67: {  	_ =	shalt  }
0x68: {  	_ =	shalt  }
0x69: {  	_ =	shalt  }
0x6a: {  	_ =	shalt  }
0x6b: {  	_ =	shalt  }
0x6c: {  	_ =	shalt  }
0x6d: {  	_ =	shalt  }
0x6e: {  	_ =	shalt  }
0x6f: {  	_ =	shalt  }
0x70: {  	_ =	shalt  }
0x71: {  	_ =	shalt  }
0x72: {  	_ =	shalt  }
0x73: {  	_ =	shalt  }
0x74: {  	_ =	shalt  }
0x75: {  	_ =	shalt  }
0x76: {  	_ =	shalt  }
0x77: {  	_ =	shalt  }
0x78: {  	_ =	shalt  }
0x79: {  	_ =	shalt  }
0x7a: {  	_ =	shalt  }
0x7b: {  	_ =	shalt  }
0x7c: {  	_ =	shalt  }
0x7d: {  	_ =	shalt  }
0x7e: {  	_ =	shalt  }
0x7f: {  	_ =	shalt  }
0x80: {  	_ =	shalt  }
0x81: {  	_ =	shalt  }
0x82: {  	_ =	shalt  }
0x83: {  	_ =	shalt  }
0x84: {  	_ =	shalt  }
0x85: {  	_ =	shalt  }
0x86: {  	_ =	shalt  }
0x87: {  	_ =	shalt  }
.Lfunc_end0:
.L_simem_size_0:
called_computation.2_lowered:
.L_overlay_start_0:
0x88: {  	s2 =	sld [smem:$0x3FD9]  }
0x89: {  	s3 =	sld [smem:$0x3FFE];
	_ =	sdelay $0x1  }
0x8a: {  	s1 =	srdreg.scid  }
0x8b: {  	s0 =	sand.u32 $0x1, s1  }
0x8c: {  	s15 =	sshll.u32 s0, $0xA;
	s2 =	sadd.s32 s3, s2  }
0x8d: {  	s2 =	sadd.s32 s2, s15  }
0x8e: {  	[smem:$0x3FB4] =	sst s2  }
0x8f: {  	_ = 	snop  }
0x90: {  	(tm) =	ssettm $0x1  }
0x91: {  	s16 =	sld [smem:$0x3FFB];
	_ =	sdelay $0x3  }
0x92: {  	_ =	strace s16  }
0x93: {  	s2 =	sld [smem:$0x3FFC];
	_ =	sdelay $0x3  }
0x94: {  	_ =	strace s2  }
0x95: {  	s2 =	sld [smem:$0x3FFD];
	_ =	sdelay $0x3  }
0x96: {  	_ =	strace s2  }
0x97: {  	_ =	strace $0x8FFFFFFF  }
0x98: {  	s17 =	sld [smem:$0x3FDB];
	_ =	sdelay $0x1  }
0x99: {  	s18 =	simm.s32 $_scs_section_size  }
0x9a: {  	s4 =	simm.s32 $_size__tile_overlayer_lowered;
	s5 =	simm.s32 $_tile_overlayer_lowered  }
0x9b: {  	s21 =	simm.s32 $0x1BFF;
	s20 =	sshll.u32 s5, $0x1;
	s2 =	sadd.s32 s18, s17  }
0x9c: {  	s6 =	simm.s32 $0x0;
	s19 =	sshll.u32 s4, $0x1;
	s4 =	sadd.s32 s20, s2  }
0x9d: {  	[timem:s6], [sflag:s21] =	dma.local [hbm:s4], s19  }
0x9e: {  	_ =	swait.ge [sflag:s21], s19  }
0x9f: {  	s3 =	ssub.s32 $0x0, s19;
	[sflag:s21] =	ssyncset.done $0x0  }
0xa0: {  	[sflag:s21] =	ssyncadd.s32 s3;
	_ =	sdelay $0x1  }
0xa1: {  	s22 =	simm.s32 $0x1B8B  }
0xa2: {  	_ =	swait.ge [sflag:s22], $0x1  }
0xa3: {  	[sflag:s22] =	ssyncset.done $0x0  }
0xa4: {  	s23 =	sld [smem:$0x3FFE];
	[sflag:s22] =	ssyncadd.s32 $0xFFFFFFFF  }
0xa5: {  	s25 =	simm.s32 $0x1B8E;
	s24 =	sld [smem:$0x0]  }
0xa6: {  	s26 =	simm.s32 $execute0_lowered;
	[smem:$0x3FD2] =	sst s25  }
0xa7: {  	s5 =	sshll.u32 s26, $0x1;
	_ =	strace $0x8000005E;
	[dreg:$0x1] =	wrdreg $0xFFFFFFFF  }
0xa8: {  	s28 =	simm.s32 $_size_execute0_lowered;
	s2 =	sadd.s32 s2, s5;
	[dreg:$0x0] =	wrdreg $0x0  }
0xa9: {  	s5 =	sshll.u32 s28, $0x1;
	[dreg:$0x2] =	wrdreg s2  }
0xaa: {  	[dreg:$0x3] =	wrdreg s5  }
0xab: {  	[dreg:$0x4] =	wrdreg $0xC0  }
0xac: {  	_ =	task [dreg:s6], $0x5FFFF  }
0xad: {  	[dreg:$0x1] =	wrdreg $0xFFFFFFFF  }
0xae: {  	[dreg:$0x0] =	wrdreg $0x60  }
0xaf: {  	[dreg:$0x2] =	wrdreg s23  }
0xb0: {  	[dreg:$0x3] =	wrdreg s1  }
0xb1: {  	[dreg:$0x4] =	wrdreg s24  }
0xb2: {  	[dreg:$0x5] =	wrdreg $0x9  }
0xb3: {  	_ =	task.clear_ibuf [dreg:s6], $0x6FFFF;
	_ =	strace $0x9000005E  }
0xb4: {  	s29 =	simm.s32 $0x9;
	_ =	strace $0x80000060  }
0xb5: {  	_ =	swait.ge [sflag:s29], $0x1  }
0xb6: {  	[sflag:s29] =	ssyncadd.s32 $0xFFFFFFFF  }
0xb7: {  	_ =	strace $0x90000060  }
0xb8: {  	_ =	sfence  }
0xb9: {  	s30 =	sld [smem:$0x0];
	_ =	sdelay $0x2  }
0xba: {  	s31 =	sshll.u32 s1, $0xD;
	s1 =	sshrl.u32 s1, $0x2  }
0xbb: {  	s3 =	sand.u32 $0x4000, s31;
	s1 =	sadd.s32 s1, s30  }
0xbc: {  	s0 =	sor.u32 s3, s0;
	s1 =	sshll.u32 s1, $0x11  }
0xbd: {  	s0 =	sor.u32 s1, s0  }
0xbe: {  	s0 =	sadd.s32 $0x8F2B, s0  }
0xbf: {  	[sflag:s0] =	ssyncadd.remote.s32 $0x1  }
0xc0: {  	_ =	sfence.sel $0xFFFF  }
0xc1: {  	[dreg:$0x0] =	wrdreg $0xFFFFFFFF;
	(pc) =	sbr.abs _section_cstart, $3  }
0xc2: {  	[dreg:$0x1] =	wrdreg $0xFFFFFFFF  }
0xc3: {  	_ =	task.clear_ibuf [dreg:s6], $0x2FFFF;
	_ =	strace $0x9FFFFFFF  }
0xc4: {  	(tm) =	ssettm $0x7FFFFFFF  }
0xc5: {  	_ =	shalt  }
tec
execute0_lowered:
.L_overlay_start_1:
0x0: {  	(tag) =	ssettag $0x1  }
0x1: {  	s0 =	rddreg [dreg:$0x0]  }
0x2: {  	s2 =	rddreg [dreg:$0x1];
	_ =	strace $0x8000005F;
	s1 =	simm.s32 $0x1  }
0x3: {  	s9 =	simm.s32 $0x108;
	v0 =	vimm.s32 $0x0;
	[sflag:s1] =	ssyncpa.u1 $0x0  }
0x4: {  	[tilespmem:s9+$0x70] =	vst v0  }
0x5: {  	[tilespmem:s9+$0x60] =	vst v0  }
0x6: {  	[tilespmem:s9+$0x50] =	vst v0  }
0x7: {  	[tilespmem:s9+$0x40] =	vst v0  }
0x8: {  	s1 =	sadd.s32 $0x12CC00, s0;
	s15 =	sadd.s32 $0xFCC00, s0;
	[tilespmem:s9+$0x30] =	vst v0  }
0x9: {  	s6 =	sadd.s32 $0x28ACC00, s0;
	s2 =	sand.u32 $0x1, s2;
	s14 =	sadd.s32 $0x10CC00, s0;
	[tilespmem:s9+$0x20] =	vst v0  }
0xa: {  	s0 =	simm.s32 $0x40;
	[dreg:$0x4] =	wrdreg s2;
	s16 =	sshll.u32 s2, $0xF;
	[tilespmem:s9+$0x10] =	vst v0  }
.LBB2_1:
0xb: {  	s0 =	sadd.s32 $0x40, s0;
	[tilespmem:s9+$0x0] =	vst v0;
	s9 =	sadd.s32 $0x80, s9  }
0xc: {  	p0 =	slt.u32 s0, $0x3C40;
	[tilespmem:s9+$0x70] =	vst v0  }
0xd: {  	[tilespmem:s9+$0x60] =	vst v0  }
.Ltmp0:
0xe: {  	[tilespmem:s9+$0x50] =	vst v0;
	(pc) =	sbr.rel @p0 .LBB2_1-.Ltmp0, $4  }
0xf: {  	[tilespmem:s9+$0x40] =	vst v0  }
0x10: {  	[tilespmem:s9+$0x30] =	vst v0  }
0x11: {  	[tilespmem:s9+$0x20] =	vst v0  }
0x12: {  	[tilespmem:s9+$0x10] =	vst v0  }
0x13: {  	s5 =	stileid.u32  }
0x14: {  	s0 =	smul.u32 $0x44, s5  }
0x15: {  	s2 =	smin.u32 s5, $0x5  }
0x16: {  	s0 =	sadd.s32 s2, s0  }
0x17: {  	p0 =	slt.u32 s5, $0x5;
	s7 =	smul.u32 $0xF0, s0;
	s0 =	simm.s32 $0x40B0  }
0x18: {  	s0 =	simm.s32 @!p0 $0x3FC0  }
0x19: {  	s0 =	sadd.s32 s0, s7  }
0x1a: {  	s8 =	smin.u32 s0, $0x40000  }
0x1b: {  	s0 =	ssub.s32 s8, s7  }
0x1c: {  	p0 =	sgt.s32 s0, $0x0  }
0x1d: {  	s0 =	simm.s32 @!p0 $0x0  }
0x1e: {  	s3 =	simm.s32 $0x2;
	s10 =	simm.s32 $0x9;
	s30 =	smulhi.u32 $0x88888889, s0  }
0x1f: {  	s4 =	simm.s32 $0xA;
	s11 =	simm.s32 $0xB;
	s12 =	simm.s32 $0x1  }
0x20: {  	s14 =	sadd.s32 s16, s14;
	s15 =	sadd.s32 s16, s15;
	s2 =	sshrl.u32 s30, $0x7  }
0x21: {  	s22 =	simm.s32 $0x0;
	s18 =	simm.s32 $0xC;
	s31 =	smul.u32 $0xF0, s2  }
.Ltmp1:
0x22: {  	[tilespmem:s9+$0x0] =	vst v0;
	v0 =	vimm.s32 $0xFFFFFFFF;
	s20 =	simm.s32 $0x0;
	[sflag:s3] =	ssyncpa.u1 $0x0;
	(pc) =	sbr.rel .LBB2_3-.Ltmp1, $4  }
0x23: {  	[tilespmem:$0xF208] =	vst v0;
	[sflag:s10] =	ssyncpa.u1 $0x0;
	p0 =	sne.s32 s0, s31;
	s0 =	simm.s32 $0x1  }
0x24: {  	s21 =	simm.s32 $0x0;
	[sflag:s4] =	ssyncpa.u1 $0x0;
	s0 =	simm.s32 @!p0 $0x0  }
0x25: {  	s16 =	sshll.u32 s5, $0x8;
	[sflag:s11] =	ssyncpa.u1 $0x0;
	s13 =	sadd.s32 s0, s2  }
0x26: {  	v0 =	vlaneseq.u32;
	s19 =	smov.u32 s7;
	p0 =	por $0x0, $0x0;
	s17 =	sadd.s32 $0x1, s13  }
.LBB2_18:
0x27: {  	s0 =	sshrl.u32 s31, $0x2  }
.LBB2_20:
0x28: {  	_ =	swait.ge [sflag:s18], s0  }
0x29: {  	s31 =	ssub.s32 $0x0, s0;
	v1 =	vmov s24;
	vm0 =	veq.s32 v0, $0x0;
	[sflag:s18] =	ssyncset.done $0x0  }
0x2a: {  	vm15 =	veq.s32 v0, $0x2;
	v1 =	vsel vm0, s30, v1;
	[sflag:s18] =	ssyncadd.s32 s31  }
0x2b: {  	v1 =	vsel vm15, s22, v1;
	[sflag:s18] =	ssyncpa.u1 $0x1  }
0x2c: {  	[tilespmem:$0xF208] =	vst v1  }
.LBB2_21:
0x2d: {  	s0 =	sadd.s32 $0xF0, s19  }
0x2e: {  	s2 =	smov.u32 s7;
	p1 =	slt.s32 s0, s8  }
0x2f: {  	s2 =	smov.u32 @p1 s0;
	p1 =	sne.s32 s21, s17  }
.Ltmp2:
0x30: {  	_ = 	snop;
	(pc) =	sbr.rel @!p1 .LBB2_22-.Ltmp2, $3  }
0x31: {  	_ =	sdelay $0x1  }
0x32: {  	s22 =	smov.u32 s20;
	s31 =	sadd.s32 $0x1, s21;
	s20 =	smov.u32 s19  }
0x33: {  	p0 =	por !p0, !p0;
	s21 =	smov.u32 s31;
	s19 =	smov.u32 s2  }
.LBB2_3:
0x34: {  	p1 =	sge.u32 s21, s13  }
0x35: {  	s0 =	smulhi.u32 @!p1 $0xAAAAAAAB, s21  }
0x36: {  	s2 =	smov.u32 s19;
	p2 =	sgt.s32 @!p1 s19, $0x3FF10  }
0x37: {  	s3 =	sshra.s32 @!p1 s19, $0x1F;
	p2 =	por !p2, p1;
	s0 =	sshrl.u32 @!p1 s0, $0x1  }
0x38: {  	s3 =	sand.u32 @!p1 s3, s19;
	s2 =	simm.s32 @p2 $0x3FF10;
	s0 =	smul.u32 @!p1 $0x3, s0  }
0x39: {  	s2 =	ssub.s32 @!p1 s2, s3  }
0x3a: {  	s2 =	sadd.s32 @!p1 $0xFFFC00F0, s2;
	s0 =	ssub.s32 @!p1 s21, s0  }
0x3b: {  	s3 =	sshll.u32 @!p1 s2, $0x2;
	p2 =	sgt.s32 @!p1 s2, $0xEF;
	s0 =	smul.u32 @!p1 $0x3C0, s0  }
0x3c: {  	s4 =	sand.u32 @!p1 $0x7, s19;
	s2 =	ssub.s32 @!p1 $0x3C0, s3;
	p2 =	por !p2, p1  }
0x3d: {  	s3 =	sshrl.u32 @!p1 s19, $0x3;
	s2 =	sshrl.u32 @!p1 s2, $0x2;
	s0 =	sshrl.u32 @!p1 s0, $0x2  }
0x3e: {  	s3 =	sadd.s32 @!p1 s3, s14;
	s2 =	simm.s32 @!p2 $0x0;
	s0 =	sadd.s32 @!p1 $0x10248, s0  }
0x3f: {  	[tilespmem:s0], [sflag:$0xA] =	stream.linear.gather @!p1 [hbm4b:s3+s4], s2, $0x38;
	[tilespmem:$0x1F6F8] =	vst v63  }
0x40: {  	s0 =	sadd.s32 $0xFFFFFFFF, s21  }
0x41: {  	p1 =	sge.u32 s0, s13  }
0x42: {  	p2 =	sgt.s32 @!p1 s20, $0x3FF10  }
0x43: {  	s2 =	smov.u32 s20;
	s3 =	sshra.s32 @!p1 s20, $0x1F;
	p2 =	por !p2, p1  }
0x44: {  	s3 =	sand.u32 @!p1 s3, s20;
	s2 =	simm.s32 @p2 $0x3FF10  }
0x45: {  	s2 =	ssub.s32 @!p1 s2, s3  }
0x46: {  	s2 =	sadd.s32 @!p1 $0xFFFC00F0, s2  }
0x47: {  	s4 =	sand.u32 @!p1 $0x1, s0;
	s3 =	sshll.u32 @!p1 s2, $0x2  }
0x48: {  	p2 =	sgt.s32 @!p1 s2, $0xEF;
	s2 =	ssub.s32 @!p1 $0x3C0, s3;
	s3 =	smulhi.u32 @!p1 $0xAAAAAAAB, s0  }
0x49: {  	s23 =	smul.u32 @!p1 $0x3C0, s4;
	p2 =	por !p2, p1;
	s2 =	sshrl.u32 @!p1 s2, $0x2  }
0x4a: {  	s5 =	simm.s32 @!p1 $0xA;
	s2 =	simm.s32 @!p2 $0x0;
	s3 =	sshrl.u32 @!p1 s3, $0x1  }
0x4b: {  	s23 =	sshrl.u32 @!p1 s23, $0x2;
	_ =	swait.ge @!p1 [sflag:s5], s2;
	s3 =	smul.u32 @!p1 $0x3, s3  }
0x4c: {  	s23 =	sadd.s32 @!p1 $0x10518, s23;
	s24 =	ssub.s32 @!p1 $0x0, s2;
	[sflag:s5] =	ssyncset.done @!p1 $0x0  }
0x4d: {  	[sflag:s5] =	ssyncadd.s32 @!p1 s24;
	s5 =	sshrl.u32 @!p1 s20, $0x3;
	s0 =	ssub.s32 @!p1 s0, s3  }
0x4e: {  	s24 =	sand.u32 @!p1 $0x7, s20;
	s5 =	sadd.s32 @!p1 s5, s15;
	s0 =	smul.u32 @!p1 $0x3C0, s0  }
0x4f: {  	[tilespmem:s23], [sflag:$0xB] =	stream.linear.gather @!p1 [hbm4b:s5+s24], s2, $0x38;
	[tilespmem:$0x1F6F8] =	vst v63  }
0x50: {  	s3 =	ssub.s32 @!p1 $0x40000, s20;
	s2 =	smul.u32 @!p1 $0x1E000, s4  }
0x51: {  	p2 =	slt.s32 @!p1 s3, $0xF0  }
0x52: {  	p2 =	por !p2, p1;
	s0 =	sshrl.u32 @!p1 s0, $0x2;
	s2 =	sshrl.u32 @!p1 s2, $0x2  }
0x53: {  	s3 =	simm.s32 @p2 $0xF0;
	s0 =	sadd.s32 @!p1 $0x10248, s0;
	s2 =	sor.u32 @!p1 $0x106F8, s2  }
0x54: {  	[tilespmem:s2], [sflag:$0x9] =	stream.indirect.gather @!p1 [hbm4b:s6+s3], $0x80, s0, s3, $0xb8;
	[tilespmem:$0x1F6F8] =	vst v63  }
0x55: {  	p1 =	slt.u32 s21, $0x2  }
.Ltmp3:
0x56: {  	_ = 	snop;
	(pc) =	sbr.rel @p1 .LBB2_21-.Ltmp3, $1  }
0x57: {  	_ =	sdelay $0x3  }
0x58: {  	p1 =	sgt.s32 s22, $0x3FF10  }
0x59: {  	s0 =	smov.u32 s22;
	s2 =	sshra.s32 s22, $0x1F;
	s3 =	ssub.s32 $0x40000, s22  }
0x5a: {  	s0 =	simm.s32 @!p1 $0x3FF10;
	s2 =	sand.u32 s2, s22;
	p1 =	slt.s32 s3, $0xF0  }
0x5b: {  	s0 =	ssub.s32 s0, s2;
	s3 =	simm.s32 @!p1 $0xF0  }
0x5c: {  	s0 =	sadd.s32 $0xFFFC00F0, s0;
	s25 =	sshll.u32 s3, $0x7  }
0x5d: {  	s26 =	sshll.u32 s0, $0x2;
	s2 =	sand.u32 $0x3FFFFF80, s25  }
0x5e: {  	p1 =	sgt.s32 s0, $0xEF;
	s29 =	ssub.s32 $0x3C0, s26;
	_ =	swait.ge [sflag:s10], s2  }
0x5f: {  	s2 =	ssub.s32 $0x0, s2;
	[sflag:s10] =	ssyncset.done $0x0;
	s0 =	sshrl.u32 s29, $0x2  }
0x60: {  	[sflag:s10] =	ssyncadd.s32 s2;
	s0 =	simm.s32 @p1 $0x0  }
0x61: {  	_ =	swait.ge [sflag:s11], s0  }
0x62: {  	s0 =	ssub.s32 $0x0, s0;
	[sflag:s11] =	ssyncset.done $0x0  }
0x63: {  	[sflag:s11] =	ssyncadd.s32 s0  }
0x64: {  	v1 =	vld [tilespmem:$0xF208];
	_ =	sdelay $0x4  }
0x65: {  	(v2sf) =	vpush v1, $0x0  }
0x66: {  	(v2sf) =	vpush v1, $0x1  }
0x67: {  	(v2sf) =	vpush v1, $0x2;
	_ =	sdelay $0x3  }
0x68: {  	s0 =	sadd.s32 $0xF0, s22  }
0x69: {  	s2 =	ssub.s32 $0x80000, s22;
	p1 =	slt.s32 s8, s0  }
0x6a: {  	s0 =	smov.u32 @p1 s8;
	p1 =	sgt.s32 s2, $0x0  }
0x6b: {  	s26 =	ssub.s32 s0, s22;
	s2 =	simm.s32 @!p1 $0x0  }
0x6c: {  	p1 =	slt.s32 s2, s26  }
0x6d: {  	s26 =	smov.u32 @p1 s2  }
0x6e: {  	s25 =	simm.s32 $0x1;
	p1 =	slt.s32 s26, $0x1  }
.Ltmp4:
0x6f: {  	s25 =	simm.s32 @!p0 $0x0;
	(pc) =	sbr.rel @p1 .LBB2_8-.Ltmp4, $4  }
0x70: {  	s31 =	smul.u32 $0x3C0, s25  }
0x71: {  	s28 =	spop (v2sf)  }
0x72: {  	s0 =	sshrl.u32 s31, $0x2;
	s30 =	spop (v2sf)  }
0x73: {  	s23 =	sadd.s32 $0x10518, s0;
	s22 =	spop (v2sf)  }
0x74: {  	s0 =	smin.u32 s26, $0x10  }
0x75: {  	v1 =	vmov s0  }
0x76: {  	p2 =	sgt.s32 s26, $0x10;
	vm1 =	vgt.u32 v1, v0  }
.Ltmp5:
0x77: {  	_ = 	snop;
	(pc) =	sbr.rel @!p2 .LBB2_7-.Ltmp5, $2  }
0x78: {  	_ =	sdelay $0x2  }
0x79: {  	s4 =	simm.s32 $0x10;
	s24 =	sadd.s32 $0xFFFFFFF0, s26;
	s0 =	smov.u32 s23;
	vm0 =	vmmov vm1  }
.LBB2_6:
0x7a: {  	s2 =	smin.u32 s24, $0x10;
	s4 =	sadd.s32 $0x10, s4;
	v1 =	vld.msk [tilespmem:s0+$0x0 ss:$0x1], vm1  }
0x7b: {  	v2 =	vmov s2;
	p2 =	slt.s32 s4, s26  }
0x7c: {  	vm1 =	vgt.u32 v2, v0  }
.Ltmp6:
0x7d: {  	(pc) =	sbr.rel @p2 .LBB2_6-.Ltmp6, $3  }
0x7e: {  	_ =	sdelay $0x1  }
0x7f: {  	v1 =	vshll.u32 v1, $0x4  }
0x80: {  	s24 =	sadd.s32 $0xFFFFFFF0, s24;
	[tilespmem:s0+$0x0] =	vst.msk vm0, v1;
	s0 =	sadd.s32 $0x10, s0;
	vm0 =	vmmov vm1  }
.LBB2_7:
0x81: {  	_ =	sdelay $0x4  }
0x82: {  	v1 =	vld.msk [tilespmem:s0+$0x0 ss:$0x1], vm1;
	_ =	sdelay $0x4  }
0x83: {  	v1 =	vshll.u32 v1, $0x4  }
0x84: {  	[tilespmem:s0+$0x0] =	vst.msk vm0, v1  }
.LBB2_8:
0x85: {  	s0 =	sand.u32 $0x1, s21  }
0x86: {  	s0 =	smul.u32 $0xF0, s0  }
0x87: {  	p2 =	sne.s32 s30, $0xFFFFFFFF  }
0x88: {  	v1 =	vld.msk @!p2 [tilespmem:s0+$0x10518], $0x1;
	_ =	sdelay $0x4  }
0x89: {  	(v2sf) =	vpush @!p2 v1, $0x0;
	_ =	sdelay $0xc  }
.Ltmp7:
0x8a: {  	_ = 	snop;
	(pc) =	sbr.rel @p1 .LBB2_19-.Ltmp7, $4  }
0x8b: {  	_ = 	snop  }
0x8c: {  	s29 =	spop @!p2 (v2sf)  }
0x8d: {  	s22 =	simm.s32 @!p2 $0x0;
	s24 =	smov.u32 s29  }
0x8e: {  	[sflag:s18] =	ssyncpa.u1 $0x0;
	s29 =	smov.u32 @p2 s28;
	s24 =	smov.u32 @p2 s30  }
0x8f: {  	v1 =	vld.msk [tilespmem:s23+$0x0], $0x1;
	_ =	sdelay $0x4  }
0x90: {  	(v2sf) =	vpush v1, $0x0;
	_ =	sdelay $0xe  }
0x91: {  	s2 =	smul.u32 $0x1E000, s25;
	s0 =	spop (v2sf)  }
0x92: {  	s26 =	ssub.s32 $0x0, s26;
	p1 =	seq.s32 s29, s0  }
0x93: {  	s30 =	sadd.s32 $0x1, s26;
	s2 =	sshrl.u32 s2, $0x2;
	p2 =	sgt.s32 @!p1 s29, $0x0  }
0x94: {  	s25 =	sor.u32 $0x10738, s2;
	s2 =	smov.u32 s29;
	p2 =	por !p2, p1  }
0x95: {  	s2 =	simm.s32 @p2 $0x0;
	p2 =	seq.s32 s30, $0x0  }
.Ltmp8:
0x96: {  	_ = 	snop;
	(pc) =	sbr.rel @p2 .LBB2_11-.Ltmp8, $4  }
0x97: {  	_ = 	snop  }
0x98: {  	s28 =	simm.s32 $0x0;
	s31 =	sadd.s32 $0x1, s23;
	s2 =	smin.u32 @!p1 s2, $0x1FFFF0  }
0x99: {  	s4 =	simm.s32 @!p1 $0x1;
	s5 =	simm.s32 @!p1 $0x7988;
	s3 =	sand.u32 @!p1 $0x1FFFF8, s2  }
0x9a: {  	s4 =	smov.u32 @p1 s28;
	s2 =	sand.u32 @!p1 $0x7, s2;
	s3 =	sadd.s32 @!p1 s1, s3  }
.LBB2_10:
0x9b: {  	s9 =	smov.u32 s4  }
0x9c: {  	[tilespmem:s5], [sflag:$0x2] =	stream.linear.gather @!p1 [hbm4b:s3+s2], $0x80, $0x38;
	[tilespmem:$0x1F6F8] =	vst v63  }
0x9d: {  	s30 =	sadd.s32 $0x1, s30;
	s2 =	smov.u32 s0;
	v1 =	vld.msk [tilespmem:s31+$0x0], $0x1  }
0x9e: {  	p2 =	seq.s32 s30, $0x0;
	_ =	sdelay $0x3  }
0x9f: {  	(v2sf) =	vpush v1, $0x0;
	_ =	sdelay $0xe  }
0xa0: {  	s0 =	spop (v2sf)  }
0xa1: {  	p1 =	seq.s32 s2, s0  }
0xa2: {  	p3 =	sgt.s32 @!p1 s2, $0x0;
	s3 =	sshll.u32 @!p1 s4, $0x9;
	s4 =	sadd.s32 @!p1 $0x1, s4  }
.Ltmp9:
0xa3: {  	p3 =	por !p3, p1;
	s3 =	sshra.s32 @!p1 s3, $0x2;
	(pc) =	sbr.rel @!p2 .LBB2_10-.Ltmp9, $4  }
0xa4: {  	s4 =	smov.u32 @p1 s9;
	s2 =	simm.s32 @p3 $0x0;
	s5 =	sadd.s32 @!p1 $0x7988, s3  }
0xa5: {  	s2 =	smin.u32 @!p1 s2, $0x1FFFF0  }
0xa6: {  	s3 =	sand.u32 @!p1 $0x1FFFF8, s2;
	s2 =	sand.u32 @!p1 $0x7, s2  }
0xa7: {  	s31 =	sadd.s32 $0x1, s31;
	s3 =	sadd.s32 @!p1 s1, s3  }
.LBB2_11:
0xa8: {  	[tilespmem:s5], [sflag:$0x2] =	stream.linear.gather @!p1 [hbm4b:s3+s2], $0x80, $0x38;
	[tilespmem:$0x1F6F8] =	vst v63  }
.Ltmp10:
0xa9: {  	s0 =	sshll.u32 s4, $0x7;
	(pc) =	sbr.rel .LBB2_12-.Ltmp10, $4  }
0xaa: {  	s30 =	simm.s32 $0x2;
	s0 =	sand.u32 $0x3FFFFF80, s0  }
0xab: {  	_ =	swait.ge [sflag:s30], s0  }
0xac: {  	s0 =	ssub.s32 $0x0, s0;
	[sflag:s30] =	ssyncset.done $0x0  }
0xad: {  	s31 =	simm.s32 $0x0;
	[sflag:s30] =	ssyncadd.s32 s0  }
.LBB2_13:
0xae: {  	v1 =	vld [tilespmem:s25+$0xFFFFFFC0];
	_ =	sdelay $0x3  }
0xaf: {  	s0 =	sshra.s32 s0, $0x2  }
0xb0: {  	[tilespmem:s0+$0x108] =	vst.add.f32.msk $0xffff, v1  }
0xb1: {  	v1 =	vld [tilespmem:s25+$0xFFFFFFD0];
	_ =	sdelay $0x4  }
0xb2: {  	[tilespmem:s0+$0x118] =	vst.add.f32.msk $0xffff, v1  }
0xb3: {  	v1 =	vld [tilespmem:s25+$0xFFFFFFE0];
	_ =	sdelay $0x4  }
0xb4: {  	[tilespmem:s0+$0x128] =	vst.add.f32.msk $0xffff, v1  }
0xb5: {  	v1 =	vld [tilespmem:s25+$0xFFFFFFF0];
	_ =	sdelay $0x4  }
0xb6: {  	[tilespmem:s0+$0x138] =	vst.add.f32.msk $0xffff, v1  }
0xb7: {  	v1 =	vld [tilespmem:s25+$0x0];
	_ =	sdelay $0x4  }
0xb8: {  	[tilespmem:s0+$0x148] =	vst.add.f32.msk $0xffff, v1  }
0xb9: {  	v1 =	vld [tilespmem:s25+$0x10];
	_ =	sdelay $0x4  }
0xba: {  	[tilespmem:s0+$0x158] =	vst.add.f32.msk $0xffff, v1  }
0xbb: {  	v1 =	vld [tilespmem:s25+$0x20];
	_ =	sdelay $0x4  }
0xbc: {  	[tilespmem:s0+$0x168] =	vst.add.f32.msk $0xffff, v1  }
0xbd: {  	v1 =	vld [tilespmem:s25+$0x30];
	_ =	sdelay $0x4  }
0xbe: {  	[tilespmem:s0+$0x178] =	vst.add.f32.msk $0xffff, v1  }
.LBB2_17:
0xbf: {  	s26 =	sadd.s32 $0x1, s26  }
0xc0: {  	p1 =	seq.s32 s26, $0x0  }
.Ltmp11:
0xc1: {  	_ = 	snop;
	(pc) =	sbr.rel @p1 .LBB2_18-.Ltmp11, $2  }
0xc2: {  	_ =	sdelay $0x2  }
0xc3: {  	s23 =	sadd.s32 $0x1, s23;
	s25 =	sadd.s32 $0x80, s25;
	s29 =	smov.u32 s30  }
.LBB2_12:
0xc4: {  	v1 =	vld.msk [tilespmem:s23+$0x0], $0x1;
	_ =	sdelay $0x4  }
0xc5: {  	(v2sf) =	vpush v1, $0x0;
	_ =	sdelay $0xe  }
0xc6: {  	s30 =	spop (v2sf)  }
0xc7: {  	p1 =	sne.s32 s29, s30  }
.Ltmp12:
0xc8: {  	_ = 	snop;
	(pc) =	sbr.rel @!p1 .LBB2_13-.Ltmp12, $2  }
0xc9: {  	_ =	sdelay $0x2  }
0xca: {  	s0 =	sshll.u32 s22, $0x9  }
0xcb: {  	p1 =	seq.s32 s29, s24  }
.Ltmp13:
0xcc: {  	_ = 	snop;
	(pc) =	sbr.rel @!p1 .LBB2_15-.Ltmp13, $1  }
0xcd: {  	_ =	sdelay $0x3  }
0xce: {  	s0 =	sshra.s32 s0, $0x2  }
.Ltmp14:
0xcf: {  	s0 =	sadd.s32 $0x108, s0;
	(pc) =	sbr.rel .LBB2_16-.Ltmp14, $4  }
0xd0: {  	[spmem:s16] =	stream.linear.scatter [tilespmem:s0], [sflag:$0x1], $0x80, $0x38;
	[tilespmem:$0x1F6F8] =	vst v63  }
0xd1: {  	_ =	swait.ge [sflag:s12], $0x80  }
0xd2: {  	[sflag:s12] =	ssyncset.done $0x0  }
0xd3: {  	[sflag:s12] =	ssyncadd.s32 $0xFFFFFF80  }
.LBB2_15:
0xd4: {  	s2 =	sshll.u32 s28, $0x9  }
0xd5: {  	s2 =	sshra.s32 s2, $0x2  }
0xd6: {  	v1 =	vld [tilespmem:s2+$0x7988];
	_ =	sdelay $0x3  }
0xd7: {  	s0 =	sshra.s32 s0, $0x2  }
0xd8: {  	[tilespmem:s0+$0x108] =	vst.add.f32.msk $0xffff, v1  }
0xd9: {  	v1 =	vld [tilespmem:s2+$0x7998];
	_ =	sdelay $0x4  }
0xda: {  	[tilespmem:s0+$0x118] =	vst.add.f32.msk $0xffff, v1  }
0xdb: {  	v1 =	vld [tilespmem:s2+$0x79A8];
	_ =	sdelay $0x4  }
0xdc: {  	[tilespmem:s0+$0x128] =	vst.add.f32.msk $0xffff, v1  }
0xdd: {  	v1 =	vld [tilespmem:s2+$0x79B8];
	_ =	sdelay $0x4  }
0xde: {  	[tilespmem:s0+$0x138] =	vst.add.f32.msk $0xffff, v1  }
0xdf: {  	v1 =	vld [tilespmem:s2+$0x79C8];
	_ =	sdelay $0x4  }
0xe0: {  	[tilespmem:s0+$0x148] =	vst.add.f32.msk $0xffff, v1  }
0xe1: {  	v1 =	vld [tilespmem:s2+$0x79D8];
	_ =	sdelay $0x4  }
0xe2: {  	[tilespmem:s0+$0x158] =	vst.add.f32.msk $0xffff, v1  }
0xe3: {  	v1 =	vld [tilespmem:s2+$0x79E8];
	_ =	sdelay $0x4  }
0xe4: {  	[tilespmem:s0+$0x168] =	vst.add.f32.msk $0xffff, v1  }
0xe5: {  	v1 =	vld [tilespmem:s2+$0x79F8];
	_ =	sdelay $0x2  }
0xe6: {  	p1 =	sgt.u32 s29, $0x1FFFF0  }
0xe7: {  	s2 =	sand.u32 @!p1 $0x1FFFF8, s29  }
0xe8: {  	s3 =	sadd.s32 $0x108, s0;
	[tilespmem:s0+$0x178] =	vst.add.f32.msk $0xffff, v1;
	s0 =	sadd.s32 @!p1 s1, s2;
	s2 =	sand.u32 @!p1 $0x7, s29  }
0xe9: {  	[hbm4b:s0+s2] =	stream.linear.scatter @!p1 [tilespmem:s3], [sflag:$0xC], $0x80, $0x38;
	[tilespmem:$0x1F6F8] =	vst v63  }
0xea: {  	s0 =	simm.s32 $0x0  }
0xeb: {  	s0 =	simm.s32 @!p1 $0x200  }
0xec: {  	s31 =	sadd.s32 s0, s31  }
.LBB2_16:
0xed: {  	s0 =	sadd.s32 $0x1, s22  }
0xee: {  	s2 =	smulhi.u32 $0x88888889, s0;
	_ =	sdelay $0x1  }
0xef: {  	v1 =	vld [tilespmem:s25+$0xFFFFFFC0];
	s2 =	sshrl.u32 s2, $0x7  }
0xf0: {  	s2 =	smul.u32 $0xF0, s2;
	_ =	sdelay $0x1  }
0xf1: {  	s22 =	ssub.s32 s0, s2  }
0xf2: {  	s0 =	sshll.u32 s22, $0x7  }
0xf3: {  	[tilespmem:s0+$0x108] =	vst v1  }
0xf4: {  	v1 =	vld [tilespmem:s25+$0xFFFFFFD0];
	_ =	sdelay $0x4  }
0xf5: {  	[tilespmem:s0+$0x118] =	vst v1  }
0xf6: {  	v1 =	vld [tilespmem:s25+$0xFFFFFFE0];
	_ =	sdelay $0x4  }
0xf7: {  	[tilespmem:s0+$0x128] =	vst v1  }
0xf8: {  	v1 =	vld [tilespmem:s25+$0xFFFFFFF0];
	_ =	sdelay $0x4  }
0xf9: {  	[tilespmem:s0+$0x138] =	vst v1  }
0xfa: {  	v1 =	vld [tilespmem:s25+$0x0];
	_ =	sdelay $0x4  }
0xfb: {  	[tilespmem:s0+$0x148] =	vst v1  }
0xfc: {  	v1 =	vld [tilespmem:s25+$0x10];
	_ =	sdelay $0x4  }
0xfd: {  	[tilespmem:s0+$0x158] =	vst v1  }
0xfe: {  	v1 =	vld [tilespmem:s25+$0x20];
	_ =	sdelay $0x4  }
0xff: {  	[tilespmem:s0+$0x168] =	vst v1  }
0x100: {  	v1 =	vld [tilespmem:s25+$0x30]  }
.Ltmp15:
0x101: {  	_ = 	snop;
	(pc) =	sbr.rel .LBB2_17-.Ltmp15, $2  }
0x102: {  	_ =	sdelay $0x2  }
0x103: {  	s28 =	sadd.s32 $0x1, s28;
	[tilespmem:s0+$0x178] =	vst v1  }
.LBB2_19:
.Ltmp16:
0x104: {  	(pc) =	sbr.rel .LBB2_20-.Ltmp16, $4  }
0x105: {  	_ = 	snop  }
0x106: {  	s0 =	simm.s32 $0x2  }
0x107: {  	_ =	swait.ge [sflag:s0], $0x0  }
0x108: {  	s30 =	smov.u32 s29;
	[sflag:s0] =	ssyncset.done $0x0;
	s0 =	simm.s32 $0x0  }
.LBB2_22:
0x109: {  	_ =	sfence.sel $0x180000  }
0x10a: {  	s0 =	simm.s32 $0x9;
	[bflag:$0x0] =	sbarrier.arrive $0xFFFF  }
0x10b: {  	s24 =	simm.s32 $0xA;
	[sflag:s0] =	ssyncpa.u1 $0x1  }
0x10c: {  	s25 =	simm.s32 $0xB;
	[sflag:s24] =	ssyncpa.u1 $0x1  }
0x10d: {  	s26 =	simm.s32 $0x2;
	[sflag:s25] =	ssyncpa.u1 $0x1  }
0x10e: {  	[sflag:s26] =	ssyncpa.u1 $0x1  }
0x10f: {  	v0 =	vld [tilespmem:$0xF208];
	_ =	sdelay $0x4  }
0x110: {  	(v2sf) =	vpush v0, $0x0  }
0x111: {  	(v2sf) =	vpush v0, $0x1;
	_ =	sdelay $0x1  }
0x112: {  	(v2sf) =	vpush v0, $0x2;
	_ =	sdelay $0xb  }
0x113: {  	s0 =	spop (v2sf)  }
0x114: {  	s2 =	spop (v2sf)  }
0x115: {  	s3 =	smov.u32 s0;
	p0 =	sne.s32 s0, s2  }
0x116: {  	s4 =	spop (v2sf);
	s3 =	simm.s32 @!p0 $0xFFFFFFFF  }
0x117: {  	v2 =	vimm.s32 $0x1;
	v3 =	vlaneseq.u32;
	p0 =	seq.s32 s4, $0xFFFFFFFF;
	v1 =	vmov s3  }
0x118: {  	s16 =	stileid.u32;
	v0 =	vperm.xlane v0, v2;
	p1 =	sne.s32 @!p0 s0, s2;
	v1 =	vperm.xlane v1, v3  }
0x119: {  	vm0 =	vcmask $0x3F04;
	s6 =	simm.s32 $0xF208;
	s0 =	simm.s32 @!p0 $0x1;
	p1 =	por !p1, p0  }
0x11a: {  	s3 =	sshll.u32 s16, $0x1;
	s2 =	sshll.u32 @!p0 s4, $0x9;
	s0 =	simm.s32 @p1 $0x0;
	v0 =	vsel vm0, v1, v0  }
0x11b: {  	s5 =	sor.u32 $0x1000, s3;
	s2 =	sshra.s32 @!p0 s2, $0x2;
	s0 =	sor.u32 @!p0 s0, s3;
	[tilespmem:$0xF208] =	vst v0  }
0x11c: {  	[spmem:s5] =	stream.linear.scatter [tilespmem:s6], [sflag:$0x1], $0x2, $0x38;
	[tilespmem:$0x1F6F8] =	vst v63  }
0x11d: {  	s2 =	sadd.s32 @!p0 $0x108, s2;
	s0 =	sshll.u32 @!p0 s0, $0x7  }
0x11e: {  	[spmem:s0] =	stream.linear.scatter @!p0 [tilespmem:s2], [sflag:$0x1], $0x80, $0x38;
	[tilespmem:$0x1F6F8] =	vst v63  }
0x11f: {  	s0 =	simm.s32 @!p0 $0x82  }
0x120: {  	s28 =	simm.s32 $0x1;
	s0 =	simm.s32 @p0 $0x2  }
0x121: {  	_ =	swait.ge [sflag:s28], s0  }
0x122: {  	s0 =	ssub.s32 $0x0, s0;
	[sflag:s28] =	ssyncset.done $0x0  }
0x123: {  	p0 =	sne.s32 s16, $0x0;
	[sflag:s28] =	ssyncadd.s32 s0  }
.Ltmp17:
0x124: {  	_ =	sfence.stream.spmem;
	(pc) =	sbr.rel @p0 .LBB2_39-.Ltmp17, $4  }
0x125: {  	s29 =	simm.s32 $0x3;
	[bflag:$0x0] =	sbarrier.arrive $0xFFFF  }
0x126: {  	s30 =	simm.s32 $0x4;
	[sflag:s29] =	ssyncpa.u1 $0x1  }
0x127: {  	s31 =	simm.s32 $0x3C;
	[sflag:s30] =	ssyncpa.u1 $0x1  }
0x128: {  	s15 =	rddreg [dreg:$0x4];
	[sflag:s31] =	ssyncpa.u1 $0x1  }
0x129: {  	_ =	sfence.stream.spmem;
	s0 =	simm.s32 $0x5  }
0x12a: {  	s2 =	simm.s32 $0x1000;
	s3 =	simm.s32 $0xF218;
	[sflag:s0] =	ssyncpa.u1 $0x0  }
0x12b: {  	[tilespmem:s3], [sflag:$0x5] =	stream.linear.gather [spmem:s2], $0x20, $0x38;
	[tilespmem:$0x1F6F8] =	vst v63  }
0x12c: {  	s26 =	simm.s32 $0x0;
	s28 =	simm.s32 $0xF238  }
0x12d: {  	[tilespmem:s28], [sflag:$0x5] =	stream.linear.gather [spmem:s26], $0x1000, $0x38;
	[tilespmem:$0x1F6F8] =	vst v63  }
0x12e: {  	_ =	swait.ge [sflag:s0], $0x1020  }
0x12f: {  	[sflag:s0] =	ssyncset.done $0x0  }
0x130: {  	s29 =	simm.s32 $0x0;
	[sflag:s0] =	ssyncadd.s32 $0xFFFFEFE0  }
0x131: {  	v0 =	vld.msk [tilespmem:s29+$0xF218], $0x1;
	_ =	sdelay $0x1  }
0x132: {  	s30 =	simm.s32 $0x1  }
0x133: {  	v1 =	vld.msk [tilespmem:s30+$0xF218], $0x1;
	_ =	sdelay $0x1  }
0x134: {  	(v2sf) =	vpush v0, $0x0;
	_ =	sdelay $0x2  }
0x135: {  	(v2sf) =	vpush v1, $0x0;
	_ =	sdelay $0x2  }
0x136: {  	s31 =	simm.s32 $0x2  }
0x137: {  	v0 =	vld.msk [tilespmem:s31+$0xF218], $0x1;
	_ =	sdelay $0x2  }
0x138: {  	s4 =	simm.s32 $0xFFFFFFFF;
	s5 =	simm.s32 $0xFFFFFFFF;
	s0 =	simm.s32 $0xC  }
.LBB2_24:
0x139: {  	s2 =	smov.u32 s5;
	s3 =	smov.u32 s4  }
0x13a: {  	s4 =	sshra.s32 s0, $0x2;
	p1 =	sne.s32 s0, $0x7C;
	s0 =	sadd.s32 $0x4, s0;
	(v2sf) =	vpush v0, $0x0  }
0x13b: {  	v0 =	vld.msk [tilespmem:s4+$0xF218], $0x1  }
.Ltmp18:
0x13c: {  	(pc) =	sbr.rel @p1 .LBB2_24-.Ltmp18, $4  }
0x13d: {  	s5 =	spop (v2sf)  }
0x13e: {  	p2 =	sne.s32 s3, $0xFFFFFFFF;
	s4 =	smov.u32 s5  }
0x13f: {  	p3 =	seq.s32 s5, $0xFFFFFFFF;
	s4 =	smov.u32 @p2 s3  }
0x140: {  	s5 =	smov.u32 @p3 s2;
	s4 =	smov.u32 @p3 s3  }
0x141: {  	(v2sf) =	vpush v0, $0x0;
	_ =	sdelay $0x8  }
0x142: {  	s0 =	spop (v2sf)  }
0x143: {  	p1 =	sne.s32 s4, $0xFFFFFFFF;
	s2 =	smov.u32 s0  }
0x144: {  	s9 =	simm.s32 $0x6;
	p2 =	seq.s32 s0, $0xFFFFFFFF;
	s2 =	smov.u32 @p1 s4  }
0x145: {  	s6 =	simm.s32 $0x0;
	s2 =	smov.u32 @p2 s4;
	s3 =	spop (v2sf)  }
0x146: {  	s0 =	smov.u32 @p2 s5;
	p1 =	sne.s32 s2, $0xFFFFFFFF;
	s4 =	smov.u32 s3  }
.Ltmp19:
0x147: {  	p2 =	seq.s32 s3, $0xFFFFFFFF;
	s4 =	smov.u32 @p1 s2;
	(pc) =	sbr.rel .LBB2_26-.Ltmp19, $4  }
0x148: {  	s10 =	simm.s32 $0xF188;
	s4 =	smov.u32 @p2 s2;
	s7 =	spop (v2sf)  }
0x149: {  	s11 =	simm.s32 $0x0;
	p1 =	sne.s32 s4, $0xFFFFFFFF;
	s8 =	smov.u32 s7  }
0x14a: {  	s3 =	smov.u32 @p2 s0;
	p2 =	seq.s32 s7, $0xFFFFFFFF;
	s8 =	smov.u32 @p1 s4  }
0x14b: {  	[sflag:s9] =	ssyncpa.u1 $0x0;
	s7 =	smov.u32 @p2 s3;
	s8 =	smov.u32 @p2 s4  }
.LBB2_32:
0x14c: {  	p1 =	sgt.u32 s12, $0x1FFFF0  }
0x14d: {  	p2 =	seq.s32 @!p1 s12, s8  }
0x14e: {  	p1 =	por p1, p2  }
0x14f: {  	p2 =	sne.s32 @!p1 s12, s7  }
0x150: {  	p1 =	por p1, !p2  }
0x151: {  	s0 =	sshll.u32 @p1 s11, $0x9  }
0x152: {  	s0 =	sand.u32 @!p1 $0x1FFFF8, s12  }
0x153: {  	s2 =	sand.u32 @!p1 $0x7, s12;
	s0 =	sadd.s32 @!p1 s1, s0  }
0x154: {  	[tilespmem:s10], [sflag:$0x6] =	stream.linear.gather @!p1 [hbm4b:s0+s2], $0x80, $0x38;
	[tilespmem:$0x1F6F8] =	vst v63  }
0x155: {  	_ =	swait.ge @!p1 [sflag:s9], $0x80  }
0x156: {  	[sflag:s9] =	ssyncset.done @!p1 $0x0  }
0x157: {  	[sflag:s9] =	ssyncadd.s32 @!p1 $0xFFFFFF80  }
0x158: {  	v1 =	vld @!p1 [tilespmem:$0xF188];
	_ =	sdelay $0x2  }
0x159: {  	s0 =	sshll.u32 @!p1 s11, $0x9  }
0x15a: {  	s2 =	sshrl.u32 @!p1 s0, $0x2  }
0x15b: {  	[tilespmem:s2+$0xF238] =	vst.add.f32.msk @!p1 $0xffff, v1  }
0x15c: {  	v1 =	vld @!p1 [tilespmem:$0xF198];
	_ =	sdelay $0x4  }
0x15d: {  	[tilespmem:s2+$0xF248] =	vst.add.f32.msk @!p1 $0xffff, v1  }
0x15e: {  	v1 =	vld @!p1 [tilespmem:$0xF1A8];
	_ =	sdelay $0x4  }
0x15f: {  	[tilespmem:s2+$0xF258] =	vst.add.f32.msk @!p1 $0xffff, v1  }
0x160: {  	v1 =	vld @!p1 [tilespmem:$0xF1B8];
	_ =	sdelay $0x4  }
0x161: {  	[tilespmem:s2+$0xF268] =	vst.add.f32.msk @!p1 $0xffff, v1  }
0x162: {  	v1 =	vld @!p1 [tilespmem:$0xF1C8];
	_ =	sdelay $0x4  }
0x163: {  	[tilespmem:s2+$0xF278] =	vst.add.f32.msk @!p1 $0xffff, v1  }
0x164: {  	v1 =	vld @!p1 [tilespmem:$0xF1D8];
	_ =	sdelay $0x4  }
0x165: {  	[tilespmem:s2+$0xF288] =	vst.add.f32.msk @!p1 $0xffff, v1  }
0x166: {  	v1 =	vld @!p1 [tilespmem:$0xF1E8];
	_ =	sdelay $0x4  }
0x167: {  	[tilespmem:s2+$0xF298] =	vst.add.f32.msk @!p1 $0xffff, v1  }
0x168: {  	v1 =	vld @!p1 [tilespmem:$0xF1F8];
	_ =	sdelay $0x4  }
0x169: {  	[tilespmem:s2+$0xF2A8] =	vst.add.f32.msk @!p1 $0xffff, v1  }
0x16a: {  	s0 =	sshrl.u32 s0, $0x2;
	[tilespmem:s6+$0xF218] =	vst.msk $0x1, v0  }
0x16b: {  	v0 =	vld [tilespmem:s0+$0xF238];
	_ =	sdelay $0x2  }
0x16c: {  	s31 =	sshll.u32 s6, $0x9  }
0x16d: {  	s2 =	sshra.s32 s31, $0x2  }
0x16e: {  	[tilespmem:s2+$0xF238] =	vst v0  }
0x16f: {  	v0 =	vld [tilespmem:s0+$0xF248];
	_ =	sdelay $0x4  }
0x170: {  	[tilespmem:s2+$0xF248] =	vst v0  }
0x171: {  	v0 =	vld [tilespmem:s0+$0xF258];
	_ =	sdelay $0x4  }
0x172: {  	[tilespmem:s2+$0xF258] =	vst v0  }
0x173: {  	v0 =	vld [tilespmem:s0+$0xF268];
	_ =	sdelay $0x4  }
0x174: {  	[tilespmem:s2+$0xF268] =	vst v0  }
0x175: {  	v0 =	vld [tilespmem:s0+$0xF278];
	_ =	sdelay $0x4  }
0x176: {  	[tilespmem:s2+$0xF278] =	vst v0  }
0x177: {  	v0 =	vld [tilespmem:s0+$0xF288];
	_ =	sdelay $0x4  }
0x178: {  	[tilespmem:s2+$0xF288] =	vst v0  }
0x179: {  	v0 =	vld [tilespmem:s0+$0xF298];
	_ =	sdelay $0x4  }
0x17a: {  	[tilespmem:s2+$0xF298] =	vst v0  }
0x17b: {  	v0 =	vld [tilespmem:s0+$0xF2A8];
	_ =	sdelay $0x4  }
0x17c: {  	s6 =	sadd.s32 $0x1, s6;
	[tilespmem:s2+$0xF2A8] =	vst v0  }
.LBB2_33:
0x17d: {  	s11 =	sadd.s32 $0x1, s11  }
0x17e: {  	p1 =	sne.s32 s11, $0x20  }
.Ltmp20:
0x17f: {  	_ = 	snop;
	(pc) =	sbr.rel @!p1 .LBB2_34-.Ltmp20, $1  }
0x180: {  	_ =	sdelay $0x3  }
.LBB2_26:
0x181: {  	v0 =	vld.msk [tilespmem:s11+$0xF218], $0x1;
	_ =	sdelay $0x4  }
0x182: {  	(v2sf) =	vpush v0, $0x0;
	_ =	sdelay $0xe  }
0x183: {  	s12 =	spop (v2sf)  }
0x184: {  	p1 =	seq.s32 s12, $0xFFFFFFFF  }
.Ltmp21:
0x185: {  	_ = 	snop;
	(pc) =	sbr.rel @p1 .LBB2_33-.Ltmp21, $1  }
0x186: {  	_ =	sdelay $0x3  }
0x187: {  	p1 =	slt.s32 s6, $0x1  }
.Ltmp22:
0x188: {  	_ = 	snop;
	(pc) =	sbr.rel @p1 .LBB2_32-.Ltmp22, $1  }
0x189: {  	_ =	sdelay $0x3  }
0x18a: {  	s13 =	simm.s32 $0xF218;
	p1 =	por $0x0, $0x0  }
0x18b: {  	v1 =	vld.msk @!p1 [tilespmem:s13+$0x0], $0x1;
	_ =	sdelay $0x4  }
0x18c: {  	(v2sf) =	vpush @!p1 v1, $0x0;
	_ =	sdelay $0xd  }
0x18d: {  	p3 =	sne.s32 s6, $0x1  }
.Ltmp23:
0x18e: {  	s0 =	spop @!p1 (v2sf);
	(pc) =	sbr.rel @!p3 .LBB2_30-.Ltmp23, $4  }
0x18f: {  	p2 =	seq.s32 @!p1 s12, s0  }
0x190: {  	s14 =	simm.s32 $0x0;
	p2 =	por !p2, p1  }
0x191: {  	s2 =	simm.s32 $0xFFFFFFFF;
	s14 =	simm.s32 @p2 $0xFFFFFFFF  }
0x192: {  	s0 =	simm.s32 $0x1;
	s14 =	smov.u32 @p1 s2  }
.LBB2_29:
0x193: {  	s2 =	smov.u32 s14;
	p1 =	sne.s32 s14, $0xFFFFFFFF  }
0x194: {  	s13 =	sadd.s32 $0x1, s13;
	s14 =	smov.u32 s0;
	s0 =	sadd.s32 $0x1, s0  }
0x195: {  	p2 =	sne.s32 s6, s0;
	v1 =	vld.msk @!p1 [tilespmem:s13+$0x0], $0x1;
	_ =	sdelay $0x4  }
0x196: {  	(v2sf) =	vpush @!p1 v1, $0x0;
	_ =	sdelay $0xe  }
.Ltmp24:
0x197: {  	s3 =	spop @!p1 (v2sf);
	(pc) =	sbr.rel @p2 .LBB2_29-.Ltmp24, $4  }
0x198: {  	p3 =	seq.s32 @!p1 s12, s3  }
0x199: {  	p3 =	por !p3, p1  }
0x19a: {  	s14 =	simm.s32 @p3 $0xFFFFFFFF  }
0x19b: {  	s14 =	smov.u32 @p1 s2  }
.LBB2_30:
0x19c: {  	p1 =	seq.s32 s14, $0xFFFFFFFF  }
.Ltmp25:
0x19d: {  	_ = 	snop;
	(pc) =	sbr.rel @p1 .LBB2_32-.Ltmp25, $1  }
0x19e: {  	_ =	sdelay $0x3  }
0x19f: {  	s0 =	sshll.u32 s11, $0x7  }
0x1a0: {  	s0 =	sand.u32 $0x3FFFFF80, s0  }
0x1a1: {  	v0 =	vld [tilespmem:s0+$0xF238];
	_ =	sdelay $0x2  }
0x1a2: {  	s2 =	sshll.u32 s14, $0x9  }
0x1a3: {  	s2 =	sshra.s32 s2, $0x2  }
0x1a4: {  	[tilespmem:s2+$0xF238] =	vst.add.f32.msk $0xffff, v0  }
0x1a5: {  	v0 =	vld [tilespmem:s0+$0xF248];
	_ =	sdelay $0x4  }
0x1a6: {  	[tilespmem:s2+$0xF248] =	vst.add.f32.msk $0xffff, v0  }
0x1a7: {  	v0 =	vld [tilespmem:s0+$0xF258];
	_ =	sdelay $0x4  }
0x1a8: {  	[tilespmem:s2+$0xF258] =	vst.add.f32.msk $0xffff, v0  }
0x1a9: {  	v0 =	vld [tilespmem:s0+$0xF268];
	_ =	sdelay $0x4  }
0x1aa: {  	[tilespmem:s2+$0xF268] =	vst.add.f32.msk $0xffff, v0  }
0x1ab: {  	v0 =	vld [tilespmem:s0+$0xF278];
	_ =	sdelay $0x4  }
0x1ac: {  	[tilespmem:s2+$0xF278] =	vst.add.f32.msk $0xffff, v0  }
0x1ad: {  	v0 =	vld [tilespmem:s0+$0xF288];
	_ =	sdelay $0x4  }
0x1ae: {  	[tilespmem:s2+$0xF288] =	vst.add.f32.msk $0xffff, v0  }
0x1af: {  	v0 =	vld [tilespmem:s0+$0xF298];
	_ =	sdelay $0x4  }
0x1b0: {  	[tilespmem:s2+$0xF298] =	vst.add.f32.msk $0xffff, v0  }
0x1b1: {  	v0 =	vld [tilespmem:s0+$0xF2A8]  }
.Ltmp26:
0x1b2: {  	_ = 	snop;
	(pc) =	sbr.rel .LBB2_33-.Ltmp26, $2  }
0x1b3: {  	_ =	sdelay $0x2  }
0x1b4: {  	[tilespmem:s2+$0xF2A8] =	vst.add.f32.msk $0xffff, v0  }
.LBB2_34:
0x1b5: {  	s0 =	simm.s32 $0x6;
	p1 =	seq.s32 s6, $0x0  }
0x1b6: {  	[sflag:s0] =	ssyncpa.u1 $0x1;
	v0 =	vimm.s32 @p1 $0xFFFFFFFF  }
0x1b7: {  	s9 =	sadd.s32 $0xFFFFFFFF, s6;
	[tilespmem:$0x10238] =	vst @p1 v0  }
0x1b8: {  	v0 =	vld.msk @!p1 [tilespmem:s9+$0xF218], $0x1;
	_ =	sdelay $0x1  }
0x1b9: {  	v1 =	vld.msk @!p1 [tilespmem:$0xF218], $0x1;
	_ =	sdelay $0x2  }
0x1ba: {  	p2 =	seq.s32 @!p1 s9, $0x0;
	v0 =	vbroadcast @!p1 v0, $0x0  }
0x1bb: {  	vm0 =	vmmov @!p1 $0x1;
	p2 =	por !p2, p1  }
0x1bc: {  	v1 =	vnsel @!p1 vm0, $0xFFFFFFFF, v1;
	vm0 =	vcmask @!p1 $0x308;
	v0 =	vpsel !p2, $0xFFFFFFFF, v0  }
0x1bd: {  	p2 =	sne.s32 @!p1 s8, s7;
	v0 =	vsel @!p1 vm0, v1, v0  }
0x1be: {  	s0 =	simm.s32 @!p1 $0xF238;
	s2 =	simm.s32 @!p1 $0x0;
	p3 =	por !p2, p1;
	[tilespmem:$0x10238] =	vst @!p1 v0  }
0x1bf: {  	[spmem:s2] =	stream.linear.scatter @!p1 [tilespmem:s0], [sflag:$0x1], $0x80, $0x38;
	[tilespmem:$0x1F6F8] =	vst v63  }
0x1c0: {  	s0 =	sshll.u32 @!p3 s9, $0x9  }
0x1c1: {  	s0 =	sshra.s32 @!p3 s0, $0x2  }
0x1c2: {  	s2 =	simm.s32 @!p3 $0x80;
	s0 =	sadd.s32 @!p3 $0xF238, s0  }
0x1c3: {  	[spmem:s2] =	stream.linear.scatter @!p3 [tilespmem:s0], [sflag:$0x1], $0x80, $0x38;
	[tilespmem:$0x1F6F8] =	vst v63  }
0x1c4: {  	s0 =	simm.s32 @!p3 $0x1  }
0x1c5: {  	_ =	swait.ge @!p3 [sflag:s0], $0x100  }
0x1c6: {  	p1 =	por p2, p1;
	[sflag:s0] =	ssyncset.done @!p3 $0x0  }
0x1c7: {  	[sflag:s0] =	ssyncadd.s32 @!p3 $0xFFFFFF00;
	s0 =	simm.s32 @!p1 $0x1  }
0x1c8: {  	_ =	swait.ge @!p1 [sflag:s0], $0x80  }
0x1c9: {  	s29 =	simm.s32 $0x10238;
	[sflag:s0] =	ssyncset.done @!p1 $0x0  }
0x1ca: {  	s30 =	simm.s32 $0x1000;
	s31 =	simm.s32 $0x1;
	[sflag:s0] =	ssyncadd.s32 @!p1 $0xFFFFFF80  }
0x1cb: {  	[spmem:s30] =	stream.linear.scatter [tilespmem:s29], [sflag:$0x1], $0x10, $0x38;
	[tilespmem:$0x1F6F8] =	vst v63  }
0x1cc: {  	_ =	swait.ge [sflag:s31], $0x10  }
0x1cd: {  	[sflag:s31] =	ssyncset.done $0x0  }
0x1ce: {  	p1 =	seq.s32 s15, $0x0;
	s8 =	rddreg [dreg:$0x1];
	[sflag:s31] =	ssyncadd.s32 $0xFFFFFFF0  }
0x1cf: {  	s2 =	sshll.u32 @p1 s8, $0xE;
	s7 =	rddreg [dreg:$0x2]  }
0x1d0: {  	s0 =	sadd.s32 @p1 $0x15C3C, s2;
	s2 =	sshll.u32 @p1 s7, $0x11  }
0x1d1: {  	_ =	sfence.stream.spmem;
	s0 =	sor.u32 @p1 s2, s0  }
0x1d2: {  	[sflag:s0] =	ssyncadd.remote.s32 @p1 $0x1;
	s0 =	simm.s32 @p1 $0x4  }
0x1d3: {  	s3 =	simm.s32 @!p1 $0x3C;
	s2 =	sand.u32 $0xFFFFFFFE, s8;
	_ =	swait.ge @p1 [sflag:s0], $0x22  }
0x1d4: {  	s4 =	simm.s32 @!p1 $0x0;
	s2 =	sadd.s32 @!p1 $0x4, s2;
	[sflag:s0] =	ssyncset.done @p1 $0x0  }
0x1d5: {  	s5 =	simm.s32 @!p1 $0x100;
	[sflag:s0] =	ssyncadd.s32 @p1 $0xFFFFFFDE;
	s0 =	sshll.u32 @!p1 s2, $0x1A  }
0x1d6: {  	s2 =	sshll.u32 @!p1 s2, $0xD;
	s0 =	sor.u32 @!p1 s0, s7;
	_ =	swait.eq @!p1 [sflag:s3], $0x1  }
0x1d7: {  	s2 =	sor.u32 @!p1 $0x1C04, s2;
	s3 =	simm.s32 @!p1 $0x1C03;
	s0 =	sor.u32 @!p1 $0x80004000, s0  }
0x1d8: {  	[spmem:s5], [sflag:s2] =	dma.general @!p1 [spmem:s4], [sflag:s3], length:$0x20, [dreg:$0x0], stride_count:$0x0, ici_dest:s0, dma_misc:DstOpCode:WRITE  }
0x1d9: {  	p2 =	slt.s32 s9, $0x2;
	s4 =	simm.s32 @!p1 $0x200;
	s5 =	simm.s32 @!p1 $0x202  }
0x1da: {  	[spmem:s5], [sflag:s2] =	dma.general @!p1 [spmem:s4], [sflag:s3], length:$0x2, [dreg:$0x0], stride_count:$0x0, ici_dest:s0, dma_misc:DstOpCode:WRITE  }
.Ltmp27:
0x1db: {  	s0 =	simm.s32 @!p1 $0x3;
	(pc) =	sbr.rel @p2 .LBB2_38-.Ltmp27, $4  }
0x1dc: {  	s2 =	sshll.u32 @!p1 s8, $0xE;
	_ =	swait.ge @!p1 [sflag:s0], $0x22  }
0x1dd: {  	s3 =	sshll.u32 @!p1 s7, $0x11;
	s2 =	sadd.s32 @!p1 $0x11C3C, s2;
	[sflag:s0] =	ssyncset.done @!p1 $0x0  }
0x1de: {  	[sflag:s0] =	ssyncadd.s32 @!p1 $0xFFFFFFDE;
	s0 =	sor.u32 @!p1 s3, s2  }
0x1df: {  	[sflag:s0] =	ssyncadd.remote.s32 @!p1 $0xFFFFFFFF;
	s0 =	simm.s32 $0x0  }
0x1e0: {  	s0 =	simm.s32 $0xF219  }
0x1e1: {  	v0 =	vld.msk [tilespmem:s0+$0x0], $0x1;
	_ =	sdelay $0x4  }
0x1e2: {  	(v2sf) =	vpush v0, $0x0;
	_ =	sdelay $0xb  }
0x1e3: {  	s31 =	sadd.s32 $0xFFFFFFFE, s6  }
0x1e4: {  	s0 =	sadd.s32 $0xFFFFFFFF, s31  }
0x1e5: {  	p2 =	sne.s32 s0, $0x0  }
.Ltmp28:
0x1e6: {  	s2 =	spop (v2sf);
	(pc) =	sbr.rel @!p2 .LBB2_37-.Ltmp28, $4  }
0x1e7: {  	s4 =	simm.s32 $0xF2B8;
	s7 =	simm.s32 $0x0;
	p1 =	sgt.u32 s2, $0x1FFFF0  }
0x1e8: {  	s5 =	simm.s32 $0x0;
	s6 =	simm.s32 $0xF21A;
	s3 =	sand.u32 @!p1 $0x1FFFF8, s2  }
0x1e9: {  	s2 =	sand.u32 @!p1 $0x7, s2;
	s7 =	simm.s32 @!p1 $0x200;
	s3 =	sadd.s32 @!p1 s1, s3  }
0x1ea: {  	[hbm4b:s3+s2] =	stream.linear.scatter @!p1 [tilespmem:s4], [sflag:$0x5], $0x80, $0x38;
	[tilespmem:$0x1F6F8] =	vst v63  }
.LBB2_36:
0x1eb: {  	v0 =	vld.msk [tilespmem:s6+$0x0], $0x1;
	s0 =	sadd.s32 $0xFFFFFFFF, s0;
	s5 =	sadd.s32 s5, s7  }
0x1ec: {  	p1 =	sne.s32 s0, $0x0;
	_ =	sdelay $0x3  }
0x1ed: {  	(v2sf) =	vpush v0, $0x0;
	_ =	sdelay $0xe  }
.Ltmp29:
0x1ee: {  	s2 =	spop (v2sf);
	(pc) =	sbr.rel @p1 .LBB2_36-.Ltmp29, $4  }
0x1ef: {  	s7 =	simm.s32 $0x0;
	p2 =	sgt.u32 s2, $0x1FFFF0  }
0x1f0: {  	s4 =	sadd.s32 $0x80, s4;
	s7 =	simm.s32 @!p2 $0x200;
	s3 =	sand.u32 @!p2 $0x1FFFF8, s2  }
0x1f1: {  	s6 =	sadd.s32 $0x1, s6;
	s2 =	sand.u32 @!p2 $0x7, s2;
	s3 =	sadd.s32 @!p2 s1, s3  }
0x1f2: {  	[hbm4b:s3+s2] =	stream.linear.scatter @!p2 [tilespmem:s4], [sflag:$0x5], $0x80, $0x38;
	[tilespmem:$0x1F6F8] =	vst v63  }
.LBB2_37:
0x1f3: {  	s0 =	sadd.s32 s5, s7  }
0x1f4: {  	s0 =	sshrl.u32 s0, $0x2  }
.LBB2_38:
0x1f5: {  	s2 =	simm.s32 $0x5  }
0x1f6: {  	_ =	swait.ge [sflag:s2], s0  }
0x1f7: {  	s31 =	ssub.s32 $0x0, s0;
	[sflag:s2] =	ssyncset.done $0x0  }
0x1f8: {  	[sflag:s2] =	ssyncadd.s32 s31  }
0x1f9: {  	[sflag:s2] =	ssyncpa.u1 $0x1  }
.LBB2_39:
0x1fa: {  	s0 =	sor.u32 s15, s16  }
0x1fb: {  	p1 =	sne.s32 s0, $0x0  }
.Ltmp30:
0x1fc: {  	_ = 	snop;
	(pc) =	sbr.rel @p1 .LBB2_54-.Ltmp30, $3  }
0x1fd: {  	_ =	sdelay $0x1  }
0x1fe: {  	[bflag:$0x0] =	sbarrier.arrive $0xFFFF  }
0x1ff: {  	_ =	sfence  }
0x200: {  	s0 =	simm.s32 $0x7  }
0x201: {  	s2 =	simm.s32 $0x1000;
	s3 =	simm.s32 $0xF218;
	[sflag:s0] =	ssyncpa.u1 $0x0  }
0x202: {  	[tilespmem:s3], [sflag:$0x7] =	stream.linear.gather [spmem:s2], $0x20, $0x38;
	[tilespmem:$0x1F6F8] =	vst v63  }
0x203: {  	s30 =	simm.s32 $0xF238;
	s2 =	simm.s32 $0x0  }
0x204: {  	[tilespmem:s30], [sflag:$0x7] =	stream.linear.gather [spmem:s2], $0x1000, $0x38;
	[tilespmem:$0x1F6F8] =	vst v63  }
.Ltmp31:
0x205: {  	_ = 	snop;
	(pc) =	sbr.rel .LBB2_41-.Ltmp31, $4  }
0x206: {  	_ =	swait.ge [sflag:s0], $0x1020  }
0x207: {  	[sflag:s0] =	ssyncset.done $0x0  }
0x208: {  	s31 =	simm.s32 $0x8;
	[sflag:s0] =	ssyncadd.s32 $0xFFFFEFE0  }
0x209: {  	s3 =	simm.s32 $0x0;
	[sflag:s31] =	ssyncpa.u1 $0x0  }
.LBB2_47:
0x20a: {  	p1 =	slt.u32 s4, $0x1FFFF1  }
0x20b: {  	s0 =	sand.u32 @p1 $0x1FFFF8, s4  }
0x20c: {  	s4 =	sand.u32 @p1 $0x7, s4;
	s5 =	simm.s32 @p1 $0xF188;
	s0 =	sadd.s32 @p1 s1, s0  }
0x20d: {  	[tilespmem:s5], [sflag:$0x8] =	stream.linear.gather @p1 [hbm4b:s0+s4], $0x80, $0x38;
	[tilespmem:$0x1F6F8] =	vst v63  }
0x20e: {  	s0 =	simm.s32 @p1 $0x8  }
0x20f: {  	_ =	swait.ge @p1 [sflag:s0], $0x80  }
0x210: {  	[sflag:s0] =	ssyncset.done @p1 $0x0  }
0x211: {  	[sflag:s0] =	ssyncadd.s32 @p1 $0xFFFFFF80  }
0x212: {  	v1 =	vld @p1 [tilespmem:$0xF188];
	_ =	sdelay $0x2  }
0x213: {  	s0 =	sshll.u32 @p1 s3, $0x9  }
0x214: {  	s4 =	sshrl.u32 @p1 s0, $0x2  }
0x215: {  	[tilespmem:s4+$0xF238] =	vst.add.f32.msk @p1 $0xffff, v1  }
0x216: {  	v1 =	vld @p1 [tilespmem:$0xF198];
	_ =	sdelay $0x4  }
0x217: {  	[tilespmem:s4+$0xF248] =	vst.add.f32.msk @p1 $0xffff, v1  }
0x218: {  	v1 =	vld @p1 [tilespmem:$0xF1A8];
	_ =	sdelay $0x4  }
0x219: {  	[tilespmem:s4+$0xF258] =	vst.add.f32.msk @p1 $0xffff, v1  }
0x21a: {  	v1 =	vld @p1 [tilespmem:$0xF1B8];
	_ =	sdelay $0x4  }
0x21b: {  	[tilespmem:s4+$0xF268] =	vst.add.f32.msk @p1 $0xffff, v1  }
0x21c: {  	v1 =	vld @p1 [tilespmem:$0xF1C8];
	_ =	sdelay $0x4  }
0x21d: {  	[tilespmem:s4+$0xF278] =	vst.add.f32.msk @p1 $0xffff, v1  }
0x21e: {  	v1 =	vld @p1 [tilespmem:$0xF1D8];
	_ =	sdelay $0x4  }
0x21f: {  	[tilespmem:s4+$0xF288] =	vst.add.f32.msk @p1 $0xffff, v1  }
0x220: {  	v1 =	vld @p1 [tilespmem:$0xF1E8];
	_ =	sdelay $0x4  }
0x221: {  	[tilespmem:s4+$0xF298] =	vst.add.f32.msk @p1 $0xffff, v1  }
0x222: {  	v1 =	vld @p1 [tilespmem:$0xF1F8];
	_ =	sdelay $0x3  }
0x223: {  	s5 =	sshll.u32 @!p1 s3, $0x9  }
0x224: {  	s5 =	smov.u32 @p1 s0;
	[tilespmem:s4+$0xF2A8] =	vst.add.f32.msk @p1 $0xffff, v1  }
0x225: {  	s0 =	sshrl.u32 s5, $0x2;
	[tilespmem:s2+$0xF218] =	vst.msk $0x1, v0  }
0x226: {  	v0 =	vld [tilespmem:s0+$0xF238];
	_ =	sdelay $0x2  }
0x227: {  	s31 =	sshll.u32 s2, $0x9  }
0x228: {  	s4 =	sshra.s32 s31, $0x2  }
0x229: {  	[tilespmem:s4+$0xF238] =	vst v0  }
0x22a: {  	v0 =	vld [tilespmem:s0+$0xF248];
	_ =	sdelay $0x4  }
0x22b: {  	[tilespmem:s4+$0xF248] =	vst v0  }
0x22c: {  	v0 =	vld [tilespmem:s0+$0xF258];
	_ =	sdelay $0x4  }
0x22d: {  	[tilespmem:s4+$0xF258] =	vst v0  }
0x22e: {  	v0 =	vld [tilespmem:s0+$0xF268];
	_ =	sdelay $0x4  }
0x22f: {  	[tilespmem:s4+$0xF268] =	vst v0  }
0x230: {  	v0 =	vld [tilespmem:s0+$0xF278];
	_ =	sdelay $0x4  }
0x231: {  	[tilespmem:s4+$0xF278] =	vst v0  }
0x232: {  	v0 =	vld [tilespmem:s0+$0xF288];
	_ =	sdelay $0x4  }
0x233: {  	[tilespmem:s4+$0xF288] =	vst v0  }
0x234: {  	v0 =	vld [tilespmem:s0+$0xF298];
	_ =	sdelay $0x4  }
0x235: {  	[tilespmem:s4+$0xF298] =	vst v0  }
0x236: {  	v0 =	vld [tilespmem:s0+$0xF2A8];
	_ =	sdelay $0x4  }
0x237: {  	s2 =	sadd.s32 $0x1, s2;
	[tilespmem:s4+$0xF2A8] =	vst v0  }
.LBB2_48:
0x238: {  	s3 =	sadd.s32 $0x1, s3  }
0x239: {  	p1 =	sne.s32 s3, $0x20  }
.Ltmp32:
0x23a: {  	_ = 	snop;
	(pc) =	sbr.rel @!p1 .LBB2_49-.Ltmp32, $1  }
0x23b: {  	_ =	sdelay $0x3  }
.LBB2_41:
0x23c: {  	v0 =	vld.msk [tilespmem:s3+$0xF218], $0x1;
	_ =	sdelay $0x4  }
0x23d: {  	(v2sf) =	vpush v0, $0x0;
	_ =	sdelay $0xe  }
0x23e: {  	s4 =	spop (v2sf)  }
0x23f: {  	p1 =	seq.s32 s4, $0xFFFFFFFF  }
.Ltmp33:
0x240: {  	_ = 	snop;
	(pc) =	sbr.rel @p1 .LBB2_48-.Ltmp33, $1  }
0x241: {  	_ =	sdelay $0x3  }
0x242: {  	p1 =	slt.s32 s2, $0x1  }
.Ltmp34:
0x243: {  	_ = 	snop;
	(pc) =	sbr.rel @p1 .LBB2_47-.Ltmp34, $1  }
0x244: {  	_ =	sdelay $0x3  }
0x245: {  	s5 =	simm.s32 $0xF218;
	p1 =	por $0x0, $0x0  }
0x246: {  	v1 =	vld.msk @!p1 [tilespmem:s5+$0x0], $0x1;
	_ =	sdelay $0x4  }
0x247: {  	(v2sf) =	vpush @!p1 v1, $0x0;
	_ =	sdelay $0xd  }
0x248: {  	p3 =	sne.s32 s2, $0x1  }
.Ltmp35:
0x249: {  	s0 =	spop @!p1 (v2sf);
	(pc) =	sbr.rel @!p3 .LBB2_45-.Ltmp35, $4  }
0x24a: {  	p2 =	seq.s32 @!p1 s4, s0  }
0x24b: {  	s6 =	simm.s32 $0x0;
	p2 =	por !p2, p1  }
0x24c: {  	s7 =	simm.s32 $0xFFFFFFFF;
	s6 =	simm.s32 @p2 $0xFFFFFFFF  }
0x24d: {  	s0 =	simm.s32 $0x1;
	s6 =	smov.u32 @p1 s7  }
.LBB2_44:
0x24e: {  	s7 =	smov.u32 s6;
	p1 =	sne.s32 s6, $0xFFFFFFFF  }
0x24f: {  	s5 =	sadd.s32 $0x1, s5;
	s6 =	smov.u32 s0;
	s0 =	sadd.s32 $0x1, s0  }
0x250: {  	p2 =	sne.s32 s2, s0;
	v1 =	vld.msk @!p1 [tilespmem:s5+$0x0], $0x1;
	_ =	sdelay $0x4  }
0x251: {  	(v2sf) =	vpush @!p1 v1, $0x0;
	_ =	sdelay $0xe  }
.Ltmp36:
0x252: {  	s8 =	spop @!p1 (v2sf);
	(pc) =	sbr.rel @p2 .LBB2_44-.Ltmp36, $4  }
0x253: {  	p3 =	seq.s32 @!p1 s4, s8  }
0x254: {  	p3 =	por !p3, p1  }
0x255: {  	s6 =	simm.s32 @p3 $0xFFFFFFFF  }
0x256: {  	s6 =	smov.u32 @p1 s7  }
.LBB2_45:
0x257: {  	p1 =	seq.s32 s6, $0xFFFFFFFF  }
.Ltmp37:
0x258: {  	_ = 	snop;
	(pc) =	sbr.rel @p1 .LBB2_47-.Ltmp37, $1  }
0x259: {  	_ =	sdelay $0x3  }
0x25a: {  	s0 =	sshll.u32 s3, $0x7  }
0x25b: {  	s0 =	sand.u32 $0x3FFFFF80, s0  }
0x25c: {  	v0 =	vld [tilespmem:s0+$0xF238];
	_ =	sdelay $0x2  }
0x25d: {  	s4 =	sshll.u32 s6, $0x9  }
0x25e: {  	s4 =	sshra.s32 s4, $0x2  }
0x25f: {  	[tilespmem:s4+$0xF238] =	vst.add.f32.msk $0xffff, v0  }
0x260: {  	v0 =	vld [tilespmem:s0+$0xF248];
	_ =	sdelay $0x4  }
0x261: {  	[tilespmem:s4+$0xF248] =	vst.add.f32.msk $0xffff, v0  }
0x262: {  	v0 =	vld [tilespmem:s0+$0xF258];
	_ =	sdelay $0x4  }
0x263: {  	[tilespmem:s4+$0xF258] =	vst.add.f32.msk $0xffff, v0  }
0x264: {  	v0 =	vld [tilespmem:s0+$0xF268];
	_ =	sdelay $0x4  }
0x265: {  	[tilespmem:s4+$0xF268] =	vst.add.f32.msk $0xffff, v0  }
0x266: {  	v0 =	vld [tilespmem:s0+$0xF278];
	_ =	sdelay $0x4  }
0x267: {  	[tilespmem:s4+$0xF278] =	vst.add.f32.msk $0xffff, v0  }
0x268: {  	v0 =	vld [tilespmem:s0+$0xF288];
	_ =	sdelay $0x4  }
0x269: {  	[tilespmem:s4+$0xF288] =	vst.add.f32.msk $0xffff, v0  }
0x26a: {  	v0 =	vld [tilespmem:s0+$0xF298];
	_ =	sdelay $0x4  }
0x26b: {  	[tilespmem:s4+$0xF298] =	vst.add.f32.msk $0xffff, v0  }
0x26c: {  	v0 =	vld [tilespmem:s0+$0xF2A8]  }
.Ltmp38:
0x26d: {  	_ = 	snop;
	(pc) =	sbr.rel .LBB2_48-.Ltmp38, $2  }
0x26e: {  	_ =	sdelay $0x2  }
0x26f: {  	[tilespmem:s4+$0xF2A8] =	vst.add.f32.msk $0xffff, v0  }
.LBB2_49:
0x270: {  	p1 =	slt.s32 s2, $0x1  }
.Ltmp39:
0x271: {  	_ = 	snop;
	(pc) =	sbr.rel @p1 .LBB2_53-.Ltmp39, $3  }
0x272: {  	_ =	sdelay $0x1  }
0x273: {  	s0 =	simm.s32 $0x8  }
0x274: {  	s3 =	simm.s32 $0x0;
	[sflag:s0] =	ssyncpa.u1 $0x1  }
0x275: {  	s0 =	simm.s32 $0xF218  }
0x276: {  	v0 =	vld.msk [tilespmem:s0+$0x0], $0x1;
	_ =	sdelay $0x4  }
0x277: {  	(v2sf) =	vpush v0, $0x0;
	_ =	sdelay $0xe  }
0x278: {  	s0 =	sadd.s32 $0xFFFFFFFF, s2;
	s5 =	spop (v2sf)  }
0x279: {  	p2 =	sne.s32 s0, $0x0;
	p1 =	sgt.u32 s5, $0x1FFFF0  }
.Ltmp40:
0x27a: {  	s6 =	sand.u32 @!p1 $0x1FFFF8, s5;
	(pc) =	sbr.rel @!p2 .LBB2_52-.Ltmp40, $4  }
0x27b: {  	s4 =	simm.s32 $0xF238;
	s5 =	sand.u32 @!p1 $0x7, s5;
	s2 =	sadd.s32 @!p1 s1, s6  }
0x27c: {  	[hbm4b:s2+s5] =	stream.linear.scatter @!p1 [tilespmem:s4], [sflag:$0x7], $0x80, $0x38;
	[tilespmem:$0x1F6F8] =	vst v63  }
0x27d: {  	s5 =	simm.s32 $0x0  }
0x27e: {  	s2 =	simm.s32 $0xF219;
	s5 =	simm.s32 @!p1 $0x200  }
.LBB2_51:
0x27f: {  	v0 =	vld.msk [tilespmem:s2+$0x0], $0x1;
	s0 =	sadd.s32 $0xFFFFFFFF, s0;
	s3 =	sadd.s32 s3, s5  }
0x280: {  	p1 =	sne.s32 s0, $0x0;
	_ =	sdelay $0x3  }
0x281: {  	(v2sf) =	vpush v0, $0x0;
	_ =	sdelay $0xe  }
.Ltmp41:
0x282: {  	s6 =	spop (v2sf);
	(pc) =	sbr.rel @p1 .LBB2_51-.Ltmp41, $4  }
0x283: {  	s5 =	simm.s32 $0x0;
	p2 =	sgt.u32 s6, $0x1FFFF0  }
0x284: {  	s4 =	sadd.s32 $0x80, s4;
	s5 =	simm.s32 @!p2 $0x200;
	s7 =	sand.u32 @!p2 $0x1FFFF8, s6  }
0x285: {  	s2 =	sadd.s32 $0x1, s2;
	s6 =	sand.u32 @!p2 $0x7, s6;
	s7 =	sadd.s32 @!p2 s1, s7  }
0x286: {  	[hbm4b:s7+s6] =	stream.linear.scatter @!p2 [tilespmem:s4], [sflag:$0x7], $0x80, $0x38;
	[tilespmem:$0x1F6F8] =	vst v63  }
.LBB2_52:
0x287: {  	s0 =	sadd.s32 s3, s5  }
0x288: {  	s3 =	sshrl.u32 s0, $0x2  }
.LBB2_53:
0x289: {  	s0 =	simm.s32 $0x7  }
0x28a: {  	_ =	swait.ge [sflag:s0], s3  }
0x28b: {  	s1 =	ssub.s32 $0x0, s3;
	[sflag:s0] =	ssyncset.done $0x0  }
0x28c: {  	[sflag:s0] =	ssyncadd.s32 s1  }
0x28d: {  	[sflag:s0] =	ssyncpa.u1 $0x1  }
.LBB2_54:
0x28e: {  	_ =	sfence;
	s0 =	simm.s32 $0x1  }
0x28f: {  	[sflag:s0] =	ssyncpa.u1 $0x1  }
0x290: {  	_ =	strace $0x9000005F  }
0x291: {  	[bflag:$0x2] =	sbarrier.arrive $0xFFFF  }
0x292: {  	s0 =	rddreg [dreg:$0x3]  }
0x293: {  	s0 =	sadd.s32 @!p0 $0x100000, s0  }
0x294: {  	[sflag:s0] =	ssyncadd.tile.s32 @!p0 $0x1;
	_ =	shalt  }
.Lfunc_end2:
_tile_overlayer_lowered:
.L_overlay_start_2:
0x295: {  	(tag) =	ssettag $0x2  }
0x296: {  	s0 =	rddreg [dreg:$0x0];
	s2 =	stileid.u32  }
0x297: {  	s1 =	rddreg [dreg:$0x1];
	p0 =	sne.s32 s2, $0x0  }
0x298: {  	s3 =	rddreg [dreg:$0x2];
	[bflag:$0x3] =	sbarrier.arrive $0xFFFF;
	s2 =	simm.s32 @!p0 $0x1C01  }
0x299: {  	[timem:s3], [sflag:s2] =	dma.local @!p0 [hbm:s0], s1  }
0x29a: {  	s0 =	simm.s32 @!p0 $0x1  }
0x29b: {  	_ =	swait.ge @!p0 [sflag:s0], s1  }
0x29c: {  	s1 =	ssub.s32 @!p0 $0x0, s1;
	[sflag:s0] =	ssyncset.done @!p0 $0x0  }
0x29d: {  	[sflag:s0] =	ssyncadd.s32 @!p0 s1  }
0x29e: {  	[bflag:$0x3] =	sbarrier.arrive $0xFFFF  }
0x29f: {  	_ =	shalt  }

// kernel: scatter_offload_async_start
scs
__scs_entry_jumppad:
0x0: {  	(pc) =	sbr.rel $0x88, $3  }
0x1: {  	(tag) =	ssettag $0x0;
	lr =	simm.s32 $0x1  }
0x2: {  	[smem:$0x3F8D] =	sst lr;
	_ =	strace $0xD0000000  }
0x3: {  	_ = 	snop  }
0x4: {  	_ = 	snop  }
0x5: {  	_ = 	snop  }
0x6: {  	_ = 	snop  }
0x7: {  	_ = 	snop  }
__scs_overlays_trampoline_lowered:
0x8: {  	[smem:$0x3F9C] =	sst s0  }
0x9: {  	[smem:$0x3F9D] =	sst s1  }
0xa: {  	[smem:$0x3F9E] =	sst s2  }
0xb: {  	[smem:$0x3F9F] =	sst s3  }
0xc: {  	[smem:$0x3FA0] =	sst s4  }
0xd: {  	[smem:$0x3FA1] =	sst s5  }
0xe: {  	[smem:$0x3FA2] =	sst s6  }
0xf: {  	[smem:$0x3FA3] =	sst s7  }
0x10: {  	[smem:$0x3FA4] =	sst s8  }
0x11: {  	[smem:$0x3FA5] =	sst s9;
	s0 =	simm.s32 @!p0 $0x0  }
0x12: {  	s1 =	sld [smem:$0x3F8B];
	s0 =	simm.s32 @p0 $0x1  }
0x13: {  	[smem:$0x3FA6] =	sst s0;
	s0 =	simm.s32 @!p1 $0x0  }
0x14: {  	s2 =	sld [smem:$0x3F8A];
	s0 =	simm.s32 @p1 $0x1  }
0x15: {  	[smem:$0x3FA7] =	sst s0;
	s0 =	simm.s32 @!p2 $0x0  }
0x16: {  	s3 =	sld [smem:$0x3FDB];
	s0 =	simm.s32 @p2 $0x1  }
0x17: {  	s4 =	simm.s32 $0x1BF5;
	[smem:$0x3FA9] =	sst s0  }
0x18: {  	s0 =	sld [smem:$0x3F8C];
	_ =	swait.ge [sflag:s4], $0x0  }
0x19: {  	s7 =	sld [smem:$0x3F8D]  }
0x1a: {  	s8 =	sadd.s32 $0xFFFFE003, lr  }
0x1b: {  	s9 =	sadd.s32 $0xFFFFFEF7, lr;
	s5 =	simm.s32 $0xFFFFFFFF;
	p2 =	slt.u32 s8, $0xFFFFF086  }
0x1c: {  	p1 =	slt.u32 s9, $0xF7A;
	s5 =	simm.s32 @!p2 $0x0  }
0x1d: {  	s5 =	simm.s32 @p1 $0x1;
	p0 =	seq.s32 s7, s2  }
0x1e: {  	s7 =	smul.u32 @!p0 $0xF7A, s2;
	p2 =	seq.s32 @!p0 s5, $0x0  }
0x1f: {  	s9 =	smul.u32 $0xF7A, s1;
	s8 =	simm.s32 @!p0 $0x1BF5;
	p2 =	por !p2, p0  }
0x20: {  	[sflag:s8] =	ssyncset.s32 @!p0 $0xFFFFF086;
	s6 =	sadd.s32 @!p0 s3, s7;
	s7 =	simm.s32 @!p0 $0x108  }
0x21: {  	s3 =	sadd.s32 s3, s9;
	s6 =	sadd.s32 @!p0 $0x88, s6;
	s7 =	simm.s32 @p2 $0x1082  }
0x22: {  	[simem:s7], [sflag:s8] =	dma.local @!p0 [hbm:s6], $0xF7A  }
0x23: {  	s9 =	sor.u32 $0xD0000000, s2;
	s6 =	simm.s32 $0x108;
	_ =	swait.ge @!p0 [sflag:s8], $0x0  }
0x24: {  	s3 =	sadd.s32 $0x88, s3;
	s6 =	simm.s32 @!p1 $0x1082;
	[sflag:s4] =	ssyncset.s32 $0xFFFFF086  }
0x25: {  	[simem:s6], [sflag:s4] =	dma.local [hbm:s3], $0xF7A  }
0x26: {  	[smem:$0x3F8D] =	sst s1;
	(tag) =	ssettag s2;
	_ =	strace s9  }
0x27: {  	s1 =	sld [smem:$0x3F9D]  }
0x28: {  	s2 =	sld [smem:$0x3F9E]  }
0x29: {  	s4 =	sld [smem:$0x3FA0]  }
0x2a: {  	p0 =	seq.s32 s5, $0x0;
	s5 =	sld [smem:$0x3FA1]  }
0x2b: {  	s6 =	sld [smem:$0x3FA2]  }
0x2c: {  	s7 =	sld [smem:$0x3FA3]  }
0x2d: {  	s3 =	simm.s32 $0x108;
	s8 =	sld [smem:$0x3FA4]  }
0x2e: {  	s3 =	simm.s32 @!p0 $0x1082;
	s9 =	sld [smem:$0x3FA5]  }
0x2f: {  	lr =	sadd.s32 s0, s3;
	s0 =	sld [smem:$0x3F9C]  }
0x30: {  	s3 =	sld [smem:$0x3F9F]  }
0x31: {  	[smem:$0x3FA8] =	sst s10  }
0x32: {  	s10 =	sld [smem:$0x3FA6];
	_ =	sdelay $0x3  }
0x33: {  	p0 =	seq.s32 s10, $0x1;
	s10 =	sld [smem:$0x3FA8];
	_ =	sdelay $0x3  }
0x34: {  	[smem:$0x3FA8] =	sst s10  }
0x35: {  	s10 =	sld [smem:$0x3FA7];
	_ =	sdelay $0x3  }
0x36: {  	p1 =	seq.s32 s10, $0x1;
	s10 =	sld [smem:$0x3FA8];
	_ =	sdelay $0x3  }
0x37: {  	[smem:$0x3FA8] =	sst s10  }
0x38: {  	s10 =	sld [smem:$0x3FA9]  }
0x39: {  	_ = 	snop;
	(pc) =	sbr.ind lr, $3  }
0x3a: {  	_ = 	snop  }
0x3b: {  	_ = 	snop  }
0x3c: {  	p2 =	seq.s32 s10, $0x1;
	s10 =	sld [smem:$0x3FA8]  }
0x3d: {  	_ =	shalt  }
0x3e: {  	_ =	shalt  }
0x3f: {  	_ =	shalt  }
0x40: {  	_ =	shalt  }
0x41: {  	_ =	shalt  }
0x42: {  	_ =	shalt  }
0x43: {  	_ =	shalt  }
0x44: {  	_ =	shalt  }
0x45: {  	_ =	shalt  }
0x46: {  	_ =	shalt  }
0x47: {  	_ =	shalt  }
0x48: {  	_ =	shalt  }
0x49: {  	_ =	shalt  }
0x4a: {  	_ =	shalt  }
0x4b: {  	_ =	shalt  }
0x4c: {  	_ =	shalt  }
0x4d: {  	_ =	shalt  }
0x4e: {  	_ =	shalt  }
0x4f: {  	_ =	shalt  }
0x50: {  	_ =	shalt  }
0x51: {  	_ =	shalt  }
0x52: {  	_ =	shalt  }
0x53: {  	_ =	shalt  }
0x54: {  	_ =	shalt  }
0x55: {  	_ =	shalt  }
0x56: {  	_ =	shalt  }
0x57: {  	_ =	shalt  }
0x58: {  	_ =	shalt  }
0x59: {  	_ =	shalt  }
0x5a: {  	_ =	shalt  }
0x5b: {  	_ =	shalt  }
0x5c: {  	_ =	shalt  }
0x5d: {  	_ =	shalt  }
0x5e: {  	_ =	shalt  }
0x5f: {  	_ =	shalt  }
0x60: {  	_ =	shalt  }
0x61: {  	_ =	shalt  }
0x62: {  	_ =	shalt  }
0x63: {  	_ =	shalt  }
0x64: {  	_ =	shalt  }
0x65: {  	_ =	shalt  }
0x66: {  	_ =	shalt  }
0x67: {  	_ =	shalt  }
0x68: {  	_ =	shalt  }
0x69: {  	_ =	shalt  }
0x6a: {  	_ =	shalt  }
0x6b: {  	_ =	shalt  }
0x6c: {  	_ =	shalt  }
0x6d: {  	_ =	shalt  }
0x6e: {  	_ =	shalt  }
0x6f: {  	_ =	shalt  }
0x70: {  	_ =	shalt  }
0x71: {  	_ =	shalt  }
0x72: {  	_ =	shalt  }
0x73: {  	_ =	shalt  }
0x74: {  	_ =	shalt  }
0x75: {  	_ =	shalt  }
0x76: {  	_ =	shalt  }
0x77: {  	_ =	shalt  }
0x78: {  	_ =	shalt  }
0x79: {  	_ =	shalt  }
0x7a: {  	_ =	shalt  }
0x7b: {  	_ =	shalt  }
0x7c: {  	_ =	shalt  }
0x7d: {  	_ =	shalt  }
0x7e: {  	_ =	shalt  }
0x7f: {  	_ =	shalt  }
0x80: {  	_ =	shalt  }
0x81: {  	_ =	shalt  }
0x82: {  	_ =	shalt  }
0x83: {  	_ =	shalt  }
0x84: {  	_ =	shalt  }
0x85: {  	_ =	shalt  }
0x86: {  	_ =	shalt  }
0x87: {  	_ =	shalt  }
.Lfunc_end0:
.L_simem_size_0:
called_computation_lowered:
.L_overlay_start_0:
0x88: {  	s0 =	sld [smem:$0x3FD9]  }
0x89: {  	s1 =	sld [smem:$0x3FFE];
	_ =	sdelay $0x3  }
0x8a: {  	s0 =	sadd.s32 s1, s0  }
0x8b: {  	[smem:$0x3FB4] =	sst s0  }
0x8c: {  	_ = 	snop  }
0x8d: {  	(tm) =	ssettm $0x1  }
0x8e: {  	s15 =	sld [smem:$0x3FFB];
	_ =	sdelay $0x3  }
0x8f: {  	_ =	strace s15  }
0x90: {  	s0 =	sld [smem:$0x3FFC];
	_ =	sdelay $0x3  }
0x91: {  	_ =	strace s0  }
0x92: {  	s0 =	sld [smem:$0x3FFD];
	_ =	sdelay $0x3  }
0x93: {  	_ =	strace s0  }
0x94: {  	_ =	strace $0x8FFFFFFF  }
0x95: {  	s16 =	sld [smem:$0x3FDB];
	_ =	sdelay $0x1  }
0x96: {  	s17 =	simm.s32 $_scs_section_size  }
0x97: {  	s2 =	simm.s32 $_size__tile_overlayer_lowered;
	s3 =	simm.s32 $_tile_overlayer_lowered  }
0x98: {  	s20 =	simm.s32 $0x1BFF;
	s19 =	sshll.u32 s3, $0x1;
	s0 =	sadd.s32 s17, s16  }
0x99: {  	s4 =	simm.s32 $0x0;
	s18 =	sshll.u32 s2, $0x1;
	s2 =	sadd.s32 s19, s0  }
0x9a: {  	[timem:s4], [sflag:s20] =	dma.local [hbm:s2], s18  }
0x9b: {  	_ =	swait.ge [sflag:s20], s18  }
0x9c: {  	s1 =	ssub.s32 $0x0, s18;
	[sflag:s20] =	ssyncset.done $0x0  }
0x9d: {  	[sflag:s20] =	ssyncadd.s32 s1;
	_ =	sdelay $0x1  }
0x9e: {  	s21 =	simm.s32 $0x1B8B  }
0x9f: {  	_ =	swait.ge [sflag:s21], $0x1  }
0xa0: {  	[sflag:s21] =	ssyncset.done $0x0  }
0xa1: {  	s23 =	simm.s32 $0x1B8E;
	s22 =	sld [smem:$0x3FFE];
	[sflag:s21] =	ssyncadd.s32 $0xFFFFFFFF  }
0xa2: {  	s24 =	simm.s32 $execute0_lowered;
	[smem:$0x3FD2] =	sst s23  }
0xa3: {  	s2 =	sshll.u32 s24, $0x1;
	_ =	strace $0x8000004F;
	[dreg:$0x1] =	wrdreg $0xFFFFFFFF  }
0xa4: {  	s25 =	simm.s32 $_size_execute0_lowered;
	s0 =	sadd.s32 s0, s2;
	[dreg:$0x0] =	wrdreg $0x0  }
0xa5: {  	s2 =	sshll.u32 s25, $0x1;
	[dreg:$0x2] =	wrdreg s0  }
0xa6: {  	[dreg:$0x3] =	wrdreg s2  }
0xa7: {  	[dreg:$0x4] =	wrdreg $0xC0  }
0xa8: {  	_ =	task [dreg:s4], $0x5FFFF  }
0xa9: {  	[dreg:$0x1] =	wrdreg $0xFFFFFFFF  }
0xaa: {  	[dreg:$0x0] =	wrdreg $0x60  }
0xab: {  	[dreg:$0x2] =	wrdreg s22  }
0xac: {  	[dreg:$0x3] =	wrdreg $0x9  }
0xad: {  	_ =	task.clear_ibuf [dreg:s4], $0x4FFFF;
	_ =	strace $0x9000004F  }
0xae: {  	s26 =	simm.s32 $0x9;
	_ =	strace $0x80000051  }
0xaf: {  	_ =	swait.ge [sflag:s26], $0x1  }
0xb0: {  	[sflag:s26] =	ssyncadd.s32 $0xFFFFFFFF  }
0xb1: {  	_ =	strace $0x90000051  }
0xb2: {  	_ =	sfence  }
0xb3: {  	s28 =	sld [smem:$0x0];
	_ =	sdelay $0x1  }
0xb4: {  	s29 =	srdreg.scid  }
0xb5: {  	s30 =	sshll.u32 s29, $0xD;
	s31 =	sshrl.u32 s29, $0x2  }
0xb6: {  	s1 =	sand.u32 $0x1, s29;
	s2 =	sand.u32 $0x4000, s30;
	s0 =	sadd.s32 s31, s28  }
0xb7: {  	s1 =	sor.u32 s2, s1;
	s0 =	sshll.u32 s0, $0x11  }
0xb8: {  	s0 =	sor.u32 s0, s1  }
0xb9: {  	s0 =	sadd.s32 $0x8F2B, s0  }
0xba: {  	[sflag:s0] =	ssyncadd.remote.s32 $0x1  }
0xbb: {  	_ =	sfence.sel $0xFFFF  }
0xbc: {  	[dreg:$0x0] =	wrdreg $0xFFFFFFFF;
	(pc) =	sbr.abs _section_cstart, $3  }
0xbd: {  	[dreg:$0x1] =	wrdreg $0xFFFFFFFF  }
0xbe: {  	_ =	task.clear_ibuf [dreg:s4], $0x2FFFF;
	_ =	strace $0x9FFFFFFF  }
0xbf: {  	(tm) =	ssettm $0x7FFFFFFF  }
tec
execute0_lowered:
.L_overlay_start_1:
0x0: {  	(tag) =	ssettag $0x1  }
0x1: {  	s3 =	rddreg [dreg:$0x0]  }
0x2: {  	s0 =	rddreg [dreg:$0x1];
	_ =	strace $0x80000050;
	s2 =	simm.s32 $0x1  }
0x3: {  	v1 =	vimm.s32 $0xFFFFFFFF;
	[sflag:s2] =	ssyncpa.u1 $0x0  }
0x4: {  	[tilespmem:$0x10] =	vst v1  }
0x5: {  	v0 =	vimm.f32 $0.0e+00;
	[tilespmem:$0x20] =	vst v1  }
0x6: {  	[tilespmem:$0x30] =	vst v0  }
0x7: {  	[tilespmem:$0x40] =	vst v0  }
0x8: {  	[tilespmem:$0x50] =	vst v0  }
0x9: {  	s6 =	simm.s32 $0x2;
	s7 =	simm.s32 $0x8;
	[tilespmem:$0x60] =	vst v1  }
0xa: {  	s10 =	simm.s32 $0x9;
	s14 =	simm.s32 $0x0;
	s15 =	simm.s32 $0xFFFFE000;
	[tilespmem:$0x70] =	vst v1  }
0xb: {  	p0 =	por $0x0, $0x0;
	s16 =	simm.s32 $0xFFFFC100;
	s17 =	simm.s32 $0xFFFFFFFE;
	[tilespmem:$0x80] =	vst v1  }
0xc: {  	s18 =	simm.s32 $0xF;
	s19 =	simm.s32 $0x30;
	s22 =	simm.s32 $0x0;
	v1 =	vimm.s32 $0x0;
	[tilespmem:$0xB0] =	vst v0  }
0xd: {  	s20 =	simm.s32 $0x0;
	s1 =	sadd.s32 $0xB9400, s3;
	s4 =	sadd.s32 $0x84400, s3;
	[tilespmem:$0x90] =	vst v1  }
.Ltmp0:
0xe: {  	[tilespmem:$0xA0] =	vst v1;
	[sflag:s6] =	ssyncpa.u1 $0x0;
	s6 =	simm.s32 $0x7;
	(pc) =	sbr.rel .LBB2_1-.Ltmp0, $4  }
0xf: {  	s5 =	sadd.s32 $0x11CC00, s3;
	s3 =	stileid.u32;
	[sflag:s6] =	ssyncpa.u1 $0x0  }
0x10: {  	s8 =	sshll.u32 s3, $0xF;
	s12 =	sshllo.u32 s3, $0x1;
	[sflag:s7] =	ssyncpa.u1 $0x0  }
0x11: {  	vm0 =	vmmov $0xffff;
	v2 =	vlaneseq.u32;
	s9 =	sadd.s32 $0x8000, s8;
	[sflag:s10] =	ssyncpa.u1 $0x0;
	s10 =	sshll.u32 s3, $0x1  }
0x12: {  	vm1 =	vmxor vm1, vm1;
	vm2 =	vmmov $0x1;
	vm3 =	vcmask $0x3F3C;
	s21 =	smov.u32 s8;
	s11 =	sor.u32 $0x81, s10;
	s13 =	sor.u32 $0x80, s10  }
.LBB2_10:
0x13: {  	p1 =	slt.u32 s20, $0x3  }
0x14: {  	s22 =	simm.s32 @!p1 $0x2  }
0x15: {  	_ =	swait.ge @!p1 [sflag:s22], $0x2000  }
0x16: {  	[sflag:s22] =	ssyncset.done @!p1 $0x0  }
0x17: {  	[sflag:s22] =	ssyncadd.s32 @!p1 $0xFFFFE000;
	s22 =	simm.s32 @!p1 $0x9  }
0x18: {  	_ =	swait.ge @!p1 [sflag:s22], $0x10  }
0x19: {  	s23 =	sadd.s32 $0x2000, s21;
	s24 =	smov.u32 s8;
	[sflag:s22] =	ssyncset.done @!p1 $0x0  }
0x1a: {  	s20 =	sadd.s32 $0x1, s20;
	[sflag:s22] =	ssyncadd.s32 @!p1 $0xFFFFFFF0;
	p1 =	slt.s32 s23, s9  }
0x1b: {  	s24 =	smov.u32 @p1 s23;
	p1 =	sne.s32 s20, $0x7  }
.Ltmp1:
0x1c: {  	_ = 	snop;
	(pc) =	sbr.rel @!p1 .LBB2_11-.Ltmp1, $3  }
0x1d: {  	_ =	sdelay $0x1  }
0x1e: {  	s15 =	sadd.s32 $0x2000, s15;
	p0 =	por !p0, !p0;
	s16 =	sadd.s32 $0x2000, s16  }
0x1f: {  	s17 =	sadd.s32 $0x1, s17;
	s22 =	smov.u32 s21;
	s21 =	smov.u32 s24  }
.LBB2_1:
0x20: {  	p1 =	sgt.u32 s20, $0x3  }
0x21: {  	p2 =	seq.s32 @!p1 s20, $0x3  }
0x22: {  	s23 =	sshll.u32 @!p1 s20, $0xF;
	p2 =	por !p2, p1  }
0x23: {  	s23 =	simm.s32 @!p2 $0x0  }
0x24: {  	s24 =	sshrl.u32 @!p1 s21, $0x3;
	s23 =	sshrl.u32 @!p1 s23, $0x2  }
0x25: {  	s25 =	sand.u32 @!p1 $0x7, s21;
	s24 =	sadd.s32 @!p1 s4, s24;
	s23 =	sor.u32 @!p1 $0x100, s23  }
0x26: {  	[tilespmem:s23], [sflag:$0x7] =	stream.linear.gather @!p1 [hbm4b:s24+s25], $0x2000, $0x38;
	[tilespmem:$0x12120] =	vst v63  }
0x27: {  	s24 =	sadd.s32 $0xFFFFFFFF, s20  }
0x28: {  	p1 =	sgt.u32 s24, $0x3  }
.Ltmp2:
0x29: {  	_ = 	snop;
	(pc) =	sbr.rel @p1 .LBB2_5-.Ltmp2, $1  }
0x2a: {  	_ =	sdelay $0x3  }
0x2b: {  	s23 =	sadd.s32 $0x1FFFC, s20;
	p1 =	seq.s32 s24, $0x3;
	s25 =	smov.u32 s24  }
0x2c: {  	s25 =	smov.u32 @p1 s23  }
0x2d: {  	s23 =	sshll.u32 s25, $0xF  }
0x2e: {  	_ =	swait.ge [sflag:s6], $0x2000;
	s23 =	sshra.s32 s23, $0x2  }
0x2f: {  	[sflag:s6] =	ssyncset.done $0x0;
	s28 =	sor.u32 $0x100, s23  }
0x30: {  	[sflag:s6] =	ssyncadd.s32 $0xFFFFE000;
	(ifvalue) =	ssetifvalue $0xFFFFFFFF;
	v3 =	vld.msk [tilespmem:s28+$0x0 ss:$0x1], $0xffff;
	_ =	sdelay $0x2  }
0x31: {  	p1 =	sne.s32 s20, $0x1  }
0x32: {  	v4 =	vimm.s32 @!p1 $0x0  }
0x33: {  	v4 =	vperm.xlane @!p1 v3, v4  }
0x34: {  	s29 =	sshll.u32 s20, $0x4;
	vm4 =	vlt.u32 v3, $0x20000  }
0x35: {  	s25 =	sand.u32 $0x10, s29;
	v3 =	vnsel vm4, $0xFFFFFFFE, v3;
	vm4 =	vlt.u32 @!p1 v4, $0x20000  }
0x36: {  	[tilespmem:s25+$0x60] =	vst v3;
	v3 =	vnsel @!p1 vm4, $0xFFFFFFFE, v4  }
0x37: {  	s28 =	sadd.s32 $0x20F0, s23;
	[tilespmem:$0x80] =	vst @!p1 v3  }
0x38: {  	v3 =	vld.msk [tilespmem:s28+$0x0 ss:$0x1], $0xffff;
	_ =	sdelay $0x4  }
0x39: {  	(xrf1) =	vunique.msk.u32 $0xffff, v3;
	_ =	sdelay $0xd  }
0x3a: {  	v4 =	vimm.s32 $0xFFFFFFFF;
	v5, _, _ =	vpop (xrf1)  }
0x3b: {  	vm5 =	vne.s32 v3, v4;
	vm4 =	veq.s32 v5, v2  }
0x3c: {  	vm6 =	vlt.u32 v3, $0x20000;
	vm4 =	vmand vm5, vm4  }
0x3d: {  	vm4 =	vmand vm6, vm4  }
0x3e: {  	v4 =	vnsel vm4, $0xFFFFFFFF, v3;
	_ =	sdelay $0x2  }
0x3f: {  	s30 =	sand.u32 $0x2000, s15  }
0x40: {  	s31 =	sshll.u32 s24, $0xD;
	s23 =	sor.u32 $0x80F0, s30;
	(ifvalue) =	ssetifvalue $0xFFFFFFFF  }
0x41: {  	v3 =	vperm.xlane v3, v1;
	[tilespmem:s23], [sflag:$0x8] =	stream.indirect_vreg.gather [hbm4b:s1+s14], $0x1, v4, vm0, $0x4038;
	v4 =	vnsel vm6, $0xFFFFFFFE, v4;
	[tilespmem:$0x12120] =	vst v63  }
0x42: {  	s24 =	sand.u32 $0x2000, s31;
	s26 =	sadd.s32 $0xFFFFFFF0, s28;
	s25 =	simm.s32 $0x0;
	[tilespmem:s28+$0x0] =	vst v4  }
.LBB2_3:
0x43: {  	v4 =	vld.msk [tilespmem:s26+$0x0 ss:$0x1], $0xffff;
	s25 =	sadd.s32 $0x10, s25;
	v5 =	vmov v3;
	s28 =	smov.u32 s26  }
0x44: {  	p1 =	slt.u32 s25, $0x1FF0;
	_ =	sdelay $0x4  }
0x45: {  	v3 =	vperm.xlane v4, v1;
	(xrf1) =	vunique.msk.u32 $0xffff, v4;
	_ =	sdelay $0xd  }
0x46: {  	v6, _, _ =	vpop (xrf1)  }
0x47: {  	vm5 =	vne.s32 v4, v5;
	vm4 =	veq.s32 v6, v2  }
0x48: {  	vm6 =	vlt.u32 v4, $0x20000;
	vm4 =	vmand vm5, vm4  }
0x49: {  	vm4 =	vmand vm6, vm4  }
0x4a: {  	v4 =	vnsel vm4, $0xFFFFFFFF, v4  }
.Ltmp3:
0x4b: {  	v5 =	vnsel vm6, $0xFFFFFFFE, v4;
	(pc) =	sbr.rel @p1 .LBB2_3-.Ltmp3, $3  }
0x4c: {  	_ =	sdelay $0x1  }
0x4d: {  	s26 =	sadd.s32 $0xFFFFFFF0, s26;
	s23 =	sadd.s32 $0xFFFFFFF0, s23;
	(ifvalue) =	ssetifvalue $0xFFFFFFFF  }
0x4e: {  	[tilespmem:s23], [sflag:$0x8] =	stream.indirect_vreg.gather [hbm4b:s1+s14], $0x1, v4, vm0, $0x4038;
	[tilespmem:s28+$0x0] =	vst v5  }
0x4f: {  	s22 =	sshrl.u32 s22, $0x3  }
0x50: {  	s23 =	sadd.s32 $0xA100, s24;
	s22 =	sadd.s32 s5, s22  }
0x51: {  	[tilespmem:s23], [sflag:$0x8] =	stream.linear.gather [hbm:s22], $0x2000, $0x38;
	[tilespmem:$0x12120] =	vst v63  }
.LBB2_5:
0x52: {  	p1 =	sgt.u32 s20, $0x6  }
.Ltmp4:
0x53: {  	_ = 	snop;
	(pc) =	sbr.rel @p1 .LBB2_7-.Ltmp4, $1  }
0x54: {  	_ =	sdelay $0x3  }
0x55: {  	s22 =	sshll.u32 s2, s20  }
0x56: {  	s22 =	sand.u32 $0x43, s22  }
0x57: {  	p1 =	sne.s32 s22, $0x0  }
.Ltmp5:
0x58: {  	_ = 	snop;
	(pc) =	sbr.rel @p1 .LBB2_10-.Ltmp5, $1  }
0x59: {  	_ =	sdelay $0x3  }
.LBB2_7:
0x5a: {  	s22 =	sadd.s32 $0xFFFFFFFE, s20  }
0x5b: {  	s23 =	smulhi.u32 $0xAAAAAAAB, s22;
	_ =	sdelay $0x1  }
0x5c: {  	s23 =	sshrl.u32 s23, $0x1  }
0x5d: {  	s23 =	smul.u32 $0x3, s23;
	_ =	sdelay $0x1  }
0x5e: {  	_ =	swait.ge [sflag:s7], $0x4000;
	s22 =	ssub.s32 s22, s23  }
0x5f: {  	p1 =	sne.s32 s20, $0x5;
	[sflag:s7] =	ssyncset.done $0x0;
	s26 =	sshll.u32 s22, $0xD  }
0x60: {  	[sflag:s7] =	ssyncadd.s32 $0xFFFFC000;
	s22 =	sadd.s32 @!p1 $0x20FF, s26  }
0x61: {  	[spmem:s11] =	stream.linear.scatter @!p1 [tilespmem:s22], [sflag:$0x1], $0x1, $0x38;
	[tilespmem:$0x12120] =	vst v63  }
0x62: {  	s22 =	simm.s32 @!p1 $0x1  }
0x63: {  	_ =	swait.ge @!p1 [sflag:s22], $0x1  }
0x64: {  	s25 =	sshll.u32 s20, $0x4;
	[sflag:s22] =	ssyncset.done @!p1 $0x0  }
0x65: {  	[sflag:s22] =	ssyncadd.s32 @!p1 $0xFFFFFFFF;
	s22 =	sand.u32 $0x10, s25  }
0x66: {  	v4 =	vld [tilespmem:s22+$0x10];
	s28 =	sxor.u32 $0x10, s22  }
0x67: {  	v5 =	vld [tilespmem:s28+$0x60]  }
0x68: {  	v3 =	vld [tilespmem:$0x80];
	_ =	sdelay $0x2  }
0x69: {  	(v2sf) =	vpush v4, $0x0  }
0x6a: {  	(v2sf) =	vpush v5, $0x0  }
0x6b: {  	(v2sf) =	vpush v3, $0x0;
	_ =	sdelay $0xc  }
0x6c: {  	s23 =	spop (v2sf)  }
0x6d: {  	s25 =	spop (v2sf)  }
0x6e: {  	s24 =	spop (v2sf)  }
0x6f: {  	p2 =	seq.s32 s23, s25;
	p3 =	seq.s32 s24, s23  }
0x70: {  	p3 =	por p2, p3  }
0x71: {  	v4 =	vpsel p3, $0xFFFFFFFF, v4  }
0x72: {  	s23 =	sand.u32 $0x1, s20;
	[tilespmem:s22+$0x10] =	vst.msk $0x1, v4  }
0x73: {  	s25 =	sshll.u32 s23, $0xD;
	v4 =	vld [tilespmem:$0x30]  }
0x74: {  	v5 =	vld [tilespmem:s25+$0xA100]  }
0x75: {  	v6 =	vld [tilespmem:s22+$0x40];
	_ =	sdelay $0x3  }
0x76: {  	vm4 =	vmmov vm1;
	v5 =	vadd.f32 v5, v4  }
0x77: {  	vm5 =	vmmov vm2;
	vm4 =	vmmov @p2 vm2;
	s23 =	sshll.u32 s23, $0x4;
	v4 =	vadd.f32 v6, v4  }
0x78: {  	vm5 =	vmmov @p3 vm1;
	s23 =	sor.u32 $0x12100, s23;
	[tilespmem:s25+$0xA100] =	vst.msk vm4, v5  }
0x79: {  	[tilespmem:s23+$0x0] =	vst.msk vm5, v4  }
0x7a: {  	v4 =	vld [tilespmem:s25+$0x80F0];
	_ =	sdelay $0x3  }
0x7b: {  	v5 =	vimm.f32 $0.0e+00  }
0x7c: {  	v4 =	vshift.insert v4, v5, s18  }
0x7d: {  	s29 =	sor.u32 $0x40, s28  }
0x7e: {  	[tilespmem:s29+$0x0] =	vst.msk $0x1, v4  }
0x7f: {  	[tilespmem:s25+$0x80FF] =	vst.msk $0x1, v5  }
0x80: {  	v4 =	vld [tilespmem:s26+$0x20F0];
	_ =	sdelay $0x1  }
0x81: {  	s26 =	smulhi.u32 $0xAAAAAAAB, s17;
	_ =	sdelay $0x1  }
0x82: {  	s29 =	simm.s32 $0x1;
	s26 =	sshrl.u32 s26, $0x1  }
0x83: {  	s29 =	simm.s32 @!p0 $0x0;
	s30 =	smul.u32 $0xFFFE8000, s26;
	v4 =	vshift.insert v4, v1, s18  }
0x84: {  	s29 =	sshll.u32 s29, $0xD  }
0x85: {  	s26 =	sadd.s32 $0xA100, s29;
	s30 =	sshra.s32 s30, $0x2;
	[tilespmem:s28+$0x10] =	vst.msk $0x1, v4  }
0x86: {  	s31 =	sadd.s32 s30, s16;
	v6 =	vld [tilespmem:s26+$0x0]  }
0x87: {  	v7 =	vld [tilespmem:s31+$0x0];
	_ =	sdelay $0x3  }
0x88: {  	v5 =	vadd.f32 v6, v5  }
0x89: {  	vm4 =	vne.s32 v7, $0xFFFFFFFF  }
0x8a: {  	(xrf2) =	vadd.seg.scan.f32 vm4, v5;
	_ =	sdelay $0x3  }
0x8b: {  	s28 =	sadd.s32 $0x6100, s29;
	v5 =	vperm.xlane v4, v1  }
0x8c: {  	v6 =	vld [tilespmem:s28+$0x0]  }
0x8d: {  	vm5 =	veq.s32 v7, v3;
	vm6 =	veq.s32 v7, v5  }
0x8e: {  	vm7 =	vgt.u32 v7, $0xFFFFFFFD;
	vm6 =	vmor vm6, vm5  }
0x8f: {  	vm6 =	vmor vm6, vm7  }
0x90: {  	v9 =	vld [tilespmem:$0xA0];
	v7 =	vsel vm6, $0xFFFFFFFF, v7  }
0x91: {  	v10 =	vld [tilespmem:$0x90];
	v6 =	vsel vm5, $0x0, v6;
	v8, _, _ =	vpop (xrf2)  }
0x92: {  	v6 =	vadd.f32 v8, v6  }
0x93: {  	s29 =	sadd.s32 $0xE100, s29  }
0x94: {  	vm4 =	vmand vm4, vm3;
	[tilespmem:s29+$0x0] =	vst v6;
	(ifvalue) =	ssetifvalue $0xFFFFFFFF  }
0x95: {  	vm6 =	veq.s32 v9, $0x1;
	[hbm4b:s1+s14] =	stream.indirect_vreg.scatter [tilespmem:s29], [sflag:$0x2], $0x1, v7, vm0, $0x4038;
	v7 =	vsel vm4, $0x0, v8;
	[tilespmem:$0x12120] =	vst v63  }
0x96: {  	s30 =	simm.s32 $0x0;
	s31 =	sadd.s32 $0x10, s31;
	vm4 =	vmor vm6, vm5;
	v6 =	vsel vm5, v8, v10;
	v7 =	vshift.insert v7, v0, s18  }
.LBB2_8:
0x97: {  	v8 =	vld [tilespmem:s31+$0x0];
	s26 =	sadd.s32 $0x10, s26  }
0x98: {  	s28 =	sadd.s32 $0x10, s28;
	v9 =	vld [tilespmem:s26+$0x0]  }
0x99: {  	s30 =	sadd.s32 $0x10, s30;
	v10 =	vld [tilespmem:s28+$0x0]  }
0x9a: {  	p2 =	slt.u32 s30, $0x1FF0;
	_ =	sdelay $0x2  }
0x9b: {  	v7 =	vadd.f32 v9, v7  }
0x9c: {  	vm5 =	vne.s32 v8, $0xFFFFFFFF  }
0x9d: {  	vm6 =	vmand vm5, vm3;
	(xrf2) =	vadd.seg.scan.f32 vm5, v7;
	_ =	sdelay $0x5  }
0x9e: {  	vm7 =	veq.s32 v8, v5;
	vm5 =	veq.s32 v8, v3  }
0x9f: {  	vm8 =	vgt.u32 v8, $0xFFFFFFFD;
	vm4 =	vmor vm4, vm5;
	vm7 =	vmor vm7, vm5  }
0xa0: {  	vm7 =	vmor vm7, vm8  }
0xa1: {  	v8 =	vsel vm7, $0xFFFFFFFF, v8  }
.Ltmp6:
0xa2: {  	v7 =	vsel vm5, $0x0, v10;
	v9, _, _ =	vpop (xrf2);
	(pc) =	sbr.rel @p2 .LBB2_8-.Ltmp6, $4  }
0xa3: {  	v6 =	vsel vm5, v9, v6;
	v10 =	vadd.f32 v9, v7;
	v7 =	vsel vm6, $0x0, v9  }
0xa4: {  	s29 =	sadd.s32 $0x10, s29;
	v7 =	vshift.insert v7, v0, s18  }
0xa5: {  	s31 =	sadd.s32 $0x10, s31;
	[tilespmem:s29+$0x0] =	vst v10;
	(ifvalue) =	ssetifvalue $0xFFFFFFFF  }
0xa6: {  	[hbm4b:s1+s14] =	stream.indirect_vreg.scatter [tilespmem:s29], [sflag:$0x2], $0x1, v8, vm0, $0x4038;
	[tilespmem:$0x12120] =	vst v63  }
0xa7: {  	v3 =	vld [tilespmem:s25+$0x100F0];
	_ =	sdelay $0x4  }
0xa8: {  	v3 =	vshift.insert v3, v0, s18;
	_ =	sdelay $0x1  }
0xa9: {  	[tilespmem:s19+$0x0] =	vst.msk $0x1, v3  }
0xaa: {  	v3 =	vsel vm4, $0x1, v1;
	[tilespmem:$0x90] =	vst v6  }
0xab: {  	s25 =	sadd.s32 @!p1 $0x100FF, s25;
	[tilespmem:$0xA0] =	vst v3  }
0xac: {  	[spmem:s12] =	stream.linear.scatter @!p1 [tilespmem:s25], [sflag:$0x1], $0x1, $0x38;
	[tilespmem:$0x12120] =	vst v63  }
0xad: {  	s25 =	simm.s32 @!p1 $0x1  }
0xae: {  	v3 =	vmctz.xlane @!p1 vm4;
	_ =	swait.ge @!p1 [sflag:s25], $0x1  }
0xaf: {  	(v2sf) =	vpush @!p1 v4, $0x0  }
0xb0: {  	(v2sf) =	vpush @!p1 v3, $0x0;
	_ =	sdelay $0xd  }
0xb1: {  	s26 =	spop @!p1 (v2sf)  }
0xb2: {  	s28 =	spop @!p1 (v2sf)  }
0xb3: {  	p2 =	sne.s32 @!p1 s24, s26;
	p3 =	slt.s32 @!p1 s28, $0xF  }
0xb4: {  	[sflag:s25] =	ssyncset.done @!p1 $0x0;
	p2 =	por p2, p1;
	p3 =	por !p3, p1  }
0xb5: {  	[sflag:s25] =	ssyncadd.s32 @!p1 $0xFFFFFFFF;
	v3 =	vimm.s32 @!p2 $0xFFFFFFFF;
	s28 =	simm.s32 @p3 $0xF  }
0xb6: {  	[tilespmem:$0x80] =	vst @!p2 v3;
	s24 =	sadd.s32 @!p1 $0x90, s28  }
0xb7: {  	[spmem:s10] =	stream.linear.scatter @!p1 [tilespmem:s24], [sflag:$0x1], $0x1, $0x38;
	[tilespmem:$0x12120] =	vst v63  }
0xb8: {  	_ =	swait.ge @!p1 [sflag:s25], $0x1  }
0xb9: {  	[sflag:s25] =	ssyncset.done @!p1 $0x0  }
0xba: {  	s24 =	simm.s32 @!p1 $0x80;
	[sflag:s25] =	ssyncadd.s32 @!p1 $0xFFFFFFFF  }
0xbb: {  	[spmem:s13] =	stream.linear.scatter @!p1 [tilespmem:s24], [sflag:$0x1], $0x1, $0x38;
	[tilespmem:$0x12120] =	vst v63  }
0xbc: {  	_ =	swait.ge @!p1 [sflag:s25], $0x1  }
0xbd: {  	[sflag:s25] =	ssyncset.done @!p1 $0x0  }
0xbe: {  	[sflag:s25] =	ssyncadd.s32 @!p1 $0xFFFFFFFF;
	(ifvalue) =	ssetifvalue $0xFFFFFFFF;
	v3 =	vld [tilespmem:s22+$0x10];
	_ =	sdelay $0x3  }
.Ltmp7:
0xbf: {  	_ = 	snop;
	(pc) =	sbr.rel .LBB2_10-.Ltmp7, $3  }
0xc0: {  	_ =	sdelay $0x1  }
0xc1: {  	(ifvalue) =	ssetifvalue $0xFFFFFFFF  }
0xc2: {  	[hbm4b:s1+s14] =	stream.indirect_vreg.scatter [tilespmem:s23], [sflag:$0x9], $0x1, v3, vm0, $0x4038;
	[tilespmem:$0x12120] =	vst v63  }
.LBB2_11:
0xc3: {  	_ =	sfence.sel $0x180000  }
0xc4: {  	s2 =	simm.s32 $0x7;
	[bflag:$0x0] =	sbarrier.arrive $0xFFFF  }
0xc5: {  	s26 =	simm.s32 $0x8;
	[sflag:s2] =	ssyncpa.u1 $0x1  }
0xc6: {  	s28 =	simm.s32 $0x9;
	[sflag:s26] =	ssyncpa.u1 $0x1  }
0xc7: {  	[sflag:s28] =	ssyncpa.u1 $0x1  }
0xc8: {  	_ =	sfence.stream.spmem  }
0xc9: {  	s29 =	simm.s32 $0x3;
	[bflag:$0x0] =	sbarrier.arrive $0xFFFF  }
0xca: {  	s30 =	simm.s32 $0x4;
	[sflag:s29] =	ssyncpa.u1 $0x1  }
0xcb: {  	s31 =	simm.s32 $0x3C;
	[sflag:s30] =	ssyncpa.u1 $0x1  }
0xcc: {  	p0 =	sne.s32 s3, $0x0;
	[sflag:s31] =	ssyncpa.u1 $0x1  }
0xcd: {  	s0 =	simm.s32 @p0 $0x1;
	_ =	sfence @p0  }
0xce: {  	[sflag:s0] =	ssyncpa.u1 @p0 $0x1;
	s0 =	simm.s32 @p0 $0x2  }
0xcf: {  	[sflag:s0] =	ssyncpa.u1 @p0 $0x1  }
0xd0: {  	_ =	strace @p0 $0x90000050  }
0xd1: {  	[bflag:$0x2] =	sbarrier.arrive @p0 $0xFFFF  }
0xd2: {  	_ =	shalt @p0  }
.LBB2_12:
0xd3: {  	_ =	sfence.stream.spmem;
	s4 =	simm.s32 $0x5  }
0xd4: {  	s2 =	simm.s32 $0x80;
	s3 =	simm.s32 $0xC0;
	[sflag:s4] =	ssyncpa.u1 $0x0  }
0xd5: {  	[tilespmem:s3], [sflag:$0x5] =	stream.linear.gather [spmem:s2], $0x20, $0x38;
	[tilespmem:$0x12120] =	vst v63  }
0xd6: {  	s2 =	simm.s32 $0x0;
	s3 =	simm.s32 $0xE0  }
0xd7: {  	[tilespmem:s3], [sflag:$0x5] =	stream.linear.gather [spmem:s2], $0x20, $0x38;
	[tilespmem:$0x12120] =	vst v63  }
.Ltmp8:
0xd8: {  	_ = 	snop;
	(pc) =	sbr.rel .LBB2_13-.Ltmp8, $4  }
0xd9: {  	_ =	swait.ge [sflag:s4], $0x40  }
0xda: {  	[sflag:s4] =	ssyncset.done $0x0  }
0xdb: {  	s31 =	simm.s32 $0x6;
	[sflag:s4] =	ssyncadd.s32 $0xFFFFFFC0  }
0xdc: {  	s4 =	simm.s32 $0x0;
	[sflag:s31] =	ssyncpa.u1 $0x0  }
.LBB2_18:
0xdd: {  	p0 =	sgt.u32 s5, $0x1FFFF  }
0xde: {  	s6 =	sshrl.u32 @!p0 s5, $0x3  }
0xdf: {  	s5 =	sand.u32 @!p0 $0x7, s5;
	s7 =	simm.s32 @!p0 $0xB0;
	s6 =	sadd.s32 @!p0 s1, s6  }
0xe0: {  	[tilespmem:s7], [sflag:$0x6] =	stream.linear.gather @!p0 [hbm4b:s6+s5], $0x1, $0x38;
	[tilespmem:$0x12120] =	vst v63  }
0xe1: {  	s5 =	simm.s32 @!p0 $0x6  }
0xe2: {  	_ =	swait.ge @!p0 [sflag:s5], $0x1  }
0xe3: {  	[sflag:s5] =	ssyncset.done @!p0 $0x0  }
0xe4: {  	[sflag:s5] =	ssyncadd.s32 @!p0 $0xFFFFFFFF  }
0xe5: {  	v2 =	vmov @!p0 s4;
	v1 =	vld.msk @!p0 [tilespmem:$0xB0], $0x1;
	_ =	sdelay $0x3  }
0xe6: {  	s5 =	simm.s32 @!p0 $0xE0  }
0xe7: {  	[tilespmem:v2+s5+$0x0], v1 =	vst.idx.ret.add.f32.msk @!p0 $0x1, v1  }
0xe8: {  	[tilespmem:s2+$0xC0] =	vst.msk $0x1, v0  }
0xe9: {  	v0 =	vld.msk [tilespmem:s4+$0xE0], $0x1;
	_ =	sdelay $0x4  }
0xea: {  	[tilespmem:s2+$0xE0] =	vst.msk $0x1, v0;
	s2 =	sadd.s32 $0x1, s2  }
.LBB2_20:
0xeb: {  	s4 =	sadd.s32 $0x1, s4  }
0xec: {  	p0 =	sne.s32 s4, $0x20  }
.Ltmp9:
0xed: {  	_ = 	snop;
	(pc) =	sbr.rel @!p0 .LBB2_21-.Ltmp9, $1  }
0xee: {  	_ =	sdelay $0x3  }
.LBB2_13:
0xef: {  	v0 =	vld.msk [tilespmem:s4+$0xC0], $0x1;
	_ =	sdelay $0x4  }
0xf0: {  	(v2sf) =	vpush v0, $0x0;
	_ =	sdelay $0xe  }
0xf1: {  	s5 =	spop (v2sf)  }
0xf2: {  	p0 =	seq.s32 s5, $0xFFFFFFFF  }
.Ltmp10:
0xf3: {  	_ = 	snop;
	(pc) =	sbr.rel @p0 .LBB2_20-.Ltmp10, $1  }
0xf4: {  	_ =	sdelay $0x3  }
0xf5: {  	p0 =	slt.s32 s2, $0x1  }
.Ltmp11:
0xf6: {  	_ = 	snop;
	(pc) =	sbr.rel @p0 .LBB2_18-.Ltmp11, $1  }
0xf7: {  	_ =	sdelay $0x3  }
0xf8: {  	s6 =	simm.s32 $0xC0;
	p0 =	por $0x0, $0x0  }
0xf9: {  	v1 =	vld.msk @!p0 [tilespmem:s6+$0x0], $0x1;
	_ =	sdelay $0x4  }
0xfa: {  	(v2sf) =	vpush @!p0 v1, $0x0;
	_ =	sdelay $0xd  }
0xfb: {  	p2 =	sne.s32 s2, $0x1  }
.Ltmp12:
0xfc: {  	s7 =	spop @!p0 (v2sf);
	(pc) =	sbr.rel @!p2 .LBB2_17-.Ltmp12, $4  }
0xfd: {  	p1 =	seq.s32 @!p0 s5, s7  }
0xfe: {  	s7 =	simm.s32 $0x0;
	p1 =	por !p1, p0  }
0xff: {  	s9 =	simm.s32 $0xFFFFFFFF;
	s7 =	simm.s32 @p1 $0xFFFFFFFF  }
0x100: {  	s8 =	simm.s32 $0x1;
	s7 =	smov.u32 @p0 s9  }
.LBB2_16:
0x101: {  	s9 =	smov.u32 s7;
	p0 =	sne.s32 s7, $0xFFFFFFFF  }
0x102: {  	s6 =	sadd.s32 $0x1, s6;
	s7 =	smov.u32 s8;
	s8 =	sadd.s32 $0x1, s8  }
0x103: {  	p1 =	sne.s32 s2, s8;
	v1 =	vld.msk @!p0 [tilespmem:s6+$0x0], $0x1;
	_ =	sdelay $0x4  }
0x104: {  	(v2sf) =	vpush @!p0 v1, $0x0;
	_ =	sdelay $0xe  }
.Ltmp13:
0x105: {  	s10 =	spop @!p0 (v2sf);
	(pc) =	sbr.rel @p1 .LBB2_16-.Ltmp13, $4  }
0x106: {  	p2 =	seq.s32 @!p0 s5, s10  }
0x107: {  	p2 =	por !p2, p0  }
0x108: {  	s7 =	simm.s32 @p2 $0xFFFFFFFF  }
0x109: {  	s7 =	smov.u32 @p0 s9  }
.LBB2_17:
0x10a: {  	p0 =	sne.s32 s7, $0xFFFFFFFF  }
.Ltmp14:
0x10b: {  	_ = 	snop;
	(pc) =	sbr.rel @!p0 .LBB2_18-.Ltmp14, $1  }
0x10c: {  	_ =	sdelay $0x3  }
0x10d: {  	v0 =	vld.msk [tilespmem:s4+$0xE0], $0x1;
	v1 =	vmov s7  }
.Ltmp15:
0x10e: {  	_ = 	snop;
	(pc) =	sbr.rel .LBB2_20-.Ltmp15, $2  }
0x10f: {  	_ =	sdelay $0x2  }
0x110: {  	[tilespmem:v1+s3+$0x0], v0 =	vst.idx.ret.add.f32.msk $0x1, v0  }
.LBB2_21:
0x111: {  	p0 =	slt.s32 s2, $0x1  }
.Ltmp16:
0x112: {  	_ = 	snop;
	(pc) =	sbr.rel @p0 .LBB2_25-.Ltmp16, $3  }
0x113: {  	_ =	sdelay $0x1  }
0x114: {  	s3 =	simm.s32 $0x6  }
0x115: {  	[sflag:s3] =	ssyncpa.u1 $0x1;
	s3 =	simm.s32 $0x0  }
0x116: {  	s4 =	simm.s32 $0xC0  }
0x117: {  	v0 =	vld.msk [tilespmem:s4+$0x0], $0x1;
	_ =	sdelay $0x4  }
0x118: {  	(v2sf) =	vpush v0, $0x0;
	_ =	sdelay $0xe  }
0x119: {  	s2 =	sadd.s32 $0xFFFFFFFF, s2;
	s5 =	spop (v2sf)  }
0x11a: {  	p1 =	sne.s32 s2, $0x0;
	p0 =	sgt.u32 s5, $0x1FFFF  }
.Ltmp17:
0x11b: {  	s6 =	sshrl.u32 @!p0 s5, $0x3;
	(pc) =	sbr.rel @!p1 .LBB2_24-.Ltmp17, $4  }
0x11c: {  	s4 =	simm.s32 $0xE0;
	s5 =	sand.u32 @!p0 $0x7, s5;
	s6 =	sadd.s32 @!p0 s1, s6  }
0x11d: {  	[hbm4b:s6+s5] =	stream.linear.scatter @!p0 [tilespmem:s4], [sflag:$0x5], $0x1, $0x38;
	[tilespmem:$0x12120] =	vst v63  }
0x11e: {  	s6 =	simm.s32 $0x0  }
0x11f: {  	s5 =	simm.s32 $0xC1;
	s6 =	simm.s32 @!p0 $0x4  }
.LBB2_23:
0x120: {  	v0 =	vld.msk [tilespmem:s5+$0x0], $0x1;
	s2 =	sadd.s32 $0xFFFFFFFF, s2;
	s3 =	sadd.s32 s3, s6  }
0x121: {  	p0 =	sne.s32 s2, $0x0;
	_ =	sdelay $0x3  }
0x122: {  	(v2sf) =	vpush v0, $0x0;
	_ =	sdelay $0xe  }
.Ltmp18:
0x123: {  	s7 =	spop (v2sf);
	(pc) =	sbr.rel @p0 .LBB2_23-.Ltmp18, $4  }
0x124: {  	s6 =	simm.s32 $0x0;
	p1 =	sgt.u32 s7, $0x1FFFF  }
0x125: {  	s4 =	sadd.s32 $0x1, s4;
	s6 =	simm.s32 @!p1 $0x4;
	s8 =	sshrl.u32 @!p1 s7, $0x3  }
0x126: {  	s5 =	sadd.s32 $0x1, s5;
	s7 =	sand.u32 @!p1 $0x7, s7;
	s8 =	sadd.s32 @!p1 s1, s8  }
0x127: {  	[hbm4b:s8+s7] =	stream.linear.scatter @!p1 [tilespmem:s4], [sflag:$0x5], $0x1, $0x38;
	[tilespmem:$0x12120] =	vst v63  }
.LBB2_24:
0x128: {  	s1 =	sadd.s32 s3, s6  }
0x129: {  	s3 =	sshrl.u32 s1, $0x2  }
.LBB2_25:
0x12a: {  	s1 =	simm.s32 $0x5  }
0x12b: {  	_ =	swait.ge [sflag:s1], s3  }
0x12c: {  	s2 =	ssub.s32 $0x0, s3;
	[sflag:s1] =	ssyncset.done $0x0  }
0x12d: {  	[sflag:s1] =	ssyncadd.s32 s2  }
0x12e: {  	[sflag:s1] =	ssyncpa.u1 $0x1  }
0x12f: {  	s30 =	simm.s32 $0x1;
	_ =	sfence  }
0x130: {  	s31 =	simm.s32 $0x2;
	[sflag:s30] =	ssyncpa.u1 $0x1  }
0x131: {  	[sflag:s31] =	ssyncpa.u1 $0x1  }
0x132: {  	_ =	strace $0x90000050  }
0x133: {  	s0 =	sadd.s32 $0x100000, s0;
	[bflag:$0x2] =	sbarrier.arrive $0xFFFF  }
0x134: {  	[sflag:s0] =	ssyncadd.tile.s32 $0x1;
	_ =	shalt  }
.Lfunc_end2:
_tile_overlayer_lowered:
.L_overlay_start_2:
0x135: {  	(tag) =	ssettag $0x2  }
0x136: {  	s0 =	rddreg [dreg:$0x0];
	s2 =	stileid.u32  }
0x137: {  	s1 =	rddreg [dreg:$0x1];
	p0 =	sne.s32 s2, $0x0  }
0x138: {  	s3 =	rddreg [dreg:$0x2];
	[bflag:$0x3] =	sbarrier.arrive $0xFFFF;
	s2 =	simm.s32 @!p0 $0x1C01  }
0x139: {  	[timem:s3], [sflag:s2] =	dma.local @!p0 [hbm:s0], s1  }
0x13a: {  	s0 =	simm.s32 @!p0 $0x1  }
0x13b: {  	_ =	swait.ge @!p0 [sflag:s0], s1  }
0x13c: {  	s1 =	ssub.s32 @!p0 $0x0, s1;
	[sflag:s0] =	ssyncset.done @!p0 $0x0  }
0x13d: {  	[sflag:s0] =	ssyncadd.s32 @!p0 s1  }
0x13e: {  	[bflag:$0x3] =	sbarrier.arrive $0xFFFF  }
0x13f: {  	_ =	shalt  }

</sc_bundles>
